<compile_context>
chip_gen: v7x
topology: tpu7x:2x2x1
jax: 0.10.2.dev20260603
libtpu: 0.0.44.dev20260713+nightly
codegen_flags: <defaults>
</compile_context>

<pallas_src>
import functools
import jax
import jax.numpy as jnp
from jax import lax
from jax.experimental import pallas as pl
from jax.experimental.pallas import tpu as pltpu, tpu_sc as plsc

_C = 81
_TP = 2000
_NJ = 10
_P = 20000
_NV = _P // 16


def _phase1_body(ctT_ref, conf_ref, lt_ref, ld_ref,
                 ce_ref, key_ref, ll_ref):
    j = pl.program_id(0)
    b = pl.program_id(1)

    conf = conf_ref[0]
    ct32 = ctT_ref[...]
    bsel = jax.lax.broadcasted_iota(jnp.int32, ct32.shape, 1) == b
    ct = jnp.sum(jnp.where(bsel, ct32, 0), axis=1, keepdims=True)

    m = jnp.max(conf)
    e = jnp.exp(conf - m)
    cls = jax.lax.broadcasted_iota(jnp.int32, conf.shape, 1)
    oh = cls == ct
    et = jnp.sum(jnp.where(oh, e, 0.0), axis=-1, keepdims=True)
    scaled = e * (1.0 / et)
    ones = jnp.ones((1, _C), jnp.float32)
    s_row = jax.lax.dot_general(ones, scaled, (((1,), (1,)), ((), ())),
                                preferred_element_type=jnp.float32)
    ce_row = jnp.maximum(jnp.log(s_row), 0.0)
    ce_ref[0] = ce_row

    posc = jnp.where(jnp.logical_and(oh, cls > 0), 1.0, 0.0)
    pos_row = jax.lax.dot_general(ones, posc, (((1,), (1,)), ((), ())),
                                  preferred_element_type=jnp.float32)
    key_ref[0] = jax.lax.bitcast_convert_type(
        jnp.where(pos_row > 0.5, 0.0, ce_row), jnp.int32)

    pos = ct > 0
    d = ld_ref[0] - lt_ref[0]
    ad = jnp.abs(d)
    sl1 = jnp.where(ad < 1.0, 0.5 * d * d, ad - 0.5)
    part = jnp.sum(jnp.where(pos, sl1, 0.0))

    @pl.when(jnp.logical_and(j == 0, b == 0))
    def _():
        ll_ref[...] = jnp.zeros_like(ll_ref)
    ll_ref[...] = ll_ref[...] + part


def _phase1(conf_t, conf_data, loc_t, loc_data):
    B, P = conf_t.shape
    ctT = conf_t.T
    ce, key, ll = pl.pallas_call(
        _phase1_body,
        grid=(_NJ, B),
        in_specs=[
            pl.BlockSpec((_TP, B), lambda j, b: (j, 0)),
            pl.BlockSpec((1, _TP, _C), lambda j, b: (b, j, 0)),
            pl.BlockSpec((1, _TP, 4), lambda j, b: (b, j, 0)),
            pl.BlockSpec((1, _TP, 4), lambda j, b: (b, j, 0)),
        ],
        out_specs=[
            pl.BlockSpec((1, 1, _TP), lambda j, b: (b * _NJ + j, 0, 0)),
            pl.BlockSpec((1, 1, _TP), lambda j, b: (b * _NJ + j, 0, 0)),
            pl.BlockSpec((1, 1), lambda j, b: (0, 0)),
        ],
        out_shape=[
            jax.ShapeDtypeStruct((B * _NJ, 1, _TP), jnp.float32),
            jax.ShapeDtypeStruct((B * _NJ, 1, _TP), jnp.int32),
            jax.ShapeDtypeStruct((1, 1), jnp.float32),
        ],
    )(ctT, conf_data, loc_t, loc_data)
    return ce.reshape(B, P), key.reshape(B, P), ll[0, 0]


_GDN = lax.GatherDimensionNumbers(
    offset_dims=(), collapsed_slice_dims=(0,), start_index_map=(0,))


def _perm(v, idx):
    return lax.gather(v, idx[:, None], _GDN, slice_sizes=(1,),
                      mode=lax.GatherScatterMode.PROMISE_IN_BOUNDS)


def _rotidx(s):
    return (lax.iota(jnp.int32, 16) + s) & 15


def _tsum(v):
    for s in (1, 2, 4, 8):
        v = v + _perm(v, _rotidx(s))
    return v


def _prefix_excl(v):
    lane = lax.iota(jnp.int32, 16)
    w = v
    for s in (1, 2, 4, 8):
        rot = _perm(w, _rotidx(16 - s))
        w = w + jnp.where(lane >= s, rot, jnp.zeros_like(w))
    return w - v


def _mine_body(ct_hbm, ce_hbm, key_hbm, out_hbm,
               ct_v, ce_v, key_v, part_v):
    wid = lax.axis_index("s") * 2 + lax.axis_index("c")
    pltpu.sync_copy(ct_hbm.at[wid], ct_v)
    pltpu.sync_copy(ce_hbm.at[wid], ce_v)
    pltpu.sync_copy(key_hbm.at[wid], key_v)

    ones_i = jnp.ones((16,), jnp.int32)
    zeros_i = jnp.zeros((16,), jnp.int32)
    lane = lax.iota(jnp.int32, 16)

    def npass(i, acc):
        for u in range(5):
            ct = ct_v[pl.ds(i * 80 + u * 16, 16)]
            acc = acc + jnp.where(ct > 0, ones_i, zeros_i)
        return acc

    npos_vec = _tsum(lax.fori_loop(0, 250, npass, zeros_i))
    k_vec = jnp.minimum(npos_vec * 3, _P - 1)

    prefix = zeros_i
    for b in range(30, -1, -1):
        trial = prefix | (1 << b)

        def cpass(i, acc, trial=trial):
            for u in range(5):
                key = key_v[pl.ds(i * 80 + u * 16, 16)]
                acc = acc + jnp.where(key >= trial, ones_i, zeros_i)
            return acc

        cnt = _tsum(lax.fori_loop(0, 250, cpass, zeros_i))
        prefix = jnp.where(cnt >= k_vec, trial, prefix)
    t_key = prefix

    def gpass(i, acc):
        for u in range(5):
            key = key_v[pl.ds(i * 80 + u * 16, 16)]
            acc = acc + jnp.where(key > t_key, ones_i, zeros_i)
        return acc

    c_gt = _tsum(lax.fori_loop(0, 250, gpass, zeros_i))
    m_vec = k_vec - c_gt

    def ipass(i, carry):
        run, cut = carry
        for u in range(5):
            key = key_v[pl.ds(i * 80 + u * 16, 16)]
            eqi = jnp.where(key == t_key, ones_i, zeros_i)
            pre = _prefix_excl(eqi) + run
            sel = jnp.logical_and(eqi > 0, pre == (m_vec - 1))
            gidx = lane + (i * 80 + u * 16)
            cut = cut + _tsum(jnp.where(sel, gidx + 1, 0))
            run = run + _tsum(eqi)
        return run, cut

    _, cut = lax.fori_loop(0, 250, ipass, (zeros_i, zeros_i))
    idx_cut = jnp.where(m_vec == 0, 0, cut)

    def fin(i, acc):
        for u in range(5):
            key = key_v[pl.ds(i * 80 + u * 16, 16)]
            ce = ce_v[pl.ds(i * 80 + u * 16, 16)]
            gidx = lane + (i * 80 + u * 16)
            take = jnp.logical_and(key == t_key, gidx < idx_cut)
            mask = jnp.logical_or(key == 0,
                                  jnp.logical_or(key > t_key, take))
            acc = acc + jnp.where(mask, ce, 0.0)
        return acc

    acc = lax.fori_loop(0, 250, fin, jnp.zeros((16,), jnp.float32))
    part_v[0] = acc
    part_v[1] = npos_vec.astype(jnp.float32)
    pltpu.sync_copy(part_v, out_hbm.at[wid])


def _phase2_sc(conf_t, ce, key):
    mesh = plsc.VectorSubcoreMesh(core_axis_name="c", subcore_axis_name="s")
    parts = pl.kernel(
        _mine_body,
        out_type=jax.ShapeDtypeStruct((32, 2, 16), jnp.float32),
        mesh=mesh,
        scratch_types=[
            pltpu.VMEM((_P,), jnp.int32),
            pltpu.VMEM((_P,), jnp.float32),
            pltpu.VMEM((_P,), jnp.int32),
            pltpu.VMEM((2, 16), jnp.float32),
        ],
    )(conf_t, ce, key)
    return jnp.sum(parts[:, 0, :]), jnp.sum(parts[:, 1, :]) / 16.0


def kernel(loc_t, loc_data, conf_t, conf_data):
    ce, key, loss_l = _phase1(conf_t, conf_data, loc_t, loc_data)
    loss_c_sum, N = _phase2_sc(conf_t, ce, key)
    return loss_l / N, loss_c_sum / N

# --- scband reference (transcript-rebuilt; emitter-appended) ---
"""Pipeline reference for scband-multi-box-loss-25262997635358 (READ-ONLY COPY).

The authoritative reference and input builder live on the scoring server;
editing this copy changes nothing except your own understanding.
"""

import jax, jax.numpy as jnp
import numpy as np

NUM_CLASSES = 81


def setup_inputs(seed: int = 0) -> dict:
    key = jax.random.key(seed)
    k1, k2, k3, k4 = jax.random.split(key, 4)
    loc_t = jax.random.normal(k1, (32, 20000, 4), dtype=jnp.float32)
    loc_data = jax.random.normal(k2, (32, 20000, 4), dtype=jnp.float32)
    conf_t = jax.random.randint(k3, (32, 20000), 0, NUM_CLASSES, dtype=jnp.int32)
    conf_data = jax.random.normal(k4, (32, 20000, NUM_CLASSES), dtype=jnp.float32)
    return {"loc_t": loc_t, "loc_data": loc_data, "conf_t": conf_t, "conf_data": conf_data}


def reference(loc_t, loc_data, conf_t, conf_data):
    num_classes = NUM_CLASSES
    num = loc_data.shape[0]
    num_priors = loc_data.shape[1]
    pos = conf_t > 0
    regard = conf_t == -1
    conf_t = jnp.where(regard, 0, conf_t)

    # smooth L1 over positive anchors, sum reduction (equivalent to masked gather + sum)
    diff = loc_data - loc_t
    ad = jnp.abs(diff)
    sl1 = jnp.where(ad < 1.0, 0.5 * diff * diff, ad - 0.5)
    loss_l = jnp.sum(sl1 * pos[..., None].astype(sl1.dtype))

    # hard negative mining score: log_sum_exp(x) uses GLOBAL max like the torch code
    batch_conf = conf_data.reshape(-1, num_classes)
    x_max = jnp.max(batch_conf)
    lse = jnp.log(jnp.sum(jnp.exp(batch_conf - x_max), axis=1, keepdims=True)) + x_max
    gathered = jnp.take_along_axis(batch_conf, conf_t.reshape(-1, 1), axis=1)
    loss_c = lse - gathered
    loss_c = jnp.where(pos.reshape(-1, 1), 0.0, loss_c)
    loss_c = jnp.where(regard.reshape(-1, 1), 0.0, loss_c)
    loss_c = loss_c.reshape(num, -1)

    loss_idx = jnp.argsort(-loss_c, axis=1)
    idx_rank = jnp.argsort(loss_idx, axis=1)
    num_pos = jnp.sum(pos.astype(jnp.int32), axis=1, keepdims=True)
    num_neg = jnp.minimum(3 * num_pos, num_priors - 1)
    neg = idx_rank < num_neg

    mask = jnp.logical_or(pos, neg)
    # cross entropy (sum reduction) over selected anchors == masked sum of per-anchor CE
    row_max = jnp.max(conf_data, axis=-1, keepdims=True)
    lse_row = jnp.log(jnp.sum(jnp.exp(conf_data - row_max), axis=-1)) + row_max[..., 0]
    tgt_logit = jnp.take_along_axis(conf_data, conf_t[..., None], axis=-1)[..., 0]
    ce = lse_row - tgt_logit
    loss_c_final = jnp.sum(ce * mask.astype(ce.dtype))

    N = jnp.sum(num_pos).astype(jnp.float32)
    return (loss_l / N, loss_c_final / N)

if __name__ == "__main__":
    import jax
    _d = setup_inputs()
    print(jax.jit(kernel)(*tuple(_d.values())))

</pallas_src>

<mosaic_0001>
#map = affine_map<(d0, d1) -> (0, 0)>
#map1 = affine_map<(d0, d1) -> (0, 0, 0)>
module attributes {stable_mosaic.version = 14 : i64} {
  func.func @_mine_body(%arg0: i32, %arg1: i32, %arg2: memref<32x20000xi32, #tpu.memory_space<hbm>>, %arg3: memref<32x20000xf32, #tpu.memory_space<hbm>>, %arg4: memref<32x20000xi32, #tpu.memory_space<hbm>>, %arg5: memref<32x2x16xf32, #tpu.memory_space<hbm>>, %arg6: memref<20000xi32, #tpu.memory_space<vmem>>, %arg7: memref<20000xf32, #tpu.memory_space<vmem>>, %arg8: memref<20000xi32, #tpu.memory_space<vmem>>, %arg9: memref<2x16xf32, #tpu.memory_space<vmem>>) attributes {dimension_semantics = [#tpu.dimension_semantics<core_parallel>, #tpu.dimension_semantics<subcore_parallel>], iteration_bounds = array<i64: 2, 16>, scalar_prefetch = 0 : i64, scratch_operands = 4 : i64, tpu.core_type = #tpu.core_type<sc_vector_subcore>, window_params = [{transform_indices = #map}, {transform_indices = #map}, {transform_indices = #map}, {transform_indices = #map1}]} {
    %mul3A = arith.constant 2 : i32
    %mul3A_0 = arith.muli %arg1, %mul3A : i32
    %add3A = arith.addi %mul3A_0, %arg0 : i32
    "tpu.region"() ({
      %run_scoped3A = tpu.sem_alloc : memref<!tpu.dma_semaphore, #tpu.memory_space<semaphore_mem>>
      %dma_start3A = arith.constant 0 : i32
      %dma_start3A_1837 = tpu.memref_slice %arg2[%add3A, %dma_start3A] : memref<32x20000xi32, #tpu.memory_space<hbm>> -> memref<1x20000xi32, #tpu.memory_space<hbm>>
      %dma_start3A_1838 = tpu.memref_squeeze %dma_start3A_1837 : memref<1x20000xi32, #tpu.memory_space<hbm>> -> memref<20000xi32, #tpu.memory_space<hbm>>
      %dma_start3A_1839 = arith.constant 0 : i32
      %dma_start3A_1840 = tpu.memref_slice %arg2[%add3A, %dma_start3A_1839] : memref<32x20000xi32, #tpu.memory_space<hbm>> -> memref<1x20000xi32, #tpu.memory_space<hbm>>
      %dma_start3A_1841 = tpu.memref_squeeze %dma_start3A_1840 : memref<1x20000xi32, #tpu.memory_space<hbm>> -> memref<20000xi32, #tpu.memory_space<hbm>>
      tpu.enqueue_dma source(%dma_start3A_1841 : memref<20000xi32, #tpu.memory_space<hbm>>) target(%arg6 : memref<20000xi32, #tpu.memory_space<vmem>>) target_semaphore(%run_scoped3A : memref<!tpu.dma_semaphore, #tpu.memory_space<semaphore_mem>>)
      %dma_wait3A = arith.constant 0 : i32
      %dma_wait3A_1842 = tpu.memref_slice %arg2[%add3A, %dma_wait3A] : memref<32x20000xi32, #tpu.memory_space<hbm>> -> memref<1x20000xi32, #tpu.memory_space<hbm>>
      %dma_wait3A_1843 = tpu.memref_squeeze %dma_wait3A_1842 : memref<1x20000xi32, #tpu.memory_space<hbm>> -> memref<20000xi32, #tpu.memory_space<hbm>>
      %dma_wait3A_1844 = arith.constant 0 : i32
      %dma_wait3A_1845 = tpu.memref_slice %arg2[%add3A, %dma_wait3A_1844] : memref<32x20000xi32, #tpu.memory_space<hbm>> -> memref<1x20000xi32, #tpu.memory_space<hbm>>
      %dma_wait3A_1846 = tpu.memref_squeeze %dma_wait3A_1845 : memref<1x20000xi32, #tpu.memory_space<hbm>> -> memref<20000xi32, #tpu.memory_space<hbm>>
      tpu.wait_dma2 semaphore(%run_scoped3A : memref<!tpu.dma_semaphore, #tpu.memory_space<semaphore_mem>>) src(%dma_wait3A_1846 : memref<20000xi32, #tpu.memory_space<hbm>>) dst(%arg6 : memref<20000xi32, #tpu.memory_space<vmem>>)
      tpu.yield
    }) : () -> ()
    "tpu.region"() ({
      %run_scoped3A = tpu.sem_alloc : memref<!tpu.dma_semaphore, #tpu.memory_space<semaphore_mem>>
      %dma_start3A = arith.constant 0 : i32
      %dma_start3A_1837 = tpu.memref_slice %arg3[%add3A, %dma_start3A] : memref<32x20000xf32, #tpu.memory_space<hbm>> -> memref<1x20000xf32, #tpu.memory_space<hbm>>
      %dma_start3A_1838 = tpu.memref_squeeze %dma_start3A_1837 : memref<1x20000xf32, #tpu.memory_space<hbm>> -> memref<20000xf32, #tpu.memory_space<hbm>>
      %dma_start3A_1839 = arith.constant 0 : i32
      %dma_start3A_1840 = tpu.memref_slice %arg3[%add3A, %dma_start3A_1839] : memref<32x20000xf32, #tpu.memory_space<hbm>> -> memref<1x20000xf32, #tpu.memory_space<hbm>>
      %dma_start3A_1841 = tpu.memref_squeeze %dma_start3A_1840 : memref<1x20000xf32, #tpu.memory_space<hbm>> -> memref<20000xf32, #tpu.memory_space<hbm>>
      tpu.enqueue_dma source(%dma_start3A_1841 : memref<20000xf32, #tpu.memory_space<hbm>>) target(%arg7 : memref<20000xf32, #tpu.memory_space<vmem>>) target_semaphore(%run_scoped3A : memref<!tpu.dma_semaphore, #tpu.memory_space<semaphore_mem>>)
      %dma_wait3A = arith.constant 0 : i32
      %dma_wait3A_1842 = tpu.memref_slice %arg3[%add3A, %dma_wait3A] : memref<32x20000xf32, #tpu.memory_space<hbm>> -> memref<1x20000xf32, #tpu.memory_space<hbm>>
      %dma_wait3A_1843 = tpu.memref_squeeze %dma_wait3A_1842 : memref<1x20000xf32, #tpu.memory_space<hbm>> -> memref<20000xf32, #tpu.memory_space<hbm>>
      %dma_wait3A_1844 = arith.constant 0 : i32
      %dma_wait3A_1845 = tpu.memref_slice %arg3[%add3A, %dma_wait3A_1844] : memref<32x20000xf32, #tpu.memory_space<hbm>> -> memref<1x20000xf32, #tpu.memory_space<hbm>>
      %dma_wait3A_1846 = tpu.memref_squeeze %dma_wait3A_1845 : memref<1x20000xf32, #tpu.memory_space<hbm>> -> memref<20000xf32, #tpu.memory_space<hbm>>
      tpu.wait_dma2 semaphore(%run_scoped3A : memref<!tpu.dma_semaphore, #tpu.memory_space<semaphore_mem>>) src(%dma_wait3A_1846 : memref<20000xf32, #tpu.memory_space<hbm>>) dst(%arg7 : memref<20000xf32, #tpu.memory_space<vmem>>)
      tpu.yield
    }) : () -> ()
    "tpu.region"() ({
      %run_scoped3A = tpu.sem_alloc : memref<!tpu.dma_semaphore, #tpu.memory_space<semaphore_mem>>
      %dma_start3A = arith.constant 0 : i32
      %dma_start3A_1837 = tpu.memref_slice %arg4[%add3A, %dma_start3A] : memref<32x20000xi32, #tpu.memory_space<hbm>> -> memref<1x20000xi32, #tpu.memory_space<hbm>>
      %dma_start3A_1838 = tpu.memref_squeeze %dma_start3A_1837 : memref<1x20000xi32, #tpu.memory_space<hbm>> -> memref<20000xi32, #tpu.memory_space<hbm>>
      %dma_start3A_1839 = arith.constant 0 : i32
      %dma_start3A_1840 = tpu.memref_slice %arg4[%add3A, %dma_start3A_1839] : memref<32x20000xi32, #tpu.memory_space<hbm>> -> memref<1x20000xi32, #tpu.memory_space<hbm>>
      %dma_start3A_1841 = tpu.memref_squeeze %dma_start3A_1840 : memref<1x20000xi32, #tpu.memory_space<hbm>> -> memref<20000xi32, #tpu.memory_space<hbm>>
      tpu.enqueue_dma source(%dma_start3A_1841 : memref<20000xi32, #tpu.memory_space<hbm>>) target(%arg8 : memref<20000xi32, #tpu.memory_space<vmem>>) target_semaphore(%run_scoped3A : memref<!tpu.dma_semaphore, #tpu.memory_space<semaphore_mem>>)
      %dma_wait3A = arith.constant 0 : i32
      %dma_wait3A_1842 = tpu.memref_slice %arg4[%add3A, %dma_wait3A] : memref<32x20000xi32, #tpu.memory_space<hbm>> -> memref<1x20000xi32, #tpu.memory_space<hbm>>
      %dma_wait3A_1843 = tpu.memref_squeeze %dma_wait3A_1842 : memref<1x20000xi32, #tpu.memory_space<hbm>> -> memref<20000xi32, #tpu.memory_space<hbm>>
      %dma_wait3A_1844 = arith.constant 0 : i32
      %dma_wait3A_1845 = tpu.memref_slice %arg4[%add3A, %dma_wait3A_1844] : memref<32x20000xi32, #tpu.memory_space<hbm>> -> memref<1x20000xi32, #tpu.memory_space<hbm>>
      %dma_wait3A_1846 = tpu.memref_squeeze %dma_wait3A_1845 : memref<1x20000xi32, #tpu.memory_space<hbm>> -> memref<20000xi32, #tpu.memory_space<hbm>>
      tpu.wait_dma2 semaphore(%run_scoped3A : memref<!tpu.dma_semaphore, #tpu.memory_space<semaphore_mem>>) src(%dma_wait3A_1846 : memref<20000xi32, #tpu.memory_space<hbm>>) dst(%arg8 : memref<20000xi32, #tpu.memory_space<vmem>>)
      tpu.yield
    }) : () -> ()
    %broadcast_in_dim3A = arith.constant 1 : i32
    %broadcast_in_dim3A_1 = vector.broadcast %broadcast_in_dim3A : i32 to vector<16xi32>
    %broadcast_in_dim3A_2 = arith.constant 0 : i32
    %broadcast_in_dim3A_3 = vector.broadcast %broadcast_in_dim3A_2 : i32 to vector<16xi32>
    %iota3A = tpu.iota {dimensions = array<i32: 0>} : vector<16xi32>
    %scan3A = arith.constant 0 : i32
    %scan3A_4 = arith.constant 250 : i32
    %scan3A_5 = arith.addi %scan3A, %scan3A_4 : i32
    %scan3A_6 = arith.constant 1 : i32
    %scan3A_7 = scf.for %scan3A_1837 = %scan3A to %scan3A_5 step %scan3A_6 iter_args(%scan3A_1838 = %broadcast_in_dim3A_3) -> (vector<16xi32>)  : i32 {
      %mul3A_1839 = arith.constant 80 : i32
      %mul3A_1840 = arith.muli %scan3A_1837, %mul3A_1839 : i32
      %add3A_1841 = arith.constant 0 : i32
      %add3A_1842 = arith.addi %mul3A_1840, %add3A_1841 : i32
      %get3A = arith.index_cast %add3A_1842 : i32 to index
      %get3A_1843 = tpu.vector_load %arg6[%get3A] {strides = array<i32>} : memref<20000xi32, #tpu.memory_space<vmem>>, vector<16xi32>,
      %get3A_1844 = vector.shape_cast %get3A_1843 : vector<16xi32> to vector<16xi32>
      %gt3A = arith.constant 0 : i32
      %gt3A_1845 = vector.broadcast %gt3A : i32 to vector<16xi32>
      %gt3A_1846 = arith.cmpi sgt, %get3A_1844, %gt3A_1845 : vector<16xi32>
      %select_n3A_1847 = arith.select %gt3A_1846, %broadcast_in_dim3A_1, %broadcast_in_dim3A_3 : vector<16xi1>, vector<16xi32>
      %add3A_1848 = arith.addi %scan3A_1838, %select_n3A_1847 : vector<16xi32>
      %mul3A_1849 = arith.constant 80 : i32
      %mul3A_1850 = arith.muli %scan3A_1837, %mul3A_1849 : i32
      %add3A_1851 = arith.constant 16 : i32
      %add3A_1852 = arith.addi %mul3A_1850, %add3A_1851 : i32
      %get3A_1853 = arith.index_cast %add3A_1852 : i32 to index
      %get3A_1854 = tpu.vector_load %arg6[%get3A_1853] {strides = array<i32>} : memref<20000xi32, #tpu.memory_space<vmem>>, vector<16xi32>,
      %get3A_1855 = vector.shape_cast %get3A_1854 : vector<16xi32> to vector<16xi32>
      %gt3A_1856 = arith.constant 0 : i32
      %gt3A_1857 = vector.broadcast %gt3A_1856 : i32 to vector<16xi32>
      %gt3A_1858 = arith.cmpi sgt, %get3A_1855, %gt3A_1857 : vector<16xi32>
      %select_n3A_1859 = arith.select %gt3A_1858, %broadcast_in_dim3A_1, %broadcast_in_dim3A_3 : vector<16xi1>, vector<16xi32>
      %add3A_1860 = arith.addi %add3A_1848, %select_n3A_1859 : vector<16xi32>
      %mul3A_1861 = arith.constant 80 : i32
      %mul3A_1862 = arith.muli %scan3A_1837, %mul3A_1861 : i32
      %add3A_1863 = arith.constant 32 : i32
      %add3A_1864 = arith.addi %mul3A_1862, %add3A_1863 : i32
      %get3A_1865 = arith.index_cast %add3A_1864 : i32 to index
      %get3A_1866 = tpu.vector_load %arg6[%get3A_1865] {strides = array<i32>} : memref<20000xi32, #tpu.memory_space<vmem>>, vector<16xi32>,
      %get3A_1867 = vector.shape_cast %get3A_1866 : vector<16xi32> to vector<16xi32>
      %gt3A_1868 = arith.constant 0 : i32
      %gt3A_1869 = vector.broadcast %gt3A_1868 : i32 to vector<16xi32>
      %gt3A_1870 = arith.cmpi sgt, %get3A_1867, %gt3A_1869 : vector<16xi32>
      %select_n3A_1871 = arith.select %gt3A_1870, %broadcast_in_dim3A_1, %broadcast_in_dim3A_3 : vector<16xi1>, vector<16xi32>
      %add3A_1872 = arith.addi %add3A_1860, %select_n3A_1871 : vector<16xi32>
      %mul3A_1873 = arith.constant 80 : i32
      %mul3A_1874 = arith.muli %scan3A_1837, %mul3A_1873 : i32
      %add3A_1875 = arith.constant 48 : i32
      %add3A_1876 = arith.addi %mul3A_1874, %add3A_1875 : i32
      %get3A_1877 = arith.index_cast %add3A_1876 : i32 to index
      %get3A_1878 = tpu.vector_load %arg6[%get3A_1877] {strides = array<i32>} : memref<20000xi32, #tpu.memory_space<vmem>>, vector<16xi32>,
      %get3A_1879 = vector.shape_cast %get3A_1878 : vector<16xi32> to vector<16xi32>
      %gt3A_1880 = arith.constant 0 : i32
      %gt3A_1881 = vector.broadcast %gt3A_1880 : i32 to vector<16xi32>
      %gt3A_1882 = arith.cmpi sgt, %get3A_1879, %gt3A_1881 : vector<16xi32>
      %select_n3A_1883 = arith.select %gt3A_1882, %broadcast_in_dim3A_1, %broadcast_in_dim3A_3 : vector<16xi1>, vector<16xi32>
      %add3A_1884 = arith.addi %add3A_1872, %select_n3A_1883 : vector<16xi32>
      %mul3A_1885 = arith.constant 80 : i32
      %mul3A_1886 = arith.muli %scan3A_1837, %mul3A_1885 : i32
      %add3A_1887 = arith.constant 64 : i32
      %add3A_1888 = arith.addi %mul3A_1886, %add3A_1887 : i32
      %get3A_1889 = arith.index_cast %add3A_1888 : i32 to index
      %get3A_1890 = tpu.vector_load %arg6[%get3A_1889] {strides = array<i32>} : memref<20000xi32, #tpu.memory_space<vmem>>, vector<16xi32>,
      %get3A_1891 = vector.shape_cast %get3A_1890 : vector<16xi32> to vector<16xi32>
      %gt3A_1892 = arith.constant 0 : i32
      %gt3A_1893 = vector.broadcast %gt3A_1892 : i32 to vector<16xi32>
      %gt3A_1894 = arith.cmpi sgt, %get3A_1891, %gt3A_1893 : vector<16xi32>
      %select_n3A_1895 = arith.select %gt3A_1894, %broadcast_in_dim3A_1, %broadcast_in_dim3A_3 : vector<16xi1>, vector<16xi32>
      %add3A_1896 = arith.addi %add3A_1884, %select_n3A_1895 : vector<16xi32>
      scf.yield %add3A_1896 : vector<16xi32>
    }
    %scan3A_8 = arith.constant 250 : i32
    %iota3A_9 = tpu.iota {dimensions = array<i32: 0>} : vector<16xi32>
    %add3A_10 = arith.constant 1 : i32
    %add3A_11 = vector.broadcast %add3A_10 : i32 to vector<16xi32>
    %add3A_12 = arith.addi %iota3A_9, %add3A_11 : vector<16xi32>
    %and3A = arith.constant 15 : i32
    %and3A_13 = vector.broadcast %and3A : i32 to vector<16xi32>
    %and3A_14 = arith.andi %add3A_12, %and3A_13 : vector<16xi32>
    %broadcast_in_dim3A_15 = vector.shape_cast %and3A_14 : vector<16xi32> to vector<16x1xi32>
    %gather3A = vector.shape_cast %broadcast_in_dim3A_15 : vector<16x1xi32> to vector<16xi32>
    %gather3A_16 = tpu.dynamic_gather %scan3A_7[%gather3A] in [0] : vector<16xi32>, vector<16xi32> -> vector<16xi32>
    %add3A_17 = arith.addi %scan3A_7, %gather3A_16 : vector<16xi32>
    %iota3A_18 = tpu.iota {dimensions = array<i32: 0>} : vector<16xi32>
    %add3A_19 = arith.constant 2 : i32
    %add3A_20 = vector.broadcast %add3A_19 : i32 to vector<16xi32>
    %add3A_21 = arith.addi %iota3A_18, %add3A_20 : vector<16xi32>
    %and3A_22 = arith.constant 15 : i32
    %and3A_23 = vector.broadcast %and3A_22 : i32 to vector<16xi32>
    %and3A_24 = arith.andi %add3A_21, %and3A_23 : vector<16xi32>
    %broadcast_in_dim3A_25 = vector.shape_cast %and3A_24 : vector<16xi32> to vector<16x1xi32>
    %gather3A_26 = vector.shape_cast %broadcast_in_dim3A_25 : vector<16x1xi32> to vector<16xi32>
    %gather3A_27 = tpu.dynamic_gather %add3A_17[%gather3A_26] in [0] : vector<16xi32>, vector<16xi32> -> vector<16xi32>
    %add3A_28 = arith.addi %add3A_17, %gather3A_27 : vector<16xi32>
    %iota3A_29 = tpu.iota {dimensions = array<i32: 0>} : vector<16xi32>
    %add3A_30 = arith.constant 4 : i32
    %add3A_31 = vector.broadcast %add3A_30 : i32 to vector<16xi32>
    %add3A_32 = arith.addi %iota3A_29, %add3A_31 : vector<16xi32>
    %and3A_33 = arith.constant 15 : i32
    %and3A_34 = vector.broadcast %and3A_33 : i32 to vector<16xi32>
    %and3A_35 = arith.andi %add3A_32, %and3A_34 : vector<16xi32>
    %broadcast_in_dim3A_36 = vector.shape_cast %and3A_35 : vector<16xi32> to vector<16x1xi32>
    %gather3A_37 = vector.shape_cast %broadcast_in_dim3A_36 : vector<16x1xi32> to vector<16xi32>
    %gather3A_38 = tpu.dynamic_gather %add3A_28[%gather3A_37] in [0] : vector<16xi32>, vector<16xi32> -> vector<16xi32>
    %add3A_39 = arith.addi %add3A_28, %gather3A_38 : vector<16xi32>
    %iota3A_40 = tpu.iota {dimensions = array<i32: 0>} : vector<16xi32>
    %add3A_41 = arith.constant 8 : i32
    %add3A_42 = vector.broadcast %add3A_41 : i32 to vector<16xi32>
    %add3A_43 = arith.addi %iota3A_40, %add3A_42 : vector<16xi32>
    %and3A_44 = arith.constant 15 : i32
    %and3A_45 = vector.broadcast %and3A_44 : i32 to vector<16xi32>
    %and3A_46 = arith.andi %add3A_43, %and3A_45 : vector<16xi32>
    %broadcast_in_dim3A_47 = vector.shape_cast %and3A_46 : vector<16xi32> to vector<16x1xi32>
    %gather3A_48 = vector.shape_cast %broadcast_in_dim3A_47 : vector<16x1xi32> to vector<16xi32>
    %gather3A_49 = tpu.dynamic_gather %add3A_39[%gather3A_48] in [0] : vector<16xi32>, vector<16xi32> -> vector<16xi32>
    %add3A_50 = arith.addi %add3A_39, %gather3A_49 : vector<16xi32>
    %mul3A_51 = arith.constant 3 : i32
    %mul3A_52 = vector.broadcast %mul3A_51 : i32 to vector<16xi32>
    %mul3A_53 = arith.muli %add3A_50, %mul3A_52 : vector<16xi32>
    %min3A = arith.constant 19999 : i32
    %min3A_54 = vector.broadcast %min3A : i32 to vector<16xi32>
    %min3A_55 = arith.minsi %mul3A_53, %min3A_54 : vector<16xi32>
    %or3A = arith.constant 1073741824 : i32
    %or3A_56 = vector.broadcast %or3A : i32 to vector<16xi32>
    %or3A_57 = arith.ori %broadcast_in_dim3A_3, %or3A_56 : vector<16xi32>
    %scan3A_58 = arith.constant 0 : i32
    %scan3A_59 = arith.constant 250 : i32
    %scan3A_60 = arith.addi %scan3A_58, %scan3A_59 : i32
    %scan3A_61 = arith.constant 1 : i32
    %scan3A_62 = scf.for %scan3A_1837 = %scan3A_58 to %scan3A_60 step %scan3A_61 iter_args(%scan3A_1838 = %broadcast_in_dim3A_3) -> (vector<16xi32>)  : i32 {
      %mul3A_1839 = arith.constant 80 : i32
      %mul3A_1840 = arith.muli %scan3A_1837, %mul3A_1839 : i32
      %add3A_1841 = arith.constant 0 : i32
      %add3A_1842 = arith.addi %mul3A_1840, %add3A_1841 : i32
      %get3A = arith.index_cast %add3A_1842 : i32 to index
      %get3A_1843 = tpu.vector_load %arg8[%get3A] {strides = array<i32>} : memref<20000xi32, #tpu.memory_space<vmem>>, vector<16xi32>,
      %get3A_1844 = vector.shape_cast %get3A_1843 : vector<16xi32> to vector<16xi32>
      %ge3A_1845 = arith.cmpi sge, %get3A_1844, %or3A_57 : vector<16xi32>
      %select_n3A_1846 = arith.select %ge3A_1845, %broadcast_in_dim3A_1, %broadcast_in_dim3A_3 : vector<16xi1>, vector<16xi32>
      %add3A_1847 = arith.addi %scan3A_1838, %select_n3A_1846 : vector<16xi32>
      %mul3A_1848 = arith.constant 80 : i32
      %mul3A_1849 = arith.muli %scan3A_1837, %mul3A_1848 : i32
      %add3A_1850 = arith.constant 16 : i32
      %add3A_1851 = arith.addi %mul3A_1849, %add3A_1850 : i32
      %get3A_1852 = arith.index_cast %add3A_1851 : i32 to index
      %get3A_1853 = tpu.vector_load %arg8[%get3A_1852] {strides = array<i32>} : memref<20000xi32, #tpu.memory_space<vmem>>, vector<16xi32>,
      %get3A_1854 = vector.shape_cast %get3A_1853 : vector<16xi32> to vector<16xi32>
      %ge3A_1855 = arith.cmpi sge, %get3A_1854, %or3A_57 : vector<16xi32>
      %select_n3A_1856 = arith.select %ge3A_1855, %broadcast_in_dim3A_1, %broadcast_in_dim3A_3 : vector<16xi1>, vector<16xi32>
      %add3A_1857 = arith.addi %add3A_1847, %select_n3A_1856 : vector<16xi32>
      %mul3A_1858 = arith.constant 80 : i32
      %mul3A_1859 = arith.muli %scan3A_1837, %mul3A_1858 : i32
      %add3A_1860 = arith.constant 32 : i32
      %add3A_1861 = arith.addi %mul3A_1859, %add3A_1860 : i32
      %get3A_1862 = arith.index_cast %add3A_1861 : i32 to index
      %get3A_1863 = tpu.vector_load %arg8[%get3A_1862] {strides = array<i32>} : memref<20000xi32, #tpu.memory_space<vmem>>, vector<16xi32>,
      %get3A_1864 = vector.shape_cast %get3A_1863 : vector<16xi32> to vector<16xi32>
      %ge3A_1865 = arith.cmpi sge, %get3A_1864, %or3A_57 : vector<16xi32>
      %select_n3A_1866 = arith.select %ge3A_1865, %broadcast_in_dim3A_1, %broadcast_in_dim3A_3 : vector<16xi1>, vector<16xi32>
      %add3A_1867 = arith.addi %add3A_1857, %select_n3A_1866 : vector<16xi32>
      %mul3A_1868 = arith.constant 80 : i32
      %mul3A_1869 = arith.muli %scan3A_1837, %mul3A_1868 : i32
      %add3A_1870 = arith.constant 48 : i32
      %add3A_1871 = arith.addi %mul3A_1869, %add3A_1870 : i32
      %get3A_1872 = arith.index_cast %add3A_1871 : i32 to index
      %get3A_1873 = tpu.vector_load %arg8[%get3A_1872] {strides = array<i32>} : memref<20000xi32, #tpu.memory_space<vmem>>, vector<16xi32>,
      %get3A_1874 = vector.shape_cast %get3A_1873 : vector<16xi32> to vector<16xi32>
      %ge3A_1875 = arith.cmpi sge, %get3A_1874, %or3A_57 : vector<16xi32>
      %select_n3A_1876 = arith.select %ge3A_1875, %broadcast_in_dim3A_1, %broadcast_in_dim3A_3 : vector<16xi1>, vector<16xi32>
      %add3A_1877 = arith.addi %add3A_1867, %select_n3A_1876 : vector<16xi32>
      %mul3A_1878 = arith.constant 80 : i32
      %mul3A_1879 = arith.muli %scan3A_1837, %mul3A_1878 : i32
      %add3A_1880 = arith.constant 64 : i32
      %add3A_1881 = arith.addi %mul3A_1879, %add3A_1880 : i32
      %get3A_1882 = arith.index_cast %add3A_1881 : i32 to index
      %get3A_1883 = tpu.vector_load %arg8[%get3A_1882] {strides = array<i32>} : memref<20000xi32, #tpu.memory_space<vmem>>, vector<16xi32>,
      %get3A_1884 = vector.shape_cast %get3A_1883 : vector<16xi32> to vector<16xi32>
      %ge3A_1885 = arith.cmpi sge, %get3A_1884, %or3A_57 : vector<16xi32>
      %select_n3A_1886 = arith.select %ge3A_1885, %broadcast_in_dim3A_1, %broadcast_in_dim3A_3 : vector<16xi1>, vector<16xi32>
      %add3A_1887 = arith.addi %add3A_1877, %select_n3A_1886 : vector<16xi32>
      scf.yield %add3A_1887 : vector<16xi32>
    }
    %scan3A_63 = arith.constant 250 : i32
    %iota3A_64 = tpu.iota {dimensions = array<i32: 0>} : vector<16xi32>
    %add3A_65 = arith.constant 1 : i32
    %add3A_66 = vector.broadcast %add3A_65 : i32 to vector<16xi32>
    %add3A_67 = arith.addi %iota3A_64, %add3A_66 : vector<16xi32>
    %and3A_68 = arith.constant 15 : i32
    %and3A_69 = vector.broadcast %and3A_68 : i32 to vector<16xi32>
    %and3A_70 = arith.andi %add3A_67, %and3A_69 : vector<16xi32>
    %broadcast_in_dim3A_71 = vector.shape_cast %and3A_70 : vector<16xi32> to vector<16x1xi32>
    %gather3A_72 = vector.shape_cast %broadcast_in_dim3A_71 : vector<16x1xi32> to vector<16xi32>
    %gather3A_73 = tpu.dynamic_gather %scan3A_62[%gather3A_72] in [0] : vector<16xi32>, vector<16xi32> -> vector<16xi32>
    %add3A_74 = arith.addi %scan3A_62, %gather3A_73 : vector<16xi32>
    %iota3A_75 = tpu.iota {dimensions = array<i32: 0>} : vector<16xi32>
    %add3A_76 = arith.constant 2 : i32
    %add3A_77 = vector.broadcast %add3A_76 : i32 to vector<16xi32>
    %add3A_78 = arith.addi %iota3A_75, %add3A_77 : vector<16xi32>
    %and3A_79 = arith.constant 15 : i32
    %and3A_80 = vector.broadcast %and3A_79 : i32 to vector<16xi32>
    %and3A_81 = arith.andi %add3A_78, %and3A_80 : vector<16xi32>
    %broadcast_in_dim3A_82 = vector.shape_cast %and3A_81 : vector<16xi32> to vector<16x1xi32>
    %gather3A_83 = vector.shape_cast %broadcast_in_dim3A_82 : vector<16x1xi32> to vector<16xi32>
    %gather3A_84 = tpu.dynamic_gather %add3A_74[%gather3A_83] in [0] : vector<16xi32>, vector<16xi32> -> vector<16xi32>
    %add3A_85 = arith.addi %add3A_74, %gather3A_84 : vector<16xi32>
    %iota3A_86 = tpu.iota {dimensions = array<i32: 0>} : vector<16xi32>
    %add3A_87 = arith.constant 4 : i32
    %add3A_88 = vector.broadcast %add3A_87 : i32 to vector<16xi32>
    %add3A_89 = arith.addi %iota3A_86, %add3A_88 : vector<16xi32>
    %and3A_90 = arith.constant 15 : i32
    %and3A_91 = vector.broadcast %and3A_90 : i32 to vector<16xi32>
    %and3A_92 = arith.andi %add3A_89, %and3A_91 : vector<16xi32>
    %broadcast_in_dim3A_93 = vector.shape_cast %and3A_92 : vector<16xi32> to vector<16x1xi32>
    %gather3A_94 = vector.shape_cast %broadcast_in_dim3A_93 : vector<16x1xi32> to vector<16xi32>
    %gather3A_95 = tpu.dynamic_gather %add3A_85[%gather3A_94] in [0] : vector<16xi32>, vector<16xi32> -> vector<16xi32>
    %add3A_96 = arith.addi %add3A_85, %gather3A_95 : vector<16xi32>
    %iota3A_97 = tpu.iota {dimensions = array<i32: 0>} : vector<16xi32>
    %add3A_98 = arith.constant 8 : i32
    %add3A_99 = vector.broadcast %add3A_98 : i32 to vector<16xi32>
    %add3A_100 = arith.addi %iota3A_97, %add3A_99 : vector<16xi32>
    %and3A_101 = arith.constant 15 : i32
    %and3A_102 = vector.broadcast %and3A_101 : i32 to vector<16xi32>
    %and3A_103 = arith.andi %add3A_100, %and3A_102 : vector<16xi32>
    %broadcast_in_dim3A_104 = vector.shape_cast %and3A_103 : vector<16xi32> to vector<16x1xi32>
    %gather3A_105 = vector.shape_cast %broadcast_in_dim3A_104 : vector<16x1xi32> to vector<16xi32>
    %gather3A_106 = tpu.dynamic_gather %add3A_96[%gather3A_105] in [0] : vector<16xi32>, vector<16xi32> -> vector<16xi32>
    %add3A_107 = arith.addi %add3A_96, %gather3A_106 : vector<16xi32>
    %ge3A = arith.cmpi sge, %add3A_107, %min3A_55 : vector<16xi32>
    %select_n3A = arith.select %ge3A, %or3A_57, %broadcast_in_dim3A_3 : vector<16xi1>, vector<16xi32>
    %or3A_108 = arith.constant 536870912 : i32
    %or3A_109 = vector.broadcast %or3A_108 : i32 to vector<16xi32>
    %or3A_110 = arith.ori %select_n3A, %or3A_109 : vector<16xi32>
    %scan3A_111 = arith.constant 0 : i32
    %scan3A_112 = arith.constant 250 : i32
    %scan3A_113 = arith.addi %scan3A_111, %scan3A_112 : i32
    %scan3A_114 = arith.constant 1 : i32
    %scan3A_115 = scf.for %scan3A_1837 = %scan3A_111 to %scan3A_113 step %scan3A_114 iter_args(%scan3A_1838 = %broadcast_in_dim3A_3) -> (vector<16xi32>)  : i32 {
      %mul3A_1839 = arith.constant 80 : i32
      %mul3A_1840 = arith.muli %scan3A_1837, %mul3A_1839 : i32
      %add3A_1841 = arith.constant 0 : i32
      %add3A_1842 = arith.addi %mul3A_1840, %add3A_1841 : i32
      %get3A = arith.index_cast %add3A_1842 : i32 to index
      %get3A_1843 = tpu.vector_load %arg8[%get3A] {strides = array<i32>} : memref<20000xi32, #tpu.memory_space<vmem>>, vector<16xi32>,
      %get3A_1844 = vector.shape_cast %get3A_1843 : vector<16xi32> to vector<16xi32>
      %ge3A_1845 = arith.cmpi sge, %get3A_1844, %or3A_110 : vector<16xi32>
      %select_n3A_1846 = arith.select %ge3A_1845, %broadcast_in_dim3A_1, %broadcast_in_dim3A_3 : vector<16xi1>, vector<16xi32>
      %add3A_1847 = arith.addi %scan3A_1838, %select_n3A_1846 : vector<16xi32>
      %mul3A_1848 = arith.constant 80 : i32
      %mul3A_1849 = arith.muli %scan3A_1837, %mul3A_1848 : i32
      %add3A_1850 = arith.constant 16 : i32
      %add3A_1851 = arith.addi %mul3A_1849, %add3A_1850 : i32
      %get3A_1852 = arith.index_cast %add3A_1851 : i32 to index
      %get3A_1853 = tpu.vector_load %arg8[%get3A_1852] {strides = array<i32>} : memref<20000xi32, #tpu.memory_space<vmem>>, vector<16xi32>,
      %get3A_1854 = vector.shape_cast %get3A_1853 : vector<16xi32> to vector<16xi32>
      %ge3A_1855 = arith.cmpi sge, %get3A_1854, %or3A_110 : vector<16xi32>
      %select_n3A_1856 = arith.select %ge3A_1855, %broadcast_in_dim3A_1, %broadcast_in_dim3A_3 : vector<16xi1>, vector<16xi32>
      %add3A_1857 = arith.addi %add3A_1847, %select_n3A_1856 : vector<16xi32>
      %mul3A_1858 = arith.constant 80 : i32
      %mul3A_1859 = arith.muli %scan3A_1837, %mul3A_1858 : i32
      %add3A_1860 = arith.constant 32 : i32
      %add3A_1861 = arith.addi %mul3A_1859, %add3A_1860 : i32
      %get3A_1862 = arith.index_cast %add3A_1861 : i32 to index
      %get3A_1863 = tpu.vector_load %arg8[%get3A_1862] {strides = array<i32>} : memref<20000xi32, #tpu.memory_space<vmem>>, vector<16xi32>,
      %get3A_1864 = vector.shape_cast %get3A_1863 : vector<16xi32> to vector<16xi32>
      %ge3A_1865 = arith.cmpi sge, %get3A_1864, %or3A_110 : vector<16xi32>
      %select_n3A_1866 = arith.select %ge3A_1865, %broadcast_in_dim3A_1, %broadcast_in_dim3A_3 : vector<16xi1>, vector<16xi32>
      %add3A_1867 = arith.addi %add3A_1857, %select_n3A_1866 : vector<16xi32>
      %mul3A_1868 = arith.constant 80 : i32
      %mul3A_1869 = arith.muli %scan3A_1837, %mul3A_1868 : i32
      %add3A_1870 = arith.constant 48 : i32
      %add3A_1871 = arith.addi %mul3A_1869, %add3A_1870 : i32
      %get3A_1872 = arith.index_cast %add3A_1871 : i32 to index
      %get3A_1873 = tpu.vector_load %arg8[%get3A_1872] {strides = array<i32>} : memref<20000xi32, #tpu.memory_space<vmem>>, vector<16xi32>,
      %get3A_1874 = vector.shape_cast %get3A_1873 : vector<16xi32> to vector<16xi32>
      %ge3A_1875 = arith.cmpi sge, %get3A_1874, %or3A_110 : vector<16xi32>
      %select_n3A_1876 = arith.select %ge3A_1875, %broadcast_in_dim3A_1, %broadcast_in_dim3A_3 : vector<16xi1>, vector<16xi32>
      %add3A_1877 = arith.addi %add3A_1867, %select_n3A_1876 : vector<16xi32>
      %mul3A_1878 = arith.constant 80 : i32
      %mul3A_1879 = arith.muli %scan3A_1837, %mul3A_1878 : i32
      %add3A_1880 = arith.constant 64 : i32
      %add3A_1881 = arith.addi %mul3A_1879, %add3A_1880 : i32
      %get3A_1882 = arith.index_cast %add3A_1881 : i32 to index
      %get3A_1883 = tpu.vector_load %arg8[%get3A_1882] {strides = array<i32>} : memref<20000xi32, #tpu.memory_space<vmem>>, vector<16xi32>,
      %get3A_1884 = vector.shape_cast %get3A_1883 : vector<16xi32> to vector<16xi32>
      %ge3A_1885 = arith.cmpi sge, %get3A_1884, %or3A_110 : vector<16xi32>
      %select_n3A_1886 = arith.select %ge3A_1885, %broadcast_in_dim3A_1, %broadcast_in_dim3A_3 : vector<16xi1>, vector<16xi32>
      %add3A_1887 = arith.addi %add3A_1877, %select_n3A_1886 : vector<16xi32>
      scf.yield %add3A_1887 : vector<16xi32>
    }
    %scan3A_116 = arith.constant 250 : i32
    %iota3A_117 = tpu.iota {dimensions = array<i32: 0>} : vector<16xi32>
    %add3A_118 = arith.constant 1 : i32
    %add3A_119 = vector.broadcast %add3A_118 : i32 to vector<16xi32>
    %add3A_120 = arith.addi %iota3A_117, %add3A_119 : vector<16xi32>
    %and3A_121 = arith.constant 15 : i32
    %and3A_122 = vector.broadcast %and3A_121 : i32 to vector<16xi32>
    %and3A_123 = arith.andi %add3A_120, %and3A_122 : vector<16xi32>
    %broadcast_in_dim3A_124 = vector.shape_cast %and3A_123 : vector<16xi32> to vector<16x1xi32>
    %gather3A_125 = vector.shape_cast %broadcast_in_dim3A_124 : vector<16x1xi32> to vector<16xi32>
    %gather3A_126 = tpu.dynamic_gather %scan3A_115[%gather3A_125] in [0] : vector<16xi32>, vector<16xi32> -> vector<16xi32>
    %add3A_127 = arith.addi %scan3A_115, %gather3A_126 : vector<16xi32>
    %iota3A_128 = tpu.iota {dimensions = array<i32: 0>} : vector<16xi32>
    %add3A_129 = arith.constant 2 : i32
    %add3A_130 = vector.broadcast %add3A_129 : i32 to vector<16xi32>
    %add3A_131 = arith.addi %iota3A_128, %add3A_130 : vector<16xi32>
    %and3A_132 = arith.constant 15 : i32
    %and3A_133 = vector.broadcast %and3A_132 : i32 to vector<16xi32>
    %and3A_134 = arith.andi %add3A_131, %and3A_133 : vector<16xi32>
    %broadcast_in_dim3A_135 = vector.shape_cast %and3A_134 : vector<16xi32> to vector<16x1xi32>
    %gather3A_136 = vector.shape_cast %broadcast_in_dim3A_135 : vector<16x1xi32> to vector<16xi32>
    %gather3A_137 = tpu.dynamic_gather %add3A_127[%gather3A_136] in [0] : vector<16xi32>, vector<16xi32> -> vector<16xi32>
    %add3A_138 = arith.addi %add3A_127, %gather3A_137 : vector<16xi32>
    %iota3A_139 = tpu.iota {dimensions = array<i32: 0>} : vector<16xi32>
    %add3A_140 = arith.constant 4 : i32
    %add3A_141 = vector.broadcast %add3A_140 : i32 to vector<16xi32>
    %add3A_142 = arith.addi %iota3A_139, %add3A_141 : vector<16xi32>
    %and3A_143 = arith.constant 15 : i32
    %and3A_144 = vector.broadcast %and3A_143 : i32 to vector<16xi32>
    %and3A_145 = arith.andi %add3A_142, %and3A_144 : vector<16xi32>
    %broadcast_in_dim3A_146 = vector.shape_cast %and3A_145 : vector<16xi32> to vector<16x1xi32>
    %gather3A_147 = vector.shape_cast %broadcast_in_dim3A_146 : vector<16x1xi32> to vector<16xi32>
    %gather3A_148 = tpu.dynamic_gather %add3A_138[%gather3A_147] in [0] : vector<16xi32>, vector<16xi32> -> vector<16xi32>
    %add3A_149 = arith.addi %add3A_138, %gather3A_148 : vector<16xi32>
    %iota3A_150 = tpu.iota {dimensions = array<i32: 0>} : vector<16xi32>
    %add3A_151 = arith.constant 8 : i32
    %add3A_152 = vector.broadcast %add3A_151 : i32 to vector<16xi32>
    %add3A_153 = arith.addi %iota3A_150, %add3A_152 : vector<16xi32>
    %and3A_154 = arith.constant 15 : i32
    %and3A_155 = vector.broadcast %and3A_154 : i32 to vector<16xi32>
    %and3A_156 = arith.andi %add3A_153, %and3A_155 : vector<16xi32>
    %broadcast_in_dim3A_157 = vector.shape_cast %and3A_156 : vector<16xi32> to vector<16x1xi32>
    %gather3A_158 = vector.shape_cast %broadcast_in_dim3A_157 : vector<16x1xi32> to vector<16xi32>
    %gather3A_159 = tpu.dynamic_gather %add3A_149[%gather3A_158] in [0] : vector<16xi32>, vector<16xi32> -> vector<16xi32>
    %add3A_160 = arith.addi %add3A_149, %gather3A_159 : vector<16xi32>
    %ge3A_161 = arith.cmpi sge, %add3A_160, %min3A_55 : vector<16xi32>
    %select_n3A_162 = arith.select %ge3A_161, %or3A_110, %select_n3A : vector<16xi1>, vector<16xi32>
    %or3A_163 = arith.constant 268435456 : i32
    %or3A_164 = vector.broadcast %or3A_163 : i32 to vector<16xi32>
    %or3A_165 = arith.ori %select_n3A_162, %or3A_164 : vector<16xi32>
    %scan3A_166 = arith.constant 0 : i32
    %scan3A_167 = arith.constant 250 : i32
    %scan3A_168 = arith.addi %scan3A_166, %scan3A_167 : i32
    %scan3A_169 = arith.constant 1 : i32
    %scan3A_170 = scf.for %scan3A_1837 = %scan3A_166 to %scan3A_168 step %scan3A_169 iter_args(%scan3A_1838 = %broadcast_in_dim3A_3) -> (vector<16xi32>)  : i32 {
      %mul3A_1839 = arith.constant 80 : i32
      %mul3A_1840 = arith.muli %scan3A_1837, %mul3A_1839 : i32
      %add3A_1841 = arith.constant 0 : i32
      %add3A_1842 = arith.addi %mul3A_1840, %add3A_1841 : i32
      %get3A = arith.index_cast %add3A_1842 : i32 to index
      %get3A_1843 = tpu.vector_load %arg8[%get3A] {strides = array<i32>} : memref<20000xi32, #tpu.memory_space<vmem>>, vector<16xi32>,
      %get3A_1844 = vector.shape_cast %get3A_1843 : vector<16xi32> to vector<16xi32>
      %ge3A_1845 = arith.cmpi sge, %get3A_1844, %or3A_165 : vector<16xi32>
      %select_n3A_1846 = arith.select %ge3A_1845, %broadcast_in_dim3A_1, %broadcast_in_dim3A_3 : vector<16xi1>, vector<16xi32>
      %add3A_1847 = arith.addi %scan3A_1838, %select_n3A_1846 : vector<16xi32>
      %mul3A_1848 = arith.constant 80 : i32
      %mul3A_1849 = arith.muli %scan3A_1837, %mul3A_1848 : i32
      %add3A_1850 = arith.constant 16 : i32
      %add3A_1851 = arith.addi %mul3A_1849, %add3A_1850 : i32
      %get3A_1852 = arith.index_cast %add3A_1851 : i32 to index
      %get3A_1853 = tpu.vector_load %arg8[%get3A_1852] {strides = array<i32>} : memref<20000xi32, #tpu.memory_space<vmem>>, vector<16xi32>,
      %get3A_1854 = vector.shape_cast %get3A_1853 : vector<16xi32> to vector<16xi32>
      %ge3A_1855 = arith.cmpi sge, %get3A_1854, %or3A_165 : vector<16xi32>
      %select_n3A_1856 = arith.select %ge3A_1855, %broadcast_in_dim3A_1, %broadcast_in_dim3A_3 : vector<16xi1>, vector<16xi32>
      %add3A_1857 = arith.addi %add3A_1847, %select_n3A_1856 : vector<16xi32>
      %mul3A_1858 = arith.constant 80 : i32
      %mul3A_1859 = arith.muli %scan3A_1837, %mul3A_1858 : i32
      %add3A_1860 = arith.constant 32 : i32
      %add3A_1861 = arith.addi %mul3A_1859, %add3A_1860 : i32
      %get3A_1862 = arith.index_cast %add3A_1861 : i32 to index
      %get3A_1863 = tpu.vector_load %arg8[%get3A_1862] {strides = array<i32>} : memref<20000xi32, #tpu.memory_space<vmem>>, vector<16xi32>,
      %get3A_1864 = vector.shape_cast %get3A_1863 : vector<16xi32> to vector<16xi32>
      %ge3A_1865 = arith.cmpi sge, %get3A_1864, %or3A_165 : vector<16xi32>
      %select_n3A_1866 = arith.select %ge3A_1865, %broadcast_in_dim3A_1, %broadcast_in_dim3A_3 : vector<16xi1>, vector<16xi32>
      %add3A_1867 = arith.addi %add3A_1857, %select_n3A_1866 : vector<16xi32>
      %mul3A_1868 = arith.constant 80 : i32
      %mul3A_1869 = arith.muli %scan3A_1837, %mul3A_1868 : i32
      %add3A_1870 = arith.constant 48 : i32
      %add3A_1871 = arith.addi %mul3A_1869, %add3A_1870 : i32
      %get3A_1872 = arith.index_cast %add3A_1871 : i32 to index
      %get3A_1873 = tpu.vector_load %arg8[%get3A_1872] {strides = array<i32>} : memref<20000xi32, #tpu.memory_space<vmem>>, vector<16xi32>,
      %get3A_1874 = vector.shape_cast %get3A_1873 : vector<16xi32> to vector<16xi32>
      %ge3A_1875 = arith.cmpi sge, %get3A_1874, %or3A_165 : vector<16xi32>
      %select_n3A_1876 = arith.select %ge3A_1875, %broadcast_in_dim3A_1, %broadcast_in_dim3A_3 : vector<16xi1>, vector<16xi32>
      %add3A_1877 = arith.addi %add3A_1867, %select_n3A_1876 : vector<16xi32>
      %mul3A_1878 = arith.constant 80 : i32
      %mul3A_1879 = arith.muli %scan3A_1837, %mul3A_1878 : i32
      %add3A_1880 = arith.constant 64 : i32
      %add3A_1881 = arith.addi %mul3A_1879, %add3A_1880 : i32
      %get3A_1882 = arith.index_cast %add3A_1881 : i32 to index
      %get3A_1883 = tpu.vector_load %arg8[%get3A_1882] {strides = array<i32>} : memref<20000xi32, #tpu.memory_space<vmem>>, vector<16xi32>,
      %get3A_1884 = vector.shape_cast %get3A_1883 : vector<16xi32> to vector<16xi32>
      %ge3A_1885 = arith.cmpi sge, %get3A_1884, %or3A_165 : vector<16xi32>
      %select_n3A_1886 = arith.select %ge3A_1885, %broadcast_in_dim3A_1, %broadcast_in_dim3A_3 : vector<16xi1>, vector<16xi32>
      %add3A_1887 = arith.addi %add3A_1877, %select_n3A_1886 : vector<16xi32>
      scf.yield %add3A_1887 : vector<16xi32>
    }
    %scan3A_171 = arith.constant 250 : i32
    %iota3A_172 = tpu.iota {dimensions = array<i32: 0>} : vector<16xi32>
    %add3A_173 = arith.constant 1 : i32
    %add3A_174 = vector.broadcast %add3A_173 : i32 to vector<16xi32>
    %add3A_175 = arith.addi %iota3A_172, %add3A_174 : vector<16xi32>
    %and3A_176 = arith.constant 15 : i32
    %and3A_177 = vector.broadcast %and3A_176 : i32 to vector<16xi32>
    %and3A_178 = arith.andi %add3A_175, %and3A_177 : vector<16xi32>
    %broadcast_in_dim3A_179 = vector.shape_cast %and3A_178 : vector<16xi32> to vector<16x1xi32>
    %gather3A_180 = vector.shape_cast %broadcast_in_dim3A_179 : vector<16x1xi32> to vector<16xi32>
    %gather3A_181 = tpu.dynamic_gather %scan3A_170[%gather3A_180] in [0] : vector<16xi32>, vector<16xi32> -> vector<16xi32>
    %add3A_182 = arith.addi %scan3A_170, %gather3A_181 : vector<16xi32>
    %iota3A_183 = tpu.iota {dimensions = array<i32: 0>} : vector<16xi32>
    %add3A_184 = arith.constant 2 : i32
    %add3A_185 = vector.broadcast %add3A_184 : i32 to vector<16xi32>
    %add3A_186 = arith.addi %iota3A_183, %add3A_185 : vector<16xi32>
    %and3A_187 = arith.constant 15 : i32
    %and3A_188 = vector.broadcast %and3A_187 : i32 to vector<16xi32>
    %and3A_189 = arith.andi %add3A_186, %and3A_188 : vector<16xi32>
    %broadcast_in_dim3A_190 = vector.shape_cast %and3A_189 : vector<16xi32> to vector<16x1xi32>
    %gather3A_191 = vector.shape_cast %broadcast_in_dim3A_190 : vector<16x1xi32> to vector<16xi32>
    %gather3A_192 = tpu.dynamic_gather %add3A_182[%gather3A_191] in [0] : vector<16xi32>, vector<16xi32> -> vector<16xi32>
    %add3A_193 = arith.addi %add3A_182, %gather3A_192 : vector<16xi32>
    %iota3A_194 = tpu.iota {dimensions = array<i32: 0>} : vector<16xi32>
    %add3A_195 = arith.constant 4 : i32
    %add3A_196 = vector.broadcast %add3A_195 : i32 to vector<16xi32>
    %add3A_197 = arith.addi %iota3A_194, %add3A_196 : vector<16xi32>
    %and3A_198 = arith.constant 15 : i32
    %and3A_199 = vector.broadcast %and3A_198 : i32 to vector<16xi32>
    %and3A_200 = arith.andi %add3A_197, %and3A_199 : vector<16xi32>
    %broadcast_in_dim3A_201 = vector.shape_cast %and3A_200 : vector<16xi32> to vector<16x1xi32>
    %gather3A_202 = vector.shape_cast %broadcast_in_dim3A_201 : vector<16x1xi32> to vector<16xi32>
    %gather3A_203 = tpu.dynamic_gather %add3A_193[%gather3A_202] in [0] : vector<16xi32>, vector<16xi32> -> vector<16xi32>
    %add3A_204 = arith.addi %add3A_193, %gather3A_203 : vector<16xi32>
    %iota3A_205 = tpu.iota {dimensions = array<i32: 0>} : vector<16xi32>
    %add3A_206 = arith.constant 8 : i32
    %add3A_207 = vector.broadcast %add3A_206 : i32 to vector<16xi32>
    %add3A_208 = arith.addi %iota3A_205, %add3A_207 : vector<16xi32>
    %and3A_209 = arith.constant 15 : i32
    %and3A_210 = vector.broadcast %and3A_209 : i32 to vector<16xi32>
    %and3A_211 = arith.andi %add3A_208, %and3A_210 : vector<16xi32>
    %broadcast_in_dim3A_212 = vector.shape_cast %and3A_211 : vector<16xi32> to vector<16x1xi32>
    %gather3A_213 = vector.shape_cast %broadcast_in_dim3A_212 : vector<16x1xi32> to vector<16xi32>
    %gather3A_214 = tpu.dynamic_gather %add3A_204[%gather3A_213] in [0] : vector<16xi32>, vector<16xi32> -> vector<16xi32>
    %add3A_215 = arith.addi %add3A_204, %gather3A_214 : vector<16xi32>
    %ge3A_216 = arith.cmpi sge, %add3A_215, %min3A_55 : vector<16xi32>
    %select_n3A_217 = arith.select %ge3A_216, %or3A_165, %select_n3A_162 : vector<16xi1>, vector<16xi32>
    %or3A_218 = arith.constant 134217728 : i32
    %or3A_219 = vector.broadcast %or3A_218 : i32 to vector<16xi32>
    %or3A_220 = arith.ori %select_n3A_217, %or3A_219 : vector<16xi32>
    %scan3A_221 = arith.constant 0 : i32
    %scan3A_222 = arith.constant 250 : i32
    %scan3A_223 = arith.addi %scan3A_221, %scan3A_222 : i32
    %scan3A_224 = arith.constant 1 : i32
    %scan3A_225 = scf.for %scan3A_1837 = %scan3A_221 to %scan3A_223 step %scan3A_224 iter_args(%scan3A_1838 = %broadcast_in_dim3A_3) -> (vector<16xi32>)  : i32 {
      %mul3A_1839 = arith.constant 80 : i32
      %mul3A_1840 = arith.muli %scan3A_1837, %mul3A_1839 : i32
      %add3A_1841 = arith.constant 0 : i32
      %add3A_1842 = arith.addi %mul3A_1840, %add3A_1841 : i32
      %get3A = arith.index_cast %add3A_1842 : i32 to index
      %get3A_1843 = tpu.vector_load %arg8[%get3A] {strides = array<i32>} : memref<20000xi32, #tpu.memory_space<vmem>>, vector<16xi32>,
      %get3A_1844 = vector.shape_cast %get3A_1843 : vector<16xi32> to vector<16xi32>
      %ge3A_1845 = arith.cmpi sge, %get3A_1844, %or3A_220 : vector<16xi32>
      %select_n3A_1846 = arith.select %ge3A_1845, %broadcast_in_dim3A_1, %broadcast_in_dim3A_3 : vector<16xi1>, vector<16xi32>
      %add3A_1847 = arith.addi %scan3A_1838, %select_n3A_1846 : vector<16xi32>
      %mul3A_1848 = arith.constant 80 : i32
      %mul3A_1849 = arith.muli %scan3A_1837, %mul3A_1848 : i32
      %add3A_1850 = arith.constant 16 : i32
      %add3A_1851 = arith.addi %mul3A_1849, %add3A_1850 : i32
      %get3A_1852 = arith.index_cast %add3A_1851 : i32 to index
      %get3A_1853 = tpu.vector_load %arg8[%get3A_1852] {strides = array<i32>} : memref<20000xi32, #tpu.memory_space<vmem>>, vector<16xi32>,
      %get3A_1854 = vector.shape_cast %get3A_1853 : vector<16xi32> to vector<16xi32>
      %ge3A_1855 = arith.cmpi sge, %get3A_1854, %or3A_220 : vector<16xi32>
      %select_n3A_1856 = arith.select %ge3A_1855, %broadcast_in_dim3A_1, %broadcast_in_dim3A_3 : vector<16xi1>, vector<16xi32>
      %add3A_1857 = arith.addi %add3A_1847, %select_n3A_1856 : vector<16xi32>
      %mul3A_1858 = arith.constant 80 : i32
      %mul3A_1859 = arith.muli %scan3A_1837, %mul3A_1858 : i32
      %add3A_1860 = arith.constant 32 : i32
      %add3A_1861 = arith.addi %mul3A_1859, %add3A_1860 : i32
      %get3A_1862 = arith.index_cast %add3A_1861 : i32 to index
      %get3A_1863 = tpu.vector_load %arg8[%get3A_1862] {strides = array<i32>} : memref<20000xi32, #tpu.memory_space<vmem>>, vector<16xi32>,
      %get3A_1864 = vector.shape_cast %get3A_1863 : vector<16xi32> to vector<16xi32>
      %ge3A_1865 = arith.cmpi sge, %get3A_1864, %or3A_220 : vector<16xi32>
      %select_n3A_1866 = arith.select %ge3A_1865, %broadcast_in_dim3A_1, %broadcast_in_dim3A_3 : vector<16xi1>, vector<16xi32>
      %add3A_1867 = arith.addi %add3A_1857, %select_n3A_1866 : vector<16xi32>
      %mul3A_1868 = arith.constant 80 : i32
      %mul3A_1869 = arith.muli %scan3A_1837, %mul3A_1868 : i32
      %add3A_1870 = arith.constant 48 : i32
      %add3A_1871 = arith.addi %mul3A_1869, %add3A_1870 : i32
      %get3A_1872 = arith.index_cast %add3A_1871 : i32 to index
      %get3A_1873 = tpu.vector_load %arg8[%get3A_1872] {strides = array<i32>} : memref<20000xi32, #tpu.memory_space<vmem>>, vector<16xi32>,
      %get3A_1874 = vector.shape_cast %get3A_1873 : vector<16xi32> to vector<16xi32>
      %ge3A_1875 = arith.cmpi sge, %get3A_1874, %or3A_220 : vector<16xi32>
      %select_n3A_1876 = arith.select %ge3A_1875, %broadcast_in_dim3A_1, %broadcast_in_dim3A_3 : vector<16xi1>, vector<16xi32>
      %add3A_1877 = arith.addi %add3A_1867, %select_n3A_1876 : vector<16xi32>
      %mul3A_1878 = arith.constant 80 : i32
      %mul3A_1879 = arith.muli %scan3A_1837, %mul3A_1878 : i32
      %add3A_1880 = arith.constant 64 : i32
      %add3A_1881 = arith.addi %mul3A_1879, %add3A_1880 : i32
      %get3A_1882 = arith.index_cast %add3A_1881 : i32 to index
      %get3A_1883 = tpu.vector_load %arg8[%get3A_1882] {strides = array<i32>} : memref<20000xi32, #tpu.memory_space<vmem>>, vector<16xi32>,
      %get3A_1884 = vector.shape_cast %get3A_1883 : vector<16xi32> to vector<16xi32>
      %ge3A_1885 = arith.cmpi sge, %get3A_1884, %or3A_220 : vector<16xi32>
      %select_n3A_1886 = arith.select %ge3A_1885, %broadcast_in_dim3A_1, %broadcast_in_dim3A_3 : vector<16xi1>, vector<16xi32>
      %add3A_1887 = arith.addi %add3A_1877, %select_n3A_1886 : vector<16xi32>
      scf.yield %add3A_1887 : vector<16xi32>
    }
    %scan3A_226 = arith.constant 250 : i32
    %iota3A_227 = tpu.iota {dimensions = array<i32: 0>} : vector<16xi32>
    %add3A_228 = arith.constant 1 : i32
    %add3A_229 = vector.broadcast %add3A_228 : i32 to vector<16xi32>
    %add3A_230 = arith.addi %iota3A_227, %add3A_229 : vector<16xi32>
    %and3A_231 = arith.constant 15 : i32
    %and3A_232 = vector.broadcast %and3A_231 : i32 to vector<16xi32>
    %and3A_233 = arith.andi %add3A_230, %and3A_232 : vector<16xi32>
    %broadcast_in_dim3A_234 = vector.shape_cast %and3A_233 : vector<16xi32> to vector<16x1xi32>
    %gather3A_235 = vector.shape_cast %broadcast_in_dim3A_234 : vector<16x1xi32> to vector<16xi32>
    %gather3A_236 = tpu.dynamic_gather %scan3A_225[%gather3A_235] in [0] : vector<16xi32>, vector<16xi32> -> vector<16xi32>
    %add3A_237 = arith.addi %scan3A_225, %gather3A_236 : vector<16xi32>
    %iota3A_238 = tpu.iota {dimensions = array<i32: 0>} : vector<16xi32>
    %add3A_239 = arith.constant 2 : i32
    %add3A_240 = vector.broadcast %add3A_239 : i32 to vector<16xi32>
    %add3A_241 = arith.addi %iota3A_238, %add3A_240 : vector<16xi32>
    %and3A_242 = arith.constant 15 : i32
    %and3A_243 = vector.broadcast %and3A_242 : i32 to vector<16xi32>
    %and3A_244 = arith.andi %add3A_241, %and3A_243 : vector<16xi32>
    %broadcast_in_dim3A_245 = vector.shape_cast %and3A_244 : vector<16xi32> to vector<16x1xi32>
    %gather3A_246 = vector.shape_cast %broadcast_in_dim3A_245 : vector<16x1xi32> to vector<16xi32>
    %gather3A_247 = tpu.dynamic_gather %add3A_237[%gather3A_246] in [0] : vector<16xi32>, vector<16xi32> -> vector<16xi32>
    %add3A_248 = arith.addi %add3A_237, %gather3A_247 : vector<16xi32>
    %iota3A_249 = tpu.iota {dimensions = array<i32: 0>} : vector<16xi32>
    %add3A_250 = arith.constant 4 : i32
    %add3A_251 = vector.broadcast %add3A_250 : i32 to vector<16xi32>
    %add3A_252 = arith.addi %iota3A_249, %add3A_251 : vector<16xi32>
    %and3A_253 = arith.constant 15 : i32
    %and3A_254 = vector.broadcast %and3A_253 : i32 to vector<16xi32>
    %and3A_255 = arith.andi %add3A_252, %and3A_254 : vector<16xi32>
    %broadcast_in_dim3A_256 = vector.shape_cast %and3A_255 : vector<16xi32> to vector<16x1xi32>
    %gather3A_257 = vector.shape_cast %broadcast_in_dim3A_256 : vector<16x1xi32> to vector<16xi32>
    %gather3A_258 = tpu.dynamic_gather %add3A_248[%gather3A_257] in [0] : vector<16xi32>, vector<16xi32> -> vector<16xi32>
    %add3A_259 = arith.addi %add3A_248, %gather3A_258 : vector<16xi32>
    %iota3A_260 = tpu.iota {dimensions = array<i32: 0>} : vector<16xi32>
    %add3A_261 = arith.constant 8 : i32
    %add3A_262 = vector.broadcast %add3A_261 : i32 to vector<16xi32>
    %add3A_263 = arith.addi %iota3A_260, %add3A_262 : vector<16xi32>
    %and3A_264 = arith.constant 15 : i32
    %and3A_265 = vector.broadcast %and3A_264 : i32 to vector<16xi32>
    %and3A_266 = arith.andi %add3A_263, %and3A_265 : vector<16xi32>
    %broadcast_in_dim3A_267 = vector.shape_cast %and3A_266 : vector<16xi32> to vector<16x1xi32>
    %gather3A_268 = vector.shape_cast %broadcast_in_dim3A_267 : vector<16x1xi32> to vector<16xi32>
    %gather3A_269 = tpu.dynamic_gather %add3A_259[%gather3A_268] in [0] : vector<16xi32>, vector<16xi32> -> vector<16xi32>
    %add3A_270 = arith.addi %add3A_259, %gather3A_269 : vector<16xi32>
    %ge3A_271 = arith.cmpi sge, %add3A_270, %min3A_55 : vector<16xi32>
    %select_n3A_272 = arith.select %ge3A_271, %or3A_220, %select_n3A_217 : vector<16xi1>, vector<16xi32>
    %or3A_273 = arith.constant 67108864 : i32
    %or3A_274 = vector.broadcast %or3A_273 : i32 to vector<16xi32>
    %or3A_275 = arith.ori %select_n3A_272, %or3A_274 : vector<16xi32>
    %scan3A_276 = arith.constant 0 : i32
    %scan3A_277 = arith.constant 250 : i32
    %scan3A_278 = arith.addi %scan3A_276, %scan3A_277 : i32
    %scan3A_279 = arith.constant 1 : i32
    %scan3A_280 = scf.for %scan3A_1837 = %scan3A_276 to %scan3A_278 step %scan3A_279 iter_args(%scan3A_1838 = %broadcast_in_dim3A_3) -> (vector<16xi32>)  : i32 {
      %mul3A_1839 = arith.constant 80 : i32
      %mul3A_1840 = arith.muli %scan3A_1837, %mul3A_1839 : i32
      %add3A_1841 = arith.constant 0 : i32
      %add3A_1842 = arith.addi %mul3A_1840, %add3A_1841 : i32
      %get3A = arith.index_cast %add3A_1842 : i32 to index
      %get3A_1843 = tpu.vector_load %arg8[%get3A] {strides = array<i32>} : memref<20000xi32, #tpu.memory_space<vmem>>, vector<16xi32>,
      %get3A_1844 = vector.shape_cast %get3A_1843 : vector<16xi32> to vector<16xi32>
      %ge3A_1845 = arith.cmpi sge, %get3A_1844, %or3A_275 : vector<16xi32>
      %select_n3A_1846 = arith.select %ge3A_1845, %broadcast_in_dim3A_1, %broadcast_in_dim3A_3 : vector<16xi1>, vector<16xi32>
      %add3A_1847 = arith.addi %scan3A_1838, %select_n3A_1846 : vector<16xi32>
      %mul3A_1848 = arith.constant 80 : i32
      %mul3A_1849 = arith.muli %scan3A_1837, %mul3A_1848 : i32
      %add3A_1850 = arith.constant 16 : i32
      %add3A_1851 = arith.addi %mul3A_1849, %add3A_1850 : i32
      %get3A_1852 = arith.index_cast %add3A_1851 : i32 to index
      %get3A_1853 = tpu.vector_load %arg8[%get3A_1852] {strides = array<i32>} : memref<20000xi32, #tpu.memory_space<vmem>>, vector<16xi32>,
      %get3A_1854 = vector.shape_cast %get3A_1853 : vector<16xi32> to vector<16xi32>
      %ge3A_1855 = arith.cmpi sge, %get3A_1854, %or3A_275 : vector<16xi32>
      %select_n3A_1856 = arith.select %ge3A_1855, %broadcast_in_dim3A_1, %broadcast_in_dim3A_3 : vector<16xi1>, vector<16xi32>
      %add3A_1857 = arith.addi %add3A_1847, %select_n3A_1856 : vector<16xi32>
      %mul3A_1858 = arith.constant 80 : i32
      %mul3A_1859 = arith.muli %scan3A_1837, %mul3A_1858 : i32
      %add3A_1860 = arith.constant 32 : i32
      %add3A_1861 = arith.addi %mul3A_1859, %add3A_1860 : i32
      %get3A_1862 = arith.index_cast %add3A_1861 : i32 to index
      %get3A_1863 = tpu.vector_load %arg8[%get3A_1862] {strides = array<i32>} : memref<20000xi32, #tpu.memory_space<vmem>>, vector<16xi32>,
      %get3A_1864 = vector.shape_cast %get3A_1863 : vector<16xi32> to vector<16xi32>
      %ge3A_1865 = arith.cmpi sge, %get3A_1864, %or3A_275 : vector<16xi32>
      %select_n3A_1866 = arith.select %ge3A_1865, %broadcast_in_dim3A_1, %broadcast_in_dim3A_3 : vector<16xi1>, vector<16xi32>
      %add3A_1867 = arith.addi %add3A_1857, %select_n3A_1866 : vector<16xi32>
      %mul3A_1868 = arith.constant 80 : i32
      %mul3A_1869 = arith.muli %scan3A_1837, %mul3A_1868 : i32
      %add3A_1870 = arith.constant 48 : i32
      %add3A_1871 = arith.addi %mul3A_1869, %add3A_1870 : i32
      %get3A_1872 = arith.index_cast %add3A_1871 : i32 to index
      %get3A_1873 = tpu.vector_load %arg8[%get3A_1872] {strides = array<i32>} : memref<20000xi32, #tpu.memory_space<vmem>>, vector<16xi32>,
      %get3A_1874 = vector.shape_cast %get3A_1873 : vector<16xi32> to vector<16xi32>
      %ge3A_1875 = arith.cmpi sge, %get3A_1874, %or3A_275 : vector<16xi32>
      %select_n3A_1876 = arith.select %ge3A_1875, %broadcast_in_dim3A_1, %broadcast_in_dim3A_3 : vector<16xi1>, vector<16xi32>
      %add3A_1877 = arith.addi %add3A_1867, %select_n3A_1876 : vector<16xi32>
      %mul3A_1878 = arith.constant 80 : i32
      %mul3A_1879 = arith.muli %scan3A_1837, %mul3A_1878 : i32
      %add3A_1880 = arith.constant 64 : i32
      %add3A_1881 = arith.addi %mul3A_1879, %add3A_1880 : i32
      %get3A_1882 = arith.index_cast %add3A_1881 : i32 to index
      %get3A_1883 = tpu.vector_load %arg8[%get3A_1882] {strides = array<i32>} : memref<20000xi32, #tpu.memory_space<vmem>>, vector<16xi32>,
      %get3A_1884 = vector.shape_cast %get3A_1883 : vector<16xi32> to vector<16xi32>
      %ge3A_1885 = arith.cmpi sge, %get3A_1884, %or3A_275 : vector<16xi32>
      %select_n3A_1886 = arith.select %ge3A_1885, %broadcast_in_dim3A_1, %broadcast_in_dim3A_3 : vector<16xi1>, vector<16xi32>
      %add3A_1887 = arith.addi %add3A_1877, %select_n3A_1886 : vector<16xi32>
      scf.yield %add3A_1887 : vector<16xi32>
    }
    %scan3A_281 = arith.constant 250 : i32
    %iota3A_282 = tpu.iota {dimensions = array<i32: 0>} : vector<16xi32>
    %add3A_283 = arith.constant 1 : i32
    %add3A_284 = vector.broadcast %add3A_283 : i32 to vector<16xi32>
    %add3A_285 = arith.addi %iota3A_282, %add3A_284 : vector<16xi32>
    %and3A_286 = arith.constant 15 : i32
    %and3A_287 = vector.broadcast %and3A_286 : i32 to vector<16xi32>
    %and3A_288 = arith.andi %add3A_285, %and3A_287 : vector<16xi32>
    %broadcast_in_dim3A_289 = vector.shape_cast %and3A_288 : vector<16xi32> to vector<16x1xi32>
    %gather3A_290 = vector.shape_cast %broadcast_in_dim3A_289 : vector<16x1xi32> to vector<16xi32>
    %gather3A_291 = tpu.dynamic_gather %scan3A_280[%gather3A_290] in [0] : vector<16xi32>, vector<16xi32> -> vector<16xi32>
    %add3A_292 = arith.addi %scan3A_280, %gather3A_291 : vector<16xi32>
    %iota3A_293 = tpu.iota {dimensions = array<i32: 0>} : vector<16xi32>
    %add3A_294 = arith.constant 2 : i32
    %add3A_295 = vector.broadcast %add3A_294 : i32 to vector<16xi32>
    %add3A_296 = arith.addi %iota3A_293, %add3A_295 : vector<16xi32>
    %and3A_297 = arith.constant 15 : i32
    %and3A_298 = vector.broadcast %and3A_297 : i32 to vector<16xi32>
    %and3A_299 = arith.andi %add3A_296, %and3A_298 : vector<16xi32>
    %broadcast_in_dim3A_300 = vector.shape_cast %and3A_299 : vector<16xi32> to vector<16x1xi32>
    %gather3A_301 = vector.shape_cast %broadcast_in_dim3A_300 : vector<16x1xi32> to vector<16xi32>
    %gather3A_302 = tpu.dynamic_gather %add3A_292[%gather3A_301] in [0] : vector<16xi32>, vector<16xi32> -> vector<16xi32>
    %add3A_303 = arith.addi %add3A_292, %gather3A_302 : vector<16xi32>
    %iota3A_304 = tpu.iota {dimensions = array<i32: 0>} : vector<16xi32>
    %add3A_305 = arith.constant 4 : i32
    %add3A_306 = vector.broadcast %add3A_305 : i32 to vector<16xi32>
    %add3A_307 = arith.addi %iota3A_304, %add3A_306 : vector<16xi32>
    %and3A_308 = arith.constant 15 : i32
    %and3A_309 = vector.broadcast %and3A_308 : i32 to vector<16xi32>
    %and3A_310 = arith.andi %add3A_307, %and3A_309 : vector<16xi32>
    %broadcast_in_dim3A_311 = vector.shape_cast %and3A_310 : vector<16xi32> to vector<16x1xi32>
    %gather3A_312 = vector.shape_cast %broadcast_in_dim3A_311 : vector<16x1xi32> to vector<16xi32>
    %gather3A_313 = tpu.dynamic_gather %add3A_303[%gather3A_312] in [0] : vector<16xi32>, vector<16xi32> -> vector<16xi32>
    %add3A_314 = arith.addi %add3A_303, %gather3A_313 : vector<16xi32>
    %iota3A_315 = tpu.iota {dimensions = array<i32: 0>} : vector<16xi32>
    %add3A_316 = arith.constant 8 : i32
    %add3A_317 = vector.broadcast %add3A_316 : i32 to vector<16xi32>
    %add3A_318 = arith.addi %iota3A_315, %add3A_317 : vector<16xi32>
    %and3A_319 = arith.constant 15 : i32
    %and3A_320 = vector.broadcast %and3A_319 : i32 to vector<16xi32>
    %and3A_321 = arith.andi %add3A_318, %and3A_320 : vector<16xi32>
    %broadcast_in_dim3A_322 = vector.shape_cast %and3A_321 : vector<16xi32> to vector<16x1xi32>
    %gather3A_323 = vector.shape_cast %broadcast_in_dim3A_322 : vector<16x1xi32> to vector<16xi32>
    %gather3A_324 = tpu.dynamic_gather %add3A_314[%gather3A_323] in [0] : vector<16xi32>, vector<16xi32> -> vector<16xi32>
    %add3A_325 = arith.addi %add3A_314, %gather3A_324 : vector<16xi32>
    %ge3A_326 = arith.cmpi sge, %add3A_325, %min3A_55 : vector<16xi32>
    %select_n3A_327 = arith.select %ge3A_326, %or3A_275, %select_n3A_272 : vector<16xi1>, vector<16xi32>
    %or3A_328 = arith.constant 33554432 : i32
    %or3A_329 = vector.broadcast %or3A_328 : i32 to vector<16xi32>
    %or3A_330 = arith.ori %select_n3A_327, %or3A_329 : vector<16xi32>
    %scan3A_331 = arith.constant 0 : i32
    %scan3A_332 = arith.constant 250 : i32
    %scan3A_333 = arith.addi %scan3A_331, %scan3A_332 : i32
    %scan3A_334 = arith.constant 1 : i32
    %scan3A_335 = scf.for %scan3A_1837 = %scan3A_331 to %scan3A_333 step %scan3A_334 iter_args(%scan3A_1838 = %broadcast_in_dim3A_3) -> (vector<16xi32>)  : i32 {
      %mul3A_1839 = arith.constant 80 : i32
      %mul3A_1840 = arith.muli %scan3A_1837, %mul3A_1839 : i32
      %add3A_1841 = arith.constant 0 : i32
      %add3A_1842 = arith.addi %mul3A_1840, %add3A_1841 : i32
      %get3A = arith.index_cast %add3A_1842 : i32 to index
      %get3A_1843 = tpu.vector_load %arg8[%get3A] {strides = array<i32>} : memref<20000xi32, #tpu.memory_space<vmem>>, vector<16xi32>,
      %get3A_1844 = vector.shape_cast %get3A_1843 : vector<16xi32> to vector<16xi32>
      %ge3A_1845 = arith.cmpi sge, %get3A_1844, %or3A_330 : vector<16xi32>
      %select_n3A_1846 = arith.select %ge3A_1845, %broadcast_in_dim3A_1, %broadcast_in_dim3A_3 : vector<16xi1>, vector<16xi32>
      %add3A_1847 = arith.addi %scan3A_1838, %select_n3A_1846 : vector<16xi32>
      %mul3A_1848 = arith.constant 80 : i32
      %mul3A_1849 = arith.muli %scan3A_1837, %mul3A_1848 : i32
      %add3A_1850 = arith.constant 16 : i32
      %add3A_1851 = arith.addi %mul3A_1849, %add3A_1850 : i32
      %get3A_1852 = arith.index_cast %add3A_1851 : i32 to index
      %get3A_1853 = tpu.vector_load %arg8[%get3A_1852] {strides = array<i32>} : memref<20000xi32, #tpu.memory_space<vmem>>, vector<16xi32>,
      %get3A_1854 = vector.shape_cast %get3A_1853 : vector<16xi32> to vector<16xi32>
      %ge3A_1855 = arith.cmpi sge, %get3A_1854, %or3A_330 : vector<16xi32>
      %select_n3A_1856 = arith.select %ge3A_1855, %broadcast_in_dim3A_1, %broadcast_in_dim3A_3 : vector<16xi1>, vector<16xi32>
      %add3A_1857 = arith.addi %add3A_1847, %select_n3A_1856 : vector<16xi32>
      %mul3A_1858 = arith.constant 80 : i32
      %mul3A_1859 = arith.muli %scan3A_1837, %mul3A_1858 : i32
      %add3A_1860 = arith.constant 32 : i32
      %add3A_1861 = arith.addi %mul3A_1859, %add3A_1860 : i32
      %get3A_1862 = arith.index_cast %add3A_1861 : i32 to index
      %get3A_1863 = tpu.vector_load %arg8[%get3A_1862] {strides = array<i32>} : memref<20000xi32, #tpu.memory_space<vmem>>, vector<16xi32>,
      %get3A_1864 = vector.shape_cast %get3A_1863 : vector<16xi32> to vector<16xi32>
      %ge3A_1865 = arith.cmpi sge, %get3A_1864, %or3A_330 : vector<16xi32>
      %select_n3A_1866 = arith.select %ge3A_1865, %broadcast_in_dim3A_1, %broadcast_in_dim3A_3 : vector<16xi1>, vector<16xi32>
      %add3A_1867 = arith.addi %add3A_1857, %select_n3A_1866 : vector<16xi32>
      %mul3A_1868 = arith.constant 80 : i32
      %mul3A_1869 = arith.muli %scan3A_1837, %mul3A_1868 : i32
      %add3A_1870 = arith.constant 48 : i32
      %add3A_1871 = arith.addi %mul3A_1869, %add3A_1870 : i32
      %get3A_1872 = arith.index_cast %add3A_1871 : i32 to index
      %get3A_1873 = tpu.vector_load %arg8[%get3A_1872] {strides = array<i32>} : memref<20000xi32, #tpu.memory_space<vmem>>, vector<16xi32>,
      %get3A_1874 = vector.shape_cast %get3A_1873 : vector<16xi32> to vector<16xi32>
      %ge3A_1875 = arith.cmpi sge, %get3A_1874, %or3A_330 : vector<16xi32>
      %select_n3A_1876 = arith.select %ge3A_1875, %broadcast_in_dim3A_1, %broadcast_in_dim3A_3 : vector<16xi1>, vector<16xi32>
      %add3A_1877 = arith.addi %add3A_1867, %select_n3A_1876 : vector<16xi32>
      %mul3A_1878 = arith.constant 80 : i32
      %mul3A_1879 = arith.muli %scan3A_1837, %mul3A_1878 : i32
      %add3A_1880 = arith.constant 64 : i32
      %add3A_1881 = arith.addi %mul3A_1879, %add3A_1880 : i32
      %get3A_1882 = arith.index_cast %add3A_1881 : i32 to index
      %get3A_1883 = tpu.vector_load %arg8[%get3A_1882] {strides = array<i32>} : memref<20000xi32, #tpu.memory_space<vmem>>, vector<16xi32>,
      %get3A_1884 = vector.shape_cast %get3A_1883 : vector<16xi32> to vector<16xi32>
      %ge3A_1885 = arith.cmpi sge, %get3A_1884, %or3A_330 : vector<16xi32>
      %select_n3A_1886 = arith.select %ge3A_1885, %broadcast_in_dim3A_1, %broadcast_in_dim3A_3 : vector<16xi1>, vector<16xi32>
      %add3A_1887 = arith.addi %add3A_1877, %select_n3A_1886 : vector<16xi32>
      scf.yield %add3A_1887 : vector<16xi32>
    }
    %scan3A_336 = arith.constant 250 : i32
    %iota3A_337 = tpu.iota {dimensions = array<i32: 0>} : vector<16xi32>
    %add3A_338 = arith.constant 1 : i32
    %add3A_339 = vector.broadcast %add3A_338 : i32 to vector<16xi32>
    %add3A_340 = arith.addi %iota3A_337, %add3A_339 : vector<16xi32>
    %and3A_341 = arith.constant 15 : i32
    %and3A_342 = vector.broadcast %and3A_341 : i32 to vector<16xi32>
    %and3A_343 = arith.andi %add3A_340, %and3A_342 : vector<16xi32>
    %broadcast_in_dim3A_344 = vector.shape_cast %and3A_343 : vector<16xi32> to vector<16x1xi32>
    %gather3A_345 = vector.shape_cast %broadcast_in_dim3A_344 : vector<16x1xi32> to vector<16xi32>
    %gather3A_346 = tpu.dynamic_gather %scan3A_335[%gather3A_345] in [0] : vector<16xi32>, vector<16xi32> -> vector<16xi32>
    %add3A_347 = arith.addi %scan3A_335, %gather3A_346 : vector<16xi32>
    %iota3A_348 = tpu.iota {dimensions = array<i32: 0>} : vector<16xi32>
    %add3A_349 = arith.constant 2 : i32
    %add3A_350 = vector.broadcast %add3A_349 : i32 to vector<16xi32>
    %add3A_351 = arith.addi %iota3A_348, %add3A_350 : vector<16xi32>
    %and3A_352 = arith.constant 15 : i32
    %and3A_353 = vector.broadcast %and3A_352 : i32 to vector<16xi32>
    %and3A_354 = arith.andi %add3A_351, %and3A_353 : vector<16xi32>
    %broadcast_in_dim3A_355 = vector.shape_cast %and3A_354 : vector<16xi32> to vector<16x1xi32>
    %gather3A_356 = vector.shape_cast %broadcast_in_dim3A_355 : vector<16x1xi32> to vector<16xi32>
    %gather3A_357 = tpu.dynamic_gather %add3A_347[%gather3A_356] in [0] : vector<16xi32>, vector<16xi32> -> vector<16xi32>
    %add3A_358 = arith.addi %add3A_347, %gather3A_357 : vector<16xi32>
    %iota3A_359 = tpu.iota {dimensions = array<i32: 0>} : vector<16xi32>
    %add3A_360 = arith.constant 4 : i32
    %add3A_361 = vector.broadcast %add3A_360 : i32 to vector<16xi32>
    %add3A_362 = arith.addi %iota3A_359, %add3A_361 : vector<16xi32>
    %and3A_363 = arith.constant 15 : i32
    %and3A_364 = vector.broadcast %and3A_363 : i32 to vector<16xi32>
    %and3A_365 = arith.andi %add3A_362, %and3A_364 : vector<16xi32>
    %broadcast_in_dim3A_366 = vector.shape_cast %and3A_365 : vector<16xi32> to vector<16x1xi32>
    %gather3A_367 = vector.shape_cast %broadcast_in_dim3A_366 : vector<16x1xi32> to vector<16xi32>
    %gather3A_368 = tpu.dynamic_gather %add3A_358[%gather3A_367] in [0] : vector<16xi32>, vector<16xi32> -> vector<16xi32>
    %add3A_369 = arith.addi %add3A_358, %gather3A_368 : vector<16xi32>
    %iota3A_370 = tpu.iota {dimensions = array<i32: 0>} : vector<16xi32>
    %add3A_371 = arith.constant 8 : i32
    %add3A_372 = vector.broadcast %add3A_371 : i32 to vector<16xi32>
    %add3A_373 = arith.addi %iota3A_370, %add3A_372 : vector<16xi32>
    %and3A_374 = arith.constant 15 : i32
    %and3A_375 = vector.broadcast %and3A_374 : i32 to vector<16xi32>
    %and3A_376 = arith.andi %add3A_373, %and3A_375 : vector<16xi32>
    %broadcast_in_dim3A_377 = vector.shape_cast %and3A_376 : vector<16xi32> to vector<16x1xi32>
    %gather3A_378 = vector.shape_cast %broadcast_in_dim3A_377 : vector<16x1xi32> to vector<16xi32>
    %gather3A_379 = tpu.dynamic_gather %add3A_369[%gather3A_378] in [0] : vector<16xi32>, vector<16xi32> -> vector<16xi32>
    %add3A_380 = arith.addi %add3A_369, %gather3A_379 : vector<16xi32>
    %ge3A_381 = arith.cmpi sge, %add3A_380, %min3A_55 : vector<16xi32>
    %select_n3A_382 = arith.select %ge3A_381, %or3A_330, %select_n3A_327 : vector<16xi1>, vector<16xi32>
    %or3A_383 = arith.constant 16777216 : i32
    %or3A_384 = vector.broadcast %or3A_383 : i32 to vector<16xi32>
    %or3A_385 = arith.ori %select_n3A_382, %or3A_384 : vector<16xi32>
    %scan3A_386 = arith.constant 0 : i32
    %scan3A_387 = arith.constant 250 : i32
    %scan3A_388 = arith.addi %scan3A_386, %scan3A_387 : i32
    %scan3A_389 = arith.constant 1 : i32
    %scan3A_390 = scf.for %scan3A_1837 = %scan3A_386 to %scan3A_388 step %scan3A_389 iter_args(%scan3A_1838 = %broadcast_in_dim3A_3) -> (vector<16xi32>)  : i32 {
      %mul3A_1839 = arith.constant 80 : i32
      %mul3A_1840 = arith.muli %scan3A_1837, %mul3A_1839 : i32
      %add3A_1841 = arith.constant 0 : i32
      %add3A_1842 = arith.addi %mul3A_1840, %add3A_1841 : i32
      %get3A = arith.index_cast %add3A_1842 : i32 to index
      %get3A_1843 = tpu.vector_load %arg8[%get3A] {strides = array<i32>} : memref<20000xi32, #tpu.memory_space<vmem>>, vector<16xi32>,
      %get3A_1844 = vector.shape_cast %get3A_1843 : vector<16xi32> to vector<16xi32>
      %ge3A_1845 = arith.cmpi sge, %get3A_1844, %or3A_385 : vector<16xi32>
      %select_n3A_1846 = arith.select %ge3A_1845, %broadcast_in_dim3A_1, %broadcast_in_dim3A_3 : vector<16xi1>, vector<16xi32>
      %add3A_1847 = arith.addi %scan3A_1838, %select_n3A_1846 : vector<16xi32>
      %mul3A_1848 = arith.constant 80 : i32
      %mul3A_1849 = arith.muli %scan3A_1837, %mul3A_1848 : i32
      %add3A_1850 = arith.constant 16 : i32
      %add3A_1851 = arith.addi %mul3A_1849, %add3A_1850 : i32
      %get3A_1852 = arith.index_cast %add3A_1851 : i32 to index
      %get3A_1853 = tpu.vector_load %arg8[%get3A_1852] {strides = array<i32>} : memref<20000xi32, #tpu.memory_space<vmem>>, vector<16xi32>,
      %get3A_1854 = vector.shape_cast %get3A_1853 : vector<16xi32> to vector<16xi32>
      %ge3A_1855 = arith.cmpi sge, %get3A_1854, %or3A_385 : vector<16xi32>
      %select_n3A_1856 = arith.select %ge3A_1855, %broadcast_in_dim3A_1, %broadcast_in_dim3A_3 : vector<16xi1>, vector<16xi32>
      %add3A_1857 = arith.addi %add3A_1847, %select_n3A_1856 : vector<16xi32>
      %mul3A_1858 = arith.constant 80 : i32
      %mul3A_1859 = arith.muli %scan3A_1837, %mul3A_1858 : i32
      %add3A_1860 = arith.constant 32 : i32
      %add3A_1861 = arith.addi %mul3A_1859, %add3A_1860 : i32
      %get3A_1862 = arith.index_cast %add3A_1861 : i32 to index
      %get3A_1863 = tpu.vector_load %arg8[%get3A_1862] {strides = array<i32>} : memref<20000xi32, #tpu.memory_space<vmem>>, vector<16xi32>,
      %get3A_1864 = vector.shape_cast %get3A_1863 : vector<16xi32> to vector<16xi32>
      %ge3A_1865 = arith.cmpi sge, %get3A_1864, %or3A_385 : vector<16xi32>
      %select_n3A_1866 = arith.select %ge3A_1865, %broadcast_in_dim3A_1, %broadcast_in_dim3A_3 : vector<16xi1>, vector<16xi32>
      %add3A_1867 = arith.addi %add3A_1857, %select_n3A_1866 : vector<16xi32>
      %mul3A_1868 = arith.constant 80 : i32
      %mul3A_1869 = arith.muli %scan3A_1837, %mul3A_1868 : i32
      %add3A_1870 = arith.constant 48 : i32
      %add3A_1871 = arith.addi %mul3A_1869, %add3A_1870 : i32
      %get3A_1872 = arith.index_cast %add3A_1871 : i32 to index
      %get3A_1873 = tpu.vector_load %arg8[%get3A_1872] {strides = array<i32>} : memref<20000xi32, #tpu.memory_space<vmem>>, vector<16xi32>,
      %get3A_1874 = vector.shape_cast %get3A_1873 : vector<16xi32> to vector<16xi32>
      %ge3A_1875 = arith.cmpi sge, %get3A_1874, %or3A_385 : vector<16xi32>
      %select_n3A_1876 = arith.select %ge3A_1875, %broadcast_in_dim3A_1, %broadcast_in_dim3A_3 : vector<16xi1>, vector<16xi32>
      %add3A_1877 = arith.addi %add3A_1867, %select_n3A_1876 : vector<16xi32>
      %mul3A_1878 = arith.constant 80 : i32
      %mul3A_1879 = arith.muli %scan3A_1837, %mul3A_1878 : i32
      %add3A_1880 = arith.constant 64 : i32
      %add3A_1881 = arith.addi %mul3A_1879, %add3A_1880 : i32
      %get3A_1882 = arith.index_cast %add3A_1881 : i32 to index
      %get3A_1883 = tpu.vector_load %arg8[%get3A_1882] {strides = array<i32>} : memref<20000xi32, #tpu.memory_space<vmem>>, vector<16xi32>,
      %get3A_1884 = vector.shape_cast %get3A_1883 : vector<16xi32> to vector<16xi32>
      %ge3A_1885 = arith.cmpi sge, %get3A_1884, %or3A_385 : vector<16xi32>
      %select_n3A_1886 = arith.select %ge3A_1885, %broadcast_in_dim3A_1, %broadcast_in_dim3A_3 : vector<16xi1>, vector<16xi32>
      %add3A_1887 = arith.addi %add3A_1877, %select_n3A_1886 : vector<16xi32>
      scf.yield %add3A_1887 : vector<16xi32>
    }
    %scan3A_391 = arith.constant 250 : i32
    %iota3A_392 = tpu.iota {dimensions = array<i32: 0>} : vector<16xi32>
    %add3A_393 = arith.constant 1 : i32
    %add3A_394 = vector.broadcast %add3A_393 : i32 to vector<16xi32>
    %add3A_395 = arith.addi %iota3A_392, %add3A_394 : vector<16xi32>
    %and3A_396 = arith.constant 15 : i32
    %and3A_397 = vector.broadcast %and3A_396 : i32 to vector<16xi32>
    %and3A_398 = arith.andi %add3A_395, %and3A_397 : vector<16xi32>
    %broadcast_in_dim3A_399 = vector.shape_cast %and3A_398 : vector<16xi32> to vector<16x1xi32>
    %gather3A_400 = vector.shape_cast %broadcast_in_dim3A_399 : vector<16x1xi32> to vector<16xi32>
    %gather3A_401 = tpu.dynamic_gather %scan3A_390[%gather3A_400] in [0] : vector<16xi32>, vector<16xi32> -> vector<16xi32>
    %add3A_402 = arith.addi %scan3A_390, %gather3A_401 : vector<16xi32>
    %iota3A_403 = tpu.iota {dimensions = array<i32: 0>} : vector<16xi32>
    %add3A_404 = arith.constant 2 : i32
    %add3A_405 = vector.broadcast %add3A_404 : i32 to vector<16xi32>
    %add3A_406 = arith.addi %iota3A_403, %add3A_405 : vector<16xi32>
    %and3A_407 = arith.constant 15 : i32
    %and3A_408 = vector.broadcast %and3A_407 : i32 to vector<16xi32>
    %and3A_409 = arith.andi %add3A_406, %and3A_408 : vector<16xi32>
    %broadcast_in_dim3A_410 = vector.shape_cast %and3A_409 : vector<16xi32> to vector<16x1xi32>
    %gather3A_411 = vector.shape_cast %broadcast_in_dim3A_410 : vector<16x1xi32> to vector<16xi32>
    %gather3A_412 = tpu.dynamic_gather %add3A_402[%gather3A_411] in [0] : vector<16xi32>, vector<16xi32> -> vector<16xi32>
    %add3A_413 = arith.addi %add3A_402, %gather3A_412 : vector<16xi32>
    %iota3A_414 = tpu.iota {dimensions = array<i32: 0>} : vector<16xi32>
    %add3A_415 = arith.constant 4 : i32
    %add3A_416 = vector.broadcast %add3A_415 : i32 to vector<16xi32>
    %add3A_417 = arith.addi %iota3A_414, %add3A_416 : vector<16xi32>
    %and3A_418 = arith.constant 15 : i32
    %and3A_419 = vector.broadcast %and3A_418 : i32 to vector<16xi32>
    %and3A_420 = arith.andi %add3A_417, %and3A_419 : vector<16xi32>
    %broadcast_in_dim3A_421 = vector.shape_cast %and3A_420 : vector<16xi32> to vector<16x1xi32>
    %gather3A_422 = vector.shape_cast %broadcast_in_dim3A_421 : vector<16x1xi32> to vector<16xi32>
    %gather3A_423 = tpu.dynamic_gather %add3A_413[%gather3A_422] in [0] : vector<16xi32>, vector<16xi32> -> vector<16xi32>
    %add3A_424 = arith.addi %add3A_413, %gather3A_423 : vector<16xi32>
    %iota3A_425 = tpu.iota {dimensions = array<i32: 0>} : vector<16xi32>
    %add3A_426 = arith.constant 8 : i32
    %add3A_427 = vector.broadcast %add3A_426 : i32 to vector<16xi32>
    %add3A_428 = arith.addi %iota3A_425, %add3A_427 : vector<16xi32>
    %and3A_429 = arith.constant 15 : i32
    %and3A_430 = vector.broadcast %and3A_429 : i32 to vector<16xi32>
    %and3A_431 = arith.andi %add3A_428, %and3A_430 : vector<16xi32>
    %broadcast_in_dim3A_432 = vector.shape_cast %and3A_431 : vector<16xi32> to vector<16x1xi32>
    %gather3A_433 = vector.shape_cast %broadcast_in_dim3A_432 : vector<16x1xi32> to vector<16xi32>
    %gather3A_434 = tpu.dynamic_gather %add3A_424[%gather3A_433] in [0] : vector<16xi32>, vector<16xi32> -> vector<16xi32>
    %add3A_435 = arith.addi %add3A_424, %gather3A_434 : vector<16xi32>
    %ge3A_436 = arith.cmpi sge, %add3A_435, %min3A_55 : vector<16xi32>
    %select_n3A_437 = arith.select %ge3A_436, %or3A_385, %select_n3A_382 : vector<16xi1>, vector<16xi32>
    %or3A_438 = arith.constant 8388608 : i32
    %or3A_439 = vector.broadcast %or3A_438 : i32 to vector<16xi32>
    %or3A_440 = arith.ori %select_n3A_437, %or3A_439 : vector<16xi32>
    %scan3A_441 = arith.constant 0 : i32
    %scan3A_442 = arith.constant 250 : i32
    %scan3A_443 = arith.addi %scan3A_441, %scan3A_442 : i32
    %scan3A_444 = arith.constant 1 : i32
    %scan3A_445 = scf.for %scan3A_1837 = %scan3A_441 to %scan3A_443 step %scan3A_444 iter_args(%scan3A_1838 = %broadcast_in_dim3A_3) -> (vector<16xi32>)  : i32 {
      %mul3A_1839 = arith.constant 80 : i32
      %mul3A_1840 = arith.muli %scan3A_1837, %mul3A_1839 : i32
      %add3A_1841 = arith.constant 0 : i32
      %add3A_1842 = arith.addi %mul3A_1840, %add3A_1841 : i32
      %get3A = arith.index_cast %add3A_1842 : i32 to index
      %get3A_1843 = tpu.vector_load %arg8[%get3A] {strides = array<i32>} : memref<20000xi32, #tpu.memory_space<vmem>>, vector<16xi32>,
      %get3A_1844 = vector.shape_cast %get3A_1843 : vector<16xi32> to vector<16xi32>
      %ge3A_1845 = arith.cmpi sge, %get3A_1844, %or3A_440 : vector<16xi32>
      %select_n3A_1846 = arith.select %ge3A_1845, %broadcast_in_dim3A_1, %broadcast_in_dim3A_3 : vector<16xi1>, vector<16xi32>
      %add3A_1847 = arith.addi %scan3A_1838, %select_n3A_1846 : vector<16xi32>
      %mul3A_1848 = arith.constant 80 : i32
      %mul3A_1849 = arith.muli %scan3A_1837, %mul3A_1848 : i32
      %add3A_1850 = arith.constant 16 : i32
      %add3A_1851 = arith.addi %mul3A_1849, %add3A_1850 : i32
      %get3A_1852 = arith.index_cast %add3A_1851 : i32 to index
      %get3A_1853 = tpu.vector_load %arg8[%get3A_1852] {strides = array<i32>} : memref<20000xi32, #tpu.memory_space<vmem>>, vector<16xi32>,
      %get3A_1854 = vector.shape_cast %get3A_1853 : vector<16xi32> to vector<16xi32>
      %ge3A_1855 = arith.cmpi sge, %get3A_1854, %or3A_440 : vector<16xi32>
      %select_n3A_1856 = arith.select %ge3A_1855, %broadcast_in_dim3A_1, %broadcast_in_dim3A_3 : vector<16xi1>, vector<16xi32>
      %add3A_1857 = arith.addi %add3A_1847, %select_n3A_1856 : vector<16xi32>
      %mul3A_1858 = arith.constant 80 : i32
      %mul3A_1859 = arith.muli %scan3A_1837, %mul3A_1858 : i32
      %add3A_1860 = arith.constant 32 : i32
      %add3A_1861 = arith.addi %mul3A_1859, %add3A_1860 : i32
      %get3A_1862 = arith.index_cast %add3A_1861 : i32 to index
      %get3A_1863 = tpu.vector_load %arg8[%get3A_1862] {strides = array<i32>} : memref<20000xi32, #tpu.memory_space<vmem>>, vector<16xi32>,
      %get3A_1864 = vector.shape_cast %get3A_1863 : vector<16xi32> to vector<16xi32>
      %ge3A_1865 = arith.cmpi sge, %get3A_1864, %or3A_440 : vector<16xi32>
      %select_n3A_1866 = arith.select %ge3A_1865, %broadcast_in_dim3A_1, %broadcast_in_dim3A_3 : vector<16xi1>, vector<16xi32>
      %add3A_1867 = arith.addi %add3A_1857, %select_n3A_1866 : vector<16xi32>
      %mul3A_1868 = arith.constant 80 : i32
      %mul3A_1869 = arith.muli %scan3A_1837, %mul3A_1868 : i32
      %add3A_1870 = arith.constant 48 : i32
      %add3A_1871 = arith.addi %mul3A_1869, %add3A_1870 : i32
      %get3A_1872 = arith.index_cast %add3A_1871 : i32 to index
      %get3A_1873 = tpu.vector_load %arg8[%get3A_1872] {strides = array<i32>} : memref<20000xi32, #tpu.memory_space<vmem>>, vector<16xi32>,
      %get3A_1874 = vector.shape_cast %get3A_1873 : vector<16xi32> to vector<16xi32>
      %ge3A_1875 = arith.cmpi sge, %get3A_1874, %or3A_440 : vector<16xi32>
      %select_n3A_1876 = arith.select %ge3A_1875, %broadcast_in_dim3A_1, %broadcast_in_dim3A_3 : vector<16xi1>, vector<16xi32>
      %add3A_1877 = arith.addi %add3A_1867, %select_n3A_1876 : vector<16xi32>
      %mul3A_1878 = arith.constant 80 : i32
      %mul3A_1879 = arith.muli %scan3A_1837, %mul3A_1878 : i32
      %add3A_1880 = arith.constant 64 : i32
      %add3A_1881 = arith.addi %mul3A_1879, %add3A_1880 : i32
      %get3A_1882 = arith.index_cast %add3A_1881 : i32 to index
      %get3A_1883 = tpu.vector_load %arg8[%get3A_1882] {strides = array<i32>} : memref<20000xi32, #tpu.memory_space<vmem>>, vector<16xi32>,
      %get3A_1884 = vector.shape_cast %get3A_1883 : vector<16xi32> to vector<16xi32>
      %ge3A_1885 = arith.cmpi sge, %get3A_1884, %or3A_440 : vector<16xi32>
      %select_n3A_1886 = arith.select %ge3A_1885, %broadcast_in_dim3A_1, %broadcast_in_dim3A_3 : vector<16xi1>, vector<16xi32>
      %add3A_1887 = arith.addi %add3A_1877, %select_n3A_1886 : vector<16xi32>
      scf.yield %add3A_1887 : vector<16xi32>
    }
    %scan3A_446 = arith.constant 250 : i32
    %iota3A_447 = tpu.iota {dimensions = array<i32: 0>} : vector<16xi32>
    %add3A_448 = arith.constant 1 : i32
    %add3A_449 = vector.broadcast %add3A_448 : i32 to vector<16xi32>
    %add3A_450 = arith.addi %iota3A_447, %add3A_449 : vector<16xi32>
    %and3A_451 = arith.constant 15 : i32
    %and3A_452 = vector.broadcast %and3A_451 : i32 to vector<16xi32>
    %and3A_453 = arith.andi %add3A_450, %and3A_452 : vector<16xi32>
    %broadcast_in_dim3A_454 = vector.shape_cast %and3A_453 : vector<16xi32> to vector<16x1xi32>
    %gather3A_455 = vector.shape_cast %broadcast_in_dim3A_454 : vector<16x1xi32> to vector<16xi32>
    %gather3A_456 = tpu.dynamic_gather %scan3A_445[%gather3A_455] in [0] : vector<16xi32>, vector<16xi32> -> vector<16xi32>
    %add3A_457 = arith.addi %scan3A_445, %gather3A_456 : vector<16xi32>
    %iota3A_458 = tpu.iota {dimensions = array<i32: 0>} : vector<16xi32>
    %add3A_459 = arith.constant 2 : i32
    %add3A_460 = vector.broadcast %add3A_459 : i32 to vector<16xi32>
    %add3A_461 = arith.addi %iota3A_458, %add3A_460 : vector<16xi32>
    %and3A_462 = arith.constant 15 : i32
    %and3A_463 = vector.broadcast %and3A_462 : i32 to vector<16xi32>
    %and3A_464 = arith.andi %add3A_461, %and3A_463 : vector<16xi32>
    %broadcast_in_dim3A_465 = vector.shape_cast %and3A_464 : vector<16xi32> to vector<16x1xi32>
    %gather3A_466 = vector.shape_cast %broadcast_in_dim3A_465 : vector<16x1xi32> to vector<16xi32>
    %gather3A_467 = tpu.dynamic_gather %add3A_457[%gather3A_466] in [0] : vector<16xi32>, vector<16xi32> -> vector<16xi32>
    %add3A_468 = arith.addi %add3A_457, %gather3A_467 : vector<16xi32>
    %iota3A_469 = tpu.iota {dimensions = array<i32: 0>} : vector<16xi32>
    %add3A_470 = arith.constant 4 : i32
    %add3A_471 = vector.broadcast %add3A_470 : i32 to vector<16xi32>
    %add3A_472 = arith.addi %iota3A_469, %add3A_471 : vector<16xi32>
    %and3A_473 = arith.constant 15 : i32
    %and3A_474 = vector.broadcast %and3A_473 : i32 to vector<16xi32>
    %and3A_475 = arith.andi %add3A_472, %and3A_474 : vector<16xi32>
    %broadcast_in_dim3A_476 = vector.shape_cast %and3A_475 : vector<16xi32> to vector<16x1xi32>
    %gather3A_477 = vector.shape_cast %broadcast_in_dim3A_476 : vector<16x1xi32> to vector<16xi32>
    %gather3A_478 = tpu.dynamic_gather %add3A_468[%gather3A_477] in [0] : vector<16xi32>, vector<16xi32> -> vector<16xi32>
    %add3A_479 = arith.addi %add3A_468, %gather3A_478 : vector<16xi32>
    %iota3A_480 = tpu.iota {dimensions = array<i32: 0>} : vector<16xi32>
    %add3A_481 = arith.constant 8 : i32
    %add3A_482 = vector.broadcast %add3A_481 : i32 to vector<16xi32>
    %add3A_483 = arith.addi %iota3A_480, %add3A_482 : vector<16xi32>
    %and3A_484 = arith.constant 15 : i32
    %and3A_485 = vector.broadcast %and3A_484 : i32 to vector<16xi32>
    %and3A_486 = arith.andi %add3A_483, %and3A_485 : vector<16xi32>
    %broadcast_in_dim3A_487 = vector.shape_cast %and3A_486 : vector<16xi32> to vector<16x1xi32>
    %gather3A_488 = vector.shape_cast %broadcast_in_dim3A_487 : vector<16x1xi32> to vector<16xi32>
    %gather3A_489 = tpu.dynamic_gather %add3A_479[%gather3A_488] in [0] : vector<16xi32>, vector<16xi32> -> vector<16xi32>
    %add3A_490 = arith.addi %add3A_479, %gather3A_489 : vector<16xi32>
    %ge3A_491 = arith.cmpi sge, %add3A_490, %min3A_55 : vector<16xi32>
    %select_n3A_492 = arith.select %ge3A_491, %or3A_440, %select_n3A_437 : vector<16xi1>, vector<16xi32>
    %or3A_493 = arith.constant 4194304 : i32
    %or3A_494 = vector.broadcast %or3A_493 : i32 to vector<16xi32>
    %or3A_495 = arith.ori %select_n3A_492, %or3A_494 : vector<16xi32>
    %scan3A_496 = arith.constant 0 : i32
    %scan3A_497 = arith.constant 250 : i32
    %scan3A_498 = arith.addi %scan3A_496, %scan3A_497 : i32
    %scan3A_499 = arith.constant 1 : i32
    %scan3A_500 = scf.for %scan3A_1837 = %scan3A_496 to %scan3A_498 step %scan3A_499 iter_args(%scan3A_1838 = %broadcast_in_dim3A_3) -> (vector<16xi32>)  : i32 {
      %mul3A_1839 = arith.constant 80 : i32
      %mul3A_1840 = arith.muli %scan3A_1837, %mul3A_1839 : i32
      %add3A_1841 = arith.constant 0 : i32
      %add3A_1842 = arith.addi %mul3A_1840, %add3A_1841 : i32
      %get3A = arith.index_cast %add3A_1842 : i32 to index
      %get3A_1843 = tpu.vector_load %arg8[%get3A] {strides = array<i32>} : memref<20000xi32, #tpu.memory_space<vmem>>, vector<16xi32>,
      %get3A_1844 = vector.shape_cast %get3A_1843 : vector<16xi32> to vector<16xi32>
      %ge3A_1845 = arith.cmpi sge, %get3A_1844, %or3A_495 : vector<16xi32>
      %select_n3A_1846 = arith.select %ge3A_1845, %broadcast_in_dim3A_1, %broadcast_in_dim3A_3 : vector<16xi1>, vector<16xi32>
      %add3A_1847 = arith.addi %scan3A_1838, %select_n3A_1846 : vector<16xi32>
      %mul3A_1848 = arith.constant 80 : i32
      %mul3A_1849 = arith.muli %scan3A_1837, %mul3A_1848 : i32
      %add3A_1850 = arith.constant 16 : i32
      %add3A_1851 = arith.addi %mul3A_1849, %add3A_1850 : i32
      %get3A_1852 = arith.index_cast %add3A_1851 : i32 to index
      %get3A_1853 = tpu.vector_load %arg8[%get3A_1852] {strides = array<i32>} : memref<20000xi32, #tpu.memory_space<vmem>>, vector<16xi32>,
      %get3A_1854 = vector.shape_cast %get3A_1853 : vector<16xi32> to vector<16xi32>
      %ge3A_1855 = arith.cmpi sge, %get3A_1854, %or3A_495 : vector<16xi32>
      %select_n3A_1856 = arith.select %ge3A_1855, %broadcast_in_dim3A_1, %broadcast_in_dim3A_3 : vector<16xi1>, vector<16xi32>
      %add3A_1857 = arith.addi %add3A_1847, %select_n3A_1856 : vector<16xi32>
      %mul3A_1858 = arith.constant 80 : i32
      %mul3A_1859 = arith.muli %scan3A_1837, %mul3A_1858 : i32
      %add3A_1860 = arith.constant 32 : i32
      %add3A_1861 = arith.addi %mul3A_1859, %add3A_1860 : i32
      %get3A_1862 = arith.index_cast %add3A_1861 : i32 to index
      %get3A_1863 = tpu.vector_load %arg8[%get3A_1862] {strides = array<i32>} : memref<20000xi32, #tpu.memory_space<vmem>>, vector<16xi32>,
      %get3A_1864 = vector.shape_cast %get3A_1863 : vector<16xi32> to vector<16xi32>
      %ge3A_1865 = arith.cmpi sge, %get3A_1864, %or3A_495 : vector<16xi32>
      %select_n3A_1866 = arith.select %ge3A_1865, %broadcast_in_dim3A_1, %broadcast_in_dim3A_3 : vector<16xi1>, vector<16xi32>
      %add3A_1867 = arith.addi %add3A_1857, %select_n3A_1866 : vector<16xi32>
      %mul3A_1868 = arith.constant 80 : i32
      %mul3A_1869 = arith.muli %scan3A_1837, %mul3A_1868 : i32
      %add3A_1870 = arith.constant 48 : i32
      %add3A_1871 = arith.addi %mul3A_1869, %add3A_1870 : i32
      %get3A_1872 = arith.index_cast %add3A_1871 : i32 to index
      %get3A_1873 = tpu.vector_load %arg8[%get3A_1872] {strides = array<i32>} : memref<20000xi32, #tpu.memory_space<vmem>>, vector<16xi32>,
      %get3A_1874 = vector.shape_cast %get3A_1873 : vector<16xi32> to vector<16xi32>
      %ge3A_1875 = arith.cmpi sge, %get3A_1874, %or3A_495 : vector<16xi32>
      %select_n3A_1876 = arith.select %ge3A_1875, %broadcast_in_dim3A_1, %broadcast_in_dim3A_3 : vector<16xi1>, vector<16xi32>
      %add3A_1877 = arith.addi %add3A_1867, %select_n3A_1876 : vector<16xi32>
      %mul3A_1878 = arith.constant 80 : i32
      %mul3A_1879 = arith.muli %scan3A_1837, %mul3A_1878 : i32
      %add3A_1880 = arith.constant 64 : i32
      %add3A_1881 = arith.addi %mul3A_1879, %add3A_1880 : i32
      %get3A_1882 = arith.index_cast %add3A_1881 : i32 to index
      %get3A_1883 = tpu.vector_load %arg8[%get3A_1882] {strides = array<i32>} : memref<20000xi32, #tpu.memory_space<vmem>>, vector<16xi32>,
      %get3A_1884 = vector.shape_cast %get3A_1883 : vector<16xi32> to vector<16xi32>
      %ge3A_1885 = arith.cmpi sge, %get3A_1884, %or3A_495 : vector<16xi32>
      %select_n3A_1886 = arith.select %ge3A_1885, %broadcast_in_dim3A_1, %broadcast_in_dim3A_3 : vector<16xi1>, vector<16xi32>
      %add3A_1887 = arith.addi %add3A_1877, %select_n3A_1886 : vector<16xi32>
      scf.yield %add3A_1887 : vector<16xi32>
    }
    %scan3A_501 = arith.constant 250 : i32
    %iota3A_502 = tpu.iota {dimensions = array<i32: 0>} : vector<16xi32>
    %add3A_503 = arith.constant 1 : i32
    %add3A_504 = vector.broadcast %add3A_503 : i32 to vector<16xi32>
    %add3A_505 = arith.addi %iota3A_502, %add3A_504 : vector<16xi32>
    %and3A_506 = arith.constant 15 : i32
    %and3A_507 = vector.broadcast %and3A_506 : i32 to vector<16xi32>
    %and3A_508 = arith.andi %add3A_505, %and3A_507 : vector<16xi32>
    %broadcast_in_dim3A_509 = vector.shape_cast %and3A_508 : vector<16xi32> to vector<16x1xi32>
    %gather3A_510 = vector.shape_cast %broadcast_in_dim3A_509 : vector<16x1xi32> to vector<16xi32>
    %gather3A_511 = tpu.dynamic_gather %scan3A_500[%gather3A_510] in [0] : vector<16xi32>, vector<16xi32> -> vector<16xi32>
    %add3A_512 = arith.addi %scan3A_500, %gather3A_511 : vector<16xi32>
    %iota3A_513 = tpu.iota {dimensions = array<i32: 0>} : vector<16xi32>
    %add3A_514 = arith.constant 2 : i32
    %add3A_515 = vector.broadcast %add3A_514 : i32 to vector<16xi32>
    %add3A_516 = arith.addi %iota3A_513, %add3A_515 : vector<16xi32>
    %and3A_517 = arith.constant 15 : i32
    %and3A_518 = vector.broadcast %and3A_517 : i32 to vector<16xi32>
    %and3A_519 = arith.andi %add3A_516, %and3A_518 : vector<16xi32>
    %broadcast_in_dim3A_520 = vector.shape_cast %and3A_519 : vector<16xi32> to vector<16x1xi32>
    %gather3A_521 = vector.shape_cast %broadcast_in_dim3A_520 : vector<16x1xi32> to vector<16xi32>
    %gather3A_522 = tpu.dynamic_gather %add3A_512[%gather3A_521] in [0] : vector<16xi32>, vector<16xi32> -> vector<16xi32>
    %add3A_523 = arith.addi %add3A_512, %gather3A_522 : vector<16xi32>
    %iota3A_524 = tpu.iota {dimensions = array<i32: 0>} : vector<16xi32>
    %add3A_525 = arith.constant 4 : i32
    %add3A_526 = vector.broadcast %add3A_525 : i32 to vector<16xi32>
    %add3A_527 = arith.addi %iota3A_524, %add3A_526 : vector<16xi32>
    %and3A_528 = arith.constant 15 : i32
    %and3A_529 = vector.broadcast %and3A_528 : i32 to vector<16xi32>
    %and3A_530 = arith.andi %add3A_527, %and3A_529 : vector<16xi32>
    %broadcast_in_dim3A_531 = vector.shape_cast %and3A_530 : vector<16xi32> to vector<16x1xi32>
    %gather3A_532 = vector.shape_cast %broadcast_in_dim3A_531 : vector<16x1xi32> to vector<16xi32>
    %gather3A_533 = tpu.dynamic_gather %add3A_523[%gather3A_532] in [0] : vector<16xi32>, vector<16xi32> -> vector<16xi32>
    %add3A_534 = arith.addi %add3A_523, %gather3A_533 : vector<16xi32>
    %iota3A_535 = tpu.iota {dimensions = array<i32: 0>} : vector<16xi32>
    %add3A_536 = arith.constant 8 : i32
    %add3A_537 = vector.broadcast %add3A_536 : i32 to vector<16xi32>
    %add3A_538 = arith.addi %iota3A_535, %add3A_537 : vector<16xi32>
    %and3A_539 = arith.constant 15 : i32
    %and3A_540 = vector.broadcast %and3A_539 : i32 to vector<16xi32>
    %and3A_541 = arith.andi %add3A_538, %and3A_540 : vector<16xi32>
    %broadcast_in_dim3A_542 = vector.shape_cast %and3A_541 : vector<16xi32> to vector<16x1xi32>
    %gather3A_543 = vector.shape_cast %broadcast_in_dim3A_542 : vector<16x1xi32> to vector<16xi32>
    %gather3A_544 = tpu.dynamic_gather %add3A_534[%gather3A_543] in [0] : vector<16xi32>, vector<16xi32> -> vector<16xi32>
    %add3A_545 = arith.addi %add3A_534, %gather3A_544 : vector<16xi32>
    %ge3A_546 = arith.cmpi sge, %add3A_545, %min3A_55 : vector<16xi32>
    %select_n3A_547 = arith.select %ge3A_546, %or3A_495, %select_n3A_492 : vector<16xi1>, vector<16xi32>
    %or3A_548 = arith.constant 2097152 : i32
    %or3A_549 = vector.broadcast %or3A_548 : i32 to vector<16xi32>
    %or3A_550 = arith.ori %select_n3A_547, %or3A_549 : vector<16xi32>
    %scan3A_551 = arith.constant 0 : i32
    %scan3A_552 = arith.constant 250 : i32
    %scan3A_553 = arith.addi %scan3A_551, %scan3A_552 : i32
    %scan3A_554 = arith.constant 1 : i32
    %scan3A_555 = scf.for %scan3A_1837 = %scan3A_551 to %scan3A_553 step %scan3A_554 iter_args(%scan3A_1838 = %broadcast_in_dim3A_3) -> (vector<16xi32>)  : i32 {
      %mul3A_1839 = arith.constant 80 : i32
      %mul3A_1840 = arith.muli %scan3A_1837, %mul3A_1839 : i32
      %add3A_1841 = arith.constant 0 : i32
      %add3A_1842 = arith.addi %mul3A_1840, %add3A_1841 : i32
      %get3A = arith.index_cast %add3A_1842 : i32 to index
      %get3A_1843 = tpu.vector_load %arg8[%get3A] {strides = array<i32>} : memref<20000xi32, #tpu.memory_space<vmem>>, vector<16xi32>,
      %get3A_1844 = vector.shape_cast %get3A_1843 : vector<16xi32> to vector<16xi32>
      %ge3A_1845 = arith.cmpi sge, %get3A_1844, %or3A_550 : vector<16xi32>
      %select_n3A_1846 = arith.select %ge3A_1845, %broadcast_in_dim3A_1, %broadcast_in_dim3A_3 : vector<16xi1>, vector<16xi32>
      %add3A_1847 = arith.addi %scan3A_1838, %select_n3A_1846 : vector<16xi32>
      %mul3A_1848 = arith.constant 80 : i32
      %mul3A_1849 = arith.muli %scan3A_1837, %mul3A_1848 : i32
      %add3A_1850 = arith.constant 16 : i32
      %add3A_1851 = arith.addi %mul3A_1849, %add3A_1850 : i32
      %get3A_1852 = arith.index_cast %add3A_1851 : i32 to index
      %get3A_1853 = tpu.vector_load %arg8[%get3A_1852] {strides = array<i32>} : memref<20000xi32, #tpu.memory_space<vmem>>, vector<16xi32>,
      %get3A_1854 = vector.shape_cast %get3A_1853 : vector<16xi32> to vector<16xi32>
      %ge3A_1855 = arith.cmpi sge, %get3A_1854, %or3A_550 : vector<16xi32>
      %select_n3A_1856 = arith.select %ge3A_1855, %broadcast_in_dim3A_1, %broadcast_in_dim3A_3 : vector<16xi1>, vector<16xi32>
      %add3A_1857 = arith.addi %add3A_1847, %select_n3A_1856 : vector<16xi32>
      %mul3A_1858 = arith.constant 80 : i32
      %mul3A_1859 = arith.muli %scan3A_1837, %mul3A_1858 : i32
      %add3A_1860 = arith.constant 32 : i32
      %add3A_1861 = arith.addi %mul3A_1859, %add3A_1860 : i32
      %get3A_1862 = arith.index_cast %add3A_1861 : i32 to index
      %get3A_1863 = tpu.vector_load %arg8[%get3A_1862] {strides = array<i32>} : memref<20000xi32, #tpu.memory_space<vmem>>, vector<16xi32>,
      %get3A_1864 = vector.shape_cast %get3A_1863 : vector<16xi32> to vector<16xi32>
      %ge3A_1865 = arith.cmpi sge, %get3A_1864, %or3A_550 : vector<16xi32>
      %select_n3A_1866 = arith.select %ge3A_1865, %broadcast_in_dim3A_1, %broadcast_in_dim3A_3 : vector<16xi1>, vector<16xi32>
      %add3A_1867 = arith.addi %add3A_1857, %select_n3A_1866 : vector<16xi32>
      %mul3A_1868 = arith.constant 80 : i32
      %mul3A_1869 = arith.muli %scan3A_1837, %mul3A_1868 : i32
      %add3A_1870 = arith.constant 48 : i32
      %add3A_1871 = arith.addi %mul3A_1869, %add3A_1870 : i32
      %get3A_1872 = arith.index_cast %add3A_1871 : i32 to index
      %get3A_1873 = tpu.vector_load %arg8[%get3A_1872] {strides = array<i32>} : memref<20000xi32, #tpu.memory_space<vmem>>, vector<16xi32>,
      %get3A_1874 = vector.shape_cast %get3A_1873 : vector<16xi32> to vector<16xi32>
      %ge3A_1875 = arith.cmpi sge, %get3A_1874, %or3A_550 : vector<16xi32>
      %select_n3A_1876 = arith.select %ge3A_1875, %broadcast_in_dim3A_1, %broadcast_in_dim3A_3 : vector<16xi1>, vector<16xi32>
      %add3A_1877 = arith.addi %add3A_1867, %select_n3A_1876 : vector<16xi32>
      %mul3A_1878 = arith.constant 80 : i32
      %mul3A_1879 = arith.muli %scan3A_1837, %mul3A_1878 : i32
      %add3A_1880 = arith.constant 64 : i32
      %add3A_1881 = arith.addi %mul3A_1879, %add3A_1880 : i32
      %get3A_1882 = arith.index_cast %add3A_1881 : i32 to index
      %get3A_1883 = tpu.vector_load %arg8[%get3A_1882] {strides = array<i32>} : memref<20000xi32, #tpu.memory_space<vmem>>, vector<16xi32>,
      %get3A_1884 = vector.shape_cast %get3A_1883 : vector<16xi32> to vector<16xi32>
      %ge3A_1885 = arith.cmpi sge, %get3A_1884, %or3A_550 : vector<16xi32>
      %select_n3A_1886 = arith.select %ge3A_1885, %broadcast_in_dim3A_1, %broadcast_in_dim3A_3 : vector<16xi1>, vector<16xi32>
      %add3A_1887 = arith.addi %add3A_1877, %select_n3A_1886 : vector<16xi32>
      scf.yield %add3A_1887 : vector<16xi32>
    }
    %scan3A_556 = arith.constant 250 : i32
    %iota3A_557 = tpu.iota {dimensions = array<i32: 0>} : vector<16xi32>
    %add3A_558 = arith.constant 1 : i32
    %add3A_559 = vector.broadcast %add3A_558 : i32 to vector<16xi32>
    %add3A_560 = arith.addi %iota3A_557, %add3A_559 : vector<16xi32>
    %and3A_561 = arith.constant 15 : i32
    %and3A_562 = vector.broadcast %and3A_561 : i32 to vector<16xi32>
    %and3A_563 = arith.andi %add3A_560, %and3A_562 : vector<16xi32>
    %broadcast_in_dim3A_564 = vector.shape_cast %and3A_563 : vector<16xi32> to vector<16x1xi32>
    %gather3A_565 = vector.shape_cast %broadcast_in_dim3A_564 : vector<16x1xi32> to vector<16xi32>
    %gather3A_566 = tpu.dynamic_gather %scan3A_555[%gather3A_565] in [0] : vector<16xi32>, vector<16xi32> -> vector<16xi32>
    %add3A_567 = arith.addi %scan3A_555, %gather3A_566 : vector<16xi32>
    %iota3A_568 = tpu.iota {dimensions = array<i32: 0>} : vector<16xi32>
    %add3A_569 = arith.constant 2 : i32
    %add3A_570 = vector.broadcast %add3A_569 : i32 to vector<16xi32>
    %add3A_571 = arith.addi %iota3A_568, %add3A_570 : vector<16xi32>
    %and3A_572 = arith.constant 15 : i32
    %and3A_573 = vector.broadcast %and3A_572 : i32 to vector<16xi32>
    %and3A_574 = arith.andi %add3A_571, %and3A_573 : vector<16xi32>
    %broadcast_in_dim3A_575 = vector.shape_cast %and3A_574 : vector<16xi32> to vector<16x1xi32>
    %gather3A_576 = vector.shape_cast %broadcast_in_dim3A_575 : vector<16x1xi32> to vector<16xi32>
    %gather3A_577 = tpu.dynamic_gather %add3A_567[%gather3A_576] in [0] : vector<16xi32>, vector<16xi32> -> vector<16xi32>
    %add3A_578 = arith.addi %add3A_567, %gather3A_577 : vector<16xi32>
    %iota3A_579 = tpu.iota {dimensions = array<i32: 0>} : vector<16xi32>
    %add3A_580 = arith.constant 4 : i32
    %add3A_581 = vector.broadcast %add3A_580 : i32 to vector<16xi32>
    %add3A_582 = arith.addi %iota3A_579, %add3A_581 : vector<16xi32>
    %and3A_583 = arith.constant 15 : i32
    %and3A_584 = vector.broadcast %and3A_583 : i32 to vector<16xi32>
    %and3A_585 = arith.andi %add3A_582, %and3A_584 : vector<16xi32>
    %broadcast_in_dim3A_586 = vector.shape_cast %and3A_585 : vector<16xi32> to vector<16x1xi32>
    %gather3A_587 = vector.shape_cast %broadcast_in_dim3A_586 : vector<16x1xi32> to vector<16xi32>
    %gather3A_588 = tpu.dynamic_gather %add3A_578[%gather3A_587] in [0] : vector<16xi32>, vector<16xi32> -> vector<16xi32>
    %add3A_589 = arith.addi %add3A_578, %gather3A_588 : vector<16xi32>
    %iota3A_590 = tpu.iota {dimensions = array<i32: 0>} : vector<16xi32>
    %add3A_591 = arith.constant 8 : i32
    %add3A_592 = vector.broadcast %add3A_591 : i32 to vector<16xi32>
    %add3A_593 = arith.addi %iota3A_590, %add3A_592 : vector<16xi32>
    %and3A_594 = arith.constant 15 : i32
    %and3A_595 = vector.broadcast %and3A_594 : i32 to vector<16xi32>
    %and3A_596 = arith.andi %add3A_593, %and3A_595 : vector<16xi32>
    %broadcast_in_dim3A_597 = vector.shape_cast %and3A_596 : vector<16xi32> to vector<16x1xi32>
    %gather3A_598 = vector.shape_cast %broadcast_in_dim3A_597 : vector<16x1xi32> to vector<16xi32>
    %gather3A_599 = tpu.dynamic_gather %add3A_589[%gather3A_598] in [0] : vector<16xi32>, vector<16xi32> -> vector<16xi32>
    %add3A_600 = arith.addi %add3A_589, %gather3A_599 : vector<16xi32>
    %ge3A_601 = arith.cmpi sge, %add3A_600, %min3A_55 : vector<16xi32>
    %select_n3A_602 = arith.select %ge3A_601, %or3A_550, %select_n3A_547 : vector<16xi1>, vector<16xi32>
    %or3A_603 = arith.constant 1048576 : i32
    %or3A_604 = vector.broadcast %or3A_603 : i32 to vector<16xi32>
    %or3A_605 = arith.ori %select_n3A_602, %or3A_604 : vector<16xi32>
    %scan3A_606 = arith.constant 0 : i32
    %scan3A_607 = arith.constant 250 : i32
    %scan3A_608 = arith.addi %scan3A_606, %scan3A_607 : i32
    %scan3A_609 = arith.constant 1 : i32
    %scan3A_610 = scf.for %scan3A_1837 = %scan3A_606 to %scan3A_608 step %scan3A_609 iter_args(%scan3A_1838 = %broadcast_in_dim3A_3) -> (vector<16xi32>)  : i32 {
      %mul3A_1839 = arith.constant 80 : i32
      %mul3A_1840 = arith.muli %scan3A_1837, %mul3A_1839 : i32
      %add3A_1841 = arith.constant 0 : i32
      %add3A_1842 = arith.addi %mul3A_1840, %add3A_1841 : i32
      %get3A = arith.index_cast %add3A_1842 : i32 to index
      %get3A_1843 = tpu.vector_load %arg8[%get3A] {strides = array<i32>} : memref<20000xi32, #tpu.memory_space<vmem>>, vector<16xi32>,
      %get3A_1844 = vector.shape_cast %get3A_1843 : vector<16xi32> to vector<16xi32>
      %ge3A_1845 = arith.cmpi sge, %get3A_1844, %or3A_605 : vector<16xi32>
      %select_n3A_1846 = arith.select %ge3A_1845, %broadcast_in_dim3A_1, %broadcast_in_dim3A_3 : vector<16xi1>, vector<16xi32>
      %add3A_1847 = arith.addi %scan3A_1838, %select_n3A_1846 : vector<16xi32>
      %mul3A_1848 = arith.constant 80 : i32
      %mul3A_1849 = arith.muli %scan3A_1837, %mul3A_1848 : i32
      %add3A_1850 = arith.constant 16 : i32
      %add3A_1851 = arith.addi %mul3A_1849, %add3A_1850 : i32
      %get3A_1852 = arith.index_cast %add3A_1851 : i32 to index
      %get3A_1853 = tpu.vector_load %arg8[%get3A_1852] {strides = array<i32>} : memref<20000xi32, #tpu.memory_space<vmem>>, vector<16xi32>,
      %get3A_1854 = vector.shape_cast %get3A_1853 : vector<16xi32> to vector<16xi32>
      %ge3A_1855 = arith.cmpi sge, %get3A_1854, %or3A_605 : vector<16xi32>
      %select_n3A_1856 = arith.select %ge3A_1855, %broadcast_in_dim3A_1, %broadcast_in_dim3A_3 : vector<16xi1>, vector<16xi32>
      %add3A_1857 = arith.addi %add3A_1847, %select_n3A_1856 : vector<16xi32>
      %mul3A_1858 = arith.constant 80 : i32
      %mul3A_1859 = arith.muli %scan3A_1837, %mul3A_1858 : i32
      %add3A_1860 = arith.constant 32 : i32
      %add3A_1861 = arith.addi %mul3A_1859, %add3A_1860 : i32
      %get3A_1862 = arith.index_cast %add3A_1861 : i32 to index
      %get3A_1863 = tpu.vector_load %arg8[%get3A_1862] {strides = array<i32>} : memref<20000xi32, #tpu.memory_space<vmem>>, vector<16xi32>,
      %get3A_1864 = vector.shape_cast %get3A_1863 : vector<16xi32> to vector<16xi32>
      %ge3A_1865 = arith.cmpi sge, %get3A_1864, %or3A_605 : vector<16xi32>
      %select_n3A_1866 = arith.select %ge3A_1865, %broadcast_in_dim3A_1, %broadcast_in_dim3A_3 : vector<16xi1>, vector<16xi32>
      %add3A_1867 = arith.addi %add3A_1857, %select_n3A_1866 : vector<16xi32>
      %mul3A_1868 = arith.constant 80 : i32
      %mul3A_1869 = arith.muli %scan3A_1837, %mul3A_1868 : i32
      %add3A_1870 = arith.constant 48 : i32
      %add3A_1871 = arith.addi %mul3A_1869, %add3A_1870 : i32
      %get3A_1872 = arith.index_cast %add3A_1871 : i32 to index
      %get3A_1873 = tpu.vector_load %arg8[%get3A_1872] {strides = array<i32>} : memref<20000xi32, #tpu.memory_space<vmem>>, vector<16xi32>,
      %get3A_1874 = vector.shape_cast %get3A_1873 : vector<16xi32> to vector<16xi32>
      %ge3A_1875 = arith.cmpi sge, %get3A_1874, %or3A_605 : vector<16xi32>
      %select_n3A_1876 = arith.select %ge3A_1875, %broadcast_in_dim3A_1, %broadcast_in_dim3A_3 : vector<16xi1>, vector<16xi32>
      %add3A_1877 = arith.addi %add3A_1867, %select_n3A_1876 : vector<16xi32>
      %mul3A_1878 = arith.constant 80 : i32
      %mul3A_1879 = arith.muli %scan3A_1837, %mul3A_1878 : i32
      %add3A_1880 = arith.constant 64 : i32
      %add3A_1881 = arith.addi %mul3A_1879, %add3A_1880 : i32
      %get3A_1882 = arith.index_cast %add3A_1881 : i32 to index
      %get3A_1883 = tpu.vector_load %arg8[%get3A_1882] {strides = array<i32>} : memref<20000xi32, #tpu.memory_space<vmem>>, vector<16xi32>,
      %get3A_1884 = vector.shape_cast %get3A_1883 : vector<16xi32> to vector<16xi32>
      %ge3A_1885 = arith.cmpi sge, %get3A_1884, %or3A_605 : vector<16xi32>
      %select_n3A_1886 = arith.select %ge3A_1885, %broadcast_in_dim3A_1, %broadcast_in_dim3A_3 : vector<16xi1>, vector<16xi32>
      %add3A_1887 = arith.addi %add3A_1877, %select_n3A_1886 : vector<16xi32>
      scf.yield %add3A_1887 : vector<16xi32>
    }
    %scan3A_611 = arith.constant 250 : i32
    %iota3A_612 = tpu.iota {dimensions = array<i32: 0>} : vector<16xi32>
    %add3A_613 = arith.constant 1 : i32
    %add3A_614 = vector.broadcast %add3A_613 : i32 to vector<16xi32>
    %add3A_615 = arith.addi %iota3A_612, %add3A_614 : vector<16xi32>
    %and3A_616 = arith.constant 15 : i32
    %and3A_617 = vector.broadcast %and3A_616 : i32 to vector<16xi32>
    %and3A_618 = arith.andi %add3A_615, %and3A_617 : vector<16xi32>
    %broadcast_in_dim3A_619 = vector.shape_cast %and3A_618 : vector<16xi32> to vector<16x1xi32>
    %gather3A_620 = vector.shape_cast %broadcast_in_dim3A_619 : vector<16x1xi32> to vector<16xi32>
    %gather3A_621 = tpu.dynamic_gather %scan3A_610[%gather3A_620] in [0] : vector<16xi32>, vector<16xi32> -> vector<16xi32>
    %add3A_622 = arith.addi %scan3A_610, %gather3A_621 : vector<16xi32>
    %iota3A_623 = tpu.iota {dimensions = array<i32: 0>} : vector<16xi32>
    %add3A_624 = arith.constant 2 : i32
    %add3A_625 = vector.broadcast %add3A_624 : i32 to vector<16xi32>
    %add3A_626 = arith.addi %iota3A_623, %add3A_625 : vector<16xi32>
    %and3A_627 = arith.constant 15 : i32
    %and3A_628 = vector.broadcast %and3A_627 : i32 to vector<16xi32>
    %and3A_629 = arith.andi %add3A_626, %and3A_628 : vector<16xi32>
    %broadcast_in_dim3A_630 = vector.shape_cast %and3A_629 : vector<16xi32> to vector<16x1xi32>
    %gather3A_631 = vector.shape_cast %broadcast_in_dim3A_630 : vector<16x1xi32> to vector<16xi32>
    %gather3A_632 = tpu.dynamic_gather %add3A_622[%gather3A_631] in [0] : vector<16xi32>, vector<16xi32> -> vector<16xi32>
    %add3A_633 = arith.addi %add3A_622, %gather3A_632 : vector<16xi32>
    %iota3A_634 = tpu.iota {dimensions = array<i32: 0>} : vector<16xi32>
    %add3A_635 = arith.constant 4 : i32
    %add3A_636 = vector.broadcast %add3A_635 : i32 to vector<16xi32>
    %add3A_637 = arith.addi %iota3A_634, %add3A_636 : vector<16xi32>
    %and3A_638 = arith.constant 15 : i32
    %and3A_639 = vector.broadcast %and3A_638 : i32 to vector<16xi32>
    %and3A_640 = arith.andi %add3A_637, %and3A_639 : vector<16xi32>
    %broadcast_in_dim3A_641 = vector.shape_cast %and3A_640 : vector<16xi32> to vector<16x1xi32>
    %gather3A_642 = vector.shape_cast %broadcast_in_dim3A_641 : vector<16x1xi32> to vector<16xi32>
    %gather3A_643 = tpu.dynamic_gather %add3A_633[%gather3A_642] in [0] : vector<16xi32>, vector<16xi32> -> vector<16xi32>
    %add3A_644 = arith.addi %add3A_633, %gather3A_643 : vector<16xi32>
    %iota3A_645 = tpu.iota {dimensions = array<i32: 0>} : vector<16xi32>
    %add3A_646 = arith.constant 8 : i32
    %add3A_647 = vector.broadcast %add3A_646 : i32 to vector<16xi32>
    %add3A_648 = arith.addi %iota3A_645, %add3A_647 : vector<16xi32>
    %and3A_649 = arith.constant 15 : i32
    %and3A_650 = vector.broadcast %and3A_649 : i32 to vector<16xi32>
    %and3A_651 = arith.andi %add3A_648, %and3A_650 : vector<16xi32>
    %broadcast_in_dim3A_652 = vector.shape_cast %and3A_651 : vector<16xi32> to vector<16x1xi32>
    %gather3A_653 = vector.shape_cast %broadcast_in_dim3A_652 : vector<16x1xi32> to vector<16xi32>
    %gather3A_654 = tpu.dynamic_gather %add3A_644[%gather3A_653] in [0] : vector<16xi32>, vector<16xi32> -> vector<16xi32>
    %add3A_655 = arith.addi %add3A_644, %gather3A_654 : vector<16xi32>
    %ge3A_656 = arith.cmpi sge, %add3A_655, %min3A_55 : vector<16xi32>
    %select_n3A_657 = arith.select %ge3A_656, %or3A_605, %select_n3A_602 : vector<16xi1>, vector<16xi32>
    %or3A_658 = arith.constant 524288 : i32
    %or3A_659 = vector.broadcast %or3A_658 : i32 to vector<16xi32>
    %or3A_660 = arith.ori %select_n3A_657, %or3A_659 : vector<16xi32>
    %scan3A_661 = arith.constant 0 : i32
    %scan3A_662 = arith.constant 250 : i32
    %scan3A_663 = arith.addi %scan3A_661, %scan3A_662 : i32
    %scan3A_664 = arith.constant 1 : i32
    %scan3A_665 = scf.for %scan3A_1837 = %scan3A_661 to %scan3A_663 step %scan3A_664 iter_args(%scan3A_1838 = %broadcast_in_dim3A_3) -> (vector<16xi32>)  : i32 {
      %mul3A_1839 = arith.constant 80 : i32
      %mul3A_1840 = arith.muli %scan3A_1837, %mul3A_1839 : i32
      %add3A_1841 = arith.constant 0 : i32
      %add3A_1842 = arith.addi %mul3A_1840, %add3A_1841 : i32
      %get3A = arith.index_cast %add3A_1842 : i32 to index
      %get3A_1843 = tpu.vector_load %arg8[%get3A] {strides = array<i32>} : memref<20000xi32, #tpu.memory_space<vmem>>, vector<16xi32>,
      %get3A_1844 = vector.shape_cast %get3A_1843 : vector<16xi32> to vector<16xi32>
      %ge3A_1845 = arith.cmpi sge, %get3A_1844, %or3A_660 : vector<16xi32>
      %select_n3A_1846 = arith.select %ge3A_1845, %broadcast_in_dim3A_1, %broadcast_in_dim3A_3 : vector<16xi1>, vector<16xi32>
      %add3A_1847 = arith.addi %scan3A_1838, %select_n3A_1846 : vector<16xi32>
      %mul3A_1848 = arith.constant 80 : i32
      %mul3A_1849 = arith.muli %scan3A_1837, %mul3A_1848 : i32
      %add3A_1850 = arith.constant 16 : i32
      %add3A_1851 = arith.addi %mul3A_1849, %add3A_1850 : i32
      %get3A_1852 = arith.index_cast %add3A_1851 : i32 to index
      %get3A_1853 = tpu.vector_load %arg8[%get3A_1852] {strides = array<i32>} : memref<20000xi32, #tpu.memory_space<vmem>>, vector<16xi32>,
      %get3A_1854 = vector.shape_cast %get3A_1853 : vector<16xi32> to vector<16xi32>
      %ge3A_1855 = arith.cmpi sge, %get3A_1854, %or3A_660 : vector<16xi32>
      %select_n3A_1856 = arith.select %ge3A_1855, %broadcast_in_dim3A_1, %broadcast_in_dim3A_3 : vector<16xi1>, vector<16xi32>
      %add3A_1857 = arith.addi %add3A_1847, %select_n3A_1856 : vector<16xi32>
      %mul3A_1858 = arith.constant 80 : i32
      %mul3A_1859 = arith.muli %scan3A_1837, %mul3A_1858 : i32
      %add3A_1860 = arith.constant 32 : i32
      %add3A_1861 = arith.addi %mul3A_1859, %add3A_1860 : i32
      %get3A_1862 = arith.index_cast %add3A_1861 : i32 to index
      %get3A_1863 = tpu.vector_load %arg8[%get3A_1862] {strides = array<i32>} : memref<20000xi32, #tpu.memory_space<vmem>>, vector<16xi32>,
      %get3A_1864 = vector.shape_cast %get3A_1863 : vector<16xi32> to vector<16xi32>
      %ge3A_1865 = arith.cmpi sge, %get3A_1864, %or3A_660 : vector<16xi32>
      %select_n3A_1866 = arith.select %ge3A_1865, %broadcast_in_dim3A_1, %broadcast_in_dim3A_3 : vector<16xi1>, vector<16xi32>
      %add3A_1867 = arith.addi %add3A_1857, %select_n3A_1866 : vector<16xi32>
      %mul3A_1868 = arith.constant 80 : i32
      %mul3A_1869 = arith.muli %scan3A_1837, %mul3A_1868 : i32
      %add3A_1870 = arith.constant 48 : i32
      %add3A_1871 = arith.addi %mul3A_1869, %add3A_1870 : i32
      %get3A_1872 = arith.index_cast %add3A_1871 : i32 to index
      %get3A_1873 = tpu.vector_load %arg8[%get3A_1872] {strides = array<i32>} : memref<20000xi32, #tpu.memory_space<vmem>>, vector<16xi32>,
      %get3A_1874 = vector.shape_cast %get3A_1873 : vector<16xi32> to vector<16xi32>
      %ge3A_1875 = arith.cmpi sge, %get3A_1874, %or3A_660 : vector<16xi32>
      %select_n3A_1876 = arith.select %ge3A_1875, %broadcast_in_dim3A_1, %broadcast_in_dim3A_3 : vector<16xi1>, vector<16xi32>
      %add3A_1877 = arith.addi %add3A_1867, %select_n3A_1876 : vector<16xi32>
      %mul3A_1878 = arith.constant 80 : i32
      %mul3A_1879 = arith.muli %scan3A_1837, %mul3A_1878 : i32
      %add3A_1880 = arith.constant 64 : i32
      %add3A_1881 = arith.addi %mul3A_1879, %add3A_1880 : i32
      %get3A_1882 = arith.index_cast %add3A_1881 : i32 to index
      %get3A_1883 = tpu.vector_load %arg8[%get3A_1882] {strides = array<i32>} : memref<20000xi32, #tpu.memory_space<vmem>>, vector<16xi32>,
      %get3A_1884 = vector.shape_cast %get3A_1883 : vector<16xi32> to vector<16xi32>
      %ge3A_1885 = arith.cmpi sge, %get3A_1884, %or3A_660 : vector<16xi32>
      %select_n3A_1886 = arith.select %ge3A_1885, %broadcast_in_dim3A_1, %broadcast_in_dim3A_3 : vector<16xi1>, vector<16xi32>
      %add3A_1887 = arith.addi %add3A_1877, %select_n3A_1886 : vector<16xi32>
      scf.yield %add3A_1887 : vector<16xi32>
    }
    %scan3A_666 = arith.constant 250 : i32
    %iota3A_667 = tpu.iota {dimensions = array<i32: 0>} : vector<16xi32>
    %add3A_668 = arith.constant 1 : i32
    %add3A_669 = vector.broadcast %add3A_668 : i32 to vector<16xi32>
    %add3A_670 = arith.addi %iota3A_667, %add3A_669 : vector<16xi32>
    %and3A_671 = arith.constant 15 : i32
    %and3A_672 = vector.broadcast %and3A_671 : i32 to vector<16xi32>
    %and3A_673 = arith.andi %add3A_670, %and3A_672 : vector<16xi32>
    %broadcast_in_dim3A_674 = vector.shape_cast %and3A_673 : vector<16xi32> to vector<16x1xi32>
    %gather3A_675 = vector.shape_cast %broadcast_in_dim3A_674 : vector<16x1xi32> to vector<16xi32>
    %gather3A_676 = tpu.dynamic_gather %scan3A_665[%gather3A_675] in [0] : vector<16xi32>, vector<16xi32> -> vector<16xi32>
    %add3A_677 = arith.addi %scan3A_665, %gather3A_676 : vector<16xi32>
    %iota3A_678 = tpu.iota {dimensions = array<i32: 0>} : vector<16xi32>
    %add3A_679 = arith.constant 2 : i32
    %add3A_680 = vector.broadcast %add3A_679 : i32 to vector<16xi32>
    %add3A_681 = arith.addi %iota3A_678, %add3A_680 : vector<16xi32>
    %and3A_682 = arith.constant 15 : i32
    %and3A_683 = vector.broadcast %and3A_682 : i32 to vector<16xi32>
    %and3A_684 = arith.andi %add3A_681, %and3A_683 : vector<16xi32>
    %broadcast_in_dim3A_685 = vector.shape_cast %and3A_684 : vector<16xi32> to vector<16x1xi32>
    %gather3A_686 = vector.shape_cast %broadcast_in_dim3A_685 : vector<16x1xi32> to vector<16xi32>
    %gather3A_687 = tpu.dynamic_gather %add3A_677[%gather3A_686] in [0] : vector<16xi32>, vector<16xi32> -> vector<16xi32>
    %add3A_688 = arith.addi %add3A_677, %gather3A_687 : vector<16xi32>
    %iota3A_689 = tpu.iota {dimensions = array<i32: 0>} : vector<16xi32>
    %add3A_690 = arith.constant 4 : i32
    %add3A_691 = vector.broadcast %add3A_690 : i32 to vector<16xi32>
    %add3A_692 = arith.addi %iota3A_689, %add3A_691 : vector<16xi32>
    %and3A_693 = arith.constant 15 : i32
    %and3A_694 = vector.broadcast %and3A_693 : i32 to vector<16xi32>
    %and3A_695 = arith.andi %add3A_692, %and3A_694 : vector<16xi32>
    %broadcast_in_dim3A_696 = vector.shape_cast %and3A_695 : vector<16xi32> to vector<16x1xi32>
    %gather3A_697 = vector.shape_cast %broadcast_in_dim3A_696 : vector<16x1xi32> to vector<16xi32>
    %gather3A_698 = tpu.dynamic_gather %add3A_688[%gather3A_697] in [0] : vector<16xi32>, vector<16xi32> -> vector<16xi32>
    %add3A_699 = arith.addi %add3A_688, %gather3A_698 : vector<16xi32>
    %iota3A_700 = tpu.iota {dimensions = array<i32: 0>} : vector<16xi32>
    %add3A_701 = arith.constant 8 : i32
    %add3A_702 = vector.broadcast %add3A_701 : i32 to vector<16xi32>
    %add3A_703 = arith.addi %iota3A_700, %add3A_702 : vector<16xi32>
    %and3A_704 = arith.constant 15 : i32
    %and3A_705 = vector.broadcast %and3A_704 : i32 to vector<16xi32>
    %and3A_706 = arith.andi %add3A_703, %and3A_705 : vector<16xi32>
    %broadcast_in_dim3A_707 = vector.shape_cast %and3A_706 : vector<16xi32> to vector<16x1xi32>
    %gather3A_708 = vector.shape_cast %broadcast_in_dim3A_707 : vector<16x1xi32> to vector<16xi32>
    %gather3A_709 = tpu.dynamic_gather %add3A_699[%gather3A_708] in [0] : vector<16xi32>, vector<16xi32> -> vector<16xi32>
    %add3A_710 = arith.addi %add3A_699, %gather3A_709 : vector<16xi32>
    %ge3A_711 = arith.cmpi sge, %add3A_710, %min3A_55 : vector<16xi32>
    %select_n3A_712 = arith.select %ge3A_711, %or3A_660, %select_n3A_657 : vector<16xi1>, vector<16xi32>
    %or3A_713 = arith.constant 262144 : i32
    %or3A_714 = vector.broadcast %or3A_713 : i32 to vector<16xi32>
    %or3A_715 = arith.ori %select_n3A_712, %or3A_714 : vector<16xi32>
    %scan3A_716 = arith.constant 0 : i32
    %scan3A_717 = arith.constant 250 : i32
    %scan3A_718 = arith.addi %scan3A_716, %scan3A_717 : i32
    %scan3A_719 = arith.constant 1 : i32
    %scan3A_720 = scf.for %scan3A_1837 = %scan3A_716 to %scan3A_718 step %scan3A_719 iter_args(%scan3A_1838 = %broadcast_in_dim3A_3) -> (vector<16xi32>)  : i32 {
      %mul3A_1839 = arith.constant 80 : i32
      %mul3A_1840 = arith.muli %scan3A_1837, %mul3A_1839 : i32
      %add3A_1841 = arith.constant 0 : i32
      %add3A_1842 = arith.addi %mul3A_1840, %add3A_1841 : i32
      %get3A = arith.index_cast %add3A_1842 : i32 to index
      %get3A_1843 = tpu.vector_load %arg8[%get3A] {strides = array<i32>} : memref<20000xi32, #tpu.memory_space<vmem>>, vector<16xi32>,
      %get3A_1844 = vector.shape_cast %get3A_1843 : vector<16xi32> to vector<16xi32>
      %ge3A_1845 = arith.cmpi sge, %get3A_1844, %or3A_715 : vector<16xi32>
      %select_n3A_1846 = arith.select %ge3A_1845, %broadcast_in_dim3A_1, %broadcast_in_dim3A_3 : vector<16xi1>, vector<16xi32>
      %add3A_1847 = arith.addi %scan3A_1838, %select_n3A_1846 : vector<16xi32>
      %mul3A_1848 = arith.constant 80 : i32
      %mul3A_1849 = arith.muli %scan3A_1837, %mul3A_1848 : i32
      %add3A_1850 = arith.constant 16 : i32
      %add3A_1851 = arith.addi %mul3A_1849, %add3A_1850 : i32
      %get3A_1852 = arith.index_cast %add3A_1851 : i32 to index
      %get3A_1853 = tpu.vector_load %arg8[%get3A_1852] {strides = array<i32>} : memref<20000xi32, #tpu.memory_space<vmem>>, vector<16xi32>,
      %get3A_1854 = vector.shape_cast %get3A_1853 : vector<16xi32> to vector<16xi32>
      %ge3A_1855 = arith.cmpi sge, %get3A_1854, %or3A_715 : vector<16xi32>
      %select_n3A_1856 = arith.select %ge3A_1855, %broadcast_in_dim3A_1, %broadcast_in_dim3A_3 : vector<16xi1>, vector<16xi32>
      %add3A_1857 = arith.addi %add3A_1847, %select_n3A_1856 : vector<16xi32>
      %mul3A_1858 = arith.constant 80 : i32
      %mul3A_1859 = arith.muli %scan3A_1837, %mul3A_1858 : i32
      %add3A_1860 = arith.constant 32 : i32
      %add3A_1861 = arith.addi %mul3A_1859, %add3A_1860 : i32
      %get3A_1862 = arith.index_cast %add3A_1861 : i32 to index
      %get3A_1863 = tpu.vector_load %arg8[%get3A_1862] {strides = array<i32>} : memref<20000xi32, #tpu.memory_space<vmem>>, vector<16xi32>,
      %get3A_1864 = vector.shape_cast %get3A_1863 : vector<16xi32> to vector<16xi32>
      %ge3A_1865 = arith.cmpi sge, %get3A_1864, %or3A_715 : vector<16xi32>
      %select_n3A_1866 = arith.select %ge3A_1865, %broadcast_in_dim3A_1, %broadcast_in_dim3A_3 : vector<16xi1>, vector<16xi32>
      %add3A_1867 = arith.addi %add3A_1857, %select_n3A_1866 : vector<16xi32>
      %mul3A_1868 = arith.constant 80 : i32
      %mul3A_1869 = arith.muli %scan3A_1837, %mul3A_1868 : i32
      %add3A_1870 = arith.constant 48 : i32
      %add3A_1871 = arith.addi %mul3A_1869, %add3A_1870 : i32
      %get3A_1872 = arith.index_cast %add3A_1871 : i32 to index
      %get3A_1873 = tpu.vector_load %arg8[%get3A_1872] {strides = array<i32>} : memref<20000xi32, #tpu.memory_space<vmem>>, vector<16xi32>,
      %get3A_1874 = vector.shape_cast %get3A_1873 : vector<16xi32> to vector<16xi32>
      %ge3A_1875 = arith.cmpi sge, %get3A_1874, %or3A_715 : vector<16xi32>
      %select_n3A_1876 = arith.select %ge3A_1875, %broadcast_in_dim3A_1, %broadcast_in_dim3A_3 : vector<16xi1>, vector<16xi32>
      %add3A_1877 = arith.addi %add3A_1867, %select_n3A_1876 : vector<16xi32>
      %mul3A_1878 = arith.constant 80 : i32
      %mul3A_1879 = arith.muli %scan3A_1837, %mul3A_1878 : i32
      %add3A_1880 = arith.constant 64 : i32
      %add3A_1881 = arith.addi %mul3A_1879, %add3A_1880 : i32
      %get3A_1882 = arith.index_cast %add3A_1881 : i32 to index
      %get3A_1883 = tpu.vector_load %arg8[%get3A_1882] {strides = array<i32>} : memref<20000xi32, #tpu.memory_space<vmem>>, vector<16xi32>,
      %get3A_1884 = vector.shape_cast %get3A_1883 : vector<16xi32> to vector<16xi32>
      %ge3A_1885 = arith.cmpi sge, %get3A_1884, %or3A_715 : vector<16xi32>
      %select_n3A_1886 = arith.select %ge3A_1885, %broadcast_in_dim3A_1, %broadcast_in_dim3A_3 : vector<16xi1>, vector<16xi32>
      %add3A_1887 = arith.addi %add3A_1877, %select_n3A_1886 : vector<16xi32>
      scf.yield %add3A_1887 : vector<16xi32>
    }
    %scan3A_721 = arith.constant 250 : i32
    %iota3A_722 = tpu.iota {dimensions = array<i32: 0>} : vector<16xi32>
    %add3A_723 = arith.constant 1 : i32
    %add3A_724 = vector.broadcast %add3A_723 : i32 to vector<16xi32>
    %add3A_725 = arith.addi %iota3A_722, %add3A_724 : vector<16xi32>
    %and3A_726 = arith.constant 15 : i32
    %and3A_727 = vector.broadcast %and3A_726 : i32 to vector<16xi32>
    %and3A_728 = arith.andi %add3A_725, %and3A_727 : vector<16xi32>
    %broadcast_in_dim3A_729 = vector.shape_cast %and3A_728 : vector<16xi32> to vector<16x1xi32>
    %gather3A_730 = vector.shape_cast %broadcast_in_dim3A_729 : vector<16x1xi32> to vector<16xi32>
    %gather3A_731 = tpu.dynamic_gather %scan3A_720[%gather3A_730] in [0] : vector<16xi32>, vector<16xi32> -> vector<16xi32>
    %add3A_732 = arith.addi %scan3A_720, %gather3A_731 : vector<16xi32>
    %iota3A_733 = tpu.iota {dimensions = array<i32: 0>} : vector<16xi32>
    %add3A_734 = arith.constant 2 : i32
    %add3A_735 = vector.broadcast %add3A_734 : i32 to vector<16xi32>
    %add3A_736 = arith.addi %iota3A_733, %add3A_735 : vector<16xi32>
    %and3A_737 = arith.constant 15 : i32
    %and3A_738 = vector.broadcast %and3A_737 : i32 to vector<16xi32>
    %and3A_739 = arith.andi %add3A_736, %and3A_738 : vector<16xi32>
    %broadcast_in_dim3A_740 = vector.shape_cast %and3A_739 : vector<16xi32> to vector<16x1xi32>
    %gather3A_741 = vector.shape_cast %broadcast_in_dim3A_740 : vector<16x1xi32> to vector<16xi32>
    %gather3A_742 = tpu.dynamic_gather %add3A_732[%gather3A_741] in [0] : vector<16xi32>, vector<16xi32> -> vector<16xi32>
    %add3A_743 = arith.addi %add3A_732, %gather3A_742 : vector<16xi32>
    %iota3A_744 = tpu.iota {dimensions = array<i32: 0>} : vector<16xi32>
    %add3A_745 = arith.constant 4 : i32
    %add3A_746 = vector.broadcast %add3A_745 : i32 to vector<16xi32>
    %add3A_747 = arith.addi %iota3A_744, %add3A_746 : vector<16xi32>
    %and3A_748 = arith.constant 15 : i32
    %and3A_749 = vector.broadcast %and3A_748 : i32 to vector<16xi32>
    %and3A_750 = arith.andi %add3A_747, %and3A_749 : vector<16xi32>
    %broadcast_in_dim3A_751 = vector.shape_cast %and3A_750 : vector<16xi32> to vector<16x1xi32>
    %gather3A_752 = vector.shape_cast %broadcast_in_dim3A_751 : vector<16x1xi32> to vector<16xi32>
    %gather3A_753 = tpu.dynamic_gather %add3A_743[%gather3A_752] in [0] : vector<16xi32>, vector<16xi32> -> vector<16xi32>
    %add3A_754 = arith.addi %add3A_743, %gather3A_753 : vector<16xi32>
    %iota3A_755 = tpu.iota {dimensions = array<i32: 0>} : vector<16xi32>
    %add3A_756 = arith.constant 8 : i32
    %add3A_757 = vector.broadcast %add3A_756 : i32 to vector<16xi32>
    %add3A_758 = arith.addi %iota3A_755, %add3A_757 : vector<16xi32>
    %and3A_759 = arith.constant 15 : i32
    %and3A_760 = vector.broadcast %and3A_759 : i32 to vector<16xi32>
    %and3A_761 = arith.andi %add3A_758, %and3A_760 : vector<16xi32>
    %broadcast_in_dim3A_762 = vector.shape_cast %and3A_761 : vector<16xi32> to vector<16x1xi32>
    %gather3A_763 = vector.shape_cast %broadcast_in_dim3A_762 : vector<16x1xi32> to vector<16xi32>
    %gather3A_764 = tpu.dynamic_gather %add3A_754[%gather3A_763] in [0] : vector<16xi32>, vector<16xi32> -> vector<16xi32>
    %add3A_765 = arith.addi %add3A_754, %gather3A_764 : vector<16xi32>
    %ge3A_766 = arith.cmpi sge, %add3A_765, %min3A_55 : vector<16xi32>
    %select_n3A_767 = arith.select %ge3A_766, %or3A_715, %select_n3A_712 : vector<16xi1>, vector<16xi32>
    %or3A_768 = arith.constant 131072 : i32
    %or3A_769 = vector.broadcast %or3A_768 : i32 to vector<16xi32>
    %or3A_770 = arith.ori %select_n3A_767, %or3A_769 : vector<16xi32>
    %scan3A_771 = arith.constant 0 : i32
    %scan3A_772 = arith.constant 250 : i32
    %scan3A_773 = arith.addi %scan3A_771, %scan3A_772 : i32
    %scan3A_774 = arith.constant 1 : i32
    %scan3A_775 = scf.for %scan3A_1837 = %scan3A_771 to %scan3A_773 step %scan3A_774 iter_args(%scan3A_1838 = %broadcast_in_dim3A_3) -> (vector<16xi32>)  : i32 {
      %mul3A_1839 = arith.constant 80 : i32
      %mul3A_1840 = arith.muli %scan3A_1837, %mul3A_1839 : i32
      %add3A_1841 = arith.constant 0 : i32
      %add3A_1842 = arith.addi %mul3A_1840, %add3A_1841 : i32
      %get3A = arith.index_cast %add3A_1842 : i32 to index
      %get3A_1843 = tpu.vector_load %arg8[%get3A] {strides = array<i32>} : memref<20000xi32, #tpu.memory_space<vmem>>, vector<16xi32>,
      %get3A_1844 = vector.shape_cast %get3A_1843 : vector<16xi32> to vector<16xi32>
      %ge3A_1845 = arith.cmpi sge, %get3A_1844, %or3A_770 : vector<16xi32>
      %select_n3A_1846 = arith.select %ge3A_1845, %broadcast_in_dim3A_1, %broadcast_in_dim3A_3 : vector<16xi1>, vector<16xi32>
      %add3A_1847 = arith.addi %scan3A_1838, %select_n3A_1846 : vector<16xi32>
      %mul3A_1848 = arith.constant 80 : i32
      %mul3A_1849 = arith.muli %scan3A_1837, %mul3A_1848 : i32
      %add3A_1850 = arith.constant 16 : i32
      %add3A_1851 = arith.addi %mul3A_1849, %add3A_1850 : i32
      %get3A_1852 = arith.index_cast %add3A_1851 : i32 to index
      %get3A_1853 = tpu.vector_load %arg8[%get3A_1852] {strides = array<i32>} : memref<20000xi32, #tpu.memory_space<vmem>>, vector<16xi32>,
      %get3A_1854 = vector.shape_cast %get3A_1853 : vector<16xi32> to vector<16xi32>
      %ge3A_1855 = arith.cmpi sge, %get3A_1854, %or3A_770 : vector<16xi32>
      %select_n3A_1856 = arith.select %ge3A_1855, %broadcast_in_dim3A_1, %broadcast_in_dim3A_3 : vector<16xi1>, vector<16xi32>
      %add3A_1857 = arith.addi %add3A_1847, %select_n3A_1856 : vector<16xi32>
      %mul3A_1858 = arith.constant 80 : i32
      %mul3A_1859 = arith.muli %scan3A_1837, %mul3A_1858 : i32
      %add3A_1860 = arith.constant 32 : i32
      %add3A_1861 = arith.addi %mul3A_1859, %add3A_1860 : i32
      %get3A_1862 = arith.index_cast %add3A_1861 : i32 to index
      %get3A_1863 = tpu.vector_load %arg8[%get3A_1862] {strides = array<i32>} : memref<20000xi32, #tpu.memory_space<vmem>>, vector<16xi32>,
      %get3A_1864 = vector.shape_cast %get3A_1863 : vector<16xi32> to vector<16xi32>
      %ge3A_1865 = arith.cmpi sge, %get3A_1864, %or3A_770 : vector<16xi32>
      %select_n3A_1866 = arith.select %ge3A_1865, %broadcast_in_dim3A_1, %broadcast_in_dim3A_3 : vector<16xi1>, vector<16xi32>
      %add3A_1867 = arith.addi %add3A_1857, %select_n3A_1866 : vector<16xi32>
      %mul3A_1868 = arith.constant 80 : i32
      %mul3A_1869 = arith.muli %scan3A_1837, %mul3A_1868 : i32
      %add3A_1870 = arith.constant 48 : i32
      %add3A_1871 = arith.addi %mul3A_1869, %add3A_1870 : i32
      %get3A_1872 = arith.index_cast %add3A_1871 : i32 to index
      %get3A_1873 = tpu.vector_load %arg8[%get3A_1872] {strides = array<i32>} : memref<20000xi32, #tpu.memory_space<vmem>>, vector<16xi32>,
      %get3A_1874 = vector.shape_cast %get3A_1873 : vector<16xi32> to vector<16xi32>
      %ge3A_1875 = arith.cmpi sge, %get3A_1874, %or3A_770 : vector<16xi32>
      %select_n3A_1876 = arith.select %ge3A_1875, %broadcast_in_dim3A_1, %broadcast_in_dim3A_3 : vector<16xi1>, vector<16xi32>
      %add3A_1877 = arith.addi %add3A_1867, %select_n3A_1876 : vector<16xi32>
      %mul3A_1878 = arith.constant 80 : i32
      %mul3A_1879 = arith.muli %scan3A_1837, %mul3A_1878 : i32
      %add3A_1880 = arith.constant 64 : i32
      %add3A_1881 = arith.addi %mul3A_1879, %add3A_1880 : i32
      %get3A_1882 = arith.index_cast %add3A_1881 : i32 to index
      %get3A_1883 = tpu.vector_load %arg8[%get3A_1882] {strides = array<i32>} : memref<20000xi32, #tpu.memory_space<vmem>>, vector<16xi32>,
      %get3A_1884 = vector.shape_cast %get3A_1883 : vector<16xi32> to vector<16xi32>
      %ge3A_1885 = arith.cmpi sge, %get3A_1884, %or3A_770 : vector<16xi32>
      %select_n3A_1886 = arith.select %ge3A_1885, %broadcast_in_dim3A_1, %broadcast_in_dim3A_3 : vector<16xi1>, vector<16xi32>
      %add3A_1887 = arith.addi %add3A_1877, %select_n3A_1886 : vector<16xi32>
      scf.yield %add3A_1887 : vector<16xi32>
    }
    %scan3A_776 = arith.constant 250 : i32
    %iota3A_777 = tpu.iota {dimensions = array<i32: 0>} : vector<16xi32>
    %add3A_778 = arith.constant 1 : i32
    %add3A_779 = vector.broadcast %add3A_778 : i32 to vector<16xi32>
    %add3A_780 = arith.addi %iota3A_777, %add3A_779 : vector<16xi32>
    %and3A_781 = arith.constant 15 : i32
    %and3A_782 = vector.broadcast %and3A_781 : i32 to vector<16xi32>
    %and3A_783 = arith.andi %add3A_780, %and3A_782 : vector<16xi32>
    %broadcast_in_dim3A_784 = vector.shape_cast %and3A_783 : vector<16xi32> to vector<16x1xi32>
    %gather3A_785 = vector.shape_cast %broadcast_in_dim3A_784 : vector<16x1xi32> to vector<16xi32>
    %gather3A_786 = tpu.dynamic_gather %scan3A_775[%gather3A_785] in [0] : vector<16xi32>, vector<16xi32> -> vector<16xi32>
    %add3A_787 = arith.addi %scan3A_775, %gather3A_786 : vector<16xi32>
    %iota3A_788 = tpu.iota {dimensions = array<i32: 0>} : vector<16xi32>
    %add3A_789 = arith.constant 2 : i32
    %add3A_790 = vector.broadcast %add3A_789 : i32 to vector<16xi32>
    %add3A_791 = arith.addi %iota3A_788, %add3A_790 : vector<16xi32>
    %and3A_792 = arith.constant 15 : i32
    %and3A_793 = vector.broadcast %and3A_792 : i32 to vector<16xi32>
    %and3A_794 = arith.andi %add3A_791, %and3A_793 : vector<16xi32>
    %broadcast_in_dim3A_795 = vector.shape_cast %and3A_794 : vector<16xi32> to vector<16x1xi32>
    %gather3A_796 = vector.shape_cast %broadcast_in_dim3A_795 : vector<16x1xi32> to vector<16xi32>
    %gather3A_797 = tpu.dynamic_gather %add3A_787[%gather3A_796] in [0] : vector<16xi32>, vector<16xi32> -> vector<16xi32>
    %add3A_798 = arith.addi %add3A_787, %gather3A_797 : vector<16xi32>
    %iota3A_799 = tpu.iota {dimensions = array<i32: 0>} : vector<16xi32>
    %add3A_800 = arith.constant 4 : i32
    %add3A_801 = vector.broadcast %add3A_800 : i32 to vector<16xi32>
    %add3A_802 = arith.addi %iota3A_799, %add3A_801 : vector<16xi32>
    %and3A_803 = arith.constant 15 : i32
    %and3A_804 = vector.broadcast %and3A_803 : i32 to vector<16xi32>
    %and3A_805 = arith.andi %add3A_802, %and3A_804 : vector<16xi32>
    %broadcast_in_dim3A_806 = vector.shape_cast %and3A_805 : vector<16xi32> to vector<16x1xi32>
    %gather3A_807 = vector.shape_cast %broadcast_in_dim3A_806 : vector<16x1xi32> to vector<16xi32>
    %gather3A_808 = tpu.dynamic_gather %add3A_798[%gather3A_807] in [0] : vector<16xi32>, vector<16xi32> -> vector<16xi32>
    %add3A_809 = arith.addi %add3A_798, %gather3A_808 : vector<16xi32>
    %iota3A_810 = tpu.iota {dimensions = array<i32: 0>} : vector<16xi32>
    %add3A_811 = arith.constant 8 : i32
    %add3A_812 = vector.broadcast %add3A_811 : i32 to vector<16xi32>
    %add3A_813 = arith.addi %iota3A_810, %add3A_812 : vector<16xi32>
    %and3A_814 = arith.constant 15 : i32
    %and3A_815 = vector.broadcast %and3A_814 : i32 to vector<16xi32>
    %and3A_816 = arith.andi %add3A_813, %and3A_815 : vector<16xi32>
    %broadcast_in_dim3A_817 = vector.shape_cast %and3A_816 : vector<16xi32> to vector<16x1xi32>
    %gather3A_818 = vector.shape_cast %broadcast_in_dim3A_817 : vector<16x1xi32> to vector<16xi32>
    %gather3A_819 = tpu.dynamic_gather %add3A_809[%gather3A_818] in [0] : vector<16xi32>, vector<16xi32> -> vector<16xi32>
    %add3A_820 = arith.addi %add3A_809, %gather3A_819 : vector<16xi32>
    %ge3A_821 = arith.cmpi sge, %add3A_820, %min3A_55 : vector<16xi32>
    %select_n3A_822 = arith.select %ge3A_821, %or3A_770, %select_n3A_767 : vector<16xi1>, vector<16xi32>
    %or3A_823 = arith.constant 65536 : i32
    %or3A_824 = vector.broadcast %or3A_823 : i32 to vector<16xi32>
    %or3A_825 = arith.ori %select_n3A_822, %or3A_824 : vector<16xi32>
    %scan3A_826 = arith.constant 0 : i32
    %scan3A_827 = arith.constant 250 : i32
    %scan3A_828 = arith.addi %scan3A_826, %scan3A_827 : i32
    %scan3A_829 = arith.constant 1 : i32
    %scan3A_830 = scf.for %scan3A_1837 = %scan3A_826 to %scan3A_828 step %scan3A_829 iter_args(%scan3A_1838 = %broadcast_in_dim3A_3) -> (vector<16xi32>)  : i32 {
      %mul3A_1839 = arith.constant 80 : i32
      %mul3A_1840 = arith.muli %scan3A_1837, %mul3A_1839 : i32
      %add3A_1841 = arith.constant 0 : i32
      %add3A_1842 = arith.addi %mul3A_1840, %add3A_1841 : i32
      %get3A = arith.index_cast %add3A_1842 : i32 to index
      %get3A_1843 = tpu.vector_load %arg8[%get3A] {strides = array<i32>} : memref<20000xi32, #tpu.memory_space<vmem>>, vector<16xi32>,
      %get3A_1844 = vector.shape_cast %get3A_1843 : vector<16xi32> to vector<16xi32>
      %ge3A_1845 = arith.cmpi sge, %get3A_1844, %or3A_825 : vector<16xi32>
      %select_n3A_1846 = arith.select %ge3A_1845, %broadcast_in_dim3A_1, %broadcast_in_dim3A_3 : vector<16xi1>, vector<16xi32>
      %add3A_1847 = arith.addi %scan3A_1838, %select_n3A_1846 : vector<16xi32>
      %mul3A_1848 = arith.constant 80 : i32
      %mul3A_1849 = arith.muli %scan3A_1837, %mul3A_1848 : i32
      %add3A_1850 = arith.constant 16 : i32
      %add3A_1851 = arith.addi %mul3A_1849, %add3A_1850 : i32
      %get3A_1852 = arith.index_cast %add3A_1851 : i32 to index
      %get3A_1853 = tpu.vector_load %arg8[%get3A_1852] {strides = array<i32>} : memref<20000xi32, #tpu.memory_space<vmem>>, vector<16xi32>,
      %get3A_1854 = vector.shape_cast %get3A_1853 : vector<16xi32> to vector<16xi32>
      %ge3A_1855 = arith.cmpi sge, %get3A_1854, %or3A_825 : vector<16xi32>
      %select_n3A_1856 = arith.select %ge3A_1855, %broadcast_in_dim3A_1, %broadcast_in_dim3A_3 : vector<16xi1>, vector<16xi32>
      %add3A_1857 = arith.addi %add3A_1847, %select_n3A_1856 : vector<16xi32>
      %mul3A_1858 = arith.constant 80 : i32
      %mul3A_1859 = arith.muli %scan3A_1837, %mul3A_1858 : i32
      %add3A_1860 = arith.constant 32 : i32
      %add3A_1861 = arith.addi %mul3A_1859, %add3A_1860 : i32
      %get3A_1862 = arith.index_cast %add3A_1861 : i32 to index
      %get3A_1863 = tpu.vector_load %arg8[%get3A_1862] {strides = array<i32>} : memref<20000xi32, #tpu.memory_space<vmem>>, vector<16xi32>,
      %get3A_1864 = vector.shape_cast %get3A_1863 : vector<16xi32> to vector<16xi32>
      %ge3A_1865 = arith.cmpi sge, %get3A_1864, %or3A_825 : vector<16xi32>
      %select_n3A_1866 = arith.select %ge3A_1865, %broadcast_in_dim3A_1, %broadcast_in_dim3A_3 : vector<16xi1>, vector<16xi32>
      %add3A_1867 = arith.addi %add3A_1857, %select_n3A_1866 : vector<16xi32>
      %mul3A_1868 = arith.constant 80 : i32
      %mul3A_1869 = arith.muli %scan3A_1837, %mul3A_1868 : i32
      %add3A_1870 = arith.constant 48 : i32
      %add3A_1871 = arith.addi %mul3A_1869, %add3A_1870 : i32
      %get3A_1872 = arith.index_cast %add3A_1871 : i32 to index
      %get3A_1873 = tpu.vector_load %arg8[%get3A_1872] {strides = array<i32>} : memref<20000xi32, #tpu.memory_space<vmem>>, vector<16xi32>,
      %get3A_1874 = vector.shape_cast %get3A_1873 : vector<16xi32> to vector<16xi32>
      %ge3A_1875 = arith.cmpi sge, %get3A_1874, %or3A_825 : vector<16xi32>
      %select_n3A_1876 = arith.select %ge3A_1875, %broadcast_in_dim3A_1, %broadcast_in_dim3A_3 : vector<16xi1>, vector<16xi32>
      %add3A_1877 = arith.addi %add3A_1867, %select_n3A_1876 : vector<16xi32>
      %mul3A_1878 = arith.constant 80 : i32
      %mul3A_1879 = arith.muli %scan3A_1837, %mul3A_1878 : i32
      %add3A_1880 = arith.constant 64 : i32
      %add3A_1881 = arith.addi %mul3A_1879, %add3A_1880 : i32
      %get3A_1882 = arith.index_cast %add3A_1881 : i32 to index
      %get3A_1883 = tpu.vector_load %arg8[%get3A_1882] {strides = array<i32>} : memref<20000xi32, #tpu.memory_space<vmem>>, vector<16xi32>,
      %get3A_1884 = vector.shape_cast %get3A_1883 : vector<16xi32> to vector<16xi32>
      %ge3A_1885 = arith.cmpi sge, %get3A_1884, %or3A_825 : vector<16xi32>
      %select_n3A_1886 = arith.select %ge3A_1885, %broadcast_in_dim3A_1, %broadcast_in_dim3A_3 : vector<16xi1>, vector<16xi32>
      %add3A_1887 = arith.addi %add3A_1877, %select_n3A_1886 : vector<16xi32>
      scf.yield %add3A_1887 : vector<16xi32>
    }
    %scan3A_831 = arith.constant 250 : i32
    %iota3A_832 = tpu.iota {dimensions = array<i32: 0>} : vector<16xi32>
    %add3A_833 = arith.constant 1 : i32
    %add3A_834 = vector.broadcast %add3A_833 : i32 to vector<16xi32>
    %add3A_835 = arith.addi %iota3A_832, %add3A_834 : vector<16xi32>
    %and3A_836 = arith.constant 15 : i32
    %and3A_837 = vector.broadcast %and3A_836 : i32 to vector<16xi32>
    %and3A_838 = arith.andi %add3A_835, %and3A_837 : vector<16xi32>
    %broadcast_in_dim3A_839 = vector.shape_cast %and3A_838 : vector<16xi32> to vector<16x1xi32>
    %gather3A_840 = vector.shape_cast %broadcast_in_dim3A_839 : vector<16x1xi32> to vector<16xi32>
    %gather3A_841 = tpu.dynamic_gather %scan3A_830[%gather3A_840] in [0] : vector<16xi32>, vector<16xi32> -> vector<16xi32>
    %add3A_842 = arith.addi %scan3A_830, %gather3A_841 : vector<16xi32>
    %iota3A_843 = tpu.iota {dimensions = array<i32: 0>} : vector<16xi32>
    %add3A_844 = arith.constant 2 : i32
    %add3A_845 = vector.broadcast %add3A_844 : i32 to vector<16xi32>
    %add3A_846 = arith.addi %iota3A_843, %add3A_845 : vector<16xi32>
    %and3A_847 = arith.constant 15 : i32
    %and3A_848 = vector.broadcast %and3A_847 : i32 to vector<16xi32>
    %and3A_849 = arith.andi %add3A_846, %and3A_848 : vector<16xi32>
    %broadcast_in_dim3A_850 = vector.shape_cast %and3A_849 : vector<16xi32> to vector<16x1xi32>
    %gather3A_851 = vector.shape_cast %broadcast_in_dim3A_850 : vector<16x1xi32> to vector<16xi32>
    %gather3A_852 = tpu.dynamic_gather %add3A_842[%gather3A_851] in [0] : vector<16xi32>, vector<16xi32> -> vector<16xi32>
    %add3A_853 = arith.addi %add3A_842, %gather3A_852 : vector<16xi32>
    %iota3A_854 = tpu.iota {dimensions = array<i32: 0>} : vector<16xi32>
    %add3A_855 = arith.constant 4 : i32
    %add3A_856 = vector.broadcast %add3A_855 : i32 to vector<16xi32>
    %add3A_857 = arith.addi %iota3A_854, %add3A_856 : vector<16xi32>
    %and3A_858 = arith.constant 15 : i32
    %and3A_859 = vector.broadcast %and3A_858 : i32 to vector<16xi32>
    %and3A_860 = arith.andi %add3A_857, %and3A_859 : vector<16xi32>
    %broadcast_in_dim3A_861 = vector.shape_cast %and3A_860 : vector<16xi32> to vector<16x1xi32>
    %gather3A_862 = vector.shape_cast %broadcast_in_dim3A_861 : vector<16x1xi32> to vector<16xi32>
    %gather3A_863 = tpu.dynamic_gather %add3A_853[%gather3A_862] in [0] : vector<16xi32>, vector<16xi32> -> vector<16xi32>
    %add3A_864 = arith.addi %add3A_853, %gather3A_863 : vector<16xi32>
    %iota3A_865 = tpu.iota {dimensions = array<i32: 0>} : vector<16xi32>
    %add3A_866 = arith.constant 8 : i32
    %add3A_867 = vector.broadcast %add3A_866 : i32 to vector<16xi32>
    %add3A_868 = arith.addi %iota3A_865, %add3A_867 : vector<16xi32>
    %and3A_869 = arith.constant 15 : i32
    %and3A_870 = vector.broadcast %and3A_869 : i32 to vector<16xi32>
    %and3A_871 = arith.andi %add3A_868, %and3A_870 : vector<16xi32>
    %broadcast_in_dim3A_872 = vector.shape_cast %and3A_871 : vector<16xi32> to vector<16x1xi32>
    %gather3A_873 = vector.shape_cast %broadcast_in_dim3A_872 : vector<16x1xi32> to vector<16xi32>
    %gather3A_874 = tpu.dynamic_gather %add3A_864[%gather3A_873] in [0] : vector<16xi32>, vector<16xi32> -> vector<16xi32>
    %add3A_875 = arith.addi %add3A_864, %gather3A_874 : vector<16xi32>
    %ge3A_876 = arith.cmpi sge, %add3A_875, %min3A_55 : vector<16xi32>
    %select_n3A_877 = arith.select %ge3A_876, %or3A_825, %select_n3A_822 : vector<16xi1>, vector<16xi32>
    %or3A_878 = arith.constant 32768 : i32
    %or3A_879 = vector.broadcast %or3A_878 : i32 to vector<16xi32>
    %or3A_880 = arith.ori %select_n3A_877, %or3A_879 : vector<16xi32>
    %scan3A_881 = arith.constant 0 : i32
    %scan3A_882 = arith.constant 250 : i32
    %scan3A_883 = arith.addi %scan3A_881, %scan3A_882 : i32
    %scan3A_884 = arith.constant 1 : i32
    %scan3A_885 = scf.for %scan3A_1837 = %scan3A_881 to %scan3A_883 step %scan3A_884 iter_args(%scan3A_1838 = %broadcast_in_dim3A_3) -> (vector<16xi32>)  : i32 {
      %mul3A_1839 = arith.constant 80 : i32
      %mul3A_1840 = arith.muli %scan3A_1837, %mul3A_1839 : i32
      %add3A_1841 = arith.constant 0 : i32
      %add3A_1842 = arith.addi %mul3A_1840, %add3A_1841 : i32
      %get3A = arith.index_cast %add3A_1842 : i32 to index
      %get3A_1843 = tpu.vector_load %arg8[%get3A] {strides = array<i32>} : memref<20000xi32, #tpu.memory_space<vmem>>, vector<16xi32>,
      %get3A_1844 = vector.shape_cast %get3A_1843 : vector<16xi32> to vector<16xi32>
      %ge3A_1845 = arith.cmpi sge, %get3A_1844, %or3A_880 : vector<16xi32>
      %select_n3A_1846 = arith.select %ge3A_1845, %broadcast_in_dim3A_1, %broadcast_in_dim3A_3 : vector<16xi1>, vector<16xi32>
      %add3A_1847 = arith.addi %scan3A_1838, %select_n3A_1846 : vector<16xi32>
      %mul3A_1848 = arith.constant 80 : i32
      %mul3A_1849 = arith.muli %scan3A_1837, %mul3A_1848 : i32
      %add3A_1850 = arith.constant 16 : i32
      %add3A_1851 = arith.addi %mul3A_1849, %add3A_1850 : i32
      %get3A_1852 = arith.index_cast %add3A_1851 : i32 to index
      %get3A_1853 = tpu.vector_load %arg8[%get3A_1852] {strides = array<i32>} : memref<20000xi32, #tpu.memory_space<vmem>>, vector<16xi32>,
      %get3A_1854 = vector.shape_cast %get3A_1853 : vector<16xi32> to vector<16xi32>
      %ge3A_1855 = arith.cmpi sge, %get3A_1854, %or3A_880 : vector<16xi32>
      %select_n3A_1856 = arith.select %ge3A_1855, %broadcast_in_dim3A_1, %broadcast_in_dim3A_3 : vector<16xi1>, vector<16xi32>
      %add3A_1857 = arith.addi %add3A_1847, %select_n3A_1856 : vector<16xi32>
      %mul3A_1858 = arith.constant 80 : i32
      %mul3A_1859 = arith.muli %scan3A_1837, %mul3A_1858 : i32
      %add3A_1860 = arith.constant 32 : i32
      %add3A_1861 = arith.addi %mul3A_1859, %add3A_1860 : i32
      %get3A_1862 = arith.index_cast %add3A_1861 : i32 to index
      %get3A_1863 = tpu.vector_load %arg8[%get3A_1862] {strides = array<i32>} : memref<20000xi32, #tpu.memory_space<vmem>>, vector<16xi32>,
      %get3A_1864 = vector.shape_cast %get3A_1863 : vector<16xi32> to vector<16xi32>
      %ge3A_1865 = arith.cmpi sge, %get3A_1864, %or3A_880 : vector<16xi32>
      %select_n3A_1866 = arith.select %ge3A_1865, %broadcast_in_dim3A_1, %broadcast_in_dim3A_3 : vector<16xi1>, vector<16xi32>
      %add3A_1867 = arith.addi %add3A_1857, %select_n3A_1866 : vector<16xi32>
      %mul3A_1868 = arith.constant 80 : i32
      %mul3A_1869 = arith.muli %scan3A_1837, %mul3A_1868 : i32
      %add3A_1870 = arith.constant 48 : i32
      %add3A_1871 = arith.addi %mul3A_1869, %add3A_1870 : i32
      %get3A_1872 = arith.index_cast %add3A_1871 : i32 to index
      %get3A_1873 = tpu.vector_load %arg8[%get3A_1872] {strides = array<i32>} : memref<20000xi32, #tpu.memory_space<vmem>>, vector<16xi32>,
      %get3A_1874 = vector.shape_cast %get3A_1873 : vector<16xi32> to vector<16xi32>
      %ge3A_1875 = arith.cmpi sge, %get3A_1874, %or3A_880 : vector<16xi32>
      %select_n3A_1876 = arith.select %ge3A_1875, %broadcast_in_dim3A_1, %broadcast_in_dim3A_3 : vector<16xi1>, vector<16xi32>
      %add3A_1877 = arith.addi %add3A_1867, %select_n3A_1876 : vector<16xi32>
      %mul3A_1878 = arith.constant 80 : i32
      %mul3A_1879 = arith.muli %scan3A_1837, %mul3A_1878 : i32
      %add3A_1880 = arith.constant 64 : i32
      %add3A_1881 = arith.addi %mul3A_1879, %add3A_1880 : i32
      %get3A_1882 = arith.index_cast %add3A_1881 : i32 to index
      %get3A_1883 = tpu.vector_load %arg8[%get3A_1882] {strides = array<i32>} : memref<20000xi32, #tpu.memory_space<vmem>>, vector<16xi32>,
      %get3A_1884 = vector.shape_cast %get3A_1883 : vector<16xi32> to vector<16xi32>
      %ge3A_1885 = arith.cmpi sge, %get3A_1884, %or3A_880 : vector<16xi32>
      %select_n3A_1886 = arith.select %ge3A_1885, %broadcast_in_dim3A_1, %broadcast_in_dim3A_3 : vector<16xi1>, vector<16xi32>
      %add3A_1887 = arith.addi %add3A_1877, %select_n3A_1886 : vector<16xi32>
      scf.yield %add3A_1887 : vector<16xi32>
    }
    %scan3A_886 = arith.constant 250 : i32
    %iota3A_887 = tpu.iota {dimensions = array<i32: 0>} : vector<16xi32>
    %add3A_888 = arith.constant 1 : i32
    %add3A_889 = vector.broadcast %add3A_888 : i32 to vector<16xi32>
    %add3A_890 = arith.addi %iota3A_887, %add3A_889 : vector<16xi32>
    %and3A_891 = arith.constant 15 : i32
    %and3A_892 = vector.broadcast %and3A_891 : i32 to vector<16xi32>
    %and3A_893 = arith.andi %add3A_890, %and3A_892 : vector<16xi32>
    %broadcast_in_dim3A_894 = vector.shape_cast %and3A_893 : vector<16xi32> to vector<16x1xi32>
    %gather3A_895 = vector.shape_cast %broadcast_in_dim3A_894 : vector<16x1xi32> to vector<16xi32>
    %gather3A_896 = tpu.dynamic_gather %scan3A_885[%gather3A_895] in [0] : vector<16xi32>, vector<16xi32> -> vector<16xi32>
    %add3A_897 = arith.addi %scan3A_885, %gather3A_896 : vector<16xi32>
    %iota3A_898 = tpu.iota {dimensions = array<i32: 0>} : vector<16xi32>
    %add3A_899 = arith.constant 2 : i32
    %add3A_900 = vector.broadcast %add3A_899 : i32 to vector<16xi32>
    %add3A_901 = arith.addi %iota3A_898, %add3A_900 : vector<16xi32>
    %and3A_902 = arith.constant 15 : i32
    %and3A_903 = vector.broadcast %and3A_902 : i32 to vector<16xi32>
    %and3A_904 = arith.andi %add3A_901, %and3A_903 : vector<16xi32>
    %broadcast_in_dim3A_905 = vector.shape_cast %and3A_904 : vector<16xi32> to vector<16x1xi32>
    %gather3A_906 = vector.shape_cast %broadcast_in_dim3A_905 : vector<16x1xi32> to vector<16xi32>
    %gather3A_907 = tpu.dynamic_gather %add3A_897[%gather3A_906] in [0] : vector<16xi32>, vector<16xi32> -> vector<16xi32>
    %add3A_908 = arith.addi %add3A_897, %gather3A_907 : vector<16xi32>
    %iota3A_909 = tpu.iota {dimensions = array<i32: 0>} : vector<16xi32>
    %add3A_910 = arith.constant 4 : i32
    %add3A_911 = vector.broadcast %add3A_910 : i32 to vector<16xi32>
    %add3A_912 = arith.addi %iota3A_909, %add3A_911 : vector<16xi32>
    %and3A_913 = arith.constant 15 : i32
    %and3A_914 = vector.broadcast %and3A_913 : i32 to vector<16xi32>
    %and3A_915 = arith.andi %add3A_912, %and3A_914 : vector<16xi32>
    %broadcast_in_dim3A_916 = vector.shape_cast %and3A_915 : vector<16xi32> to vector<16x1xi32>
    %gather3A_917 = vector.shape_cast %broadcast_in_dim3A_916 : vector<16x1xi32> to vector<16xi32>
    %gather3A_918 = tpu.dynamic_gather %add3A_908[%gather3A_917] in [0] : vector<16xi32>, vector<16xi32> -> vector<16xi32>
    %add3A_919 = arith.addi %add3A_908, %gather3A_918 : vector<16xi32>
    %iota3A_920 = tpu.iota {dimensions = array<i32: 0>} : vector<16xi32>
    %add3A_921 = arith.constant 8 : i32
    %add3A_922 = vector.broadcast %add3A_921 : i32 to vector<16xi32>
    %add3A_923 = arith.addi %iota3A_920, %add3A_922 : vector<16xi32>
    %and3A_924 = arith.constant 15 : i32
    %and3A_925 = vector.broadcast %and3A_924 : i32 to vector<16xi32>
    %and3A_926 = arith.andi %add3A_923, %and3A_925 : vector<16xi32>
    %broadcast_in_dim3A_927 = vector.shape_cast %and3A_926 : vector<16xi32> to vector<16x1xi32>
    %gather3A_928 = vector.shape_cast %broadcast_in_dim3A_927 : vector<16x1xi32> to vector<16xi32>
    %gather3A_929 = tpu.dynamic_gather %add3A_919[%gather3A_928] in [0] : vector<16xi32>, vector<16xi32> -> vector<16xi32>
    %add3A_930 = arith.addi %add3A_919, %gather3A_929 : vector<16xi32>
    %ge3A_931 = arith.cmpi sge, %add3A_930, %min3A_55 : vector<16xi32>
    %select_n3A_932 = arith.select %ge3A_931, %or3A_880, %select_n3A_877 : vector<16xi1>, vector<16xi32>
    %or3A_933 = arith.constant 16384 : i32
    %or3A_934 = vector.broadcast %or3A_933 : i32 to vector<16xi32>
    %or3A_935 = arith.ori %select_n3A_932, %or3A_934 : vector<16xi32>
    %scan3A_936 = arith.constant 0 : i32
    %scan3A_937 = arith.constant 250 : i32
    %scan3A_938 = arith.addi %scan3A_936, %scan3A_937 : i32
    %scan3A_939 = arith.constant 1 : i32
    %scan3A_940 = scf.for %scan3A_1837 = %scan3A_936 to %scan3A_938 step %scan3A_939 iter_args(%scan3A_1838 = %broadcast_in_dim3A_3) -> (vector<16xi32>)  : i32 {
      %mul3A_1839 = arith.constant 80 : i32
      %mul3A_1840 = arith.muli %scan3A_1837, %mul3A_1839 : i32
      %add3A_1841 = arith.constant 0 : i32
      %add3A_1842 = arith.addi %mul3A_1840, %add3A_1841 : i32
      %get3A = arith.index_cast %add3A_1842 : i32 to index
      %get3A_1843 = tpu.vector_load %arg8[%get3A] {strides = array<i32>} : memref<20000xi32, #tpu.memory_space<vmem>>, vector<16xi32>,
      %get3A_1844 = vector.shape_cast %get3A_1843 : vector<16xi32> to vector<16xi32>
      %ge3A_1845 = arith.cmpi sge, %get3A_1844, %or3A_935 : vector<16xi32>
      %select_n3A_1846 = arith.select %ge3A_1845, %broadcast_in_dim3A_1, %broadcast_in_dim3A_3 : vector<16xi1>, vector<16xi32>
      %add3A_1847 = arith.addi %scan3A_1838, %select_n3A_1846 : vector<16xi32>
      %mul3A_1848 = arith.constant 80 : i32
      %mul3A_1849 = arith.muli %scan3A_1837, %mul3A_1848 : i32
      %add3A_1850 = arith.constant 16 : i32
      %add3A_1851 = arith.addi %mul3A_1849, %add3A_1850 : i32
      %get3A_1852 = arith.index_cast %add3A_1851 : i32 to index
      %get3A_1853 = tpu.vector_load %arg8[%get3A_1852] {strides = array<i32>} : memref<20000xi32, #tpu.memory_space<vmem>>, vector<16xi32>,
      %get3A_1854 = vector.shape_cast %get3A_1853 : vector<16xi32> to vector<16xi32>
      %ge3A_1855 = arith.cmpi sge, %get3A_1854, %or3A_935 : vector<16xi32>
      %select_n3A_1856 = arith.select %ge3A_1855, %broadcast_in_dim3A_1, %broadcast_in_dim3A_3 : vector<16xi1>, vector<16xi32>
      %add3A_1857 = arith.addi %add3A_1847, %select_n3A_1856 : vector<16xi32>
      %mul3A_1858 = arith.constant 80 : i32
      %mul3A_1859 = arith.muli %scan3A_1837, %mul3A_1858 : i32
      %add3A_1860 = arith.constant 32 : i32
      %add3A_1861 = arith.addi %mul3A_1859, %add3A_1860 : i32
      %get3A_1862 = arith.index_cast %add3A_1861 : i32 to index
      %get3A_1863 = tpu.vector_load %arg8[%get3A_1862] {strides = array<i32>} : memref<20000xi32, #tpu.memory_space<vmem>>, vector<16xi32>,
      %get3A_1864 = vector.shape_cast %get3A_1863 : vector<16xi32> to vector<16xi32>
      %ge3A_1865 = arith.cmpi sge, %get3A_1864, %or3A_935 : vector<16xi32>
      %select_n3A_1866 = arith.select %ge3A_1865, %broadcast_in_dim3A_1, %broadcast_in_dim3A_3 : vector<16xi1>, vector<16xi32>
      %add3A_1867 = arith.addi %add3A_1857, %select_n3A_1866 : vector<16xi32>
      %mul3A_1868 = arith.constant 80 : i32
      %mul3A_1869 = arith.muli %scan3A_1837, %mul3A_1868 : i32
      %add3A_1870 = arith.constant 48 : i32
      %add3A_1871 = arith.addi %mul3A_1869, %add3A_1870 : i32
      %get3A_1872 = arith.index_cast %add3A_1871 : i32 to index
      %get3A_1873 = tpu.vector_load %arg8[%get3A_1872] {strides = array<i32>} : memref<20000xi32, #tpu.memory_space<vmem>>, vector<16xi32>,
      %get3A_1874 = vector.shape_cast %get3A_1873 : vector<16xi32> to vector<16xi32>
      %ge3A_1875 = arith.cmpi sge, %get3A_1874, %or3A_935 : vector<16xi32>
      %select_n3A_1876 = arith.select %ge3A_1875, %broadcast_in_dim3A_1, %broadcast_in_dim3A_3 : vector<16xi1>, vector<16xi32>
      %add3A_1877 = arith.addi %add3A_1867, %select_n3A_1876 : vector<16xi32>
      %mul3A_1878 = arith.constant 80 : i32
      %mul3A_1879 = arith.muli %scan3A_1837, %mul3A_1878 : i32
      %add3A_1880 = arith.constant 64 : i32
      %add3A_1881 = arith.addi %mul3A_1879, %add3A_1880 : i32
      %get3A_1882 = arith.index_cast %add3A_1881 : i32 to index
      %get3A_1883 = tpu.vector_load %arg8[%get3A_1882] {strides = array<i32>} : memref<20000xi32, #tpu.memory_space<vmem>>, vector<16xi32>,
      %get3A_1884 = vector.shape_cast %get3A_1883 : vector<16xi32> to vector<16xi32>
      %ge3A_1885 = arith.cmpi sge, %get3A_1884, %or3A_935 : vector<16xi32>
      %select_n3A_1886 = arith.select %ge3A_1885, %broadcast_in_dim3A_1, %broadcast_in_dim3A_3 : vector<16xi1>, vector<16xi32>
      %add3A_1887 = arith.addi %add3A_1877, %select_n3A_1886 : vector<16xi32>
      scf.yield %add3A_1887 : vector<16xi32>
    }
    %scan3A_941 = arith.constant 250 : i32
    %iota3A_942 = tpu.iota {dimensions = array<i32: 0>} : vector<16xi32>
    %add3A_943 = arith.constant 1 : i32
    %add3A_944 = vector.broadcast %add3A_943 : i32 to vector<16xi32>
    %add3A_945 = arith.addi %iota3A_942, %add3A_944 : vector<16xi32>
    %and3A_946 = arith.constant 15 : i32
    %and3A_947 = vector.broadcast %and3A_946 : i32 to vector<16xi32>
    %and3A_948 = arith.andi %add3A_945, %and3A_947 : vector<16xi32>
    %broadcast_in_dim3A_949 = vector.shape_cast %and3A_948 : vector<16xi32> to vector<16x1xi32>
    %gather3A_950 = vector.shape_cast %broadcast_in_dim3A_949 : vector<16x1xi32> to vector<16xi32>
    %gather3A_951 = tpu.dynamic_gather %scan3A_940[%gather3A_950] in [0] : vector<16xi32>, vector<16xi32> -> vector<16xi32>
    %add3A_952 = arith.addi %scan3A_940, %gather3A_951 : vector<16xi32>
    %iota3A_953 = tpu.iota {dimensions = array<i32: 0>} : vector<16xi32>
    %add3A_954 = arith.constant 2 : i32
    %add3A_955 = vector.broadcast %add3A_954 : i32 to vector<16xi32>
    %add3A_956 = arith.addi %iota3A_953, %add3A_955 : vector<16xi32>
    %and3A_957 = arith.constant 15 : i32
    %and3A_958 = vector.broadcast %and3A_957 : i32 to vector<16xi32>
    %and3A_959 = arith.andi %add3A_956, %and3A_958 : vector<16xi32>
    %broadcast_in_dim3A_960 = vector.shape_cast %and3A_959 : vector<16xi32> to vector<16x1xi32>
    %gather3A_961 = vector.shape_cast %broadcast_in_dim3A_960 : vector<16x1xi32> to vector<16xi32>
    %gather3A_962 = tpu.dynamic_gather %add3A_952[%gather3A_961] in [0] : vector<16xi32>, vector<16xi32> -> vector<16xi32>
    %add3A_963 = arith.addi %add3A_952, %gather3A_962 : vector<16xi32>
    %iota3A_964 = tpu.iota {dimensions = array<i32: 0>} : vector<16xi32>
    %add3A_965 = arith.constant 4 : i32
    %add3A_966 = vector.broadcast %add3A_965 : i32 to vector<16xi32>
    %add3A_967 = arith.addi %iota3A_964, %add3A_966 : vector<16xi32>
    %and3A_968 = arith.constant 15 : i32
    %and3A_969 = vector.broadcast %and3A_968 : i32 to vector<16xi32>
    %and3A_970 = arith.andi %add3A_967, %and3A_969 : vector<16xi32>
    %broadcast_in_dim3A_971 = vector.shape_cast %and3A_970 : vector<16xi32> to vector<16x1xi32>
    %gather3A_972 = vector.shape_cast %broadcast_in_dim3A_971 : vector<16x1xi32> to vector<16xi32>
    %gather3A_973 = tpu.dynamic_gather %add3A_963[%gather3A_972] in [0] : vector<16xi32>, vector<16xi32> -> vector<16xi32>
    %add3A_974 = arith.addi %add3A_963, %gather3A_973 : vector<16xi32>
    %iota3A_975 = tpu.iota {dimensions = array<i32: 0>} : vector<16xi32>
    %add3A_976 = arith.constant 8 : i32
    %add3A_977 = vector.broadcast %add3A_976 : i32 to vector<16xi32>
    %add3A_978 = arith.addi %iota3A_975, %add3A_977 : vector<16xi32>
    %and3A_979 = arith.constant 15 : i32
    %and3A_980 = vector.broadcast %and3A_979 : i32 to vector<16xi32>
    %and3A_981 = arith.andi %add3A_978, %and3A_980 : vector<16xi32>
    %broadcast_in_dim3A_982 = vector.shape_cast %and3A_981 : vector<16xi32> to vector<16x1xi32>
    %gather3A_983 = vector.shape_cast %broadcast_in_dim3A_982 : vector<16x1xi32> to vector<16xi32>
    %gather3A_984 = tpu.dynamic_gather %add3A_974[%gather3A_983] in [0] : vector<16xi32>, vector<16xi32> -> vector<16xi32>
    %add3A_985 = arith.addi %add3A_974, %gather3A_984 : vector<16xi32>
    %ge3A_986 = arith.cmpi sge, %add3A_985, %min3A_55 : vector<16xi32>
    %select_n3A_987 = arith.select %ge3A_986, %or3A_935, %select_n3A_932 : vector<16xi1>, vector<16xi32>
    %or3A_988 = arith.constant 8192 : i32
    %or3A_989 = vector.broadcast %or3A_988 : i32 to vector<16xi32>
    %or3A_990 = arith.ori %select_n3A_987, %or3A_989 : vector<16xi32>
    %scan3A_991 = arith.constant 0 : i32
    %scan3A_992 = arith.constant 250 : i32
    %scan3A_993 = arith.addi %scan3A_991, %scan3A_992 : i32
    %scan3A_994 = arith.constant 1 : i32
    %scan3A_995 = scf.for %scan3A_1837 = %scan3A_991 to %scan3A_993 step %scan3A_994 iter_args(%scan3A_1838 = %broadcast_in_dim3A_3) -> (vector<16xi32>)  : i32 {
      %mul3A_1839 = arith.constant 80 : i32
      %mul3A_1840 = arith.muli %scan3A_1837, %mul3A_1839 : i32
      %add3A_1841 = arith.constant 0 : i32
      %add3A_1842 = arith.addi %mul3A_1840, %add3A_1841 : i32
      %get3A = arith.index_cast %add3A_1842 : i32 to index
      %get3A_1843 = tpu.vector_load %arg8[%get3A] {strides = array<i32>} : memref<20000xi32, #tpu.memory_space<vmem>>, vector<16xi32>,
      %get3A_1844 = vector.shape_cast %get3A_1843 : vector<16xi32> to vector<16xi32>
      %ge3A_1845 = arith.cmpi sge, %get3A_1844, %or3A_990 : vector<16xi32>
      %select_n3A_1846 = arith.select %ge3A_1845, %broadcast_in_dim3A_1, %broadcast_in_dim3A_3 : vector<16xi1>, vector<16xi32>
      %add3A_1847 = arith.addi %scan3A_1838, %select_n3A_1846 : vector<16xi32>
      %mul3A_1848 = arith.constant 80 : i32
      %mul3A_1849 = arith.muli %scan3A_1837, %mul3A_1848 : i32
      %add3A_1850 = arith.constant 16 : i32
      %add3A_1851 = arith.addi %mul3A_1849, %add3A_1850 : i32
      %get3A_1852 = arith.index_cast %add3A_1851 : i32 to index
      %get3A_1853 = tpu.vector_load %arg8[%get3A_1852] {strides = array<i32>} : memref<20000xi32, #tpu.memory_space<vmem>>, vector<16xi32>,
      %get3A_1854 = vector.shape_cast %get3A_1853 : vector<16xi32> to vector<16xi32>
      %ge3A_1855 = arith.cmpi sge, %get3A_1854, %or3A_990 : vector<16xi32>
      %select_n3A_1856 = arith.select %ge3A_1855, %broadcast_in_dim3A_1, %broadcast_in_dim3A_3 : vector<16xi1>, vector<16xi32>
      %add3A_1857 = arith.addi %add3A_1847, %select_n3A_1856 : vector<16xi32>
      %mul3A_1858 = arith.constant 80 : i32
      %mul3A_1859 = arith.muli %scan3A_1837, %mul3A_1858 : i32
      %add3A_1860 = arith.constant 32 : i32
      %add3A_1861 = arith.addi %mul3A_1859, %add3A_1860 : i32
      %get3A_1862 = arith.index_cast %add3A_1861 : i32 to index
      %get3A_1863 = tpu.vector_load %arg8[%get3A_1862] {strides = array<i32>} : memref<20000xi32, #tpu.memory_space<vmem>>, vector<16xi32>,
      %get3A_1864 = vector.shape_cast %get3A_1863 : vector<16xi32> to vector<16xi32>
      %ge3A_1865 = arith.cmpi sge, %get3A_1864, %or3A_990 : vector<16xi32>
      %select_n3A_1866 = arith.select %ge3A_1865, %broadcast_in_dim3A_1, %broadcast_in_dim3A_3 : vector<16xi1>, vector<16xi32>
      %add3A_1867 = arith.addi %add3A_1857, %select_n3A_1866 : vector<16xi32>
      %mul3A_1868 = arith.constant 80 : i32
      %mul3A_1869 = arith.muli %scan3A_1837, %mul3A_1868 : i32
      %add3A_1870 = arith.constant 48 : i32
      %add3A_1871 = arith.addi %mul3A_1869, %add3A_1870 : i32
      %get3A_1872 = arith.index_cast %add3A_1871 : i32 to index
      %get3A_1873 = tpu.vector_load %arg8[%get3A_1872] {strides = array<i32>} : memref<20000xi32, #tpu.memory_space<vmem>>, vector<16xi32>,
      %get3A_1874 = vector.shape_cast %get3A_1873 : vector<16xi32> to vector<16xi32>
      %ge3A_1875 = arith.cmpi sge, %get3A_1874, %or3A_990 : vector<16xi32>
      %select_n3A_1876 = arith.select %ge3A_1875, %broadcast_in_dim3A_1, %broadcast_in_dim3A_3 : vector<16xi1>, vector<16xi32>
      %add3A_1877 = arith.addi %add3A_1867, %select_n3A_1876 : vector<16xi32>
      %mul3A_1878 = arith.constant 80 : i32
      %mul3A_1879 = arith.muli %scan3A_1837, %mul3A_1878 : i32
      %add3A_1880 = arith.constant 64 : i32
      %add3A_1881 = arith.addi %mul3A_1879, %add3A_1880 : i32
      %get3A_1882 = arith.index_cast %add3A_1881 : i32 to index
      %get3A_1883 = tpu.vector_load %arg8[%get3A_1882] {strides = array<i32>} : memref<20000xi32, #tpu.memory_space<vmem>>, vector<16xi32>,
      %get3A_1884 = vector.shape_cast %get3A_1883 : vector<16xi32> to vector<16xi32>
      %ge3A_1885 = arith.cmpi sge, %get3A_1884, %or3A_990 : vector<16xi32>
      %select_n3A_1886 = arith.select %ge3A_1885, %broadcast_in_dim3A_1, %broadcast_in_dim3A_3 : vector<16xi1>, vector<16xi32>
      %add3A_1887 = arith.addi %add3A_1877, %select_n3A_1886 : vector<16xi32>
      scf.yield %add3A_1887 : vector<16xi32>
    }
    %scan3A_996 = arith.constant 250 : i32
    %iota3A_997 = tpu.iota {dimensions = array<i32: 0>} : vector<16xi32>
    %add3A_998 = arith.constant 1 : i32
    %add3A_999 = vector.broadcast %add3A_998 : i32 to vector<16xi32>
    %add3A_1000 = arith.addi %iota3A_997, %add3A_999 : vector<16xi32>
    %and3A_1001 = arith.constant 15 : i32
    %and3A_1002 = vector.broadcast %and3A_1001 : i32 to vector<16xi32>
    %and3A_1003 = arith.andi %add3A_1000, %and3A_1002 : vector<16xi32>
    %broadcast_in_dim3A_1004 = vector.shape_cast %and3A_1003 : vector<16xi32> to vector<16x1xi32>
    %gather3A_1005 = vector.shape_cast %broadcast_in_dim3A_1004 : vector<16x1xi32> to vector<16xi32>
    %gather3A_1006 = tpu.dynamic_gather %scan3A_995[%gather3A_1005] in [0] : vector<16xi32>, vector<16xi32> -> vector<16xi32>
    %add3A_1007 = arith.addi %scan3A_995, %gather3A_1006 : vector<16xi32>
    %iota3A_1008 = tpu.iota {dimensions = array<i32: 0>} : vector<16xi32>
    %add3A_1009 = arith.constant 2 : i32
    %add3A_1010 = vector.broadcast %add3A_1009 : i32 to vector<16xi32>
    %add3A_1011 = arith.addi %iota3A_1008, %add3A_1010 : vector<16xi32>
    %and3A_1012 = arith.constant 15 : i32
    %and3A_1013 = vector.broadcast %and3A_1012 : i32 to vector<16xi32>
    %and3A_1014 = arith.andi %add3A_1011, %and3A_1013 : vector<16xi32>
    %broadcast_in_dim3A_1015 = vector.shape_cast %and3A_1014 : vector<16xi32> to vector<16x1xi32>
    %gather3A_1016 = vector.shape_cast %broadcast_in_dim3A_1015 : vector<16x1xi32> to vector<16xi32>
    %gather3A_1017 = tpu.dynamic_gather %add3A_1007[%gather3A_1016] in [0] : vector<16xi32>, vector<16xi32> -> vector<16xi32>
    %add3A_1018 = arith.addi %add3A_1007, %gather3A_1017 : vector<16xi32>
    %iota3A_1019 = tpu.iota {dimensions = array<i32: 0>} : vector<16xi32>
    %add3A_1020 = arith.constant 4 : i32
    %add3A_1021 = vector.broadcast %add3A_1020 : i32 to vector<16xi32>
    %add3A_1022 = arith.addi %iota3A_1019, %add3A_1021 : vector<16xi32>
    %and3A_1023 = arith.constant 15 : i32
    %and3A_1024 = vector.broadcast %and3A_1023 : i32 to vector<16xi32>
    %and3A_1025 = arith.andi %add3A_1022, %and3A_1024 : vector<16xi32>
    %broadcast_in_dim3A_1026 = vector.shape_cast %and3A_1025 : vector<16xi32> to vector<16x1xi32>
    %gather3A_1027 = vector.shape_cast %broadcast_in_dim3A_1026 : vector<16x1xi32> to vector<16xi32>
    %gather3A_1028 = tpu.dynamic_gather %add3A_1018[%gather3A_1027] in [0] : vector<16xi32>, vector<16xi32> -> vector<16xi32>
    %add3A_1029 = arith.addi %add3A_1018, %gather3A_1028 : vector<16xi32>
    %iota3A_1030 = tpu.iota {dimensions = array<i32: 0>} : vector<16xi32>
    %add3A_1031 = arith.constant 8 : i32
    %add3A_1032 = vector.broadcast %add3A_1031 : i32 to vector<16xi32>
    %add3A_1033 = arith.addi %iota3A_1030, %add3A_1032 : vector<16xi32>
    %and3A_1034 = arith.constant 15 : i32
    %and3A_1035 = vector.broadcast %and3A_1034 : i32 to vector<16xi32>
    %and3A_1036 = arith.andi %add3A_1033, %and3A_1035 : vector<16xi32>
    %broadcast_in_dim3A_1037 = vector.shape_cast %and3A_1036 : vector<16xi32> to vector<16x1xi32>
    %gather3A_1038 = vector.shape_cast %broadcast_in_dim3A_1037 : vector<16x1xi32> to vector<16xi32>
    %gather3A_1039 = tpu.dynamic_gather %add3A_1029[%gather3A_1038] in [0] : vector<16xi32>, vector<16xi32> -> vector<16xi32>
    %add3A_1040 = arith.addi %add3A_1029, %gather3A_1039 : vector<16xi32>
    %ge3A_1041 = arith.cmpi sge, %add3A_1040, %min3A_55 : vector<16xi32>
    %select_n3A_1042 = arith.select %ge3A_1041, %or3A_990, %select_n3A_987 : vector<16xi1>, vector<16xi32>
    %or3A_1043 = arith.constant 4096 : i32
    %or3A_1044 = vector.broadcast %or3A_1043 : i32 to vector<16xi32>
    %or3A_1045 = arith.ori %select_n3A_1042, %or3A_1044 : vector<16xi32>
    %scan3A_1046 = arith.constant 0 : i32
    %scan3A_1047 = arith.constant 250 : i32
    %scan3A_1048 = arith.addi %scan3A_1046, %scan3A_1047 : i32
    %scan3A_1049 = arith.constant 1 : i32
    %scan3A_1050 = scf.for %scan3A_1837 = %scan3A_1046 to %scan3A_1048 step %scan3A_1049 iter_args(%scan3A_1838 = %broadcast_in_dim3A_3) -> (vector<16xi32>)  : i32 {
      %mul3A_1839 = arith.constant 80 : i32
      %mul3A_1840 = arith.muli %scan3A_1837, %mul3A_1839 : i32
      %add3A_1841 = arith.constant 0 : i32
      %add3A_1842 = arith.addi %mul3A_1840, %add3A_1841 : i32
      %get3A = arith.index_cast %add3A_1842 : i32 to index
      %get3A_1843 = tpu.vector_load %arg8[%get3A] {strides = array<i32>} : memref<20000xi32, #tpu.memory_space<vmem>>, vector<16xi32>,
      %get3A_1844 = vector.shape_cast %get3A_1843 : vector<16xi32> to vector<16xi32>
      %ge3A_1845 = arith.cmpi sge, %get3A_1844, %or3A_1045 : vector<16xi32>
      %select_n3A_1846 = arith.select %ge3A_1845, %broadcast_in_dim3A_1, %broadcast_in_dim3A_3 : vector<16xi1>, vector<16xi32>
      %add3A_1847 = arith.addi %scan3A_1838, %select_n3A_1846 : vector<16xi32>
      %mul3A_1848 = arith.constant 80 : i32
      %mul3A_1849 = arith.muli %scan3A_1837, %mul3A_1848 : i32
      %add3A_1850 = arith.constant 16 : i32
      %add3A_1851 = arith.addi %mul3A_1849, %add3A_1850 : i32
      %get3A_1852 = arith.index_cast %add3A_1851 : i32 to index
      %get3A_1853 = tpu.vector_load %arg8[%get3A_1852] {strides = array<i32>} : memref<20000xi32, #tpu.memory_space<vmem>>, vector<16xi32>,
      %get3A_1854 = vector.shape_cast %get3A_1853 : vector<16xi32> to vector<16xi32>
      %ge3A_1855 = arith.cmpi sge, %get3A_1854, %or3A_1045 : vector<16xi32>
      %select_n3A_1856 = arith.select %ge3A_1855, %broadcast_in_dim3A_1, %broadcast_in_dim3A_3 : vector<16xi1>, vector<16xi32>
      %add3A_1857 = arith.addi %add3A_1847, %select_n3A_1856 : vector<16xi32>
      %mul3A_1858 = arith.constant 80 : i32
      %mul3A_1859 = arith.muli %scan3A_1837, %mul3A_1858 : i32
      %add3A_1860 = arith.constant 32 : i32
      %add3A_1861 = arith.addi %mul3A_1859, %add3A_1860 : i32
      %get3A_1862 = arith.index_cast %add3A_1861 : i32 to index
      %get3A_1863 = tpu.vector_load %arg8[%get3A_1862] {strides = array<i32>} : memref<20000xi32, #tpu.memory_space<vmem>>, vector<16xi32>,
      %get3A_1864 = vector.shape_cast %get3A_1863 : vector<16xi32> to vector<16xi32>
      %ge3A_1865 = arith.cmpi sge, %get3A_1864, %or3A_1045 : vector<16xi32>
      %select_n3A_1866 = arith.select %ge3A_1865, %broadcast_in_dim3A_1, %broadcast_in_dim3A_3 : vector<16xi1>, vector<16xi32>
      %add3A_1867 = arith.addi %add3A_1857, %select_n3A_1866 : vector<16xi32>
      %mul3A_1868 = arith.constant 80 : i32
      %mul3A_1869 = arith.muli %scan3A_1837, %mul3A_1868 : i32
      %add3A_1870 = arith.constant 48 : i32
      %add3A_1871 = arith.addi %mul3A_1869, %add3A_1870 : i32
      %get3A_1872 = arith.index_cast %add3A_1871 : i32 to index
      %get3A_1873 = tpu.vector_load %arg8[%get3A_1872] {strides = array<i32>} : memref<20000xi32, #tpu.memory_space<vmem>>, vector<16xi32>,
      %get3A_1874 = vector.shape_cast %get3A_1873 : vector<16xi32> to vector<16xi32>
      %ge3A_1875 = arith.cmpi sge, %get3A_1874, %or3A_1045 : vector<16xi32>
      %select_n3A_1876 = arith.select %ge3A_1875, %broadcast_in_dim3A_1, %broadcast_in_dim3A_3 : vector<16xi1>, vector<16xi32>
      %add3A_1877 = arith.addi %add3A_1867, %select_n3A_1876 : vector<16xi32>
      %mul3A_1878 = arith.constant 80 : i32
      %mul3A_1879 = arith.muli %scan3A_1837, %mul3A_1878 : i32
      %add3A_1880 = arith.constant 64 : i32
      %add3A_1881 = arith.addi %mul3A_1879, %add3A_1880 : i32
      %get3A_1882 = arith.index_cast %add3A_1881 : i32 to index
      %get3A_1883 = tpu.vector_load %arg8[%get3A_1882] {strides = array<i32>} : memref<20000xi32, #tpu.memory_space<vmem>>, vector<16xi32>,
      %get3A_1884 = vector.shape_cast %get3A_1883 : vector<16xi32> to vector<16xi32>
      %ge3A_1885 = arith.cmpi sge, %get3A_1884, %or3A_1045 : vector<16xi32>
      %select_n3A_1886 = arith.select %ge3A_1885, %broadcast_in_dim3A_1, %broadcast_in_dim3A_3 : vector<16xi1>, vector<16xi32>
      %add3A_1887 = arith.addi %add3A_1877, %select_n3A_1886 : vector<16xi32>
      scf.yield %add3A_1887 : vector<16xi32>
    }
    %scan3A_1051 = arith.constant 250 : i32
    %iota3A_1052 = tpu.iota {dimensions = array<i32: 0>} : vector<16xi32>
    %add3A_1053 = arith.constant 1 : i32
    %add3A_1054 = vector.broadcast %add3A_1053 : i32 to vector<16xi32>
    %add3A_1055 = arith.addi %iota3A_1052, %add3A_1054 : vector<16xi32>
    %and3A_1056 = arith.constant 15 : i32
    %and3A_1057 = vector.broadcast %and3A_1056 : i32 to vector<16xi32>
    %and3A_1058 = arith.andi %add3A_1055, %and3A_1057 : vector<16xi32>
    %broadcast_in_dim3A_1059 = vector.shape_cast %and3A_1058 : vector<16xi32> to vector<16x1xi32>
    %gather3A_1060 = vector.shape_cast %broadcast_in_dim3A_1059 : vector<16x1xi32> to vector<16xi32>
    %gather3A_1061 = tpu.dynamic_gather %scan3A_1050[%gather3A_1060] in [0] : vector<16xi32>, vector<16xi32> -> vector<16xi32>
    %add3A_1062 = arith.addi %scan3A_1050, %gather3A_1061 : vector<16xi32>
    %iota3A_1063 = tpu.iota {dimensions = array<i32: 0>} : vector<16xi32>
    %add3A_1064 = arith.constant 2 : i32
    %add3A_1065 = vector.broadcast %add3A_1064 : i32 to vector<16xi32>
    %add3A_1066 = arith.addi %iota3A_1063, %add3A_1065 : vector<16xi32>
    %and3A_1067 = arith.constant 15 : i32
    %and3A_1068 = vector.broadcast %and3A_1067 : i32 to vector<16xi32>
    %and3A_1069 = arith.andi %add3A_1066, %and3A_1068 : vector<16xi32>
    %broadcast_in_dim3A_1070 = vector.shape_cast %and3A_1069 : vector<16xi32> to vector<16x1xi32>
    %gather3A_1071 = vector.shape_cast %broadcast_in_dim3A_1070 : vector<16x1xi32> to vector<16xi32>
    %gather3A_1072 = tpu.dynamic_gather %add3A_1062[%gather3A_1071] in [0] : vector<16xi32>, vector<16xi32> -> vector<16xi32>
    %add3A_1073 = arith.addi %add3A_1062, %gather3A_1072 : vector<16xi32>
    %iota3A_1074 = tpu.iota {dimensions = array<i32: 0>} : vector<16xi32>
    %add3A_1075 = arith.constant 4 : i32
    %add3A_1076 = vector.broadcast %add3A_1075 : i32 to vector<16xi32>
    %add3A_1077 = arith.addi %iota3A_1074, %add3A_1076 : vector<16xi32>
    %and3A_1078 = arith.constant 15 : i32
    %and3A_1079 = vector.broadcast %and3A_1078 : i32 to vector<16xi32>
    %and3A_1080 = arith.andi %add3A_1077, %and3A_1079 : vector<16xi32>
    %broadcast_in_dim3A_1081 = vector.shape_cast %and3A_1080 : vector<16xi32> to vector<16x1xi32>
    %gather3A_1082 = vector.shape_cast %broadcast_in_dim3A_1081 : vector<16x1xi32> to vector<16xi32>
    %gather3A_1083 = tpu.dynamic_gather %add3A_1073[%gather3A_1082] in [0] : vector<16xi32>, vector<16xi32> -> vector<16xi32>
    %add3A_1084 = arith.addi %add3A_1073, %gather3A_1083 : vector<16xi32>
    %iota3A_1085 = tpu.iota {dimensions = array<i32: 0>} : vector<16xi32>
    %add3A_1086 = arith.constant 8 : i32
    %add3A_1087 = vector.broadcast %add3A_1086 : i32 to vector<16xi32>
    %add3A_1088 = arith.addi %iota3A_1085, %add3A_1087 : vector<16xi32>
    %and3A_1089 = arith.constant 15 : i32
    %and3A_1090 = vector.broadcast %and3A_1089 : i32 to vector<16xi32>
    %and3A_1091 = arith.andi %add3A_1088, %and3A_1090 : vector<16xi32>
    %broadcast_in_dim3A_1092 = vector.shape_cast %and3A_1091 : vector<16xi32> to vector<16x1xi32>
    %gather3A_1093 = vector.shape_cast %broadcast_in_dim3A_1092 : vector<16x1xi32> to vector<16xi32>
    %gather3A_1094 = tpu.dynamic_gather %add3A_1084[%gather3A_1093] in [0] : vector<16xi32>, vector<16xi32> -> vector<16xi32>
    %add3A_1095 = arith.addi %add3A_1084, %gather3A_1094 : vector<16xi32>
    %ge3A_1096 = arith.cmpi sge, %add3A_1095, %min3A_55 : vector<16xi32>
    %select_n3A_1097 = arith.select %ge3A_1096, %or3A_1045, %select_n3A_1042 : vector<16xi1>, vector<16xi32>
    %or3A_1098 = arith.constant 2048 : i32
    %or3A_1099 = vector.broadcast %or3A_1098 : i32 to vector<16xi32>
    %or3A_1100 = arith.ori %select_n3A_1097, %or3A_1099 : vector<16xi32>
    %scan3A_1101 = arith.constant 0 : i32
    %scan3A_1102 = arith.constant 250 : i32
    %scan3A_1103 = arith.addi %scan3A_1101, %scan3A_1102 : i32
    %scan3A_1104 = arith.constant 1 : i32
    %scan3A_1105 = scf.for %scan3A_1837 = %scan3A_1101 to %scan3A_1103 step %scan3A_1104 iter_args(%scan3A_1838 = %broadcast_in_dim3A_3) -> (vector<16xi32>)  : i32 {
      %mul3A_1839 = arith.constant 80 : i32
      %mul3A_1840 = arith.muli %scan3A_1837, %mul3A_1839 : i32
      %add3A_1841 = arith.constant 0 : i32
      %add3A_1842 = arith.addi %mul3A_1840, %add3A_1841 : i32
      %get3A = arith.index_cast %add3A_1842 : i32 to index
      %get3A_1843 = tpu.vector_load %arg8[%get3A] {strides = array<i32>} : memref<20000xi32, #tpu.memory_space<vmem>>, vector<16xi32>,
      %get3A_1844 = vector.shape_cast %get3A_1843 : vector<16xi32> to vector<16xi32>
      %ge3A_1845 = arith.cmpi sge, %get3A_1844, %or3A_1100 : vector<16xi32>
      %select_n3A_1846 = arith.select %ge3A_1845, %broadcast_in_dim3A_1, %broadcast_in_dim3A_3 : vector<16xi1>, vector<16xi32>
      %add3A_1847 = arith.addi %scan3A_1838, %select_n3A_1846 : vector<16xi32>
      %mul3A_1848 = arith.constant 80 : i32
      %mul3A_1849 = arith.muli %scan3A_1837, %mul3A_1848 : i32
      %add3A_1850 = arith.constant 16 : i32
      %add3A_1851 = arith.addi %mul3A_1849, %add3A_1850 : i32
      %get3A_1852 = arith.index_cast %add3A_1851 : i32 to index
      %get3A_1853 = tpu.vector_load %arg8[%get3A_1852] {strides = array<i32>} : memref<20000xi32, #tpu.memory_space<vmem>>, vector<16xi32>,
      %get3A_1854 = vector.shape_cast %get3A_1853 : vector<16xi32> to vector<16xi32>
      %ge3A_1855 = arith.cmpi sge, %get3A_1854, %or3A_1100 : vector<16xi32>
      %select_n3A_1856 = arith.select %ge3A_1855, %broadcast_in_dim3A_1, %broadcast_in_dim3A_3 : vector<16xi1>, vector<16xi32>
      %add3A_1857 = arith.addi %add3A_1847, %select_n3A_1856 : vector<16xi32>
      %mul3A_1858 = arith.constant 80 : i32
      %mul3A_1859 = arith.muli %scan3A_1837, %mul3A_1858 : i32
      %add3A_1860 = arith.constant 32 : i32
      %add3A_1861 = arith.addi %mul3A_1859, %add3A_1860 : i32
      %get3A_1862 = arith.index_cast %add3A_1861 : i32 to index
      %get3A_1863 = tpu.vector_load %arg8[%get3A_1862] {strides = array<i32>} : memref<20000xi32, #tpu.memory_space<vmem>>, vector<16xi32>,
      %get3A_1864 = vector.shape_cast %get3A_1863 : vector<16xi32> to vector<16xi32>
      %ge3A_1865 = arith.cmpi sge, %get3A_1864, %or3A_1100 : vector<16xi32>
      %select_n3A_1866 = arith.select %ge3A_1865, %broadcast_in_dim3A_1, %broadcast_in_dim3A_3 : vector<16xi1>, vector<16xi32>
      %add3A_1867 = arith.addi %add3A_1857, %select_n3A_1866 : vector<16xi32>
      %mul3A_1868 = arith.constant 80 : i32
      %mul3A_1869 = arith.muli %scan3A_1837, %mul3A_1868 : i32
      %add3A_1870 = arith.constant 48 : i32
      %add3A_1871 = arith.addi %mul3A_1869, %add3A_1870 : i32
      %get3A_1872 = arith.index_cast %add3A_1871 : i32 to index
      %get3A_1873 = tpu.vector_load %arg8[%get3A_1872] {strides = array<i32>} : memref<20000xi32, #tpu.memory_space<vmem>>, vector<16xi32>,
      %get3A_1874 = vector.shape_cast %get3A_1873 : vector<16xi32> to vector<16xi32>
      %ge3A_1875 = arith.cmpi sge, %get3A_1874, %or3A_1100 : vector<16xi32>
      %select_n3A_1876 = arith.select %ge3A_1875, %broadcast_in_dim3A_1, %broadcast_in_dim3A_3 : vector<16xi1>, vector<16xi32>
      %add3A_1877 = arith.addi %add3A_1867, %select_n3A_1876 : vector<16xi32>
      %mul3A_1878 = arith.constant 80 : i32
      %mul3A_1879 = arith.muli %scan3A_1837, %mul3A_1878 : i32
      %add3A_1880 = arith.constant 64 : i32
      %add3A_1881 = arith.addi %mul3A_1879, %add3A_1880 : i32
      %get3A_1882 = arith.index_cast %add3A_1881 : i32 to index
      %get3A_1883 = tpu.vector_load %arg8[%get3A_1882] {strides = array<i32>} : memref<20000xi32, #tpu.memory_space<vmem>>, vector<16xi32>,
      %get3A_1884 = vector.shape_cast %get3A_1883 : vector<16xi32> to vector<16xi32>
      %ge3A_1885 = arith.cmpi sge, %get3A_1884, %or3A_1100 : vector<16xi32>
      %select_n3A_1886 = arith.select %ge3A_1885, %broadcast_in_dim3A_1, %broadcast_in_dim3A_3 : vector<16xi1>, vector<16xi32>
      %add3A_1887 = arith.addi %add3A_1877, %select_n3A_1886 : vector<16xi32>
      scf.yield %add3A_1887 : vector<16xi32>
    }
    %scan3A_1106 = arith.constant 250 : i32
    %iota3A_1107 = tpu.iota {dimensions = array<i32: 0>} : vector<16xi32>
    %add3A_1108 = arith.constant 1 : i32
    %add3A_1109 = vector.broadcast %add3A_1108 : i32 to vector<16xi32>
    %add3A_1110 = arith.addi %iota3A_1107, %add3A_1109 : vector<16xi32>
    %and3A_1111 = arith.constant 15 : i32
    %and3A_1112 = vector.broadcast %and3A_1111 : i32 to vector<16xi32>
    %and3A_1113 = arith.andi %add3A_1110, %and3A_1112 : vector<16xi32>
    %broadcast_in_dim3A_1114 = vector.shape_cast %and3A_1113 : vector<16xi32> to vector<16x1xi32>
    %gather3A_1115 = vector.shape_cast %broadcast_in_dim3A_1114 : vector<16x1xi32> to vector<16xi32>
    %gather3A_1116 = tpu.dynamic_gather %scan3A_1105[%gather3A_1115] in [0] : vector<16xi32>, vector<16xi32> -> vector<16xi32>
    %add3A_1117 = arith.addi %scan3A_1105, %gather3A_1116 : vector<16xi32>
    %iota3A_1118 = tpu.iota {dimensions = array<i32: 0>} : vector<16xi32>
    %add3A_1119 = arith.constant 2 : i32
    %add3A_1120 = vector.broadcast %add3A_1119 : i32 to vector<16xi32>
    %add3A_1121 = arith.addi %iota3A_1118, %add3A_1120 : vector<16xi32>
    %and3A_1122 = arith.constant 15 : i32
    %and3A_1123 = vector.broadcast %and3A_1122 : i32 to vector<16xi32>
    %and3A_1124 = arith.andi %add3A_1121, %and3A_1123 : vector<16xi32>
    %broadcast_in_dim3A_1125 = vector.shape_cast %and3A_1124 : vector<16xi32> to vector<16x1xi32>
    %gather3A_1126 = vector.shape_cast %broadcast_in_dim3A_1125 : vector<16x1xi32> to vector<16xi32>
    %gather3A_1127 = tpu.dynamic_gather %add3A_1117[%gather3A_1126] in [0] : vector<16xi32>, vector<16xi32> -> vector<16xi32>
    %add3A_1128 = arith.addi %add3A_1117, %gather3A_1127 : vector<16xi32>
    %iota3A_1129 = tpu.iota {dimensions = array<i32: 0>} : vector<16xi32>
    %add3A_1130 = arith.constant 4 : i32
    %add3A_1131 = vector.broadcast %add3A_1130 : i32 to vector<16xi32>
    %add3A_1132 = arith.addi %iota3A_1129, %add3A_1131 : vector<16xi32>
    %and3A_1133 = arith.constant 15 : i32
    %and3A_1134 = vector.broadcast %and3A_1133 : i32 to vector<16xi32>
    %and3A_1135 = arith.andi %add3A_1132, %and3A_1134 : vector<16xi32>
    %broadcast_in_dim3A_1136 = vector.shape_cast %and3A_1135 : vector<16xi32> to vector<16x1xi32>
    %gather3A_1137 = vector.shape_cast %broadcast_in_dim3A_1136 : vector<16x1xi32> to vector<16xi32>
    %gather3A_1138 = tpu.dynamic_gather %add3A_1128[%gather3A_1137] in [0] : vector<16xi32>, vector<16xi32> -> vector<16xi32>
    %add3A_1139 = arith.addi %add3A_1128, %gather3A_1138 : vector<16xi32>
    %iota3A_1140 = tpu.iota {dimensions = array<i32: 0>} : vector<16xi32>
    %add3A_1141 = arith.constant 8 : i32
    %add3A_1142 = vector.broadcast %add3A_1141 : i32 to vector<16xi32>
    %add3A_1143 = arith.addi %iota3A_1140, %add3A_1142 : vector<16xi32>
    %and3A_1144 = arith.constant 15 : i32
    %and3A_1145 = vector.broadcast %and3A_1144 : i32 to vector<16xi32>
    %and3A_1146 = arith.andi %add3A_1143, %and3A_1145 : vector<16xi32>
    %broadcast_in_dim3A_1147 = vector.shape_cast %and3A_1146 : vector<16xi32> to vector<16x1xi32>
    %gather3A_1148 = vector.shape_cast %broadcast_in_dim3A_1147 : vector<16x1xi32> to vector<16xi32>
    %gather3A_1149 = tpu.dynamic_gather %add3A_1139[%gather3A_1148] in [0] : vector<16xi32>, vector<16xi32> -> vector<16xi32>
    %add3A_1150 = arith.addi %add3A_1139, %gather3A_1149 : vector<16xi32>
    %ge3A_1151 = arith.cmpi sge, %add3A_1150, %min3A_55 : vector<16xi32>
    %select_n3A_1152 = arith.select %ge3A_1151, %or3A_1100, %select_n3A_1097 : vector<16xi1>, vector<16xi32>
    %or3A_1153 = arith.constant 1024 : i32
    %or3A_1154 = vector.broadcast %or3A_1153 : i32 to vector<16xi32>
    %or3A_1155 = arith.ori %select_n3A_1152, %or3A_1154 : vector<16xi32>
    %scan3A_1156 = arith.constant 0 : i32
    %scan3A_1157 = arith.constant 250 : i32
    %scan3A_1158 = arith.addi %scan3A_1156, %scan3A_1157 : i32
    %scan3A_1159 = arith.constant 1 : i32
    %scan3A_1160 = scf.for %scan3A_1837 = %scan3A_1156 to %scan3A_1158 step %scan3A_1159 iter_args(%scan3A_1838 = %broadcast_in_dim3A_3) -> (vector<16xi32>)  : i32 {
      %mul3A_1839 = arith.constant 80 : i32
      %mul3A_1840 = arith.muli %scan3A_1837, %mul3A_1839 : i32
      %add3A_1841 = arith.constant 0 : i32
      %add3A_1842 = arith.addi %mul3A_1840, %add3A_1841 : i32
      %get3A = arith.index_cast %add3A_1842 : i32 to index
      %get3A_1843 = tpu.vector_load %arg8[%get3A] {strides = array<i32>} : memref<20000xi32, #tpu.memory_space<vmem>>, vector<16xi32>,
      %get3A_1844 = vector.shape_cast %get3A_1843 : vector<16xi32> to vector<16xi32>
      %ge3A_1845 = arith.cmpi sge, %get3A_1844, %or3A_1155 : vector<16xi32>
      %select_n3A_1846 = arith.select %ge3A_1845, %broadcast_in_dim3A_1, %broadcast_in_dim3A_3 : vector<16xi1>, vector<16xi32>
      %add3A_1847 = arith.addi %scan3A_1838, %select_n3A_1846 : vector<16xi32>
      %mul3A_1848 = arith.constant 80 : i32
      %mul3A_1849 = arith.muli %scan3A_1837, %mul3A_1848 : i32
      %add3A_1850 = arith.constant 16 : i32
      %add3A_1851 = arith.addi %mul3A_1849, %add3A_1850 : i32
      %get3A_1852 = arith.index_cast %add3A_1851 : i32 to index
      %get3A_1853 = tpu.vector_load %arg8[%get3A_1852] {strides = array<i32>} : memref<20000xi32, #tpu.memory_space<vmem>>, vector<16xi32>,
      %get3A_1854 = vector.shape_cast %get3A_1853 : vector<16xi32> to vector<16xi32>
      %ge3A_1855 = arith.cmpi sge, %get3A_1854, %or3A_1155 : vector<16xi32>
      %select_n3A_1856 = arith.select %ge3A_1855, %broadcast_in_dim3A_1, %broadcast_in_dim3A_3 : vector<16xi1>, vector<16xi32>
      %add3A_1857 = arith.addi %add3A_1847, %select_n3A_1856 : vector<16xi32>
      %mul3A_1858 = arith.constant 80 : i32
      %mul3A_1859 = arith.muli %scan3A_1837, %mul3A_1858 : i32
      %add3A_1860 = arith.constant 32 : i32
      %add3A_1861 = arith.addi %mul3A_1859, %add3A_1860 : i32
      %get3A_1862 = arith.index_cast %add3A_1861 : i32 to index
      %get3A_1863 = tpu.vector_load %arg8[%get3A_1862] {strides = array<i32>} : memref<20000xi32, #tpu.memory_space<vmem>>, vector<16xi32>,
      %get3A_1864 = vector.shape_cast %get3A_1863 : vector<16xi32> to vector<16xi32>
      %ge3A_1865 = arith.cmpi sge, %get3A_1864, %or3A_1155 : vector<16xi32>
      %select_n3A_1866 = arith.select %ge3A_1865, %broadcast_in_dim3A_1, %broadcast_in_dim3A_3 : vector<16xi1>, vector<16xi32>
      %add3A_1867 = arith.addi %add3A_1857, %select_n3A_1866 : vector<16xi32>
      %mul3A_1868 = arith.constant 80 : i32
      %mul3A_1869 = arith.muli %scan3A_1837, %mul3A_1868 : i32
      %add3A_1870 = arith.constant 48 : i32
      %add3A_1871 = arith.addi %mul3A_1869, %add3A_1870 : i32
      %get3A_1872 = arith.index_cast %add3A_1871 : i32 to index
      %get3A_1873 = tpu.vector_load %arg8[%get3A_1872] {strides = array<i32>} : memref<20000xi32, #tpu.memory_space<vmem>>, vector<16xi32>,
      %get3A_1874 = vector.shape_cast %get3A_1873 : vector<16xi32> to vector<16xi32>
      %ge3A_1875 = arith.cmpi sge, %get3A_1874, %or3A_1155 : vector<16xi32>
      %select_n3A_1876 = arith.select %ge3A_1875, %broadcast_in_dim3A_1, %broadcast_in_dim3A_3 : vector<16xi1>, vector<16xi32>
      %add3A_1877 = arith.addi %add3A_1867, %select_n3A_1876 : vector<16xi32>
      %mul3A_1878 = arith.constant 80 : i32
      %mul3A_1879 = arith.muli %scan3A_1837, %mul3A_1878 : i32
      %add3A_1880 = arith.constant 64 : i32
      %add3A_1881 = arith.addi %mul3A_1879, %add3A_1880 : i32
      %get3A_1882 = arith.index_cast %add3A_1881 : i32 to index
      %get3A_1883 = tpu.vector_load %arg8[%get3A_1882] {strides = array<i32>} : memref<20000xi32, #tpu.memory_space<vmem>>, vector<16xi32>,
      %get3A_1884 = vector.shape_cast %get3A_1883 : vector<16xi32> to vector<16xi32>
      %ge3A_1885 = arith.cmpi sge, %get3A_1884, %or3A_1155 : vector<16xi32>
      %select_n3A_1886 = arith.select %ge3A_1885, %broadcast_in_dim3A_1, %broadcast_in_dim3A_3 : vector<16xi1>, vector<16xi32>
      %add3A_1887 = arith.addi %add3A_1877, %select_n3A_1886 : vector<16xi32>
      scf.yield %add3A_1887 : vector<16xi32>
    }
    %scan3A_1161 = arith.constant 250 : i32
    %iota3A_1162 = tpu.iota {dimensions = array<i32: 0>} : vector<16xi32>
    %add3A_1163 = arith.constant 1 : i32
    %add3A_1164 = vector.broadcast %add3A_1163 : i32 to vector<16xi32>
    %add3A_1165 = arith.addi %iota3A_1162, %add3A_1164 : vector<16xi32>
    %and3A_1166 = arith.constant 15 : i32
    %and3A_1167 = vector.broadcast %and3A_1166 : i32 to vector<16xi32>
    %and3A_1168 = arith.andi %add3A_1165, %and3A_1167 : vector<16xi32>
    %broadcast_in_dim3A_1169 = vector.shape_cast %and3A_1168 : vector<16xi32> to vector<16x1xi32>
    %gather3A_1170 = vector.shape_cast %broadcast_in_dim3A_1169 : vector<16x1xi32> to vector<16xi32>
    %gather3A_1171 = tpu.dynamic_gather %scan3A_1160[%gather3A_1170] in [0] : vector<16xi32>, vector<16xi32> -> vector<16xi32>
    %add3A_1172 = arith.addi %scan3A_1160, %gather3A_1171 : vector<16xi32>
    %iota3A_1173 = tpu.iota {dimensions = array<i32: 0>} : vector<16xi32>
    %add3A_1174 = arith.constant 2 : i32
    %add3A_1175 = vector.broadcast %add3A_1174 : i32 to vector<16xi32>
    %add3A_1176 = arith.addi %iota3A_1173, %add3A_1175 : vector<16xi32>
    %and3A_1177 = arith.constant 15 : i32
    %and3A_1178 = vector.broadcast %and3A_1177 : i32 to vector<16xi32>
    %and3A_1179 = arith.andi %add3A_1176, %and3A_1178 : vector<16xi32>
    %broadcast_in_dim3A_1180 = vector.shape_cast %and3A_1179 : vector<16xi32> to vector<16x1xi32>
    %gather3A_1181 = vector.shape_cast %broadcast_in_dim3A_1180 : vector<16x1xi32> to vector<16xi32>
    %gather3A_1182 = tpu.dynamic_gather %add3A_1172[%gather3A_1181] in [0] : vector<16xi32>, vector<16xi32> -> vector<16xi32>
    %add3A_1183 = arith.addi %add3A_1172, %gather3A_1182 : vector<16xi32>
    %iota3A_1184 = tpu.iota {dimensions = array<i32: 0>} : vector<16xi32>
    %add3A_1185 = arith.constant 4 : i32
    %add3A_1186 = vector.broadcast %add3A_1185 : i32 to vector<16xi32>
    %add3A_1187 = arith.addi %iota3A_1184, %add3A_1186 : vector<16xi32>
    %and3A_1188 = arith.constant 15 : i32
    %and3A_1189 = vector.broadcast %and3A_1188 : i32 to vector<16xi32>
    %and3A_1190 = arith.andi %add3A_1187, %and3A_1189 : vector<16xi32>
    %broadcast_in_dim3A_1191 = vector.shape_cast %and3A_1190 : vector<16xi32> to vector<16x1xi32>
    %gather3A_1192 = vector.shape_cast %broadcast_in_dim3A_1191 : vector<16x1xi32> to vector<16xi32>
    %gather3A_1193 = tpu.dynamic_gather %add3A_1183[%gather3A_1192] in [0] : vector<16xi32>, vector<16xi32> -> vector<16xi32>
    %add3A_1194 = arith.addi %add3A_1183, %gather3A_1193 : vector<16xi32>
    %iota3A_1195 = tpu.iota {dimensions = array<i32: 0>} : vector<16xi32>
    %add3A_1196 = arith.constant 8 : i32
    %add3A_1197 = vector.broadcast %add3A_1196 : i32 to vector<16xi32>
    %add3A_1198 = arith.addi %iota3A_1195, %add3A_1197 : vector<16xi32>
    %and3A_1199 = arith.constant 15 : i32
    %and3A_1200 = vector.broadcast %and3A_1199 : i32 to vector<16xi32>
    %and3A_1201 = arith.andi %add3A_1198, %and3A_1200 : vector<16xi32>
    %broadcast_in_dim3A_1202 = vector.shape_cast %and3A_1201 : vector<16xi32> to vector<16x1xi32>
    %gather3A_1203 = vector.shape_cast %broadcast_in_dim3A_1202 : vector<16x1xi32> to vector<16xi32>
    %gather3A_1204 = tpu.dynamic_gather %add3A_1194[%gather3A_1203] in [0] : vector<16xi32>, vector<16xi32> -> vector<16xi32>
    %add3A_1205 = arith.addi %add3A_1194, %gather3A_1204 : vector<16xi32>
    %ge3A_1206 = arith.cmpi sge, %add3A_1205, %min3A_55 : vector<16xi32>
    %select_n3A_1207 = arith.select %ge3A_1206, %or3A_1155, %select_n3A_1152 : vector<16xi1>, vector<16xi32>
    %or3A_1208 = arith.constant 512 : i32
    %or3A_1209 = vector.broadcast %or3A_1208 : i32 to vector<16xi32>
    %or3A_1210 = arith.ori %select_n3A_1207, %or3A_1209 : vector<16xi32>
    %scan3A_1211 = arith.constant 0 : i32
    %scan3A_1212 = arith.constant 250 : i32
    %scan3A_1213 = arith.addi %scan3A_1211, %scan3A_1212 : i32
    %scan3A_1214 = arith.constant 1 : i32
    %scan3A_1215 = scf.for %scan3A_1837 = %scan3A_1211 to %scan3A_1213 step %scan3A_1214 iter_args(%scan3A_1838 = %broadcast_in_dim3A_3) -> (vector<16xi32>)  : i32 {
      %mul3A_1839 = arith.constant 80 : i32
      %mul3A_1840 = arith.muli %scan3A_1837, %mul3A_1839 : i32
      %add3A_1841 = arith.constant 0 : i32
      %add3A_1842 = arith.addi %mul3A_1840, %add3A_1841 : i32
      %get3A = arith.index_cast %add3A_1842 : i32 to index
      %get3A_1843 = tpu.vector_load %arg8[%get3A] {strides = array<i32>} : memref<20000xi32, #tpu.memory_space<vmem>>, vector<16xi32>,
      %get3A_1844 = vector.shape_cast %get3A_1843 : vector<16xi32> to vector<16xi32>
      %ge3A_1845 = arith.cmpi sge, %get3A_1844, %or3A_1210 : vector<16xi32>
      %select_n3A_1846 = arith.select %ge3A_1845, %broadcast_in_dim3A_1, %broadcast_in_dim3A_3 : vector<16xi1>, vector<16xi32>
      %add3A_1847 = arith.addi %scan3A_1838, %select_n3A_1846 : vector<16xi32>
      %mul3A_1848 = arith.constant 80 : i32
      %mul3A_1849 = arith.muli %scan3A_1837, %mul3A_1848 : i32
      %add3A_1850 = arith.constant 16 : i32
      %add3A_1851 = arith.addi %mul3A_1849, %add3A_1850 : i32
      %get3A_1852 = arith.index_cast %add3A_1851 : i32 to index
      %get3A_1853 = tpu.vector_load %arg8[%get3A_1852] {strides = array<i32>} : memref<20000xi32, #tpu.memory_space<vmem>>, vector<16xi32>,
      %get3A_1854 = vector.shape_cast %get3A_1853 : vector<16xi32> to vector<16xi32>
      %ge3A_1855 = arith.cmpi sge, %get3A_1854, %or3A_1210 : vector<16xi32>
      %select_n3A_1856 = arith.select %ge3A_1855, %broadcast_in_dim3A_1, %broadcast_in_dim3A_3 : vector<16xi1>, vector<16xi32>
      %add3A_1857 = arith.addi %add3A_1847, %select_n3A_1856 : vector<16xi32>
      %mul3A_1858 = arith.constant 80 : i32
      %mul3A_1859 = arith.muli %scan3A_1837, %mul3A_1858 : i32
      %add3A_1860 = arith.constant 32 : i32
      %add3A_1861 = arith.addi %mul3A_1859, %add3A_1860 : i32
      %get3A_1862 = arith.index_cast %add3A_1861 : i32 to index
      %get3A_1863 = tpu.vector_load %arg8[%get3A_1862] {strides = array<i32>} : memref<20000xi32, #tpu.memory_space<vmem>>, vector<16xi32>,
      %get3A_1864 = vector.shape_cast %get3A_1863 : vector<16xi32> to vector<16xi32>
      %ge3A_1865 = arith.cmpi sge, %get3A_1864, %or3A_1210 : vector<16xi32>
      %select_n3A_1866 = arith.select %ge3A_1865, %broadcast_in_dim3A_1, %broadcast_in_dim3A_3 : vector<16xi1>, vector<16xi32>
      %add3A_1867 = arith.addi %add3A_1857, %select_n3A_1866 : vector<16xi32>
      %mul3A_1868 = arith.constant 80 : i32
      %mul3A_1869 = arith.muli %scan3A_1837, %mul3A_1868 : i32
      %add3A_1870 = arith.constant 48 : i32
      %add3A_1871 = arith.addi %mul3A_1869, %add3A_1870 : i32
      %get3A_1872 = arith.index_cast %add3A_1871 : i32 to index
      %get3A_1873 = tpu.vector_load %arg8[%get3A_1872] {strides = array<i32>} : memref<20000xi32, #tpu.memory_space<vmem>>, vector<16xi32>,
      %get3A_1874 = vector.shape_cast %get3A_1873 : vector<16xi32> to vector<16xi32>
      %ge3A_1875 = arith.cmpi sge, %get3A_1874, %or3A_1210 : vector<16xi32>
      %select_n3A_1876 = arith.select %ge3A_1875, %broadcast_in_dim3A_1, %broadcast_in_dim3A_3 : vector<16xi1>, vector<16xi32>
      %add3A_1877 = arith.addi %add3A_1867, %select_n3A_1876 : vector<16xi32>
      %mul3A_1878 = arith.constant 80 : i32
      %mul3A_1879 = arith.muli %scan3A_1837, %mul3A_1878 : i32
      %add3A_1880 = arith.constant 64 : i32
      %add3A_1881 = arith.addi %mul3A_1879, %add3A_1880 : i32
      %get3A_1882 = arith.index_cast %add3A_1881 : i32 to index
      %get3A_1883 = tpu.vector_load %arg8[%get3A_1882] {strides = array<i32>} : memref<20000xi32, #tpu.memory_space<vmem>>, vector<16xi32>,
      %get3A_1884 = vector.shape_cast %get3A_1883 : vector<16xi32> to vector<16xi32>
      %ge3A_1885 = arith.cmpi sge, %get3A_1884, %or3A_1210 : vector<16xi32>
      %select_n3A_1886 = arith.select %ge3A_1885, %broadcast_in_dim3A_1, %broadcast_in_dim3A_3 : vector<16xi1>, vector<16xi32>
      %add3A_1887 = arith.addi %add3A_1877, %select_n3A_1886 : vector<16xi32>
      scf.yield %add3A_1887 : vector<16xi32>
    }
    %scan3A_1216 = arith.constant 250 : i32
    %iota3A_1217 = tpu.iota {dimensions = array<i32: 0>} : vector<16xi32>
    %add3A_1218 = arith.constant 1 : i32
    %add3A_1219 = vector.broadcast %add3A_1218 : i32 to vector<16xi32>
    %add3A_1220 = arith.addi %iota3A_1217, %add3A_1219 : vector<16xi32>
    %and3A_1221 = arith.constant 15 : i32
    %and3A_1222 = vector.broadcast %and3A_1221 : i32 to vector<16xi32>
    %and3A_1223 = arith.andi %add3A_1220, %and3A_1222 : vector<16xi32>
    %broadcast_in_dim3A_1224 = vector.shape_cast %and3A_1223 : vector<16xi32> to vector<16x1xi32>
    %gather3A_1225 = vector.shape_cast %broadcast_in_dim3A_1224 : vector<16x1xi32> to vector<16xi32>
    %gather3A_1226 = tpu.dynamic_gather %scan3A_1215[%gather3A_1225] in [0] : vector<16xi32>, vector<16xi32> -> vector<16xi32>
    %add3A_1227 = arith.addi %scan3A_1215, %gather3A_1226 : vector<16xi32>
    %iota3A_1228 = tpu.iota {dimensions = array<i32: 0>} : vector<16xi32>
    %add3A_1229 = arith.constant 2 : i32
    %add3A_1230 = vector.broadcast %add3A_1229 : i32 to vector<16xi32>
    %add3A_1231 = arith.addi %iota3A_1228, %add3A_1230 : vector<16xi32>
    %and3A_1232 = arith.constant 15 : i32
    %and3A_1233 = vector.broadcast %and3A_1232 : i32 to vector<16xi32>
    %and3A_1234 = arith.andi %add3A_1231, %and3A_1233 : vector<16xi32>
    %broadcast_in_dim3A_1235 = vector.shape_cast %and3A_1234 : vector<16xi32> to vector<16x1xi32>
    %gather3A_1236 = vector.shape_cast %broadcast_in_dim3A_1235 : vector<16x1xi32> to vector<16xi32>
    %gather3A_1237 = tpu.dynamic_gather %add3A_1227[%gather3A_1236] in [0] : vector<16xi32>, vector<16xi32> -> vector<16xi32>
    %add3A_1238 = arith.addi %add3A_1227, %gather3A_1237 : vector<16xi32>
    %iota3A_1239 = tpu.iota {dimensions = array<i32: 0>} : vector<16xi32>
    %add3A_1240 = arith.constant 4 : i32
    %add3A_1241 = vector.broadcast %add3A_1240 : i32 to vector<16xi32>
    %add3A_1242 = arith.addi %iota3A_1239, %add3A_1241 : vector<16xi32>
    %and3A_1243 = arith.constant 15 : i32
    %and3A_1244 = vector.broadcast %and3A_1243 : i32 to vector<16xi32>
    %and3A_1245 = arith.andi %add3A_1242, %and3A_1244 : vector<16xi32>
    %broadcast_in_dim3A_1246 = vector.shape_cast %and3A_1245 : vector<16xi32> to vector<16x1xi32>
    %gather3A_1247 = vector.shape_cast %broadcast_in_dim3A_1246 : vector<16x1xi32> to vector<16xi32>
    %gather3A_1248 = tpu.dynamic_gather %add3A_1238[%gather3A_1247] in [0] : vector<16xi32>, vector<16xi32> -> vector<16xi32>
    %add3A_1249 = arith.addi %add3A_1238, %gather3A_1248 : vector<16xi32>
    %iota3A_1250 = tpu.iota {dimensions = array<i32: 0>} : vector<16xi32>
    %add3A_1251 = arith.constant 8 : i32
    %add3A_1252 = vector.broadcast %add3A_1251 : i32 to vector<16xi32>
    %add3A_1253 = arith.addi %iota3A_1250, %add3A_1252 : vector<16xi32>
    %and3A_1254 = arith.constant 15 : i32
    %and3A_1255 = vector.broadcast %and3A_1254 : i32 to vector<16xi32>
    %and3A_1256 = arith.andi %add3A_1253, %and3A_1255 : vector<16xi32>
    %broadcast_in_dim3A_1257 = vector.shape_cast %and3A_1256 : vector<16xi32> to vector<16x1xi32>
    %gather3A_1258 = vector.shape_cast %broadcast_in_dim3A_1257 : vector<16x1xi32> to vector<16xi32>
    %gather3A_1259 = tpu.dynamic_gather %add3A_1249[%gather3A_1258] in [0] : vector<16xi32>, vector<16xi32> -> vector<16xi32>
    %add3A_1260 = arith.addi %add3A_1249, %gather3A_1259 : vector<16xi32>
    %ge3A_1261 = arith.cmpi sge, %add3A_1260, %min3A_55 : vector<16xi32>
    %select_n3A_1262 = arith.select %ge3A_1261, %or3A_1210, %select_n3A_1207 : vector<16xi1>, vector<16xi32>
    %or3A_1263 = arith.constant 256 : i32
    %or3A_1264 = vector.broadcast %or3A_1263 : i32 to vector<16xi32>
    %or3A_1265 = arith.ori %select_n3A_1262, %or3A_1264 : vector<16xi32>
    %scan3A_1266 = arith.constant 0 : i32
    %scan3A_1267 = arith.constant 250 : i32
    %scan3A_1268 = arith.addi %scan3A_1266, %scan3A_1267 : i32
    %scan3A_1269 = arith.constant 1 : i32
    %scan3A_1270 = scf.for %scan3A_1837 = %scan3A_1266 to %scan3A_1268 step %scan3A_1269 iter_args(%scan3A_1838 = %broadcast_in_dim3A_3) -> (vector<16xi32>)  : i32 {
      %mul3A_1839 = arith.constant 80 : i32
      %mul3A_1840 = arith.muli %scan3A_1837, %mul3A_1839 : i32
      %add3A_1841 = arith.constant 0 : i32
      %add3A_1842 = arith.addi %mul3A_1840, %add3A_1841 : i32
      %get3A = arith.index_cast %add3A_1842 : i32 to index
      %get3A_1843 = tpu.vector_load %arg8[%get3A] {strides = array<i32>} : memref<20000xi32, #tpu.memory_space<vmem>>, vector<16xi32>,
      %get3A_1844 = vector.shape_cast %get3A_1843 : vector<16xi32> to vector<16xi32>
      %ge3A_1845 = arith.cmpi sge, %get3A_1844, %or3A_1265 : vector<16xi32>
      %select_n3A_1846 = arith.select %ge3A_1845, %broadcast_in_dim3A_1, %broadcast_in_dim3A_3 : vector<16xi1>, vector<16xi32>
      %add3A_1847 = arith.addi %scan3A_1838, %select_n3A_1846 : vector<16xi32>
      %mul3A_1848 = arith.constant 80 : i32
      %mul3A_1849 = arith.muli %scan3A_1837, %mul3A_1848 : i32
      %add3A_1850 = arith.constant 16 : i32
      %add3A_1851 = arith.addi %mul3A_1849, %add3A_1850 : i32
      %get3A_1852 = arith.index_cast %add3A_1851 : i32 to index
      %get3A_1853 = tpu.vector_load %arg8[%get3A_1852] {strides = array<i32>} : memref<20000xi32, #tpu.memory_space<vmem>>, vector<16xi32>,
      %get3A_1854 = vector.shape_cast %get3A_1853 : vector<16xi32> to vector<16xi32>
      %ge3A_1855 = arith.cmpi sge, %get3A_1854, %or3A_1265 : vector<16xi32>
      %select_n3A_1856 = arith.select %ge3A_1855, %broadcast_in_dim3A_1, %broadcast_in_dim3A_3 : vector<16xi1>, vector<16xi32>
      %add3A_1857 = arith.addi %add3A_1847, %select_n3A_1856 : vector<16xi32>
      %mul3A_1858 = arith.constant 80 : i32
      %mul3A_1859 = arith.muli %scan3A_1837, %mul3A_1858 : i32
      %add3A_1860 = arith.constant 32 : i32
      %add3A_1861 = arith.addi %mul3A_1859, %add3A_1860 : i32
      %get3A_1862 = arith.index_cast %add3A_1861 : i32 to index
      %get3A_1863 = tpu.vector_load %arg8[%get3A_1862] {strides = array<i32>} : memref<20000xi32, #tpu.memory_space<vmem>>, vector<16xi32>,
      %get3A_1864 = vector.shape_cast %get3A_1863 : vector<16xi32> to vector<16xi32>
      %ge3A_1865 = arith.cmpi sge, %get3A_1864, %or3A_1265 : vector<16xi32>
      %select_n3A_1866 = arith.select %ge3A_1865, %broadcast_in_dim3A_1, %broadcast_in_dim3A_3 : vector<16xi1>, vector<16xi32>
      %add3A_1867 = arith.addi %add3A_1857, %select_n3A_1866 : vector<16xi32>
      %mul3A_1868 = arith.constant 80 : i32
      %mul3A_1869 = arith.muli %scan3A_1837, %mul3A_1868 : i32
      %add3A_1870 = arith.constant 48 : i32
      %add3A_1871 = arith.addi %mul3A_1869, %add3A_1870 : i32
      %get3A_1872 = arith.index_cast %add3A_1871 : i32 to index
      %get3A_1873 = tpu.vector_load %arg8[%get3A_1872] {strides = array<i32>} : memref<20000xi32, #tpu.memory_space<vmem>>, vector<16xi32>,
      %get3A_1874 = vector.shape_cast %get3A_1873 : vector<16xi32> to vector<16xi32>
      %ge3A_1875 = arith.cmpi sge, %get3A_1874, %or3A_1265 : vector<16xi32>
      %select_n3A_1876 = arith.select %ge3A_1875, %broadcast_in_dim3A_1, %broadcast_in_dim3A_3 : vector<16xi1>, vector<16xi32>
      %add3A_1877 = arith.addi %add3A_1867, %select_n3A_1876 : vector<16xi32>
      %mul3A_1878 = arith.constant 80 : i32
      %mul3A_1879 = arith.muli %scan3A_1837, %mul3A_1878 : i32
      %add3A_1880 = arith.constant 64 : i32
      %add3A_1881 = arith.addi %mul3A_1879, %add3A_1880 : i32
      %get3A_1882 = arith.index_cast %add3A_1881 : i32 to index
      %get3A_1883 = tpu.vector_load %arg8[%get3A_1882] {strides = array<i32>} : memref<20000xi32, #tpu.memory_space<vmem>>, vector<16xi32>,
      %get3A_1884 = vector.shape_cast %get3A_1883 : vector<16xi32> to vector<16xi32>
      %ge3A_1885 = arith.cmpi sge, %get3A_1884, %or3A_1265 : vector<16xi32>
      %select_n3A_1886 = arith.select %ge3A_1885, %broadcast_in_dim3A_1, %broadcast_in_dim3A_3 : vector<16xi1>, vector<16xi32>
      %add3A_1887 = arith.addi %add3A_1877, %select_n3A_1886 : vector<16xi32>
      scf.yield %add3A_1887 : vector<16xi32>
    }
    %scan3A_1271 = arith.constant 250 : i32
    %iota3A_1272 = tpu.iota {dimensions = array<i32: 0>} : vector<16xi32>
    %add3A_1273 = arith.constant 1 : i32
    %add3A_1274 = vector.broadcast %add3A_1273 : i32 to vector<16xi32>
    %add3A_1275 = arith.addi %iota3A_1272, %add3A_1274 : vector<16xi32>
    %and3A_1276 = arith.constant 15 : i32
    %and3A_1277 = vector.broadcast %and3A_1276 : i32 to vector<16xi32>
    %and3A_1278 = arith.andi %add3A_1275, %and3A_1277 : vector<16xi32>
    %broadcast_in_dim3A_1279 = vector.shape_cast %and3A_1278 : vector<16xi32> to vector<16x1xi32>
    %gather3A_1280 = vector.shape_cast %broadcast_in_dim3A_1279 : vector<16x1xi32> to vector<16xi32>
    %gather3A_1281 = tpu.dynamic_gather %scan3A_1270[%gather3A_1280] in [0] : vector<16xi32>, vector<16xi32> -> vector<16xi32>
    %add3A_1282 = arith.addi %scan3A_1270, %gather3A_1281 : vector<16xi32>
    %iota3A_1283 = tpu.iota {dimensions = array<i32: 0>} : vector<16xi32>
    %add3A_1284 = arith.constant 2 : i32
    %add3A_1285 = vector.broadcast %add3A_1284 : i32 to vector<16xi32>
    %add3A_1286 = arith.addi %iota3A_1283, %add3A_1285 : vector<16xi32>
    %and3A_1287 = arith.constant 15 : i32
    %and3A_1288 = vector.broadcast %and3A_1287 : i32 to vector<16xi32>
    %and3A_1289 = arith.andi %add3A_1286, %and3A_1288 : vector<16xi32>
    %broadcast_in_dim3A_1290 = vector.shape_cast %and3A_1289 : vector<16xi32> to vector<16x1xi32>
    %gather3A_1291 = vector.shape_cast %broadcast_in_dim3A_1290 : vector<16x1xi32> to vector<16xi32>
    %gather3A_1292 = tpu.dynamic_gather %add3A_1282[%gather3A_1291] in [0] : vector<16xi32>, vector<16xi32> -> vector<16xi32>
    %add3A_1293 = arith.addi %add3A_1282, %gather3A_1292 : vector<16xi32>
    %iota3A_1294 = tpu.iota {dimensions = array<i32: 0>} : vector<16xi32>
    %add3A_1295 = arith.constant 4 : i32
    %add3A_1296 = vector.broadcast %add3A_1295 : i32 to vector<16xi32>
    %add3A_1297 = arith.addi %iota3A_1294, %add3A_1296 : vector<16xi32>
    %and3A_1298 = arith.constant 15 : i32
    %and3A_1299 = vector.broadcast %and3A_1298 : i32 to vector<16xi32>
    %and3A_1300 = arith.andi %add3A_1297, %and3A_1299 : vector<16xi32>
    %broadcast_in_dim3A_1301 = vector.shape_cast %and3A_1300 : vector<16xi32> to vector<16x1xi32>
    %gather3A_1302 = vector.shape_cast %broadcast_in_dim3A_1301 : vector<16x1xi32> to vector<16xi32>
    %gather3A_1303 = tpu.dynamic_gather %add3A_1293[%gather3A_1302] in [0] : vector<16xi32>, vector<16xi32> -> vector<16xi32>
    %add3A_1304 = arith.addi %add3A_1293, %gather3A_1303 : vector<16xi32>
    %iota3A_1305 = tpu.iota {dimensions = array<i32: 0>} : vector<16xi32>
    %add3A_1306 = arith.constant 8 : i32
    %add3A_1307 = vector.broadcast %add3A_1306 : i32 to vector<16xi32>
    %add3A_1308 = arith.addi %iota3A_1305, %add3A_1307 : vector<16xi32>
    %and3A_1309 = arith.constant 15 : i32
    %and3A_1310 = vector.broadcast %and3A_1309 : i32 to vector<16xi32>
    %and3A_1311 = arith.andi %add3A_1308, %and3A_1310 : vector<16xi32>
    %broadcast_in_dim3A_1312 = vector.shape_cast %and3A_1311 : vector<16xi32> to vector<16x1xi32>
    %gather3A_1313 = vector.shape_cast %broadcast_in_dim3A_1312 : vector<16x1xi32> to vector<16xi32>
    %gather3A_1314 = tpu.dynamic_gather %add3A_1304[%gather3A_1313] in [0] : vector<16xi32>, vector<16xi32> -> vector<16xi32>
    %add3A_1315 = arith.addi %add3A_1304, %gather3A_1314 : vector<16xi32>
    %ge3A_1316 = arith.cmpi sge, %add3A_1315, %min3A_55 : vector<16xi32>
    %select_n3A_1317 = arith.select %ge3A_1316, %or3A_1265, %select_n3A_1262 : vector<16xi1>, vector<16xi32>
    %or3A_1318 = arith.constant 128 : i32
    %or3A_1319 = vector.broadcast %or3A_1318 : i32 to vector<16xi32>
    %or3A_1320 = arith.ori %select_n3A_1317, %or3A_1319 : vector<16xi32>
    %scan3A_1321 = arith.constant 0 : i32
    %scan3A_1322 = arith.constant 250 : i32
    %scan3A_1323 = arith.addi %scan3A_1321, %scan3A_1322 : i32
    %scan3A_1324 = arith.constant 1 : i32
    %scan3A_1325 = scf.for %scan3A_1837 = %scan3A_1321 to %scan3A_1323 step %scan3A_1324 iter_args(%scan3A_1838 = %broadcast_in_dim3A_3) -> (vector<16xi32>)  : i32 {
      %mul3A_1839 = arith.constant 80 : i32
      %mul3A_1840 = arith.muli %scan3A_1837, %mul3A_1839 : i32
      %add3A_1841 = arith.constant 0 : i32
      %add3A_1842 = arith.addi %mul3A_1840, %add3A_1841 : i32
      %get3A = arith.index_cast %add3A_1842 : i32 to index
      %get3A_1843 = tpu.vector_load %arg8[%get3A] {strides = array<i32>} : memref<20000xi32, #tpu.memory_space<vmem>>, vector<16xi32>,
      %get3A_1844 = vector.shape_cast %get3A_1843 : vector<16xi32> to vector<16xi32>
      %ge3A_1845 = arith.cmpi sge, %get3A_1844, %or3A_1320 : vector<16xi32>
      %select_n3A_1846 = arith.select %ge3A_1845, %broadcast_in_dim3A_1, %broadcast_in_dim3A_3 : vector<16xi1>, vector<16xi32>
      %add3A_1847 = arith.addi %scan3A_1838, %select_n3A_1846 : vector<16xi32>
      %mul3A_1848 = arith.constant 80 : i32
      %mul3A_1849 = arith.muli %scan3A_1837, %mul3A_1848 : i32
      %add3A_1850 = arith.constant 16 : i32
      %add3A_1851 = arith.addi %mul3A_1849, %add3A_1850 : i32
      %get3A_1852 = arith.index_cast %add3A_1851 : i32 to index
      %get3A_1853 = tpu.vector_load %arg8[%get3A_1852] {strides = array<i32>} : memref<20000xi32, #tpu.memory_space<vmem>>, vector<16xi32>,
      %get3A_1854 = vector.shape_cast %get3A_1853 : vector<16xi32> to vector<16xi32>
      %ge3A_1855 = arith.cmpi sge, %get3A_1854, %or3A_1320 : vector<16xi32>
      %select_n3A_1856 = arith.select %ge3A_1855, %broadcast_in_dim3A_1, %broadcast_in_dim3A_3 : vector<16xi1>, vector<16xi32>
      %add3A_1857 = arith.addi %add3A_1847, %select_n3A_1856 : vector<16xi32>
      %mul3A_1858 = arith.constant 80 : i32
      %mul3A_1859 = arith.muli %scan3A_1837, %mul3A_1858 : i32
      %add3A_1860 = arith.constant 32 : i32
      %add3A_1861 = arith.addi %mul3A_1859, %add3A_1860 : i32
      %get3A_1862 = arith.index_cast %add3A_1861 : i32 to index
      %get3A_1863 = tpu.vector_load %arg8[%get3A_1862] {strides = array<i32>} : memref<20000xi32, #tpu.memory_space<vmem>>, vector<16xi32>,
      %get3A_1864 = vector.shape_cast %get3A_1863 : vector<16xi32> to vector<16xi32>
      %ge3A_1865 = arith.cmpi sge, %get3A_1864, %or3A_1320 : vector<16xi32>
      %select_n3A_1866 = arith.select %ge3A_1865, %broadcast_in_dim3A_1, %broadcast_in_dim3A_3 : vector<16xi1>, vector<16xi32>
      %add3A_1867 = arith.addi %add3A_1857, %select_n3A_1866 : vector<16xi32>
      %mul3A_1868 = arith.constant 80 : i32
      %mul3A_1869 = arith.muli %scan3A_1837, %mul3A_1868 : i32
      %add3A_1870 = arith.constant 48 : i32
      %add3A_1871 = arith.addi %mul3A_1869, %add3A_1870 : i32
      %get3A_1872 = arith.index_cast %add3A_1871 : i32 to index
      %get3A_1873 = tpu.vector_load %arg8[%get3A_1872] {strides = array<i32>} : memref<20000xi32, #tpu.memory_space<vmem>>, vector<16xi32>,
      %get3A_1874 = vector.shape_cast %get3A_1873 : vector<16xi32> to vector<16xi32>
      %ge3A_1875 = arith.cmpi sge, %get3A_1874, %or3A_1320 : vector<16xi32>
      %select_n3A_1876 = arith.select %ge3A_1875, %broadcast_in_dim3A_1, %broadcast_in_dim3A_3 : vector<16xi1>, vector<16xi32>
      %add3A_1877 = arith.addi %add3A_1867, %select_n3A_1876 : vector<16xi32>
      %mul3A_1878 = arith.constant 80 : i32
      %mul3A_1879 = arith.muli %scan3A_1837, %mul3A_1878 : i32
      %add3A_1880 = arith.constant 64 : i32
      %add3A_1881 = arith.addi %mul3A_1879, %add3A_1880 : i32
      %get3A_1882 = arith.index_cast %add3A_1881 : i32 to index
      %get3A_1883 = tpu.vector_load %arg8[%get3A_1882] {strides = array<i32>} : memref<20000xi32, #tpu.memory_space<vmem>>, vector<16xi32>,
      %get3A_1884 = vector.shape_cast %get3A_1883 : vector<16xi32> to vector<16xi32>
      %ge3A_1885 = arith.cmpi sge, %get3A_1884, %or3A_1320 : vector<16xi32>
      %select_n3A_1886 = arith.select %ge3A_1885, %broadcast_in_dim3A_1, %broadcast_in_dim3A_3 : vector<16xi1>, vector<16xi32>
      %add3A_1887 = arith.addi %add3A_1877, %select_n3A_1886 : vector<16xi32>
      scf.yield %add3A_1887 : vector<16xi32>
    }
    %scan3A_1326 = arith.constant 250 : i32
    %iota3A_1327 = tpu.iota {dimensions = array<i32: 0>} : vector<16xi32>
    %add3A_1328 = arith.constant 1 : i32
    %add3A_1329 = vector.broadcast %add3A_1328 : i32 to vector<16xi32>
    %add3A_1330 = arith.addi %iota3A_1327, %add3A_1329 : vector<16xi32>
    %and3A_1331 = arith.constant 15 : i32
    %and3A_1332 = vector.broadcast %and3A_1331 : i32 to vector<16xi32>
    %and3A_1333 = arith.andi %add3A_1330, %and3A_1332 : vector<16xi32>
    %broadcast_in_dim3A_1334 = vector.shape_cast %and3A_1333 : vector<16xi32> to vector<16x1xi32>
    %gather3A_1335 = vector.shape_cast %broadcast_in_dim3A_1334 : vector<16x1xi32> to vector<16xi32>
    %gather3A_1336 = tpu.dynamic_gather %scan3A_1325[%gather3A_1335] in [0] : vector<16xi32>, vector<16xi32> -> vector<16xi32>
    %add3A_1337 = arith.addi %scan3A_1325, %gather3A_1336 : vector<16xi32>
    %iota3A_1338 = tpu.iota {dimensions = array<i32: 0>} : vector<16xi32>
    %add3A_1339 = arith.constant 2 : i32
    %add3A_1340 = vector.broadcast %add3A_1339 : i32 to vector<16xi32>
    %add3A_1341 = arith.addi %iota3A_1338, %add3A_1340 : vector<16xi32>
    %and3A_1342 = arith.constant 15 : i32
    %and3A_1343 = vector.broadcast %and3A_1342 : i32 to vector<16xi32>
    %and3A_1344 = arith.andi %add3A_1341, %and3A_1343 : vector<16xi32>
    %broadcast_in_dim3A_1345 = vector.shape_cast %and3A_1344 : vector<16xi32> to vector<16x1xi32>
    %gather3A_1346 = vector.shape_cast %broadcast_in_dim3A_1345 : vector<16x1xi32> to vector<16xi32>
    %gather3A_1347 = tpu.dynamic_gather %add3A_1337[%gather3A_1346] in [0] : vector<16xi32>, vector<16xi32> -> vector<16xi32>
    %add3A_1348 = arith.addi %add3A_1337, %gather3A_1347 : vector<16xi32>
    %iota3A_1349 = tpu.iota {dimensions = array<i32: 0>} : vector<16xi32>
    %add3A_1350 = arith.constant 4 : i32
    %add3A_1351 = vector.broadcast %add3A_1350 : i32 to vector<16xi32>
    %add3A_1352 = arith.addi %iota3A_1349, %add3A_1351 : vector<16xi32>
    %and3A_1353 = arith.constant 15 : i32
    %and3A_1354 = vector.broadcast %and3A_1353 : i32 to vector<16xi32>
    %and3A_1355 = arith.andi %add3A_1352, %and3A_1354 : vector<16xi32>
    %broadcast_in_dim3A_1356 = vector.shape_cast %and3A_1355 : vector<16xi32> to vector<16x1xi32>
    %gather3A_1357 = vector.shape_cast %broadcast_in_dim3A_1356 : vector<16x1xi32> to vector<16xi32>
    %gather3A_1358 = tpu.dynamic_gather %add3A_1348[%gather3A_1357] in [0] : vector<16xi32>, vector<16xi32> -> vector<16xi32>
    %add3A_1359 = arith.addi %add3A_1348, %gather3A_1358 : vector<16xi32>
    %iota3A_1360 = tpu.iota {dimensions = array<i32: 0>} : vector<16xi32>
    %add3A_1361 = arith.constant 8 : i32
    %add3A_1362 = vector.broadcast %add3A_1361 : i32 to vector<16xi32>
    %add3A_1363 = arith.addi %iota3A_1360, %add3A_1362 : vector<16xi32>
    %and3A_1364 = arith.constant 15 : i32
    %and3A_1365 = vector.broadcast %and3A_1364 : i32 to vector<16xi32>
    %and3A_1366 = arith.andi %add3A_1363, %and3A_1365 : vector<16xi32>
    %broadcast_in_dim3A_1367 = vector.shape_cast %and3A_1366 : vector<16xi32> to vector<16x1xi32>
    %gather3A_1368 = vector.shape_cast %broadcast_in_dim3A_1367 : vector<16x1xi32> to vector<16xi32>
    %gather3A_1369 = tpu.dynamic_gather %add3A_1359[%gather3A_1368] in [0] : vector<16xi32>, vector<16xi32> -> vector<16xi32>
    %add3A_1370 = arith.addi %add3A_1359, %gather3A_1369 : vector<16xi32>
    %ge3A_1371 = arith.cmpi sge, %add3A_1370, %min3A_55 : vector<16xi32>
    %select_n3A_1372 = arith.select %ge3A_1371, %or3A_1320, %select_n3A_1317 : vector<16xi1>, vector<16xi32>
    %or3A_1373 = arith.constant 64 : i32
    %or3A_1374 = vector.broadcast %or3A_1373 : i32 to vector<16xi32>
    %or3A_1375 = arith.ori %select_n3A_1372, %or3A_1374 : vector<16xi32>
    %scan3A_1376 = arith.constant 0 : i32
    %scan3A_1377 = arith.constant 250 : i32
    %scan3A_1378 = arith.addi %scan3A_1376, %scan3A_1377 : i32
    %scan3A_1379 = arith.constant 1 : i32
    %scan3A_1380 = scf.for %scan3A_1837 = %scan3A_1376 to %scan3A_1378 step %scan3A_1379 iter_args(%scan3A_1838 = %broadcast_in_dim3A_3) -> (vector<16xi32>)  : i32 {
      %mul3A_1839 = arith.constant 80 : i32
      %mul3A_1840 = arith.muli %scan3A_1837, %mul3A_1839 : i32
      %add3A_1841 = arith.constant 0 : i32
      %add3A_1842 = arith.addi %mul3A_1840, %add3A_1841 : i32
      %get3A = arith.index_cast %add3A_1842 : i32 to index
      %get3A_1843 = tpu.vector_load %arg8[%get3A] {strides = array<i32>} : memref<20000xi32, #tpu.memory_space<vmem>>, vector<16xi32>,
      %get3A_1844 = vector.shape_cast %get3A_1843 : vector<16xi32> to vector<16xi32>
      %ge3A_1845 = arith.cmpi sge, %get3A_1844, %or3A_1375 : vector<16xi32>
      %select_n3A_1846 = arith.select %ge3A_1845, %broadcast_in_dim3A_1, %broadcast_in_dim3A_3 : vector<16xi1>, vector<16xi32>
      %add3A_1847 = arith.addi %scan3A_1838, %select_n3A_1846 : vector<16xi32>
      %mul3A_1848 = arith.constant 80 : i32
      %mul3A_1849 = arith.muli %scan3A_1837, %mul3A_1848 : i32
      %add3A_1850 = arith.constant 16 : i32
      %add3A_1851 = arith.addi %mul3A_1849, %add3A_1850 : i32
      %get3A_1852 = arith.index_cast %add3A_1851 : i32 to index
      %get3A_1853 = tpu.vector_load %arg8[%get3A_1852] {strides = array<i32>} : memref<20000xi32, #tpu.memory_space<vmem>>, vector<16xi32>,
      %get3A_1854 = vector.shape_cast %get3A_1853 : vector<16xi32> to vector<16xi32>
      %ge3A_1855 = arith.cmpi sge, %get3A_1854, %or3A_1375 : vector<16xi32>
      %select_n3A_1856 = arith.select %ge3A_1855, %broadcast_in_dim3A_1, %broadcast_in_dim3A_3 : vector<16xi1>, vector<16xi32>
      %add3A_1857 = arith.addi %add3A_1847, %select_n3A_1856 : vector<16xi32>
      %mul3A_1858 = arith.constant 80 : i32
      %mul3A_1859 = arith.muli %scan3A_1837, %mul3A_1858 : i32
      %add3A_1860 = arith.constant 32 : i32
      %add3A_1861 = arith.addi %mul3A_1859, %add3A_1860 : i32
      %get3A_1862 = arith.index_cast %add3A_1861 : i32 to index
      %get3A_1863 = tpu.vector_load %arg8[%get3A_1862] {strides = array<i32>} : memref<20000xi32, #tpu.memory_space<vmem>>, vector<16xi32>,
      %get3A_1864 = vector.shape_cast %get3A_1863 : vector<16xi32> to vector<16xi32>
      %ge3A_1865 = arith.cmpi sge, %get3A_1864, %or3A_1375 : vector<16xi32>
      %select_n3A_1866 = arith.select %ge3A_1865, %broadcast_in_dim3A_1, %broadcast_in_dim3A_3 : vector<16xi1>, vector<16xi32>
      %add3A_1867 = arith.addi %add3A_1857, %select_n3A_1866 : vector<16xi32>
      %mul3A_1868 = arith.constant 80 : i32
      %mul3A_1869 = arith.muli %scan3A_1837, %mul3A_1868 : i32
      %add3A_1870 = arith.constant 48 : i32
      %add3A_1871 = arith.addi %mul3A_1869, %add3A_1870 : i32
      %get3A_1872 = arith.index_cast %add3A_1871 : i32 to index
      %get3A_1873 = tpu.vector_load %arg8[%get3A_1872] {strides = array<i32>} : memref<20000xi32, #tpu.memory_space<vmem>>, vector<16xi32>,
      %get3A_1874 = vector.shape_cast %get3A_1873 : vector<16xi32> to vector<16xi32>
      %ge3A_1875 = arith.cmpi sge, %get3A_1874, %or3A_1375 : vector<16xi32>
      %select_n3A_1876 = arith.select %ge3A_1875, %broadcast_in_dim3A_1, %broadcast_in_dim3A_3 : vector<16xi1>, vector<16xi32>
      %add3A_1877 = arith.addi %add3A_1867, %select_n3A_1876 : vector<16xi32>
      %mul3A_1878 = arith.constant 80 : i32
      %mul3A_1879 = arith.muli %scan3A_1837, %mul3A_1878 : i32
      %add3A_1880 = arith.constant 64 : i32
      %add3A_1881 = arith.addi %mul3A_1879, %add3A_1880 : i32
      %get3A_1882 = arith.index_cast %add3A_1881 : i32 to index
      %get3A_1883 = tpu.vector_load %arg8[%get3A_1882] {strides = array<i32>} : memref<20000xi32, #tpu.memory_space<vmem>>, vector<16xi32>,
      %get3A_1884 = vector.shape_cast %get3A_1883 : vector<16xi32> to vector<16xi32>
      %ge3A_1885 = arith.cmpi sge, %get3A_1884, %or3A_1375 : vector<16xi32>
      %select_n3A_1886 = arith.select %ge3A_1885, %broadcast_in_dim3A_1, %broadcast_in_dim3A_3 : vector<16xi1>, vector<16xi32>
      %add3A_1887 = arith.addi %add3A_1877, %select_n3A_1886 : vector<16xi32>
      scf.yield %add3A_1887 : vector<16xi32>
    }
    %scan3A_1381 = arith.constant 250 : i32
    %iota3A_1382 = tpu.iota {dimensions = array<i32: 0>} : vector<16xi32>
    %add3A_1383 = arith.constant 1 : i32
    %add3A_1384 = vector.broadcast %add3A_1383 : i32 to vector<16xi32>
    %add3A_1385 = arith.addi %iota3A_1382, %add3A_1384 : vector<16xi32>
    %and3A_1386 = arith.constant 15 : i32
    %and3A_1387 = vector.broadcast %and3A_1386 : i32 to vector<16xi32>
    %and3A_1388 = arith.andi %add3A_1385, %and3A_1387 : vector<16xi32>
    %broadcast_in_dim3A_1389 = vector.shape_cast %and3A_1388 : vector<16xi32> to vector<16x1xi32>
    %gather3A_1390 = vector.shape_cast %broadcast_in_dim3A_1389 : vector<16x1xi32> to vector<16xi32>
    %gather3A_1391 = tpu.dynamic_gather %scan3A_1380[%gather3A_1390] in [0] : vector<16xi32>, vector<16xi32> -> vector<16xi32>
    %add3A_1392 = arith.addi %scan3A_1380, %gather3A_1391 : vector<16xi32>
    %iota3A_1393 = tpu.iota {dimensions = array<i32: 0>} : vector<16xi32>
    %add3A_1394 = arith.constant 2 : i32
    %add3A_1395 = vector.broadcast %add3A_1394 : i32 to vector<16xi32>
    %add3A_1396 = arith.addi %iota3A_1393, %add3A_1395 : vector<16xi32>
    %and3A_1397 = arith.constant 15 : i32
    %and3A_1398 = vector.broadcast %and3A_1397 : i32 to vector<16xi32>
    %and3A_1399 = arith.andi %add3A_1396, %and3A_1398 : vector<16xi32>
    %broadcast_in_dim3A_1400 = vector.shape_cast %and3A_1399 : vector<16xi32> to vector<16x1xi32>
    %gather3A_1401 = vector.shape_cast %broadcast_in_dim3A_1400 : vector<16x1xi32> to vector<16xi32>
    %gather3A_1402 = tpu.dynamic_gather %add3A_1392[%gather3A_1401] in [0] : vector<16xi32>, vector<16xi32> -> vector<16xi32>
    %add3A_1403 = arith.addi %add3A_1392, %gather3A_1402 : vector<16xi32>
    %iota3A_1404 = tpu.iota {dimensions = array<i32: 0>} : vector<16xi32>
    %add3A_1405 = arith.constant 4 : i32
    %add3A_1406 = vector.broadcast %add3A_1405 : i32 to vector<16xi32>
    %add3A_1407 = arith.addi %iota3A_1404, %add3A_1406 : vector<16xi32>
    %and3A_1408 = arith.constant 15 : i32
    %and3A_1409 = vector.broadcast %and3A_1408 : i32 to vector<16xi32>
    %and3A_1410 = arith.andi %add3A_1407, %and3A_1409 : vector<16xi32>
    %broadcast_in_dim3A_1411 = vector.shape_cast %and3A_1410 : vector<16xi32> to vector<16x1xi32>
    %gather3A_1412 = vector.shape_cast %broadcast_in_dim3A_1411 : vector<16x1xi32> to vector<16xi32>
    %gather3A_1413 = tpu.dynamic_gather %add3A_1403[%gather3A_1412] in [0] : vector<16xi32>, vector<16xi32> -> vector<16xi32>
    %add3A_1414 = arith.addi %add3A_1403, %gather3A_1413 : vector<16xi32>
    %iota3A_1415 = tpu.iota {dimensions = array<i32: 0>} : vector<16xi32>
    %add3A_1416 = arith.constant 8 : i32
    %add3A_1417 = vector.broadcast %add3A_1416 : i32 to vector<16xi32>
    %add3A_1418 = arith.addi %iota3A_1415, %add3A_1417 : vector<16xi32>
    %and3A_1419 = arith.constant 15 : i32
    %and3A_1420 = vector.broadcast %and3A_1419 : i32 to vector<16xi32>
    %and3A_1421 = arith.andi %add3A_1418, %and3A_1420 : vector<16xi32>
    %broadcast_in_dim3A_1422 = vector.shape_cast %and3A_1421 : vector<16xi32> to vector<16x1xi32>
    %gather3A_1423 = vector.shape_cast %broadcast_in_dim3A_1422 : vector<16x1xi32> to vector<16xi32>
    %gather3A_1424 = tpu.dynamic_gather %add3A_1414[%gather3A_1423] in [0] : vector<16xi32>, vector<16xi32> -> vector<16xi32>
    %add3A_1425 = arith.addi %add3A_1414, %gather3A_1424 : vector<16xi32>
    %ge3A_1426 = arith.cmpi sge, %add3A_1425, %min3A_55 : vector<16xi32>
    %select_n3A_1427 = arith.select %ge3A_1426, %or3A_1375, %select_n3A_1372 : vector<16xi1>, vector<16xi32>
    %or3A_1428 = arith.constant 32 : i32
    %or3A_1429 = vector.broadcast %or3A_1428 : i32 to vector<16xi32>
    %or3A_1430 = arith.ori %select_n3A_1427, %or3A_1429 : vector<16xi32>
    %scan3A_1431 = arith.constant 0 : i32
    %scan3A_1432 = arith.constant 250 : i32
    %scan3A_1433 = arith.addi %scan3A_1431, %scan3A_1432 : i32
    %scan3A_1434 = arith.constant 1 : i32
    %scan3A_1435 = scf.for %scan3A_1837 = %scan3A_1431 to %scan3A_1433 step %scan3A_1434 iter_args(%scan3A_1838 = %broadcast_in_dim3A_3) -> (vector<16xi32>)  : i32 {
      %mul3A_1839 = arith.constant 80 : i32
      %mul3A_1840 = arith.muli %scan3A_1837, %mul3A_1839 : i32
      %add3A_1841 = arith.constant 0 : i32
      %add3A_1842 = arith.addi %mul3A_1840, %add3A_1841 : i32
      %get3A = arith.index_cast %add3A_1842 : i32 to index
      %get3A_1843 = tpu.vector_load %arg8[%get3A] {strides = array<i32>} : memref<20000xi32, #tpu.memory_space<vmem>>, vector<16xi32>,
      %get3A_1844 = vector.shape_cast %get3A_1843 : vector<16xi32> to vector<16xi32>
      %ge3A_1845 = arith.cmpi sge, %get3A_1844, %or3A_1430 : vector<16xi32>
      %select_n3A_1846 = arith.select %ge3A_1845, %broadcast_in_dim3A_1, %broadcast_in_dim3A_3 : vector<16xi1>, vector<16xi32>
      %add3A_1847 = arith.addi %scan3A_1838, %select_n3A_1846 : vector<16xi32>
      %mul3A_1848 = arith.constant 80 : i32
      %mul3A_1849 = arith.muli %scan3A_1837, %mul3A_1848 : i32
      %add3A_1850 = arith.constant 16 : i32
      %add3A_1851 = arith.addi %mul3A_1849, %add3A_1850 : i32
      %get3A_1852 = arith.index_cast %add3A_1851 : i32 to index
      %get3A_1853 = tpu.vector_load %arg8[%get3A_1852] {strides = array<i32>} : memref<20000xi32, #tpu.memory_space<vmem>>, vector<16xi32>,
      %get3A_1854 = vector.shape_cast %get3A_1853 : vector<16xi32> to vector<16xi32>
      %ge3A_1855 = arith.cmpi sge, %get3A_1854, %or3A_1430 : vector<16xi32>
      %select_n3A_1856 = arith.select %ge3A_1855, %broadcast_in_dim3A_1, %broadcast_in_dim3A_3 : vector<16xi1>, vector<16xi32>
      %add3A_1857 = arith.addi %add3A_1847, %select_n3A_1856 : vector<16xi32>
      %mul3A_1858 = arith.constant 80 : i32
      %mul3A_1859 = arith.muli %scan3A_1837, %mul3A_1858 : i32
      %add3A_1860 = arith.constant 32 : i32
      %add3A_1861 = arith.addi %mul3A_1859, %add3A_1860 : i32
      %get3A_1862 = arith.index_cast %add3A_1861 : i32 to index
      %get3A_1863 = tpu.vector_load %arg8[%get3A_1862] {strides = array<i32>} : memref<20000xi32, #tpu.memory_space<vmem>>, vector<16xi32>,
      %get3A_1864 = vector.shape_cast %get3A_1863 : vector<16xi32> to vector<16xi32>
      %ge3A_1865 = arith.cmpi sge, %get3A_1864, %or3A_1430 : vector<16xi32>
      %select_n3A_1866 = arith.select %ge3A_1865, %broadcast_in_dim3A_1, %broadcast_in_dim3A_3 : vector<16xi1>, vector<16xi32>
      %add3A_1867 = arith.addi %add3A_1857, %select_n3A_1866 : vector<16xi32>
      %mul3A_1868 = arith.constant 80 : i32
      %mul3A_1869 = arith.muli %scan3A_1837, %mul3A_1868 : i32
      %add3A_1870 = arith.constant 48 : i32
      %add3A_1871 = arith.addi %mul3A_1869, %add3A_1870 : i32
      %get3A_1872 = arith.index_cast %add3A_1871 : i32 to index
      %get3A_1873 = tpu.vector_load %arg8[%get3A_1872] {strides = array<i32>} : memref<20000xi32, #tpu.memory_space<vmem>>, vector<16xi32>,
      %get3A_1874 = vector.shape_cast %get3A_1873 : vector<16xi32> to vector<16xi32>
      %ge3A_1875 = arith.cmpi sge, %get3A_1874, %or3A_1430 : vector<16xi32>
      %select_n3A_1876 = arith.select %ge3A_1875, %broadcast_in_dim3A_1, %broadcast_in_dim3A_3 : vector<16xi1>, vector<16xi32>
      %add3A_1877 = arith.addi %add3A_1867, %select_n3A_1876 : vector<16xi32>
      %mul3A_1878 = arith.constant 80 : i32
      %mul3A_1879 = arith.muli %scan3A_1837, %mul3A_1878 : i32
      %add3A_1880 = arith.constant 64 : i32
      %add3A_1881 = arith.addi %mul3A_1879, %add3A_1880 : i32
      %get3A_1882 = arith.index_cast %add3A_1881 : i32 to index
      %get3A_1883 = tpu.vector_load %arg8[%get3A_1882] {strides = array<i32>} : memref<20000xi32, #tpu.memory_space<vmem>>, vector<16xi32>,
      %get3A_1884 = vector.shape_cast %get3A_1883 : vector<16xi32> to vector<16xi32>
      %ge3A_1885 = arith.cmpi sge, %get3A_1884, %or3A_1430 : vector<16xi32>
      %select_n3A_1886 = arith.select %ge3A_1885, %broadcast_in_dim3A_1, %broadcast_in_dim3A_3 : vector<16xi1>, vector<16xi32>
      %add3A_1887 = arith.addi %add3A_1877, %select_n3A_1886 : vector<16xi32>
      scf.yield %add3A_1887 : vector<16xi32>
    }
    %scan3A_1436 = arith.constant 250 : i32
    %iota3A_1437 = tpu.iota {dimensions = array<i32: 0>} : vector<16xi32>
    %add3A_1438 = arith.constant 1 : i32
    %add3A_1439 = vector.broadcast %add3A_1438 : i32 to vector<16xi32>
    %add3A_1440 = arith.addi %iota3A_1437, %add3A_1439 : vector<16xi32>
    %and3A_1441 = arith.constant 15 : i32
    %and3A_1442 = vector.broadcast %and3A_1441 : i32 to vector<16xi32>
    %and3A_1443 = arith.andi %add3A_1440, %and3A_1442 : vector<16xi32>
    %broadcast_in_dim3A_1444 = vector.shape_cast %and3A_1443 : vector<16xi32> to vector<16x1xi32>
    %gather3A_1445 = vector.shape_cast %broadcast_in_dim3A_1444 : vector<16x1xi32> to vector<16xi32>
    %gather3A_1446 = tpu.dynamic_gather %scan3A_1435[%gather3A_1445] in [0] : vector<16xi32>, vector<16xi32> -> vector<16xi32>
    %add3A_1447 = arith.addi %scan3A_1435, %gather3A_1446 : vector<16xi32>
    %iota3A_1448 = tpu.iota {dimensions = array<i32: 0>} : vector<16xi32>
    %add3A_1449 = arith.constant 2 : i32
    %add3A_1450 = vector.broadcast %add3A_1449 : i32 to vector<16xi32>
    %add3A_1451 = arith.addi %iota3A_1448, %add3A_1450 : vector<16xi32>
    %and3A_1452 = arith.constant 15 : i32
    %and3A_1453 = vector.broadcast %and3A_1452 : i32 to vector<16xi32>
    %and3A_1454 = arith.andi %add3A_1451, %and3A_1453 : vector<16xi32>
    %broadcast_in_dim3A_1455 = vector.shape_cast %and3A_1454 : vector<16xi32> to vector<16x1xi32>
    %gather3A_1456 = vector.shape_cast %broadcast_in_dim3A_1455 : vector<16x1xi32> to vector<16xi32>
    %gather3A_1457 = tpu.dynamic_gather %add3A_1447[%gather3A_1456] in [0] : vector<16xi32>, vector<16xi32> -> vector<16xi32>
    %add3A_1458 = arith.addi %add3A_1447, %gather3A_1457 : vector<16xi32>
    %iota3A_1459 = tpu.iota {dimensions = array<i32: 0>} : vector<16xi32>
    %add3A_1460 = arith.constant 4 : i32
    %add3A_1461 = vector.broadcast %add3A_1460 : i32 to vector<16xi32>
    %add3A_1462 = arith.addi %iota3A_1459, %add3A_1461 : vector<16xi32>
    %and3A_1463 = arith.constant 15 : i32
    %and3A_1464 = vector.broadcast %and3A_1463 : i32 to vector<16xi32>
    %and3A_1465 = arith.andi %add3A_1462, %and3A_1464 : vector<16xi32>
    %broadcast_in_dim3A_1466 = vector.shape_cast %and3A_1465 : vector<16xi32> to vector<16x1xi32>
    %gather3A_1467 = vector.shape_cast %broadcast_in_dim3A_1466 : vector<16x1xi32> to vector<16xi32>
    %gather3A_1468 = tpu.dynamic_gather %add3A_1458[%gather3A_1467] in [0] : vector<16xi32>, vector<16xi32> -> vector<16xi32>
    %add3A_1469 = arith.addi %add3A_1458, %gather3A_1468 : vector<16xi32>
    %iota3A_1470 = tpu.iota {dimensions = array<i32: 0>} : vector<16xi32>
    %add3A_1471 = arith.constant 8 : i32
    %add3A_1472 = vector.broadcast %add3A_1471 : i32 to vector<16xi32>
    %add3A_1473 = arith.addi %iota3A_1470, %add3A_1472 : vector<16xi32>
    %and3A_1474 = arith.constant 15 : i32
    %and3A_1475 = vector.broadcast %and3A_1474 : i32 to vector<16xi32>
    %and3A_1476 = arith.andi %add3A_1473, %and3A_1475 : vector<16xi32>
    %broadcast_in_dim3A_1477 = vector.shape_cast %and3A_1476 : vector<16xi32> to vector<16x1xi32>
    %gather3A_1478 = vector.shape_cast %broadcast_in_dim3A_1477 : vector<16x1xi32> to vector<16xi32>
    %gather3A_1479 = tpu.dynamic_gather %add3A_1469[%gather3A_1478] in [0] : vector<16xi32>, vector<16xi32> -> vector<16xi32>
    %add3A_1480 = arith.addi %add3A_1469, %gather3A_1479 : vector<16xi32>
    %ge3A_1481 = arith.cmpi sge, %add3A_1480, %min3A_55 : vector<16xi32>
    %select_n3A_1482 = arith.select %ge3A_1481, %or3A_1430, %select_n3A_1427 : vector<16xi1>, vector<16xi32>
    %or3A_1483 = arith.constant 16 : i32
    %or3A_1484 = vector.broadcast %or3A_1483 : i32 to vector<16xi32>
    %or3A_1485 = arith.ori %select_n3A_1482, %or3A_1484 : vector<16xi32>
    %scan3A_1486 = arith.constant 0 : i32
    %scan3A_1487 = arith.constant 250 : i32
    %scan3A_1488 = arith.addi %scan3A_1486, %scan3A_1487 : i32
    %scan3A_1489 = arith.constant 1 : i32
    %scan3A_1490 = scf.for %scan3A_1837 = %scan3A_1486 to %scan3A_1488 step %scan3A_1489 iter_args(%scan3A_1838 = %broadcast_in_dim3A_3) -> (vector<16xi32>)  : i32 {
      %mul3A_1839 = arith.constant 80 : i32
      %mul3A_1840 = arith.muli %scan3A_1837, %mul3A_1839 : i32
      %add3A_1841 = arith.constant 0 : i32
      %add3A_1842 = arith.addi %mul3A_1840, %add3A_1841 : i32
      %get3A = arith.index_cast %add3A_1842 : i32 to index
      %get3A_1843 = tpu.vector_load %arg8[%get3A] {strides = array<i32>} : memref<20000xi32, #tpu.memory_space<vmem>>, vector<16xi32>,
      %get3A_1844 = vector.shape_cast %get3A_1843 : vector<16xi32> to vector<16xi32>
      %ge3A_1845 = arith.cmpi sge, %get3A_1844, %or3A_1485 : vector<16xi32>
      %select_n3A_1846 = arith.select %ge3A_1845, %broadcast_in_dim3A_1, %broadcast_in_dim3A_3 : vector<16xi1>, vector<16xi32>
      %add3A_1847 = arith.addi %scan3A_1838, %select_n3A_1846 : vector<16xi32>
      %mul3A_1848 = arith.constant 80 : i32
      %mul3A_1849 = arith.muli %scan3A_1837, %mul3A_1848 : i32
      %add3A_1850 = arith.constant 16 : i32
      %add3A_1851 = arith.addi %mul3A_1849, %add3A_1850 : i32
      %get3A_1852 = arith.index_cast %add3A_1851 : i32 to index
      %get3A_1853 = tpu.vector_load %arg8[%get3A_1852] {strides = array<i32>} : memref<20000xi32, #tpu.memory_space<vmem>>, vector<16xi32>,
      %get3A_1854 = vector.shape_cast %get3A_1853 : vector<16xi32> to vector<16xi32>
      %ge3A_1855 = arith.cmpi sge, %get3A_1854, %or3A_1485 : vector<16xi32>
      %select_n3A_1856 = arith.select %ge3A_1855, %broadcast_in_dim3A_1, %broadcast_in_dim3A_3 : vector<16xi1>, vector<16xi32>
      %add3A_1857 = arith.addi %add3A_1847, %select_n3A_1856 : vector<16xi32>
      %mul3A_1858 = arith.constant 80 : i32
      %mul3A_1859 = arith.muli %scan3A_1837, %mul3A_1858 : i32
      %add3A_1860 = arith.constant 32 : i32
      %add3A_1861 = arith.addi %mul3A_1859, %add3A_1860 : i32
      %get3A_1862 = arith.index_cast %add3A_1861 : i32 to index
      %get3A_1863 = tpu.vector_load %arg8[%get3A_1862] {strides = array<i32>} : memref<20000xi32, #tpu.memory_space<vmem>>, vector<16xi32>,
      %get3A_1864 = vector.shape_cast %get3A_1863 : vector<16xi32> to vector<16xi32>
      %ge3A_1865 = arith.cmpi sge, %get3A_1864, %or3A_1485 : vector<16xi32>
      %select_n3A_1866 = arith.select %ge3A_1865, %broadcast_in_dim3A_1, %broadcast_in_dim3A_3 : vector<16xi1>, vector<16xi32>
      %add3A_1867 = arith.addi %add3A_1857, %select_n3A_1866 : vector<16xi32>
      %mul3A_1868 = arith.constant 80 : i32
      %mul3A_1869 = arith.muli %scan3A_1837, %mul3A_1868 : i32
      %add3A_1870 = arith.constant 48 : i32
      %add3A_1871 = arith.addi %mul3A_1869, %add3A_1870 : i32
      %get3A_1872 = arith.index_cast %add3A_1871 : i32 to index
      %get3A_1873 = tpu.vector_load %arg8[%get3A_1872] {strides = array<i32>} : memref<20000xi32, #tpu.memory_space<vmem>>, vector<16xi32>,
      %get3A_1874 = vector.shape_cast %get3A_1873 : vector<16xi32> to vector<16xi32>
      %ge3A_1875 = arith.cmpi sge, %get3A_1874, %or3A_1485 : vector<16xi32>
      %select_n3A_1876 = arith.select %ge3A_1875, %broadcast_in_dim3A_1, %broadcast_in_dim3A_3 : vector<16xi1>, vector<16xi32>
      %add3A_1877 = arith.addi %add3A_1867, %select_n3A_1876 : vector<16xi32>
      %mul3A_1878 = arith.constant 80 : i32
      %mul3A_1879 = arith.muli %scan3A_1837, %mul3A_1878 : i32
      %add3A_1880 = arith.constant 64 : i32
      %add3A_1881 = arith.addi %mul3A_1879, %add3A_1880 : i32
      %get3A_1882 = arith.index_cast %add3A_1881 : i32 to index
      %get3A_1883 = tpu.vector_load %arg8[%get3A_1882] {strides = array<i32>} : memref<20000xi32, #tpu.memory_space<vmem>>, vector<16xi32>,
      %get3A_1884 = vector.shape_cast %get3A_1883 : vector<16xi32> to vector<16xi32>
      %ge3A_1885 = arith.cmpi sge, %get3A_1884, %or3A_1485 : vector<16xi32>
      %select_n3A_1886 = arith.select %ge3A_1885, %broadcast_in_dim3A_1, %broadcast_in_dim3A_3 : vector<16xi1>, vector<16xi32>
      %add3A_1887 = arith.addi %add3A_1877, %select_n3A_1886 : vector<16xi32>
      scf.yield %add3A_1887 : vector<16xi32>
    }
    %scan3A_1491 = arith.constant 250 : i32
    %iota3A_1492 = tpu.iota {dimensions = array<i32: 0>} : vector<16xi32>
    %add3A_1493 = arith.constant 1 : i32
    %add3A_1494 = vector.broadcast %add3A_1493 : i32 to vector<16xi32>
    %add3A_1495 = arith.addi %iota3A_1492, %add3A_1494 : vector<16xi32>
    %and3A_1496 = arith.constant 15 : i32
    %and3A_1497 = vector.broadcast %and3A_1496 : i32 to vector<16xi32>
    %and3A_1498 = arith.andi %add3A_1495, %and3A_1497 : vector<16xi32>
    %broadcast_in_dim3A_1499 = vector.shape_cast %and3A_1498 : vector<16xi32> to vector<16x1xi32>
    %gather3A_1500 = vector.shape_cast %broadcast_in_dim3A_1499 : vector<16x1xi32> to vector<16xi32>
    %gather3A_1501 = tpu.dynamic_gather %scan3A_1490[%gather3A_1500] in [0] : vector<16xi32>, vector<16xi32> -> vector<16xi32>
    %add3A_1502 = arith.addi %scan3A_1490, %gather3A_1501 : vector<16xi32>
    %iota3A_1503 = tpu.iota {dimensions = array<i32: 0>} : vector<16xi32>
    %add3A_1504 = arith.constant 2 : i32
    %add3A_1505 = vector.broadcast %add3A_1504 : i32 to vector<16xi32>
    %add3A_1506 = arith.addi %iota3A_1503, %add3A_1505 : vector<16xi32>
    %and3A_1507 = arith.constant 15 : i32
    %and3A_1508 = vector.broadcast %and3A_1507 : i32 to vector<16xi32>
    %and3A_1509 = arith.andi %add3A_1506, %and3A_1508 : vector<16xi32>
    %broadcast_in_dim3A_1510 = vector.shape_cast %and3A_1509 : vector<16xi32> to vector<16x1xi32>
    %gather3A_1511 = vector.shape_cast %broadcast_in_dim3A_1510 : vector<16x1xi32> to vector<16xi32>
    %gather3A_1512 = tpu.dynamic_gather %add3A_1502[%gather3A_1511] in [0] : vector<16xi32>, vector<16xi32> -> vector<16xi32>
    %add3A_1513 = arith.addi %add3A_1502, %gather3A_1512 : vector<16xi32>
    %iota3A_1514 = tpu.iota {dimensions = array<i32: 0>} : vector<16xi32>
    %add3A_1515 = arith.constant 4 : i32
    %add3A_1516 = vector.broadcast %add3A_1515 : i32 to vector<16xi32>
    %add3A_1517 = arith.addi %iota3A_1514, %add3A_1516 : vector<16xi32>
    %and3A_1518 = arith.constant 15 : i32
    %and3A_1519 = vector.broadcast %and3A_1518 : i32 to vector<16xi32>
    %and3A_1520 = arith.andi %add3A_1517, %and3A_1519 : vector<16xi32>
    %broadcast_in_dim3A_1521 = vector.shape_cast %and3A_1520 : vector<16xi32> to vector<16x1xi32>
    %gather3A_1522 = vector.shape_cast %broadcast_in_dim3A_1521 : vector<16x1xi32> to vector<16xi32>
    %gather3A_1523 = tpu.dynamic_gather %add3A_1513[%gather3A_1522] in [0] : vector<16xi32>, vector<16xi32> -> vector<16xi32>
    %add3A_1524 = arith.addi %add3A_1513, %gather3A_1523 : vector<16xi32>
    %iota3A_1525 = tpu.iota {dimensions = array<i32: 0>} : vector<16xi32>
    %add3A_1526 = arith.constant 8 : i32
    %add3A_1527 = vector.broadcast %add3A_1526 : i32 to vector<16xi32>
    %add3A_1528 = arith.addi %iota3A_1525, %add3A_1527 : vector<16xi32>
    %and3A_1529 = arith.constant 15 : i32
    %and3A_1530 = vector.broadcast %and3A_1529 : i32 to vector<16xi32>
    %and3A_1531 = arith.andi %add3A_1528, %and3A_1530 : vector<16xi32>
    %broadcast_in_dim3A_1532 = vector.shape_cast %and3A_1531 : vector<16xi32> to vector<16x1xi32>
    %gather3A_1533 = vector.shape_cast %broadcast_in_dim3A_1532 : vector<16x1xi32> to vector<16xi32>
    %gather3A_1534 = tpu.dynamic_gather %add3A_1524[%gather3A_1533] in [0] : vector<16xi32>, vector<16xi32> -> vector<16xi32>
    %add3A_1535 = arith.addi %add3A_1524, %gather3A_1534 : vector<16xi32>
    %ge3A_1536 = arith.cmpi sge, %add3A_1535, %min3A_55 : vector<16xi32>
    %select_n3A_1537 = arith.select %ge3A_1536, %or3A_1485, %select_n3A_1482 : vector<16xi1>, vector<16xi32>
    %or3A_1538 = arith.constant 8 : i32
    %or3A_1539 = vector.broadcast %or3A_1538 : i32 to vector<16xi32>
    %or3A_1540 = arith.ori %select_n3A_1537, %or3A_1539 : vector<16xi32>
    %scan3A_1541 = arith.constant 0 : i32
    %scan3A_1542 = arith.constant 250 : i32
    %scan3A_1543 = arith.addi %scan3A_1541, %scan3A_1542 : i32
    %scan3A_1544 = arith.constant 1 : i32
    %scan3A_1545 = scf.for %scan3A_1837 = %scan3A_1541 to %scan3A_1543 step %scan3A_1544 iter_args(%scan3A_1838 = %broadcast_in_dim3A_3) -> (vector<16xi32>)  : i32 {
      %mul3A_1839 = arith.constant 80 : i32
      %mul3A_1840 = arith.muli %scan3A_1837, %mul3A_1839 : i32
      %add3A_1841 = arith.constant 0 : i32
      %add3A_1842 = arith.addi %mul3A_1840, %add3A_1841 : i32
      %get3A = arith.index_cast %add3A_1842 : i32 to index
      %get3A_1843 = tpu.vector_load %arg8[%get3A] {strides = array<i32>} : memref<20000xi32, #tpu.memory_space<vmem>>, vector<16xi32>,
      %get3A_1844 = vector.shape_cast %get3A_1843 : vector<16xi32> to vector<16xi32>
      %ge3A_1845 = arith.cmpi sge, %get3A_1844, %or3A_1540 : vector<16xi32>
      %select_n3A_1846 = arith.select %ge3A_1845, %broadcast_in_dim3A_1, %broadcast_in_dim3A_3 : vector<16xi1>, vector<16xi32>
      %add3A_1847 = arith.addi %scan3A_1838, %select_n3A_1846 : vector<16xi32>
      %mul3A_1848 = arith.constant 80 : i32
      %mul3A_1849 = arith.muli %scan3A_1837, %mul3A_1848 : i32
      %add3A_1850 = arith.constant 16 : i32
      %add3A_1851 = arith.addi %mul3A_1849, %add3A_1850 : i32
      %get3A_1852 = arith.index_cast %add3A_1851 : i32 to index
      %get3A_1853 = tpu.vector_load %arg8[%get3A_1852] {strides = array<i32>} : memref<20000xi32, #tpu.memory_space<vmem>>, vector<16xi32>,
      %get3A_1854 = vector.shape_cast %get3A_1853 : vector<16xi32> to vector<16xi32>
      %ge3A_1855 = arith.cmpi sge, %get3A_1854, %or3A_1540 : vector<16xi32>
      %select_n3A_1856 = arith.select %ge3A_1855, %broadcast_in_dim3A_1, %broadcast_in_dim3A_3 : vector<16xi1>, vector<16xi32>
      %add3A_1857 = arith.addi %add3A_1847, %select_n3A_1856 : vector<16xi32>
      %mul3A_1858 = arith.constant 80 : i32
      %mul3A_1859 = arith.muli %scan3A_1837, %mul3A_1858 : i32
      %add3A_1860 = arith.constant 32 : i32
      %add3A_1861 = arith.addi %mul3A_1859, %add3A_1860 : i32
      %get3A_1862 = arith.index_cast %add3A_1861 : i32 to index
      %get3A_1863 = tpu.vector_load %arg8[%get3A_1862] {strides = array<i32>} : memref<20000xi32, #tpu.memory_space<vmem>>, vector<16xi32>,
      %get3A_1864 = vector.shape_cast %get3A_1863 : vector<16xi32> to vector<16xi32>
      %ge3A_1865 = arith.cmpi sge, %get3A_1864, %or3A_1540 : vector<16xi32>
      %select_n3A_1866 = arith.select %ge3A_1865, %broadcast_in_dim3A_1, %broadcast_in_dim3A_3 : vector<16xi1>, vector<16xi32>
      %add3A_1867 = arith.addi %add3A_1857, %select_n3A_1866 : vector<16xi32>
      %mul3A_1868 = arith.constant 80 : i32
      %mul3A_1869 = arith.muli %scan3A_1837, %mul3A_1868 : i32
      %add3A_1870 = arith.constant 48 : i32
      %add3A_1871 = arith.addi %mul3A_1869, %add3A_1870 : i32
      %get3A_1872 = arith.index_cast %add3A_1871 : i32 to index
      %get3A_1873 = tpu.vector_load %arg8[%get3A_1872] {strides = array<i32>} : memref<20000xi32, #tpu.memory_space<vmem>>, vector<16xi32>,
      %get3A_1874 = vector.shape_cast %get3A_1873 : vector<16xi32> to vector<16xi32>
      %ge3A_1875 = arith.cmpi sge, %get3A_1874, %or3A_1540 : vector<16xi32>
      %select_n3A_1876 = arith.select %ge3A_1875, %broadcast_in_dim3A_1, %broadcast_in_dim3A_3 : vector<16xi1>, vector<16xi32>
      %add3A_1877 = arith.addi %add3A_1867, %select_n3A_1876 : vector<16xi32>
      %mul3A_1878 = arith.constant 80 : i32
      %mul3A_1879 = arith.muli %scan3A_1837, %mul3A_1878 : i32
      %add3A_1880 = arith.constant 64 : i32
      %add3A_1881 = arith.addi %mul3A_1879, %add3A_1880 : i32
      %get3A_1882 = arith.index_cast %add3A_1881 : i32 to index
      %get3A_1883 = tpu.vector_load %arg8[%get3A_1882] {strides = array<i32>} : memref<20000xi32, #tpu.memory_space<vmem>>, vector<16xi32>,
      %get3A_1884 = vector.shape_cast %get3A_1883 : vector<16xi32> to vector<16xi32>
      %ge3A_1885 = arith.cmpi sge, %get3A_1884, %or3A_1540 : vector<16xi32>
      %select_n3A_1886 = arith.select %ge3A_1885, %broadcast_in_dim3A_1, %broadcast_in_dim3A_3 : vector<16xi1>, vector<16xi32>
      %add3A_1887 = arith.addi %add3A_1877, %select_n3A_1886 : vector<16xi32>
      scf.yield %add3A_1887 : vector<16xi32>
    }
    %scan3A_1546 = arith.constant 250 : i32
    %iota3A_1547 = tpu.iota {dimensions = array<i32: 0>} : vector<16xi32>
    %add3A_1548 = arith.constant 1 : i32
    %add3A_1549 = vector.broadcast %add3A_1548 : i32 to vector<16xi32>
    %add3A_1550 = arith.addi %iota3A_1547, %add3A_1549 : vector<16xi32>
    %and3A_1551 = arith.constant 15 : i32
    %and3A_1552 = vector.broadcast %and3A_1551 : i32 to vector<16xi32>
    %and3A_1553 = arith.andi %add3A_1550, %and3A_1552 : vector<16xi32>
    %broadcast_in_dim3A_1554 = vector.shape_cast %and3A_1553 : vector<16xi32> to vector<16x1xi32>
    %gather3A_1555 = vector.shape_cast %broadcast_in_dim3A_1554 : vector<16x1xi32> to vector<16xi32>
    %gather3A_1556 = tpu.dynamic_gather %scan3A_1545[%gather3A_1555] in [0] : vector<16xi32>, vector<16xi32> -> vector<16xi32>
    %add3A_1557 = arith.addi %scan3A_1545, %gather3A_1556 : vector<16xi32>
    %iota3A_1558 = tpu.iota {dimensions = array<i32: 0>} : vector<16xi32>
    %add3A_1559 = arith.constant 2 : i32
    %add3A_1560 = vector.broadcast %add3A_1559 : i32 to vector<16xi32>
    %add3A_1561 = arith.addi %iota3A_1558, %add3A_1560 : vector<16xi32>
    %and3A_1562 = arith.constant 15 : i32
    %and3A_1563 = vector.broadcast %and3A_1562 : i32 to vector<16xi32>
    %and3A_1564 = arith.andi %add3A_1561, %and3A_1563 : vector<16xi32>
    %broadcast_in_dim3A_1565 = vector.shape_cast %and3A_1564 : vector<16xi32> to vector<16x1xi32>
    %gather3A_1566 = vector.shape_cast %broadcast_in_dim3A_1565 : vector<16x1xi32> to vector<16xi32>
    %gather3A_1567 = tpu.dynamic_gather %add3A_1557[%gather3A_1566] in [0] : vector<16xi32>, vector<16xi32> -> vector<16xi32>
    %add3A_1568 = arith.addi %add3A_1557, %gather3A_1567 : vector<16xi32>
    %iota3A_1569 = tpu.iota {dimensions = array<i32: 0>} : vector<16xi32>
    %add3A_1570 = arith.constant 4 : i32
    %add3A_1571 = vector.broadcast %add3A_1570 : i32 to vector<16xi32>
    %add3A_1572 = arith.addi %iota3A_1569, %add3A_1571 : vector<16xi32>
    %and3A_1573 = arith.constant 15 : i32
    %and3A_1574 = vector.broadcast %and3A_1573 : i32 to vector<16xi32>
    %and3A_1575 = arith.andi %add3A_1572, %and3A_1574 : vector<16xi32>
    %broadcast_in_dim3A_1576 = vector.shape_cast %and3A_1575 : vector<16xi32> to vector<16x1xi32>
    %gather3A_1577 = vector.shape_cast %broadcast_in_dim3A_1576 : vector<16x1xi32> to vector<16xi32>
    %gather3A_1578 = tpu.dynamic_gather %add3A_1568[%gather3A_1577] in [0] : vector<16xi32>, vector<16xi32> -> vector<16xi32>
    %add3A_1579 = arith.addi %add3A_1568, %gather3A_1578 : vector<16xi32>
    %iota3A_1580 = tpu.iota {dimensions = array<i32: 0>} : vector<16xi32>
    %add3A_1581 = arith.constant 8 : i32
    %add3A_1582 = vector.broadcast %add3A_1581 : i32 to vector<16xi32>
    %add3A_1583 = arith.addi %iota3A_1580, %add3A_1582 : vector<16xi32>
    %and3A_1584 = arith.constant 15 : i32
    %and3A_1585 = vector.broadcast %and3A_1584 : i32 to vector<16xi32>
    %and3A_1586 = arith.andi %add3A_1583, %and3A_1585 : vector<16xi32>
    %broadcast_in_dim3A_1587 = vector.shape_cast %and3A_1586 : vector<16xi32> to vector<16x1xi32>
    %gather3A_1588 = vector.shape_cast %broadcast_in_dim3A_1587 : vector<16x1xi32> to vector<16xi32>
    %gather3A_1589 = tpu.dynamic_gather %add3A_1579[%gather3A_1588] in [0] : vector<16xi32>, vector<16xi32> -> vector<16xi32>
    %add3A_1590 = arith.addi %add3A_1579, %gather3A_1589 : vector<16xi32>
    %ge3A_1591 = arith.cmpi sge, %add3A_1590, %min3A_55 : vector<16xi32>
    %select_n3A_1592 = arith.select %ge3A_1591, %or3A_1540, %select_n3A_1537 : vector<16xi1>, vector<16xi32>
    %or3A_1593 = arith.constant 4 : i32
    %or3A_1594 = vector.broadcast %or3A_1593 : i32 to vector<16xi32>
    %or3A_1595 = arith.ori %select_n3A_1592, %or3A_1594 : vector<16xi32>
    %scan3A_1596 = arith.constant 0 : i32
    %scan3A_1597 = arith.constant 250 : i32
    %scan3A_1598 = arith.addi %scan3A_1596, %scan3A_1597 : i32
    %scan3A_1599 = arith.constant 1 : i32
    %scan3A_1600 = scf.for %scan3A_1837 = %scan3A_1596 to %scan3A_1598 step %scan3A_1599 iter_args(%scan3A_1838 = %broadcast_in_dim3A_3) -> (vector<16xi32>)  : i32 {
      %mul3A_1839 = arith.constant 80 : i32
      %mul3A_1840 = arith.muli %scan3A_1837, %mul3A_1839 : i32
      %add3A_1841 = arith.constant 0 : i32
      %add3A_1842 = arith.addi %mul3A_1840, %add3A_1841 : i32
      %get3A = arith.index_cast %add3A_1842 : i32 to index
      %get3A_1843 = tpu.vector_load %arg8[%get3A] {strides = array<i32>} : memref<20000xi32, #tpu.memory_space<vmem>>, vector<16xi32>,
      %get3A_1844 = vector.shape_cast %get3A_1843 : vector<16xi32> to vector<16xi32>
      %ge3A_1845 = arith.cmpi sge, %get3A_1844, %or3A_1595 : vector<16xi32>
      %select_n3A_1846 = arith.select %ge3A_1845, %broadcast_in_dim3A_1, %broadcast_in_dim3A_3 : vector<16xi1>, vector<16xi32>
      %add3A_1847 = arith.addi %scan3A_1838, %select_n3A_1846 : vector<16xi32>
      %mul3A_1848 = arith.constant 80 : i32
      %mul3A_1849 = arith.muli %scan3A_1837, %mul3A_1848 : i32
      %add3A_1850 = arith.constant 16 : i32
      %add3A_1851 = arith.addi %mul3A_1849, %add3A_1850 : i32
      %get3A_1852 = arith.index_cast %add3A_1851 : i32 to index
      %get3A_1853 = tpu.vector_load %arg8[%get3A_1852] {strides = array<i32>} : memref<20000xi32, #tpu.memory_space<vmem>>, vector<16xi32>,
      %get3A_1854 = vector.shape_cast %get3A_1853 : vector<16xi32> to vector<16xi32>
      %ge3A_1855 = arith.cmpi sge, %get3A_1854, %or3A_1595 : vector<16xi32>
      %select_n3A_1856 = arith.select %ge3A_1855, %broadcast_in_dim3A_1, %broadcast_in_dim3A_3 : vector<16xi1>, vector<16xi32>
      %add3A_1857 = arith.addi %add3A_1847, %select_n3A_1856 : vector<16xi32>
      %mul3A_1858 = arith.constant 80 : i32
      %mul3A_1859 = arith.muli %scan3A_1837, %mul3A_1858 : i32
      %add3A_1860 = arith.constant 32 : i32
      %add3A_1861 = arith.addi %mul3A_1859, %add3A_1860 : i32
      %get3A_1862 = arith.index_cast %add3A_1861 : i32 to index
      %get3A_1863 = tpu.vector_load %arg8[%get3A_1862] {strides = array<i32>} : memref<20000xi32, #tpu.memory_space<vmem>>, vector<16xi32>,
      %get3A_1864 = vector.shape_cast %get3A_1863 : vector<16xi32> to vector<16xi32>
      %ge3A_1865 = arith.cmpi sge, %get3A_1864, %or3A_1595 : vector<16xi32>
      %select_n3A_1866 = arith.select %ge3A_1865, %broadcast_in_dim3A_1, %broadcast_in_dim3A_3 : vector<16xi1>, vector<16xi32>
      %add3A_1867 = arith.addi %add3A_1857, %select_n3A_1866 : vector<16xi32>
      %mul3A_1868 = arith.constant 80 : i32
      %mul3A_1869 = arith.muli %scan3A_1837, %mul3A_1868 : i32
      %add3A_1870 = arith.constant 48 : i32
      %add3A_1871 = arith.addi %mul3A_1869, %add3A_1870 : i32
      %get3A_1872 = arith.index_cast %add3A_1871 : i32 to index
      %get3A_1873 = tpu.vector_load %arg8[%get3A_1872] {strides = array<i32>} : memref<20000xi32, #tpu.memory_space<vmem>>, vector<16xi32>,
      %get3A_1874 = vector.shape_cast %get3A_1873 : vector<16xi32> to vector<16xi32>
      %ge3A_1875 = arith.cmpi sge, %get3A_1874, %or3A_1595 : vector<16xi32>
      %select_n3A_1876 = arith.select %ge3A_1875, %broadcast_in_dim3A_1, %broadcast_in_dim3A_3 : vector<16xi1>, vector<16xi32>
      %add3A_1877 = arith.addi %add3A_1867, %select_n3A_1876 : vector<16xi32>
      %mul3A_1878 = arith.constant 80 : i32
      %mul3A_1879 = arith.muli %scan3A_1837, %mul3A_1878 : i32
      %add3A_1880 = arith.constant 64 : i32
      %add3A_1881 = arith.addi %mul3A_1879, %add3A_1880 : i32
      %get3A_1882 = arith.index_cast %add3A_1881 : i32 to index
      %get3A_1883 = tpu.vector_load %arg8[%get3A_1882] {strides = array<i32>} : memref<20000xi32, #tpu.memory_space<vmem>>, vector<16xi32>,
      %get3A_1884 = vector.shape_cast %get3A_1883 : vector<16xi32> to vector<16xi32>
      %ge3A_1885 = arith.cmpi sge, %get3A_1884, %or3A_1595 : vector<16xi32>
      %select_n3A_1886 = arith.select %ge3A_1885, %broadcast_in_dim3A_1, %broadcast_in_dim3A_3 : vector<16xi1>, vector<16xi32>
      %add3A_1887 = arith.addi %add3A_1877, %select_n3A_1886 : vector<16xi32>
      scf.yield %add3A_1887 : vector<16xi32>
    }
    %scan3A_1601 = arith.constant 250 : i32
    %iota3A_1602 = tpu.iota {dimensions = array<i32: 0>} : vector<16xi32>
    %add3A_1603 = arith.constant 1 : i32
    %add3A_1604 = vector.broadcast %add3A_1603 : i32 to vector<16xi32>
    %add3A_1605 = arith.addi %iota3A_1602, %add3A_1604 : vector<16xi32>
    %and3A_1606 = arith.constant 15 : i32
    %and3A_1607 = vector.broadcast %and3A_1606 : i32 to vector<16xi32>
    %and3A_1608 = arith.andi %add3A_1605, %and3A_1607 : vector<16xi32>
    %broadcast_in_dim3A_1609 = vector.shape_cast %and3A_1608 : vector<16xi32> to vector<16x1xi32>
    %gather3A_1610 = vector.shape_cast %broadcast_in_dim3A_1609 : vector<16x1xi32> to vector<16xi32>
    %gather3A_1611 = tpu.dynamic_gather %scan3A_1600[%gather3A_1610] in [0] : vector<16xi32>, vector<16xi32> -> vector<16xi32>
    %add3A_1612 = arith.addi %scan3A_1600, %gather3A_1611 : vector<16xi32>
    %iota3A_1613 = tpu.iota {dimensions = array<i32: 0>} : vector<16xi32>
    %add3A_1614 = arith.constant 2 : i32
    %add3A_1615 = vector.broadcast %add3A_1614 : i32 to vector<16xi32>
    %add3A_1616 = arith.addi %iota3A_1613, %add3A_1615 : vector<16xi32>
    %and3A_1617 = arith.constant 15 : i32
    %and3A_1618 = vector.broadcast %and3A_1617 : i32 to vector<16xi32>
    %and3A_1619 = arith.andi %add3A_1616, %and3A_1618 : vector<16xi32>
    %broadcast_in_dim3A_1620 = vector.shape_cast %and3A_1619 : vector<16xi32> to vector<16x1xi32>
    %gather3A_1621 = vector.shape_cast %broadcast_in_dim3A_1620 : vector<16x1xi32> to vector<16xi32>
    %gather3A_1622 = tpu.dynamic_gather %add3A_1612[%gather3A_1621] in [0] : vector<16xi32>, vector<16xi32> -> vector<16xi32>
    %add3A_1623 = arith.addi %add3A_1612, %gather3A_1622 : vector<16xi32>
    %iota3A_1624 = tpu.iota {dimensions = array<i32: 0>} : vector<16xi32>
    %add3A_1625 = arith.constant 4 : i32
    %add3A_1626 = vector.broadcast %add3A_1625 : i32 to vector<16xi32>
    %add3A_1627 = arith.addi %iota3A_1624, %add3A_1626 : vector<16xi32>
    %and3A_1628 = arith.constant 15 : i32
    %and3A_1629 = vector.broadcast %and3A_1628 : i32 to vector<16xi32>
    %and3A_1630 = arith.andi %add3A_1627, %and3A_1629 : vector<16xi32>
    %broadcast_in_dim3A_1631 = vector.shape_cast %and3A_1630 : vector<16xi32> to vector<16x1xi32>
    %gather3A_1632 = vector.shape_cast %broadcast_in_dim3A_1631 : vector<16x1xi32> to vector<16xi32>
    %gather3A_1633 = tpu.dynamic_gather %add3A_1623[%gather3A_1632] in [0] : vector<16xi32>, vector<16xi32> -> vector<16xi32>
    %add3A_1634 = arith.addi %add3A_1623, %gather3A_1633 : vector<16xi32>
    %iota3A_1635 = tpu.iota {dimensions = array<i32: 0>} : vector<16xi32>
    %add3A_1636 = arith.constant 8 : i32
    %add3A_1637 = vector.broadcast %add3A_1636 : i32 to vector<16xi32>
    %add3A_1638 = arith.addi %iota3A_1635, %add3A_1637 : vector<16xi32>
    %and3A_1639 = arith.constant 15 : i32
    %and3A_1640 = vector.broadcast %and3A_1639 : i32 to vector<16xi32>
    %and3A_1641 = arith.andi %add3A_1638, %and3A_1640 : vector<16xi32>
    %broadcast_in_dim3A_1642 = vector.shape_cast %and3A_1641 : vector<16xi32> to vector<16x1xi32>
    %gather3A_1643 = vector.shape_cast %broadcast_in_dim3A_1642 : vector<16x1xi32> to vector<16xi32>
    %gather3A_1644 = tpu.dynamic_gather %add3A_1634[%gather3A_1643] in [0] : vector<16xi32>, vector<16xi32> -> vector<16xi32>
    %add3A_1645 = arith.addi %add3A_1634, %gather3A_1644 : vector<16xi32>
    %ge3A_1646 = arith.cmpi sge, %add3A_1645, %min3A_55 : vector<16xi32>
    %select_n3A_1647 = arith.select %ge3A_1646, %or3A_1595, %select_n3A_1592 : vector<16xi1>, vector<16xi32>
    %or3A_1648 = arith.constant 2 : i32
    %or3A_1649 = vector.broadcast %or3A_1648 : i32 to vector<16xi32>
    %or3A_1650 = arith.ori %select_n3A_1647, %or3A_1649 : vector<16xi32>
    %scan3A_1651 = arith.constant 0 : i32
    %scan3A_1652 = arith.constant 250 : i32
    %scan3A_1653 = arith.addi %scan3A_1651, %scan3A_1652 : i32
    %scan3A_1654 = arith.constant 1 : i32
    %scan3A_1655 = scf.for %scan3A_1837 = %scan3A_1651 to %scan3A_1653 step %scan3A_1654 iter_args(%scan3A_1838 = %broadcast_in_dim3A_3) -> (vector<16xi32>)  : i32 {
      %mul3A_1839 = arith.constant 80 : i32
      %mul3A_1840 = arith.muli %scan3A_1837, %mul3A_1839 : i32
      %add3A_1841 = arith.constant 0 : i32
      %add3A_1842 = arith.addi %mul3A_1840, %add3A_1841 : i32
      %get3A = arith.index_cast %add3A_1842 : i32 to index
      %get3A_1843 = tpu.vector_load %arg8[%get3A] {strides = array<i32>} : memref<20000xi32, #tpu.memory_space<vmem>>, vector<16xi32>,
      %get3A_1844 = vector.shape_cast %get3A_1843 : vector<16xi32> to vector<16xi32>
      %ge3A_1845 = arith.cmpi sge, %get3A_1844, %or3A_1650 : vector<16xi32>
      %select_n3A_1846 = arith.select %ge3A_1845, %broadcast_in_dim3A_1, %broadcast_in_dim3A_3 : vector<16xi1>, vector<16xi32>
      %add3A_1847 = arith.addi %scan3A_1838, %select_n3A_1846 : vector<16xi32>
      %mul3A_1848 = arith.constant 80 : i32
      %mul3A_1849 = arith.muli %scan3A_1837, %mul3A_1848 : i32
      %add3A_1850 = arith.constant 16 : i32
      %add3A_1851 = arith.addi %mul3A_1849, %add3A_1850 : i32
      %get3A_1852 = arith.index_cast %add3A_1851 : i32 to index
      %get3A_1853 = tpu.vector_load %arg8[%get3A_1852] {strides = array<i32>} : memref<20000xi32, #tpu.memory_space<vmem>>, vector<16xi32>,
      %get3A_1854 = vector.shape_cast %get3A_1853 : vector<16xi32> to vector<16xi32>
      %ge3A_1855 = arith.cmpi sge, %get3A_1854, %or3A_1650 : vector<16xi32>
      %select_n3A_1856 = arith.select %ge3A_1855, %broadcast_in_dim3A_1, %broadcast_in_dim3A_3 : vector<16xi1>, vector<16xi32>
      %add3A_1857 = arith.addi %add3A_1847, %select_n3A_1856 : vector<16xi32>
      %mul3A_1858 = arith.constant 80 : i32
      %mul3A_1859 = arith.muli %scan3A_1837, %mul3A_1858 : i32
      %add3A_1860 = arith.constant 32 : i32
      %add3A_1861 = arith.addi %mul3A_1859, %add3A_1860 : i32
      %get3A_1862 = arith.index_cast %add3A_1861 : i32 to index
      %get3A_1863 = tpu.vector_load %arg8[%get3A_1862] {strides = array<i32>} : memref<20000xi32, #tpu.memory_space<vmem>>, vector<16xi32>,
      %get3A_1864 = vector.shape_cast %get3A_1863 : vector<16xi32> to vector<16xi32>
      %ge3A_1865 = arith.cmpi sge, %get3A_1864, %or3A_1650 : vector<16xi32>
      %select_n3A_1866 = arith.select %ge3A_1865, %broadcast_in_dim3A_1, %broadcast_in_dim3A_3 : vector<16xi1>, vector<16xi32>
      %add3A_1867 = arith.addi %add3A_1857, %select_n3A_1866 : vector<16xi32>
      %mul3A_1868 = arith.constant 80 : i32
      %mul3A_1869 = arith.muli %scan3A_1837, %mul3A_1868 : i32
      %add3A_1870 = arith.constant 48 : i32
      %add3A_1871 = arith.addi %mul3A_1869, %add3A_1870 : i32
      %get3A_1872 = arith.index_cast %add3A_1871 : i32 to index
      %get3A_1873 = tpu.vector_load %arg8[%get3A_1872] {strides = array<i32>} : memref<20000xi32, #tpu.memory_space<vmem>>, vector<16xi32>,
      %get3A_1874 = vector.shape_cast %get3A_1873 : vector<16xi32> to vector<16xi32>
      %ge3A_1875 = arith.cmpi sge, %get3A_1874, %or3A_1650 : vector<16xi32>
      %select_n3A_1876 = arith.select %ge3A_1875, %broadcast_in_dim3A_1, %broadcast_in_dim3A_3 : vector<16xi1>, vector<16xi32>
      %add3A_1877 = arith.addi %add3A_1867, %select_n3A_1876 : vector<16xi32>
      %mul3A_1878 = arith.constant 80 : i32
      %mul3A_1879 = arith.muli %scan3A_1837, %mul3A_1878 : i32
      %add3A_1880 = arith.constant 64 : i32
      %add3A_1881 = arith.addi %mul3A_1879, %add3A_1880 : i32
      %get3A_1882 = arith.index_cast %add3A_1881 : i32 to index
      %get3A_1883 = tpu.vector_load %arg8[%get3A_1882] {strides = array<i32>} : memref<20000xi32, #tpu.memory_space<vmem>>, vector<16xi32>,
      %get3A_1884 = vector.shape_cast %get3A_1883 : vector<16xi32> to vector<16xi32>
      %ge3A_1885 = arith.cmpi sge, %get3A_1884, %or3A_1650 : vector<16xi32>
      %select_n3A_1886 = arith.select %ge3A_1885, %broadcast_in_dim3A_1, %broadcast_in_dim3A_3 : vector<16xi1>, vector<16xi32>
      %add3A_1887 = arith.addi %add3A_1877, %select_n3A_1886 : vector<16xi32>
      scf.yield %add3A_1887 : vector<16xi32>
    }
    %scan3A_1656 = arith.constant 250 : i32
    %iota3A_1657 = tpu.iota {dimensions = array<i32: 0>} : vector<16xi32>
    %add3A_1658 = arith.constant 1 : i32
    %add3A_1659 = vector.broadcast %add3A_1658 : i32 to vector<16xi32>
    %add3A_1660 = arith.addi %iota3A_1657, %add3A_1659 : vector<16xi32>
    %and3A_1661 = arith.constant 15 : i32
    %and3A_1662 = vector.broadcast %and3A_1661 : i32 to vector<16xi32>
    %and3A_1663 = arith.andi %add3A_1660, %and3A_1662 : vector<16xi32>
    %broadcast_in_dim3A_1664 = vector.shape_cast %and3A_1663 : vector<16xi32> to vector<16x1xi32>
    %gather3A_1665 = vector.shape_cast %broadcast_in_dim3A_1664 : vector<16x1xi32> to vector<16xi32>
    %gather3A_1666 = tpu.dynamic_gather %scan3A_1655[%gather3A_1665] in [0] : vector<16xi32>, vector<16xi32> -> vector<16xi32>
    %add3A_1667 = arith.addi %scan3A_1655, %gather3A_1666 : vector<16xi32>
    %iota3A_1668 = tpu.iota {dimensions = array<i32: 0>} : vector<16xi32>
    %add3A_1669 = arith.constant 2 : i32
    %add3A_1670 = vector.broadcast %add3A_1669 : i32 to vector<16xi32>
    %add3A_1671 = arith.addi %iota3A_1668, %add3A_1670 : vector<16xi32>
    %and3A_1672 = arith.constant 15 : i32
    %and3A_1673 = vector.broadcast %and3A_1672 : i32 to vector<16xi32>
    %and3A_1674 = arith.andi %add3A_1671, %and3A_1673 : vector<16xi32>
    %broadcast_in_dim3A_1675 = vector.shape_cast %and3A_1674 : vector<16xi32> to vector<16x1xi32>
    %gather3A_1676 = vector.shape_cast %broadcast_in_dim3A_1675 : vector<16x1xi32> to vector<16xi32>
    %gather3A_1677 = tpu.dynamic_gather %add3A_1667[%gather3A_1676] in [0] : vector<16xi32>, vector<16xi32> -> vector<16xi32>
    %add3A_1678 = arith.addi %add3A_1667, %gather3A_1677 : vector<16xi32>
    %iota3A_1679 = tpu.iota {dimensions = array<i32: 0>} : vector<16xi32>
    %add3A_1680 = arith.constant 4 : i32
    %add3A_1681 = vector.broadcast %add3A_1680 : i32 to vector<16xi32>
    %add3A_1682 = arith.addi %iota3A_1679, %add3A_1681 : vector<16xi32>
    %and3A_1683 = arith.constant 15 : i32
    %and3A_1684 = vector.broadcast %and3A_1683 : i32 to vector<16xi32>
    %and3A_1685 = arith.andi %add3A_1682, %and3A_1684 : vector<16xi32>
    %broadcast_in_dim3A_1686 = vector.shape_cast %and3A_1685 : vector<16xi32> to vector<16x1xi32>
    %gather3A_1687 = vector.shape_cast %broadcast_in_dim3A_1686 : vector<16x1xi32> to vector<16xi32>
    %gather3A_1688 = tpu.dynamic_gather %add3A_1678[%gather3A_1687] in [0] : vector<16xi32>, vector<16xi32> -> vector<16xi32>
    %add3A_1689 = arith.addi %add3A_1678, %gather3A_1688 : vector<16xi32>
    %iota3A_1690 = tpu.iota {dimensions = array<i32: 0>} : vector<16xi32>
    %add3A_1691 = arith.constant 8 : i32
    %add3A_1692 = vector.broadcast %add3A_1691 : i32 to vector<16xi32>
    %add3A_1693 = arith.addi %iota3A_1690, %add3A_1692 : vector<16xi32>
    %and3A_1694 = arith.constant 15 : i32
    %and3A_1695 = vector.broadcast %and3A_1694 : i32 to vector<16xi32>
    %and3A_1696 = arith.andi %add3A_1693, %and3A_1695 : vector<16xi32>
    %broadcast_in_dim3A_1697 = vector.shape_cast %and3A_1696 : vector<16xi32> to vector<16x1xi32>
    %gather3A_1698 = vector.shape_cast %broadcast_in_dim3A_1697 : vector<16x1xi32> to vector<16xi32>
    %gather3A_1699 = tpu.dynamic_gather %add3A_1689[%gather3A_1698] in [0] : vector<16xi32>, vector<16xi32> -> vector<16xi32>
    %add3A_1700 = arith.addi %add3A_1689, %gather3A_1699 : vector<16xi32>
    %ge3A_1701 = arith.cmpi sge, %add3A_1700, %min3A_55 : vector<16xi32>
    %select_n3A_1702 = arith.select %ge3A_1701, %or3A_1650, %select_n3A_1647 : vector<16xi1>, vector<16xi32>
    %or3A_1703 = arith.constant 1 : i32
    %or3A_1704 = vector.broadcast %or3A_1703 : i32 to vector<16xi32>
    %or3A_1705 = arith.ori %select_n3A_1702, %or3A_1704 : vector<16xi32>
    %scan3A_1706 = arith.constant 0 : i32
    %scan3A_1707 = arith.constant 250 : i32
    %scan3A_1708 = arith.addi %scan3A_1706, %scan3A_1707 : i32
    %scan3A_1709 = arith.constant 1 : i32
    %scan3A_1710 = scf.for %scan3A_1837 = %scan3A_1706 to %scan3A_1708 step %scan3A_1709 iter_args(%scan3A_1838 = %broadcast_in_dim3A_3) -> (vector<16xi32>)  : i32 {
      %mul3A_1839 = arith.constant 80 : i32
      %mul3A_1840 = arith.muli %scan3A_1837, %mul3A_1839 : i32
      %add3A_1841 = arith.constant 0 : i32
      %add3A_1842 = arith.addi %mul3A_1840, %add3A_1841 : i32
      %get3A = arith.index_cast %add3A_1842 : i32 to index
      %get3A_1843 = tpu.vector_load %arg8[%get3A] {strides = array<i32>} : memref<20000xi32, #tpu.memory_space<vmem>>, vector<16xi32>,
      %get3A_1844 = vector.shape_cast %get3A_1843 : vector<16xi32> to vector<16xi32>
      %ge3A_1845 = arith.cmpi sge, %get3A_1844, %or3A_1705 : vector<16xi32>
      %select_n3A_1846 = arith.select %ge3A_1845, %broadcast_in_dim3A_1, %broadcast_in_dim3A_3 : vector<16xi1>, vector<16xi32>
      %add3A_1847 = arith.addi %scan3A_1838, %select_n3A_1846 : vector<16xi32>
      %mul3A_1848 = arith.constant 80 : i32
      %mul3A_1849 = arith.muli %scan3A_1837, %mul3A_1848 : i32
      %add3A_1850 = arith.constant 16 : i32
      %add3A_1851 = arith.addi %mul3A_1849, %add3A_1850 : i32
      %get3A_1852 = arith.index_cast %add3A_1851 : i32 to index
      %get3A_1853 = tpu.vector_load %arg8[%get3A_1852] {strides = array<i32>} : memref<20000xi32, #tpu.memory_space<vmem>>, vector<16xi32>,
      %get3A_1854 = vector.shape_cast %get3A_1853 : vector<16xi32> to vector<16xi32>
      %ge3A_1855 = arith.cmpi sge, %get3A_1854, %or3A_1705 : vector<16xi32>
      %select_n3A_1856 = arith.select %ge3A_1855, %broadcast_in_dim3A_1, %broadcast_in_dim3A_3 : vector<16xi1>, vector<16xi32>
      %add3A_1857 = arith.addi %add3A_1847, %select_n3A_1856 : vector<16xi32>
      %mul3A_1858 = arith.constant 80 : i32
      %mul3A_1859 = arith.muli %scan3A_1837, %mul3A_1858 : i32
      %add3A_1860 = arith.constant 32 : i32
      %add3A_1861 = arith.addi %mul3A_1859, %add3A_1860 : i32
      %get3A_1862 = arith.index_cast %add3A_1861 : i32 to index
      %get3A_1863 = tpu.vector_load %arg8[%get3A_1862] {strides = array<i32>} : memref<20000xi32, #tpu.memory_space<vmem>>, vector<16xi32>,
      %get3A_1864 = vector.shape_cast %get3A_1863 : vector<16xi32> to vector<16xi32>
      %ge3A_1865 = arith.cmpi sge, %get3A_1864, %or3A_1705 : vector<16xi32>
      %select_n3A_1866 = arith.select %ge3A_1865, %broadcast_in_dim3A_1, %broadcast_in_dim3A_3 : vector<16xi1>, vector<16xi32>
      %add3A_1867 = arith.addi %add3A_1857, %select_n3A_1866 : vector<16xi32>
      %mul3A_1868 = arith.constant 80 : i32
      %mul3A_1869 = arith.muli %scan3A_1837, %mul3A_1868 : i32
      %add3A_1870 = arith.constant 48 : i32
      %add3A_1871 = arith.addi %mul3A_1869, %add3A_1870 : i32
      %get3A_1872 = arith.index_cast %add3A_1871 : i32 to index
      %get3A_1873 = tpu.vector_load %arg8[%get3A_1872] {strides = array<i32>} : memref<20000xi32, #tpu.memory_space<vmem>>, vector<16xi32>,
      %get3A_1874 = vector.shape_cast %get3A_1873 : vector<16xi32> to vector<16xi32>
      %ge3A_1875 = arith.cmpi sge, %get3A_1874, %or3A_1705 : vector<16xi32>
      %select_n3A_1876 = arith.select %ge3A_1875, %broadcast_in_dim3A_1, %broadcast_in_dim3A_3 : vector<16xi1>, vector<16xi32>
      %add3A_1877 = arith.addi %add3A_1867, %select_n3A_1876 : vector<16xi32>
      %mul3A_1878 = arith.constant 80 : i32
      %mul3A_1879 = arith.muli %scan3A_1837, %mul3A_1878 : i32
      %add3A_1880 = arith.constant 64 : i32
      %add3A_1881 = arith.addi %mul3A_1879, %add3A_1880 : i32
      %get3A_1882 = arith.index_cast %add3A_1881 : i32 to index
      %get3A_1883 = tpu.vector_load %arg8[%get3A_1882] {strides = array<i32>} : memref<20000xi32, #tpu.memory_space<vmem>>, vector<16xi32>,
      %get3A_1884 = vector.shape_cast %get3A_1883 : vector<16xi32> to vector<16xi32>
      %ge3A_1885 = arith.cmpi sge, %get3A_1884, %or3A_1705 : vector<16xi32>
      %select_n3A_1886 = arith.select %ge3A_1885, %broadcast_in_dim3A_1, %broadcast_in_dim3A_3 : vector<16xi1>, vector<16xi32>
      %add3A_1887 = arith.addi %add3A_1877, %select_n3A_1886 : vector<16xi32>
      scf.yield %add3A_1887 : vector<16xi32>
    }
    %scan3A_1711 = arith.constant 250 : i32
    %iota3A_1712 = tpu.iota {dimensions = array<i32: 0>} : vector<16xi32>
    %add3A_1713 = arith.constant 1 : i32
    %add3A_1714 = vector.broadcast %add3A_1713 : i32 to vector<16xi32>
    %add3A_1715 = arith.addi %iota3A_1712, %add3A_1714 : vector<16xi32>
    %and3A_1716 = arith.constant 15 : i32
    %and3A_1717 = vector.broadcast %and3A_1716 : i32 to vector<16xi32>
    %and3A_1718 = arith.andi %add3A_1715, %and3A_1717 : vector<16xi32>
    %broadcast_in_dim3A_1719 = vector.shape_cast %and3A_1718 : vector<16xi32> to vector<16x1xi32>
    %gather3A_1720 = vector.shape_cast %broadcast_in_dim3A_1719 : vector<16x1xi32> to vector<16xi32>
    %gather3A_1721 = tpu.dynamic_gather %scan3A_1710[%gather3A_1720] in [0] : vector<16xi32>, vector<16xi32> -> vector<16xi32>
    %add3A_1722 = arith.addi %scan3A_1710, %gather3A_1721 : vector<16xi32>
    %iota3A_1723 = tpu.iota {dimensions = array<i32: 0>} : vector<16xi32>
    %add3A_1724 = arith.constant 2 : i32
    %add3A_1725 = vector.broadcast %add3A_1724 : i32 to vector<16xi32>
    %add3A_1726 = arith.addi %iota3A_1723, %add3A_1725 : vector<16xi32>
    %and3A_1727 = arith.constant 15 : i32
    %and3A_1728 = vector.broadcast %and3A_1727 : i32 to vector<16xi32>
    %and3A_1729 = arith.andi %add3A_1726, %and3A_1728 : vector<16xi32>
    %broadcast_in_dim3A_1730 = vector.shape_cast %and3A_1729 : vector<16xi32> to vector<16x1xi32>
    %gather3A_1731 = vector.shape_cast %broadcast_in_dim3A_1730 : vector<16x1xi32> to vector<16xi32>
    %gather3A_1732 = tpu.dynamic_gather %add3A_1722[%gather3A_1731] in [0] : vector<16xi32>, vector<16xi32> -> vector<16xi32>
    %add3A_1733 = arith.addi %add3A_1722, %gather3A_1732 : vector<16xi32>
    %iota3A_1734 = tpu.iota {dimensions = array<i32: 0>} : vector<16xi32>
    %add3A_1735 = arith.constant 4 : i32
    %add3A_1736 = vector.broadcast %add3A_1735 : i32 to vector<16xi32>
    %add3A_1737 = arith.addi %iota3A_1734, %add3A_1736 : vector<16xi32>
    %and3A_1738 = arith.constant 15 : i32
    %and3A_1739 = vector.broadcast %and3A_1738 : i32 to vector<16xi32>
    %and3A_1740 = arith.andi %add3A_1737, %and3A_1739 : vector<16xi32>
    %broadcast_in_dim3A_1741 = vector.shape_cast %and3A_1740 : vector<16xi32> to vector<16x1xi32>
    %gather3A_1742 = vector.shape_cast %broadcast_in_dim3A_1741 : vector<16x1xi32> to vector<16xi32>
    %gather3A_1743 = tpu.dynamic_gather %add3A_1733[%gather3A_1742] in [0] : vector<16xi32>, vector<16xi32> -> vector<16xi32>
    %add3A_1744 = arith.addi %add3A_1733, %gather3A_1743 : vector<16xi32>
    %iota3A_1745 = tpu.iota {dimensions = array<i32: 0>} : vector<16xi32>
    %add3A_1746 = arith.constant 8 : i32
    %add3A_1747 = vector.broadcast %add3A_1746 : i32 to vector<16xi32>
    %add3A_1748 = arith.addi %iota3A_1745, %add3A_1747 : vector<16xi32>
    %and3A_1749 = arith.constant 15 : i32
    %and3A_1750 = vector.broadcast %and3A_1749 : i32 to vector<16xi32>
    %and3A_1751 = arith.andi %add3A_1748, %and3A_1750 : vector<16xi32>
    %broadcast_in_dim3A_1752 = vector.shape_cast %and3A_1751 : vector<16xi32> to vector<16x1xi32>
    %gather3A_1753 = vector.shape_cast %broadcast_in_dim3A_1752 : vector<16x1xi32> to vector<16xi32>
    %gather3A_1754 = tpu.dynamic_gather %add3A_1744[%gather3A_1753] in [0] : vector<16xi32>, vector<16xi32> -> vector<16xi32>
    %add3A_1755 = arith.addi %add3A_1744, %gather3A_1754 : vector<16xi32>
    %ge3A_1756 = arith.cmpi sge, %add3A_1755, %min3A_55 : vector<16xi32>
    %select_n3A_1757 = arith.select %ge3A_1756, %or3A_1705, %select_n3A_1702 : vector<16xi1>, vector<16xi32>
    %scan3A_1758 = arith.constant 0 : i32
    %scan3A_1759 = arith.constant 250 : i32
    %scan3A_1760 = arith.addi %scan3A_1758, %scan3A_1759 : i32
    %scan3A_1761 = arith.constant 1 : i32
    %scan3A_1762 = scf.for %scan3A_1837 = %scan3A_1758 to %scan3A_1760 step %scan3A_1761 iter_args(%scan3A_1838 = %broadcast_in_dim3A_3) -> (vector<16xi32>)  : i32 {
      %mul3A_1839 = arith.constant 80 : i32
      %mul3A_1840 = arith.muli %scan3A_1837, %mul3A_1839 : i32
      %add3A_1841 = arith.constant 0 : i32
      %add3A_1842 = arith.addi %mul3A_1840, %add3A_1841 : i32
      %get3A = arith.index_cast %add3A_1842 : i32 to index
      %get3A_1843 = tpu.vector_load %arg8[%get3A] {strides = array<i32>} : memref<20000xi32, #tpu.memory_space<vmem>>, vector<16xi32>,
      %get3A_1844 = vector.shape_cast %get3A_1843 : vector<16xi32> to vector<16xi32>
      %gt3A = arith.cmpi sgt, %get3A_1844, %select_n3A_1757 : vector<16xi32>
      %select_n3A_1845 = arith.select %gt3A, %broadcast_in_dim3A_1, %broadcast_in_dim3A_3 : vector<16xi1>, vector<16xi32>
      %add3A_1846 = arith.addi %scan3A_1838, %select_n3A_1845 : vector<16xi32>
      %mul3A_1847 = arith.constant 80 : i32
      %mul3A_1848 = arith.muli %scan3A_1837, %mul3A_1847 : i32
      %add3A_1849 = arith.constant 16 : i32
      %add3A_1850 = arith.addi %mul3A_1848, %add3A_1849 : i32
      %get3A_1851 = arith.index_cast %add3A_1850 : i32 to index
      %get3A_1852 = tpu.vector_load %arg8[%get3A_1851] {strides = array<i32>} : memref<20000xi32, #tpu.memory_space<vmem>>, vector<16xi32>,
      %get3A_1853 = vector.shape_cast %get3A_1852 : vector<16xi32> to vector<16xi32>
      %gt3A_1854 = arith.cmpi sgt, %get3A_1853, %select_n3A_1757 : vector<16xi32>
      %select_n3A_1855 = arith.select %gt3A_1854, %broadcast_in_dim3A_1, %broadcast_in_dim3A_3 : vector<16xi1>, vector<16xi32>
      %add3A_1856 = arith.addi %add3A_1846, %select_n3A_1855 : vector<16xi32>
      %mul3A_1857 = arith.constant 80 : i32
      %mul3A_1858 = arith.muli %scan3A_1837, %mul3A_1857 : i32
      %add3A_1859 = arith.constant 32 : i32
      %add3A_1860 = arith.addi %mul3A_1858, %add3A_1859 : i32
      %get3A_1861 = arith.index_cast %add3A_1860 : i32 to index
      %get3A_1862 = tpu.vector_load %arg8[%get3A_1861] {strides = array<i32>} : memref<20000xi32, #tpu.memory_space<vmem>>, vector<16xi32>,
      %get3A_1863 = vector.shape_cast %get3A_1862 : vector<16xi32> to vector<16xi32>
      %gt3A_1864 = arith.cmpi sgt, %get3A_1863, %select_n3A_1757 : vector<16xi32>
      %select_n3A_1865 = arith.select %gt3A_1864, %broadcast_in_dim3A_1, %broadcast_in_dim3A_3 : vector<16xi1>, vector<16xi32>
      %add3A_1866 = arith.addi %add3A_1856, %select_n3A_1865 : vector<16xi32>
      %mul3A_1867 = arith.constant 80 : i32
      %mul3A_1868 = arith.muli %scan3A_1837, %mul3A_1867 : i32
      %add3A_1869 = arith.constant 48 : i32
      %add3A_1870 = arith.addi %mul3A_1868, %add3A_1869 : i32
      %get3A_1871 = arith.index_cast %add3A_1870 : i32 to index
      %get3A_1872 = tpu.vector_load %arg8[%get3A_1871] {strides = array<i32>} : memref<20000xi32, #tpu.memory_space<vmem>>, vector<16xi32>,
      %get3A_1873 = vector.shape_cast %get3A_1872 : vector<16xi32> to vector<16xi32>
      %gt3A_1874 = arith.cmpi sgt, %get3A_1873, %select_n3A_1757 : vector<16xi32>
      %select_n3A_1875 = arith.select %gt3A_1874, %broadcast_in_dim3A_1, %broadcast_in_dim3A_3 : vector<16xi1>, vector<16xi32>
      %add3A_1876 = arith.addi %add3A_1866, %select_n3A_1875 : vector<16xi32>
      %mul3A_1877 = arith.constant 80 : i32
      %mul3A_1878 = arith.muli %scan3A_1837, %mul3A_1877 : i32
      %add3A_1879 = arith.constant 64 : i32
      %add3A_1880 = arith.addi %mul3A_1878, %add3A_1879 : i32
      %get3A_1881 = arith.index_cast %add3A_1880 : i32 to index
      %get3A_1882 = tpu.vector_load %arg8[%get3A_1881] {strides = array<i32>} : memref<20000xi32, #tpu.memory_space<vmem>>, vector<16xi32>,
      %get3A_1883 = vector.shape_cast %get3A_1882 : vector<16xi32> to vector<16xi32>
      %gt3A_1884 = arith.cmpi sgt, %get3A_1883, %select_n3A_1757 : vector<16xi32>
      %select_n3A_1885 = arith.select %gt3A_1884, %broadcast_in_dim3A_1, %broadcast_in_dim3A_3 : vector<16xi1>, vector<16xi32>
      %add3A_1886 = arith.addi %add3A_1876, %select_n3A_1885 : vector<16xi32>
      scf.yield %add3A_1886 : vector<16xi32>
    }
    %scan3A_1763 = arith.constant 250 : i32
    %iota3A_1764 = tpu.iota {dimensions = array<i32: 0>} : vector<16xi32>
    %add3A_1765 = arith.constant 1 : i32
    %add3A_1766 = vector.broadcast %add3A_1765 : i32 to vector<16xi32>
    %add3A_1767 = arith.addi %iota3A_1764, %add3A_1766 : vector<16xi32>
    %and3A_1768 = arith.constant 15 : i32
    %and3A_1769 = vector.broadcast %and3A_1768 : i32 to vector<16xi32>
    %and3A_1770 = arith.andi %add3A_1767, %and3A_1769 : vector<16xi32>
    %broadcast_in_dim3A_1771 = vector.shape_cast %and3A_1770 : vector<16xi32> to vector<16x1xi32>
    %gather3A_1772 = vector.shape_cast %broadcast_in_dim3A_1771 : vector<16x1xi32> to vector<16xi32>
    %gather3A_1773 = tpu.dynamic_gather %scan3A_1762[%gather3A_1772] in [0] : vector<16xi32>, vector<16xi32> -> vector<16xi32>
    %add3A_1774 = arith.addi %scan3A_1762, %gather3A_1773 : vector<16xi32>
    %iota3A_1775 = tpu.iota {dimensions = array<i32: 0>} : vector<16xi32>
    %add3A_1776 = arith.constant 2 : i32
    %add3A_1777 = vector.broadcast %add3A_1776 : i32 to vector<16xi32>
    %add3A_1778 = arith.addi %iota3A_1775, %add3A_1777 : vector<16xi32>
    %and3A_1779 = arith.constant 15 : i32
    %and3A_1780 = vector.broadcast %and3A_1779 : i32 to vector<16xi32>
    %and3A_1781 = arith.andi %add3A_1778, %and3A_1780 : vector<16xi32>
    %broadcast_in_dim3A_1782 = vector.shape_cast %and3A_1781 : vector<16xi32> to vector<16x1xi32>
    %gather3A_1783 = vector.shape_cast %broadcast_in_dim3A_1782 : vector<16x1xi32> to vector<16xi32>
    %gather3A_1784 = tpu.dynamic_gather %add3A_1774[%gather3A_1783] in [0] : vector<16xi32>, vector<16xi32> -> vector<16xi32>
    %add3A_1785 = arith.addi %add3A_1774, %gather3A_1784 : vector<16xi32>
    %iota3A_1786 = tpu.iota {dimensions = array<i32: 0>} : vector<16xi32>
    %add3A_1787 = arith.constant 4 : i32
    %add3A_1788 = vector.broadcast %add3A_1787 : i32 to vector<16xi32>
    %add3A_1789 = arith.addi %iota3A_1786, %add3A_1788 : vector<16xi32>
    %and3A_1790 = arith.constant 15 : i32
    %and3A_1791 = vector.broadcast %and3A_1790 : i32 to vector<16xi32>
    %and3A_1792 = arith.andi %add3A_1789, %and3A_1791 : vector<16xi32>
    %broadcast_in_dim3A_1793 = vector.shape_cast %and3A_1792 : vector<16xi32> to vector<16x1xi32>
    %gather3A_1794 = vector.shape_cast %broadcast_in_dim3A_1793 : vector<16x1xi32> to vector<16xi32>
    %gather3A_1795 = tpu.dynamic_gather %add3A_1785[%gather3A_1794] in [0] : vector<16xi32>, vector<16xi32> -> vector<16xi32>
    %add3A_1796 = arith.addi %add3A_1785, %gather3A_1795 : vector<16xi32>
    %iota3A_1797 = tpu.iota {dimensions = array<i32: 0>} : vector<16xi32>
    %add3A_1798 = arith.constant 8 : i32
    %add3A_1799 = vector.broadcast %add3A_1798 : i32 to vector<16xi32>
    %add3A_1800 = arith.addi %iota3A_1797, %add3A_1799 : vector<16xi32>
    %and3A_1801 = arith.constant 15 : i32
    %and3A_1802 = vector.broadcast %and3A_1801 : i32 to vector<16xi32>
    %and3A_1803 = arith.andi %add3A_1800, %and3A_1802 : vector<16xi32>
    %broadcast_in_dim3A_1804 = vector.shape_cast %and3A_1803 : vector<16xi32> to vector<16x1xi32>
    %gather3A_1805 = vector.shape_cast %broadcast_in_dim3A_1804 : vector<16x1xi32> to vector<16xi32>
    %gather3A_1806 = tpu.dynamic_gather %add3A_1796[%gather3A_1805] in [0] : vector<16xi32>, vector<16xi32> -> vector<16xi32>
    %add3A_1807 = arith.addi %add3A_1796, %gather3A_1806 : vector<16xi32>
    %sub3A = arith.subi %min3A_55, %add3A_1807 : vector<16xi32>
    %scan3A_1808 = arith.constant 0 : i32
    %scan3A_1809 = arith.constant 250 : i32
    %scan3A_1810 = arith.addi %scan3A_1808, %scan3A_1809 : i32
    %scan3A_1811 = arith.constant 1 : i32
    %scan3A_1812:2 = scf.for %scan3A_1837 = %scan3A_1808 to %scan3A_1810 step %scan3A_1811 iter_args(%scan3A_1838 = %broadcast_in_dim3A_3, %scan3A_1839 = %broadcast_in_dim3A_3) -> (vector<16xi32>, vector<16xi32>)  : i32 {
      %mul3A_1840 = arith.constant 80 : i32
      %mul3A_1841 = arith.muli %scan3A_1837, %mul3A_1840 : i32
      %add3A_1842 = arith.constant 0 : i32
      %add3A_1843 = arith.addi %mul3A_1841, %add3A_1842 : i32
      %get3A = arith.index_cast %add3A_1843 : i32 to index
      %get3A_1844 = tpu.vector_load %arg8[%get3A] {strides = array<i32>} : memref<20000xi32, #tpu.memory_space<vmem>>, vector<16xi32>,
      %get3A_1845 = vector.shape_cast %get3A_1844 : vector<16xi32> to vector<16xi32>
      %eq3A_1846 = arith.cmpi eq, %get3A_1845, %select_n3A_1757 : vector<16xi32>
      %select_n3A_1847 = arith.select %eq3A_1846, %broadcast_in_dim3A_1, %broadcast_in_dim3A_3 : vector<16xi1>, vector<16xi32>
      %iota3A_1848 = tpu.iota {dimensions = array<i32: 0>} : vector<16xi32>
      %iota3A_1849 = tpu.iota {dimensions = array<i32: 0>} : vector<16xi32>
      %add3A_1850 = arith.constant 15 : i32
      %add3A_1851 = vector.broadcast %add3A_1850 : i32 to vector<16xi32>
      %add3A_1852 = arith.addi %iota3A_1849, %add3A_1851 : vector<16xi32>
      %and3A_1853 = arith.constant 15 : i32
      %and3A_1854 = vector.broadcast %and3A_1853 : i32 to vector<16xi32>
      %and3A_1855 = arith.andi %add3A_1852, %and3A_1854 : vector<16xi32>
      %broadcast_in_dim3A_1856 = vector.shape_cast %and3A_1855 : vector<16xi32> to vector<16x1xi32>
      %gather3A_1857 = vector.shape_cast %broadcast_in_dim3A_1856 : vector<16x1xi32> to vector<16xi32>
      %gather3A_1858 = tpu.dynamic_gather %select_n3A_1847[%gather3A_1857] in [0] : vector<16xi32>, vector<16xi32> -> vector<16xi32>
      %ge3A_1859 = arith.constant 1 : i32
      %ge3A_1860 = vector.broadcast %ge3A_1859 : i32 to vector<16xi32>
      %ge3A_1861 = arith.cmpi sge, %iota3A_1848, %ge3A_1860 : vector<16xi32>
      %broadcast_in_dim3A_1862 = arith.constant 0 : i32
      %broadcast_in_dim3A_1863 = vector.broadcast %broadcast_in_dim3A_1862 : i32 to vector<16xi32>
      %select_n3A_1864 = arith.select %ge3A_1861, %gather3A_1858, %broadcast_in_dim3A_1863 : vector<16xi1>, vector<16xi32>
      %add3A_1865 = arith.addi %select_n3A_1847, %select_n3A_1864 : vector<16xi32>
      %iota3A_1866 = tpu.iota {dimensions = array<i32: 0>} : vector<16xi32>
      %add3A_1867 = arith.constant 14 : i32
      %add3A_1868 = vector.broadcast %add3A_1867 : i32 to vector<16xi32>
      %add3A_1869 = arith.addi %iota3A_1866, %add3A_1868 : vector<16xi32>
      %and3A_1870 = arith.constant 15 : i32
      %and3A_1871 = vector.broadcast %and3A_1870 : i32 to vector<16xi32>
      %and3A_1872 = arith.andi %add3A_1869, %and3A_1871 : vector<16xi32>
      %broadcast_in_dim3A_1873 = vector.shape_cast %and3A_1872 : vector<16xi32> to vector<16x1xi32>
      %gather3A_1874 = vector.shape_cast %broadcast_in_dim3A_1873 : vector<16x1xi32> to vector<16xi32>
      %gather3A_1875 = tpu.dynamic_gather %add3A_1865[%gather3A_1874] in [0] : vector<16xi32>, vector<16xi32> -> vector<16xi32>
      %ge3A_1876 = arith.constant 2 : i32
      %ge3A_1877 = vector.broadcast %ge3A_1876 : i32 to vector<16xi32>
      %ge3A_1878 = arith.cmpi sge, %iota3A_1848, %ge3A_1877 : vector<16xi32>
      %broadcast_in_dim3A_1879 = arith.constant 0 : i32
      %broadcast_in_dim3A_1880 = vector.broadcast %broadcast_in_dim3A_1879 : i32 to vector<16xi32>
      %select_n3A_1881 = arith.select %ge3A_1878, %gather3A_1875, %broadcast_in_dim3A_1880 : vector<16xi1>, vector<16xi32>
      %add3A_1882 = arith.addi %add3A_1865, %select_n3A_1881 : vector<16xi32>
      %iota3A_1883 = tpu.iota {dimensions = array<i32: 0>} : vector<16xi32>
      %add3A_1884 = arith.constant 12 : i32
      %add3A_1885 = vector.broadcast %add3A_1884 : i32 to vector<16xi32>
      %add3A_1886 = arith.addi %iota3A_1883, %add3A_1885 : vector<16xi32>
      %and3A_1887 = arith.constant 15 : i32
      %and3A_1888 = vector.broadcast %and3A_1887 : i32 to vector<16xi32>
      %and3A_1889 = arith.andi %add3A_1886, %and3A_1888 : vector<16xi32>
      %broadcast_in_dim3A_1890 = vector.shape_cast %and3A_1889 : vector<16xi32> to vector<16x1xi32>
      %gather3A_1891 = vector.shape_cast %broadcast_in_dim3A_1890 : vector<16x1xi32> to vector<16xi32>
      %gather3A_1892 = tpu.dynamic_gather %add3A_1882[%gather3A_1891] in [0] : vector<16xi32>, vector<16xi32> -> vector<16xi32>
      %ge3A_1893 = arith.constant 4 : i32
      %ge3A_1894 = vector.broadcast %ge3A_1893 : i32 to vector<16xi32>
      %ge3A_1895 = arith.cmpi sge, %iota3A_1848, %ge3A_1894 : vector<16xi32>
      %broadcast_in_dim3A_1896 = arith.constant 0 : i32
      %broadcast_in_dim3A_1897 = vector.broadcast %broadcast_in_dim3A_1896 : i32 to vector<16xi32>
      %select_n3A_1898 = arith.select %ge3A_1895, %gather3A_1892, %broadcast_in_dim3A_1897 : vector<16xi1>, vector<16xi32>
      %add3A_1899 = arith.addi %add3A_1882, %select_n3A_1898 : vector<16xi32>
      %iota3A_1900 = tpu.iota {dimensions = array<i32: 0>} : vector<16xi32>
      %add3A_1901 = arith.constant 8 : i32
      %add3A_1902 = vector.broadcast %add3A_1901 : i32 to vector<16xi32>
      %add3A_1903 = arith.addi %iota3A_1900, %add3A_1902 : vector<16xi32>
      %and3A_1904 = arith.constant 15 : i32
      %and3A_1905 = vector.broadcast %and3A_1904 : i32 to vector<16xi32>
      %and3A_1906 = arith.andi %add3A_1903, %and3A_1905 : vector<16xi32>
      %broadcast_in_dim3A_1907 = vector.shape_cast %and3A_1906 : vector<16xi32> to vector<16x1xi32>
      %gather3A_1908 = vector.shape_cast %broadcast_in_dim3A_1907 : vector<16x1xi32> to vector<16xi32>
      %gather3A_1909 = tpu.dynamic_gather %add3A_1899[%gather3A_1908] in [0] : vector<16xi32>, vector<16xi32> -> vector<16xi32>
      %ge3A_1910 = arith.constant 8 : i32
      %ge3A_1911 = vector.broadcast %ge3A_1910 : i32 to vector<16xi32>
      %ge3A_1912 = arith.cmpi sge, %iota3A_1848, %ge3A_1911 : vector<16xi32>
      %broadcast_in_dim3A_1913 = arith.constant 0 : i32
      %broadcast_in_dim3A_1914 = vector.broadcast %broadcast_in_dim3A_1913 : i32 to vector<16xi32>
      %select_n3A_1915 = arith.select %ge3A_1912, %gather3A_1909, %broadcast_in_dim3A_1914 : vector<16xi1>, vector<16xi32>
      %add3A_1916 = arith.addi %add3A_1899, %select_n3A_1915 : vector<16xi32>
      %sub3A_1917 = arith.subi %add3A_1916, %select_n3A_1847 : vector<16xi32>
      %add3A_1918 = arith.addi %sub3A_1917, %scan3A_1838 : vector<16xi32>
      %gt3A = arith.constant 0 : i32
      %gt3A_1919 = vector.broadcast %gt3A : i32 to vector<16xi32>
      %gt3A_1920 = arith.cmpi sgt, %select_n3A_1847, %gt3A_1919 : vector<16xi32>
      %sub3A_1921 = arith.constant 1 : i32
      %sub3A_1922 = vector.broadcast %sub3A_1921 : i32 to vector<16xi32>
      %sub3A_1923 = arith.subi %sub3A, %sub3A_1922 : vector<16xi32>
      %eq3A_1924 = arith.cmpi eq, %add3A_1918, %sub3A_1923 : vector<16xi32>
      %and3A_1925 = arith.andi %gt3A_1920, %eq3A_1924 : vector<16xi1>
      %mul3A_1926 = arith.constant 80 : i32
      %mul3A_1927 = arith.muli %scan3A_1837, %mul3A_1926 : i32
      %add3A_1928 = arith.constant 0 : i32
      %add3A_1929 = arith.addi %mul3A_1927, %add3A_1928 : i32
      %add3A_1930 = vector.broadcast %add3A_1929 : i32 to vector<16xi32>
      %add3A_1931 = arith.addi %iota3A, %add3A_1930 : vector<16xi32>
      %add3A_1932 = arith.constant 1 : i32
      %add3A_1933 = vector.broadcast %add3A_1932 : i32 to vector<16xi32>
      %add3A_1934 = arith.addi %add3A_1931, %add3A_1933 : vector<16xi32>
      %jit3A_1935 = arith.constant 0 : i32
      %broadcast_in_dim3A_1936 = vector.broadcast %jit3A_1935 : i32 to vector<16xi32>
      %select_n3A_1937 = arith.select %and3A_1925, %add3A_1934, %broadcast_in_dim3A_1936 : vector<16xi1>, vector<16xi32>
      %iota3A_1938 = tpu.iota {dimensions = array<i32: 0>} : vector<16xi32>
      %add3A_1939 = arith.constant 1 : i32
      %add3A_1940 = vector.broadcast %add3A_1939 : i32 to vector<16xi32>
      %add3A_1941 = arith.addi %iota3A_1938, %add3A_1940 : vector<16xi32>
      %and3A_1942 = arith.constant 15 : i32
      %and3A_1943 = vector.broadcast %and3A_1942 : i32 to vector<16xi32>
      %and3A_1944 = arith.andi %add3A_1941, %and3A_1943 : vector<16xi32>
      %broadcast_in_dim3A_1945 = vector.shape_cast %and3A_1944 : vector<16xi32> to vector<16x1xi32>
      %gather3A_1946 = vector.shape_cast %broadcast_in_dim3A_1945 : vector<16x1xi32> to vector<16xi32>
      %gather3A_1947 = tpu.dynamic_gather %select_n3A_1937[%gather3A_1946] in [0] : vector<16xi32>, vector<16xi32> -> vector<16xi32>
      %add3A_1948 = arith.addi %select_n3A_1937, %gather3A_1947 : vector<16xi32>
      %iota3A_1949 = tpu.iota {dimensions = array<i32: 0>} : vector<16xi32>
      %add3A_1950 = arith.constant 2 : i32
      %add3A_1951 = vector.broadcast %add3A_1950 : i32 to vector<16xi32>
      %add3A_1952 = arith.addi %iota3A_1949, %add3A_1951 : vector<16xi32>
      %and3A_1953 = arith.constant 15 : i32
      %and3A_1954 = vector.broadcast %and3A_1953 : i32 to vector<16xi32>
      %and3A_1955 = arith.andi %add3A_1952, %and3A_1954 : vector<16xi32>
      %broadcast_in_dim3A_1956 = vector.shape_cast %and3A_1955 : vector<16xi32> to vector<16x1xi32>
      %gather3A_1957 = vector.shape_cast %broadcast_in_dim3A_1956 : vector<16x1xi32> to vector<16xi32>
      %gather3A_1958 = tpu.dynamic_gather %add3A_1948[%gather3A_1957] in [0] : vector<16xi32>, vector<16xi32> -> vector<16xi32>
      %add3A_1959 = arith.addi %add3A_1948, %gather3A_1958 : vector<16xi32>
      %iota3A_1960 = tpu.iota {dimensions = array<i32: 0>} : vector<16xi32>
      %add3A_1961 = arith.constant 4 : i32
      %add3A_1962 = vector.broadcast %add3A_1961 : i32 to vector<16xi32>
      %add3A_1963 = arith.addi %iota3A_1960, %add3A_1962 : vector<16xi32>
      %and3A_1964 = arith.constant 15 : i32
      %and3A_1965 = vector.broadcast %and3A_1964 : i32 to vector<16xi32>
      %and3A_1966 = arith.andi %add3A_1963, %and3A_1965 : vector<16xi32>
      %broadcast_in_dim3A_1967 = vector.shape_cast %and3A_1966 : vector<16xi32> to vector<16x1xi32>
      %gather3A_1968 = vector.shape_cast %broadcast_in_dim3A_1967 : vector<16x1xi32> to vector<16xi32>
      %gather3A_1969 = tpu.dynamic_gather %add3A_1959[%gather3A_1968] in [0] : vector<16xi32>, vector<16xi32> -> vector<16xi32>
      %add3A_1970 = arith.addi %add3A_1959, %gather3A_1969 : vector<16xi32>
      %iota3A_1971 = tpu.iota {dimensions = array<i32: 0>} : vector<16xi32>
      %add3A_1972 = arith.constant 8 : i32
      %add3A_1973 = vector.broadcast %add3A_1972 : i32 to vector<16xi32>
      %add3A_1974 = arith.addi %iota3A_1971, %add3A_1973 : vector<16xi32>
      %and3A_1975 = arith.constant 15 : i32
      %and3A_1976 = vector.broadcast %and3A_1975 : i32 to vector<16xi32>
      %and3A_1977 = arith.andi %add3A_1974, %and3A_1976 : vector<16xi32>
      %broadcast_in_dim3A_1978 = vector.shape_cast %and3A_1977 : vector<16xi32> to vector<16x1xi32>
      %gather3A_1979 = vector.shape_cast %broadcast_in_dim3A_1978 : vector<16x1xi32> to vector<16xi32>
      %gather3A_1980 = tpu.dynamic_gather %add3A_1970[%gather3A_1979] in [0] : vector<16xi32>, vector<16xi32> -> vector<16xi32>
      %add3A_1981 = arith.addi %add3A_1970, %gather3A_1980 : vector<16xi32>
      %add3A_1982 = arith.addi %scan3A_1839, %add3A_1981 : vector<16xi32>
      %iota3A_1983 = tpu.iota {dimensions = array<i32: 0>} : vector<16xi32>
      %add3A_1984 = arith.constant 1 : i32
      %add3A_1985 = vector.broadcast %add3A_1984 : i32 to vector<16xi32>
      %add3A_1986 = arith.addi %iota3A_1983, %add3A_1985 : vector<16xi32>
      %and3A_1987 = arith.constant 15 : i32
      %and3A_1988 = vector.broadcast %and3A_1987 : i32 to vector<16xi32>
      %and3A_1989 = arith.andi %add3A_1986, %and3A_1988 : vector<16xi32>
      %broadcast_in_dim3A_1990 = vector.shape_cast %and3A_1989 : vector<16xi32> to vector<16x1xi32>
      %gather3A_1991 = vector.shape_cast %broadcast_in_dim3A_1990 : vector<16x1xi32> to vector<16xi32>
      %gather3A_1992 = tpu.dynamic_gather %select_n3A_1847[%gather3A_1991] in [0] : vector<16xi32>, vector<16xi32> -> vector<16xi32>
      %add3A_1993 = arith.addi %select_n3A_1847, %gather3A_1992 : vector<16xi32>
      %iota3A_1994 = tpu.iota {dimensions = array<i32: 0>} : vector<16xi32>
      %add3A_1995 = arith.constant 2 : i32
      %add3A_1996 = vector.broadcast %add3A_1995 : i32 to vector<16xi32>
      %add3A_1997 = arith.addi %iota3A_1994, %add3A_1996 : vector<16xi32>
      %and3A_1998 = arith.constant 15 : i32
      %and3A_1999 = vector.broadcast %and3A_1998 : i32 to vector<16xi32>
      %and3A_2000 = arith.andi %add3A_1997, %and3A_1999 : vector<16xi32>
      %broadcast_in_dim3A_2001 = vector.shape_cast %and3A_2000 : vector<16xi32> to vector<16x1xi32>
      %gather3A_2002 = vector.shape_cast %broadcast_in_dim3A_2001 : vector<16x1xi32> to vector<16xi32>
      %gather3A_2003 = tpu.dynamic_gather %add3A_1993[%gather3A_2002] in [0] : vector<16xi32>, vector<16xi32> -> vector<16xi32>
      %add3A_2004 = arith.addi %add3A_1993, %gather3A_2003 : vector<16xi32>
      %iota3A_2005 = tpu.iota {dimensions = array<i32: 0>} : vector<16xi32>
      %add3A_2006 = arith.constant 4 : i32
      %add3A_2007 = vector.broadcast %add3A_2006 : i32 to vector<16xi32>
      %add3A_2008 = arith.addi %iota3A_2005, %add3A_2007 : vector<16xi32>
      %and3A_2009 = arith.constant 15 : i32
      %and3A_2010 = vector.broadcast %and3A_2009 : i32 to vector<16xi32>
      %and3A_2011 = arith.andi %add3A_2008, %and3A_2010 : vector<16xi32>
      %broadcast_in_dim3A_2012 = vector.shape_cast %and3A_2011 : vector<16xi32> to vector<16x1xi32>
      %gather3A_2013 = vector.shape_cast %broadcast_in_dim3A_2012 : vector<16x1xi32> to vector<16xi32>
      %gather3A_2014 = tpu.dynamic_gather %add3A_2004[%gather3A_2013] in [0] : vector<16xi32>, vector<16xi32> -> vector<16xi32>
      %add3A_2015 = arith.addi %add3A_2004, %gather3A_2014 : vector<16xi32>
      %iota3A_2016 = tpu.iota {dimensions = array<i32: 0>} : vector<16xi32>
      %add3A_2017 = arith.constant 8 : i32
      %add3A_2018 = vector.broadcast %add3A_2017 : i32 to vector<16xi32>
      %add3A_2019 = arith.addi %iota3A_2016, %add3A_2018 : vector<16xi32>
      %and3A_2020 = arith.constant 15 : i32
      %and3A_2021 = vector.broadcast %and3A_2020 : i32 to vector<16xi32>
      %and3A_2022 = arith.andi %add3A_2019, %and3A_2021 : vector<16xi32>
      %broadcast_in_dim3A_2023 = vector.shape_cast %and3A_2022 : vector<16xi32> to vector<16x1xi32>
      %gather3A_2024 = vector.shape_cast %broadcast_in_dim3A_2023 : vector<16x1xi32> to vector<16xi32>
      %gather3A_2025 = tpu.dynamic_gather %add3A_2015[%gather3A_2024] in [0] : vector<16xi32>, vector<16xi32> -> vector<16xi32>
      %add3A_2026 = arith.addi %add3A_2015, %gather3A_2025 : vector<16xi32>
      %add3A_2027 = arith.addi %scan3A_1838, %add3A_2026 : vector<16xi32>
      %mul3A_2028 = arith.constant 80 : i32
      %mul3A_2029 = arith.muli %scan3A_1837, %mul3A_2028 : i32
      %add3A_2030 = arith.constant 16 : i32
      %add3A_2031 = arith.addi %mul3A_2029, %add3A_2030 : i32
      %get3A_2032 = arith.index_cast %add3A_2031 : i32 to index
      %get3A_2033 = tpu.vector_load %arg8[%get3A_2032] {strides = array<i32>} : memref<20000xi32, #tpu.memory_space<vmem>>, vector<16xi32>,
      %get3A_2034 = vector.shape_cast %get3A_2033 : vector<16xi32> to vector<16xi32>
      %eq3A_2035 = arith.cmpi eq, %get3A_2034, %select_n3A_1757 : vector<16xi32>
      %select_n3A_2036 = arith.select %eq3A_2035, %broadcast_in_dim3A_1, %broadcast_in_dim3A_3 : vector<16xi1>, vector<16xi32>
      %iota3A_2037 = tpu.iota {dimensions = array<i32: 0>} : vector<16xi32>
      %iota3A_2038 = tpu.iota {dimensions = array<i32: 0>} : vector<16xi32>
      %add3A_2039 = arith.constant 15 : i32
      %add3A_2040 = vector.broadcast %add3A_2039 : i32 to vector<16xi32>
      %add3A_2041 = arith.addi %iota3A_2038, %add3A_2040 : vector<16xi32>
      %and3A_2042 = arith.constant 15 : i32
      %and3A_2043 = vector.broadcast %and3A_2042 : i32 to vector<16xi32>
      %and3A_2044 = arith.andi %add3A_2041, %and3A_2043 : vector<16xi32>
      %broadcast_in_dim3A_2045 = vector.shape_cast %and3A_2044 : vector<16xi32> to vector<16x1xi32>
      %gather3A_2046 = vector.shape_cast %broadcast_in_dim3A_2045 : vector<16x1xi32> to vector<16xi32>
      %gather3A_2047 = tpu.dynamic_gather %select_n3A_2036[%gather3A_2046] in [0] : vector<16xi32>, vector<16xi32> -> vector<16xi32>
      %ge3A_2048 = arith.constant 1 : i32
      %ge3A_2049 = vector.broadcast %ge3A_2048 : i32 to vector<16xi32>
      %ge3A_2050 = arith.cmpi sge, %iota3A_2037, %ge3A_2049 : vector<16xi32>
      %broadcast_in_dim3A_2051 = arith.constant 0 : i32
      %broadcast_in_dim3A_2052 = vector.broadcast %broadcast_in_dim3A_2051 : i32 to vector<16xi32>
      %select_n3A_2053 = arith.select %ge3A_2050, %gather3A_2047, %broadcast_in_dim3A_2052 : vector<16xi1>, vector<16xi32>
      %add3A_2054 = arith.addi %select_n3A_2036, %select_n3A_2053 : vector<16xi32>
      %iota3A_2055 = tpu.iota {dimensions = array<i32: 0>} : vector<16xi32>
      %add3A_2056 = arith.constant 14 : i32
      %add3A_2057 = vector.broadcast %add3A_2056 : i32 to vector<16xi32>
      %add3A_2058 = arith.addi %iota3A_2055, %add3A_2057 : vector<16xi32>
      %and3A_2059 = arith.constant 15 : i32
      %and3A_2060 = vector.broadcast %and3A_2059 : i32 to vector<16xi32>
      %and3A_2061 = arith.andi %add3A_2058, %and3A_2060 : vector<16xi32>
      %broadcast_in_dim3A_2062 = vector.shape_cast %and3A_2061 : vector<16xi32> to vector<16x1xi32>
      %gather3A_2063 = vector.shape_cast %broadcast_in_dim3A_2062 : vector<16x1xi32> to vector<16xi32>
      %gather3A_2064 = tpu.dynamic_gather %add3A_2054[%gather3A_2063] in [0] : vector<16xi32>, vector<16xi32> -> vector<16xi32>
      %ge3A_2065 = arith.constant 2 : i32
      %ge3A_2066 = vector.broadcast %ge3A_2065 : i32 to vector<16xi32>
      %ge3A_2067 = arith.cmpi sge, %iota3A_2037, %ge3A_2066 : vector<16xi32>
      %broadcast_in_dim3A_2068 = arith.constant 0 : i32
      %broadcast_in_dim3A_2069 = vector.broadcast %broadcast_in_dim3A_2068 : i32 to vector<16xi32>
      %select_n3A_2070 = arith.select %ge3A_2067, %gather3A_2064, %broadcast_in_dim3A_2069 : vector<16xi1>, vector<16xi32>
      %add3A_2071 = arith.addi %add3A_2054, %select_n3A_2070 : vector<16xi32>
      %iota3A_2072 = tpu.iota {dimensions = array<i32: 0>} : vector<16xi32>
      %add3A_2073 = arith.constant 12 : i32
      %add3A_2074 = vector.broadcast %add3A_2073 : i32 to vector<16xi32>
      %add3A_2075 = arith.addi %iota3A_2072, %add3A_2074 : vector<16xi32>
      %and3A_2076 = arith.constant 15 : i32
      %and3A_2077 = vector.broadcast %and3A_2076 : i32 to vector<16xi32>
      %and3A_2078 = arith.andi %add3A_2075, %and3A_2077 : vector<16xi32>
      %broadcast_in_dim3A_2079 = vector.shape_cast %and3A_2078 : vector<16xi32> to vector<16x1xi32>
      %gather3A_2080 = vector.shape_cast %broadcast_in_dim3A_2079 : vector<16x1xi32> to vector<16xi32>
      %gather3A_2081 = tpu.dynamic_gather %add3A_2071[%gather3A_2080] in [0] : vector<16xi32>, vector<16xi32> -> vector<16xi32>
      %ge3A_2082 = arith.constant 4 : i32
      %ge3A_2083 = vector.broadcast %ge3A_2082 : i32 to vector<16xi32>
      %ge3A_2084 = arith.cmpi sge, %iota3A_2037, %ge3A_2083 : vector<16xi32>
      %broadcast_in_dim3A_2085 = arith.constant 0 : i32
      %broadcast_in_dim3A_2086 = vector.broadcast %broadcast_in_dim3A_2085 : i32 to vector<16xi32>
      %select_n3A_2087 = arith.select %ge3A_2084, %gather3A_2081, %broadcast_in_dim3A_2086 : vector<16xi1>, vector<16xi32>
      %add3A_2088 = arith.addi %add3A_2071, %select_n3A_2087 : vector<16xi32>
      %iota3A_2089 = tpu.iota {dimensions = array<i32: 0>} : vector<16xi32>
      %add3A_2090 = arith.constant 8 : i32
      %add3A_2091 = vector.broadcast %add3A_2090 : i32 to vector<16xi32>
      %add3A_2092 = arith.addi %iota3A_2089, %add3A_2091 : vector<16xi32>
      %and3A_2093 = arith.constant 15 : i32
      %and3A_2094 = vector.broadcast %and3A_2093 : i32 to vector<16xi32>
      %and3A_2095 = arith.andi %add3A_2092, %and3A_2094 : vector<16xi32>
      %broadcast_in_dim3A_2096 = vector.shape_cast %and3A_2095 : vector<16xi32> to vector<16x1xi32>
      %gather3A_2097 = vector.shape_cast %broadcast_in_dim3A_2096 : vector<16x1xi32> to vector<16xi32>
      %gather3A_2098 = tpu.dynamic_gather %add3A_2088[%gather3A_2097] in [0] : vector<16xi32>, vector<16xi32> -> vector<16xi32>
      %ge3A_2099 = arith.constant 8 : i32
      %ge3A_2100 = vector.broadcast %ge3A_2099 : i32 to vector<16xi32>
      %ge3A_2101 = arith.cmpi sge, %iota3A_2037, %ge3A_2100 : vector<16xi32>
      %broadcast_in_dim3A_2102 = arith.constant 0 : i32
      %broadcast_in_dim3A_2103 = vector.broadcast %broadcast_in_dim3A_2102 : i32 to vector<16xi32>
      %select_n3A_2104 = arith.select %ge3A_2101, %gather3A_2098, %broadcast_in_dim3A_2103 : vector<16xi1>, vector<16xi32>
      %add3A_2105 = arith.addi %add3A_2088, %select_n3A_2104 : vector<16xi32>
      %sub3A_2106 = arith.subi %add3A_2105, %select_n3A_2036 : vector<16xi32>
      %add3A_2107 = arith.addi %sub3A_2106, %add3A_2027 : vector<16xi32>
      %gt3A_2108 = arith.constant 0 : i32
      %gt3A_2109 = vector.broadcast %gt3A_2108 : i32 to vector<16xi32>
      %gt3A_2110 = arith.cmpi sgt, %select_n3A_2036, %gt3A_2109 : vector<16xi32>
      %sub3A_2111 = arith.constant 1 : i32
      %sub3A_2112 = vector.broadcast %sub3A_2111 : i32 to vector<16xi32>
      %sub3A_2113 = arith.subi %sub3A, %sub3A_2112 : vector<16xi32>
      %eq3A_2114 = arith.cmpi eq, %add3A_2107, %sub3A_2113 : vector<16xi32>
      %and3A_2115 = arith.andi %gt3A_2110, %eq3A_2114 : vector<16xi1>
      %mul3A_2116 = arith.constant 80 : i32
      %mul3A_2117 = arith.muli %scan3A_1837, %mul3A_2116 : i32
      %add3A_2118 = arith.constant 16 : i32
      %add3A_2119 = arith.addi %mul3A_2117, %add3A_2118 : i32
      %add3A_2120 = vector.broadcast %add3A_2119 : i32 to vector<16xi32>
      %add3A_2121 = arith.addi %iota3A, %add3A_2120 : vector<16xi32>
      %add3A_2122 = arith.constant 1 : i32
      %add3A_2123 = vector.broadcast %add3A_2122 : i32 to vector<16xi32>
      %add3A_2124 = arith.addi %add3A_2121, %add3A_2123 : vector<16xi32>
      %jit3A_2125 = arith.constant 0 : i32
      %broadcast_in_dim3A_2126 = vector.broadcast %jit3A_2125 : i32 to vector<16xi32>
      %select_n3A_2127 = arith.select %and3A_2115, %add3A_2124, %broadcast_in_dim3A_2126 : vector<16xi1>, vector<16xi32>
      %iota3A_2128 = tpu.iota {dimensions = array<i32: 0>} : vector<16xi32>
      %add3A_2129 = arith.constant 1 : i32
      %add3A_2130 = vector.broadcast %add3A_2129 : i32 to vector<16xi32>
      %add3A_2131 = arith.addi %iota3A_2128, %add3A_2130 : vector<16xi32>
      %and3A_2132 = arith.constant 15 : i32
      %and3A_2133 = vector.broadcast %and3A_2132 : i32 to vector<16xi32>
      %and3A_2134 = arith.andi %add3A_2131, %and3A_2133 : vector<16xi32>
      %broadcast_in_dim3A_2135 = vector.shape_cast %and3A_2134 : vector<16xi32> to vector<16x1xi32>
      %gather3A_2136 = vector.shape_cast %broadcast_in_dim3A_2135 : vector<16x1xi32> to vector<16xi32>
      %gather3A_2137 = tpu.dynamic_gather %select_n3A_2127[%gather3A_2136] in [0] : vector<16xi32>, vector<16xi32> -> vector<16xi32>
      %add3A_2138 = arith.addi %select_n3A_2127, %gather3A_2137 : vector<16xi32>
      %iota3A_2139 = tpu.iota {dimensions = array<i32: 0>} : vector<16xi32>
      %add3A_2140 = arith.constant 2 : i32
      %add3A_2141 = vector.broadcast %add3A_2140 : i32 to vector<16xi32>
      %add3A_2142 = arith.addi %iota3A_2139, %add3A_2141 : vector<16xi32>
      %and3A_2143 = arith.constant 15 : i32
      %and3A_2144 = vector.broadcast %and3A_2143 : i32 to vector<16xi32>
      %and3A_2145 = arith.andi %add3A_2142, %and3A_2144 : vector<16xi32>
      %broadcast_in_dim3A_2146 = vector.shape_cast %and3A_2145 : vector<16xi32> to vector<16x1xi32>
      %gather3A_2147 = vector.shape_cast %broadcast_in_dim3A_2146 : vector<16x1xi32> to vector<16xi32>
      %gather3A_2148 = tpu.dynamic_gather %add3A_2138[%gather3A_2147] in [0] : vector<16xi32>, vector<16xi32> -> vector<16xi32>
      %add3A_2149 = arith.addi %add3A_2138, %gather3A_2148 : vector<16xi32>
      %iota3A_2150 = tpu.iota {dimensions = array<i32: 0>} : vector<16xi32>
      %add3A_2151 = arith.constant 4 : i32
      %add3A_2152 = vector.broadcast %add3A_2151 : i32 to vector<16xi32>
      %add3A_2153 = arith.addi %iota3A_2150, %add3A_2152 : vector<16xi32>
      %and3A_2154 = arith.constant 15 : i32
      %and3A_2155 = vector.broadcast %and3A_2154 : i32 to vector<16xi32>
      %and3A_2156 = arith.andi %add3A_2153, %and3A_2155 : vector<16xi32>
      %broadcast_in_dim3A_2157 = vector.shape_cast %and3A_2156 : vector<16xi32> to vector<16x1xi32>
      %gather3A_2158 = vector.shape_cast %broadcast_in_dim3A_2157 : vector<16x1xi32> to vector<16xi32>
      %gather3A_2159 = tpu.dynamic_gather %add3A_2149[%gather3A_2158] in [0] : vector<16xi32>, vector<16xi32> -> vector<16xi32>
      %add3A_2160 = arith.addi %add3A_2149, %gather3A_2159 : vector<16xi32>
      %iota3A_2161 = tpu.iota {dimensions = array<i32: 0>} : vector<16xi32>
      %add3A_2162 = arith.constant 8 : i32
      %add3A_2163 = vector.broadcast %add3A_2162 : i32 to vector<16xi32>
      %add3A_2164 = arith.addi %iota3A_2161, %add3A_2163 : vector<16xi32>
      %and3A_2165 = arith.constant 15 : i32
      %and3A_2166 = vector.broadcast %and3A_2165 : i32 to vector<16xi32>
      %and3A_2167 = arith.andi %add3A_2164, %and3A_2166 : vector<16xi32>
      %broadcast_in_dim3A_2168 = vector.shape_cast %and3A_2167 : vector<16xi32> to vector<16x1xi32>
      %gather3A_2169 = vector.shape_cast %broadcast_in_dim3A_2168 : vector<16x1xi32> to vector<16xi32>
      %gather3A_2170 = tpu.dynamic_gather %add3A_2160[%gather3A_2169] in [0] : vector<16xi32>, vector<16xi32> -> vector<16xi32>
      %add3A_2171 = arith.addi %add3A_2160, %gather3A_2170 : vector<16xi32>
      %add3A_2172 = arith.addi %add3A_1982, %add3A_2171 : vector<16xi32>
      %iota3A_2173 = tpu.iota {dimensions = array<i32: 0>} : vector<16xi32>
      %add3A_2174 = arith.constant 1 : i32
      %add3A_2175 = vector.broadcast %add3A_2174 : i32 to vector<16xi32>
      %add3A_2176 = arith.addi %iota3A_2173, %add3A_2175 : vector<16xi32>
      %and3A_2177 = arith.constant 15 : i32
      %and3A_2178 = vector.broadcast %and3A_2177 : i32 to vector<16xi32>
      %and3A_2179 = arith.andi %add3A_2176, %and3A_2178 : vector<16xi32>
      %broadcast_in_dim3A_2180 = vector.shape_cast %and3A_2179 : vector<16xi32> to vector<16x1xi32>
      %gather3A_2181 = vector.shape_cast %broadcast_in_dim3A_2180 : vector<16x1xi32> to vector<16xi32>
      %gather3A_2182 = tpu.dynamic_gather %select_n3A_2036[%gather3A_2181] in [0] : vector<16xi32>, vector<16xi32> -> vector<16xi32>
      %add3A_2183 = arith.addi %select_n3A_2036, %gather3A_2182 : vector<16xi32>
      %iota3A_2184 = tpu.iota {dimensions = array<i32: 0>} : vector<16xi32>
      %add3A_2185 = arith.constant 2 : i32
      %add3A_2186 = vector.broadcast %add3A_2185 : i32 to vector<16xi32>
      %add3A_2187 = arith.addi %iota3A_2184, %add3A_2186 : vector<16xi32>
      %and3A_2188 = arith.constant 15 : i32
      %and3A_2189 = vector.broadcast %and3A_2188 : i32 to vector<16xi32>
      %and3A_2190 = arith.andi %add3A_2187, %and3A_2189 : vector<16xi32>
      %broadcast_in_dim3A_2191 = vector.shape_cast %and3A_2190 : vector<16xi32> to vector<16x1xi32>
      %gather3A_2192 = vector.shape_cast %broadcast_in_dim3A_2191 : vector<16x1xi32> to vector<16xi32>
      %gather3A_2193 = tpu.dynamic_gather %add3A_2183[%gather3A_2192] in [0] : vector<16xi32>, vector<16xi32> -> vector<16xi32>
      %add3A_2194 = arith.addi %add3A_2183, %gather3A_2193 : vector<16xi32>
      %iota3A_2195 = tpu.iota {dimensions = array<i32: 0>} : vector<16xi32>
      %add3A_2196 = arith.constant 4 : i32
      %add3A_2197 = vector.broadcast %add3A_2196 : i32 to vector<16xi32>
      %add3A_2198 = arith.addi %iota3A_2195, %add3A_2197 : vector<16xi32>
      %and3A_2199 = arith.constant 15 : i32
      %and3A_2200 = vector.broadcast %and3A_2199 : i32 to vector<16xi32>
      %and3A_2201 = arith.andi %add3A_2198, %and3A_2200 : vector<16xi32>
      %broadcast_in_dim3A_2202 = vector.shape_cast %and3A_2201 : vector<16xi32> to vector<16x1xi32>
      %gather3A_2203 = vector.shape_cast %broadcast_in_dim3A_2202 : vector<16x1xi32> to vector<16xi32>
      %gather3A_2204 = tpu.dynamic_gather %add3A_2194[%gather3A_2203] in [0] : vector<16xi32>, vector<16xi32> -> vector<16xi32>
      %add3A_2205 = arith.addi %add3A_2194, %gather3A_2204 : vector<16xi32>
      %iota3A_2206 = tpu.iota {dimensions = array<i32: 0>} : vector<16xi32>
      %add3A_2207 = arith.constant 8 : i32
      %add3A_2208 = vector.broadcast %add3A_2207 : i32 to vector<16xi32>
      %add3A_2209 = arith.addi %iota3A_2206, %add3A_2208 : vector<16xi32>
      %and3A_2210 = arith.constant 15 : i32
      %and3A_2211 = vector.broadcast %and3A_2210 : i32 to vector<16xi32>
      %and3A_2212 = arith.andi %add3A_2209, %and3A_2211 : vector<16xi32>
      %broadcast_in_dim3A_2213 = vector.shape_cast %and3A_2212 : vector<16xi32> to vector<16x1xi32>
      %gather3A_2214 = vector.shape_cast %broadcast_in_dim3A_2213 : vector<16x1xi32> to vector<16xi32>
      %gather3A_2215 = tpu.dynamic_gather %add3A_2205[%gather3A_2214] in [0] : vector<16xi32>, vector<16xi32> -> vector<16xi32>
      %add3A_2216 = arith.addi %add3A_2205, %gather3A_2215 : vector<16xi32>
      %add3A_2217 = arith.addi %add3A_2027, %add3A_2216 : vector<16xi32>
      %mul3A_2218 = arith.constant 80 : i32
      %mul3A_2219 = arith.muli %scan3A_1837, %mul3A_2218 : i32
      %add3A_2220 = arith.constant 32 : i32
      %add3A_2221 = arith.addi %mul3A_2219, %add3A_2220 : i32
      %get3A_2222 = arith.index_cast %add3A_2221 : i32 to index
      %get3A_2223 = tpu.vector_load %arg8[%get3A_2222] {strides = array<i32>} : memref<20000xi32, #tpu.memory_space<vmem>>, vector<16xi32>,
      %get3A_2224 = vector.shape_cast %get3A_2223 : vector<16xi32> to vector<16xi32>
      %eq3A_2225 = arith.cmpi eq, %get3A_2224, %select_n3A_1757 : vector<16xi32>
      %select_n3A_2226 = arith.select %eq3A_2225, %broadcast_in_dim3A_1, %broadcast_in_dim3A_3 : vector<16xi1>, vector<16xi32>
      %iota3A_2227 = tpu.iota {dimensions = array<i32: 0>} : vector<16xi32>
      %iota3A_2228 = tpu.iota {dimensions = array<i32: 0>} : vector<16xi32>
      %add3A_2229 = arith.constant 15 : i32
      %add3A_2230 = vector.broadcast %add3A_2229 : i32 to vector<16xi32>
      %add3A_2231 = arith.addi %iota3A_2228, %add3A_2230 : vector<16xi32>
      %and3A_2232 = arith.constant 15 : i32
      %and3A_2233 = vector.broadcast %and3A_2232 : i32 to vector<16xi32>
      %and3A_2234 = arith.andi %add3A_2231, %and3A_2233 : vector<16xi32>
      %broadcast_in_dim3A_2235 = vector.shape_cast %and3A_2234 : vector<16xi32> to vector<16x1xi32>
      %gather3A_2236 = vector.shape_cast %broadcast_in_dim3A_2235 : vector<16x1xi32> to vector<16xi32>
      %gather3A_2237 = tpu.dynamic_gather %select_n3A_2226[%gather3A_2236] in [0] : vector<16xi32>, vector<16xi32> -> vector<16xi32>
      %ge3A_2238 = arith.constant 1 : i32
      %ge3A_2239 = vector.broadcast %ge3A_2238 : i32 to vector<16xi32>
      %ge3A_2240 = arith.cmpi sge, %iota3A_2227, %ge3A_2239 : vector<16xi32>
      %broadcast_in_dim3A_2241 = arith.constant 0 : i32
      %broadcast_in_dim3A_2242 = vector.broadcast %broadcast_in_dim3A_2241 : i32 to vector<16xi32>
      %select_n3A_2243 = arith.select %ge3A_2240, %gather3A_2237, %broadcast_in_dim3A_2242 : vector<16xi1>, vector<16xi32>
      %add3A_2244 = arith.addi %select_n3A_2226, %select_n3A_2243 : vector<16xi32>
      %iota3A_2245 = tpu.iota {dimensions = array<i32: 0>} : vector<16xi32>
      %add3A_2246 = arith.constant 14 : i32
      %add3A_2247 = vector.broadcast %add3A_2246 : i32 to vector<16xi32>
      %add3A_2248 = arith.addi %iota3A_2245, %add3A_2247 : vector<16xi32>
      %and3A_2249 = arith.constant 15 : i32
      %and3A_2250 = vector.broadcast %and3A_2249 : i32 to vector<16xi32>
      %and3A_2251 = arith.andi %add3A_2248, %and3A_2250 : vector<16xi32>
      %broadcast_in_dim3A_2252 = vector.shape_cast %and3A_2251 : vector<16xi32> to vector<16x1xi32>
      %gather3A_2253 = vector.shape_cast %broadcast_in_dim3A_2252 : vector<16x1xi32> to vector<16xi32>
      %gather3A_2254 = tpu.dynamic_gather %add3A_2244[%gather3A_2253] in [0] : vector<16xi32>, vector<16xi32> -> vector<16xi32>
      %ge3A_2255 = arith.constant 2 : i32
      %ge3A_2256 = vector.broadcast %ge3A_2255 : i32 to vector<16xi32>
      %ge3A_2257 = arith.cmpi sge, %iota3A_2227, %ge3A_2256 : vector<16xi32>
      %broadcast_in_dim3A_2258 = arith.constant 0 : i32
      %broadcast_in_dim3A_2259 = vector.broadcast %broadcast_in_dim3A_2258 : i32 to vector<16xi32>
      %select_n3A_2260 = arith.select %ge3A_2257, %gather3A_2254, %broadcast_in_dim3A_2259 : vector<16xi1>, vector<16xi32>
      %add3A_2261 = arith.addi %add3A_2244, %select_n3A_2260 : vector<16xi32>
      %iota3A_2262 = tpu.iota {dimensions = array<i32: 0>} : vector<16xi32>
      %add3A_2263 = arith.constant 12 : i32
      %add3A_2264 = vector.broadcast %add3A_2263 : i32 to vector<16xi32>
      %add3A_2265 = arith.addi %iota3A_2262, %add3A_2264 : vector<16xi32>
      %and3A_2266 = arith.constant 15 : i32
      %and3A_2267 = vector.broadcast %and3A_2266 : i32 to vector<16xi32>
      %and3A_2268 = arith.andi %add3A_2265, %and3A_2267 : vector<16xi32>
      %broadcast_in_dim3A_2269 = vector.shape_cast %and3A_2268 : vector<16xi32> to vector<16x1xi32>
      %gather3A_2270 = vector.shape_cast %broadcast_in_dim3A_2269 : vector<16x1xi32> to vector<16xi32>
      %gather3A_2271 = tpu.dynamic_gather %add3A_2261[%gather3A_2270] in [0] : vector<16xi32>, vector<16xi32> -> vector<16xi32>
      %ge3A_2272 = arith.constant 4 : i32
      %ge3A_2273 = vector.broadcast %ge3A_2272 : i32 to vector<16xi32>
      %ge3A_2274 = arith.cmpi sge, %iota3A_2227, %ge3A_2273 : vector<16xi32>
      %broadcast_in_dim3A_2275 = arith.constant 0 : i32
      %broadcast_in_dim3A_2276 = vector.broadcast %broadcast_in_dim3A_2275 : i32 to vector<16xi32>
      %select_n3A_2277 = arith.select %ge3A_2274, %gather3A_2271, %broadcast_in_dim3A_2276 : vector<16xi1>, vector<16xi32>
      %add3A_2278 = arith.addi %add3A_2261, %select_n3A_2277 : vector<16xi32>
      %iota3A_2279 = tpu.iota {dimensions = array<i32: 0>} : vector<16xi32>
      %add3A_2280 = arith.constant 8 : i32
      %add3A_2281 = vector.broadcast %add3A_2280 : i32 to vector<16xi32>
      %add3A_2282 = arith.addi %iota3A_2279, %add3A_2281 : vector<16xi32>
      %and3A_2283 = arith.constant 15 : i32
      %and3A_2284 = vector.broadcast %and3A_2283 : i32 to vector<16xi32>
      %and3A_2285 = arith.andi %add3A_2282, %and3A_2284 : vector<16xi32>
      %broadcast_in_dim3A_2286 = vector.shape_cast %and3A_2285 : vector<16xi32> to vector<16x1xi32>
      %gather3A_2287 = vector.shape_cast %broadcast_in_dim3A_2286 : vector<16x1xi32> to vector<16xi32>
      %gather3A_2288 = tpu.dynamic_gather %add3A_2278[%gather3A_2287] in [0] : vector<16xi32>, vector<16xi32> -> vector<16xi32>
      %ge3A_2289 = arith.constant 8 : i32
      %ge3A_2290 = vector.broadcast %ge3A_2289 : i32 to vector<16xi32>
      %ge3A_2291 = arith.cmpi sge, %iota3A_2227, %ge3A_2290 : vector<16xi32>
      %broadcast_in_dim3A_2292 = arith.constant 0 : i32
      %broadcast_in_dim3A_2293 = vector.broadcast %broadcast_in_dim3A_2292 : i32 to vector<16xi32>
      %select_n3A_2294 = arith.select %ge3A_2291, %gather3A_2288, %broadcast_in_dim3A_2293 : vector<16xi1>, vector<16xi32>
      %add3A_2295 = arith.addi %add3A_2278, %select_n3A_2294 : vector<16xi32>
      %sub3A_2296 = arith.subi %add3A_2295, %select_n3A_2226 : vector<16xi32>
      %add3A_2297 = arith.addi %sub3A_2296, %add3A_2217 : vector<16xi32>
      %gt3A_2298 = arith.constant 0 : i32
      %gt3A_2299 = vector.broadcast %gt3A_2298 : i32 to vector<16xi32>
      %gt3A_2300 = arith.cmpi sgt, %select_n3A_2226, %gt3A_2299 : vector<16xi32>
      %sub3A_2301 = arith.constant 1 : i32
      %sub3A_2302 = vector.broadcast %sub3A_2301 : i32 to vector<16xi32>
      %sub3A_2303 = arith.subi %sub3A, %sub3A_2302 : vector<16xi32>
      %eq3A_2304 = arith.cmpi eq, %add3A_2297, %sub3A_2303 : vector<16xi32>
      %and3A_2305 = arith.andi %gt3A_2300, %eq3A_2304 : vector<16xi1>
      %mul3A_2306 = arith.constant 80 : i32
      %mul3A_2307 = arith.muli %scan3A_1837, %mul3A_2306 : i32
      %add3A_2308 = arith.constant 32 : i32
      %add3A_2309 = arith.addi %mul3A_2307, %add3A_2308 : i32
      %add3A_2310 = vector.broadcast %add3A_2309 : i32 to vector<16xi32>
      %add3A_2311 = arith.addi %iota3A, %add3A_2310 : vector<16xi32>
      %add3A_2312 = arith.constant 1 : i32
      %add3A_2313 = vector.broadcast %add3A_2312 : i32 to vector<16xi32>
      %add3A_2314 = arith.addi %add3A_2311, %add3A_2313 : vector<16xi32>
      %jit3A_2315 = arith.constant 0 : i32
      %broadcast_in_dim3A_2316 = vector.broadcast %jit3A_2315 : i32 to vector<16xi32>
      %select_n3A_2317 = arith.select %and3A_2305, %add3A_2314, %broadcast_in_dim3A_2316 : vector<16xi1>, vector<16xi32>
      %iota3A_2318 = tpu.iota {dimensions = array<i32: 0>} : vector<16xi32>
      %add3A_2319 = arith.constant 1 : i32
      %add3A_2320 = vector.broadcast %add3A_2319 : i32 to vector<16xi32>
      %add3A_2321 = arith.addi %iota3A_2318, %add3A_2320 : vector<16xi32>
      %and3A_2322 = arith.constant 15 : i32
      %and3A_2323 = vector.broadcast %and3A_2322 : i32 to vector<16xi32>
      %and3A_2324 = arith.andi %add3A_2321, %and3A_2323 : vector<16xi32>
      %broadcast_in_dim3A_2325 = vector.shape_cast %and3A_2324 : vector<16xi32> to vector<16x1xi32>
      %gather3A_2326 = vector.shape_cast %broadcast_in_dim3A_2325 : vector<16x1xi32> to vector<16xi32>
      %gather3A_2327 = tpu.dynamic_gather %select_n3A_2317[%gather3A_2326] in [0] : vector<16xi32>, vector<16xi32> -> vector<16xi32>
      %add3A_2328 = arith.addi %select_n3A_2317, %gather3A_2327 : vector<16xi32>
      %iota3A_2329 = tpu.iota {dimensions = array<i32: 0>} : vector<16xi32>
      %add3A_2330 = arith.constant 2 : i32
      %add3A_2331 = vector.broadcast %add3A_2330 : i32 to vector<16xi32>
      %add3A_2332 = arith.addi %iota3A_2329, %add3A_2331 : vector<16xi32>
      %and3A_2333 = arith.constant 15 : i32
      %and3A_2334 = vector.broadcast %and3A_2333 : i32 to vector<16xi32>
      %and3A_2335 = arith.andi %add3A_2332, %and3A_2334 : vector<16xi32>
      %broadcast_in_dim3A_2336 = vector.shape_cast %and3A_2335 : vector<16xi32> to vector<16x1xi32>
      %gather3A_2337 = vector.shape_cast %broadcast_in_dim3A_2336 : vector<16x1xi32> to vector<16xi32>
      %gather3A_2338 = tpu.dynamic_gather %add3A_2328[%gather3A_2337] in [0] : vector<16xi32>, vector<16xi32> -> vector<16xi32>
      %add3A_2339 = arith.addi %add3A_2328, %gather3A_2338 : vector<16xi32>
      %iota3A_2340 = tpu.iota {dimensions = array<i32: 0>} : vector<16xi32>
      %add3A_2341 = arith.constant 4 : i32
      %add3A_2342 = vector.broadcast %add3A_2341 : i32 to vector<16xi32>
      %add3A_2343 = arith.addi %iota3A_2340, %add3A_2342 : vector<16xi32>
      %and3A_2344 = arith.constant 15 : i32
      %and3A_2345 = vector.broadcast %and3A_2344 : i32 to vector<16xi32>
      %and3A_2346 = arith.andi %add3A_2343, %and3A_2345 : vector<16xi32>
      %broadcast_in_dim3A_2347 = vector.shape_cast %and3A_2346 : vector<16xi32> to vector<16x1xi32>
      %gather3A_2348 = vector.shape_cast %broadcast_in_dim3A_2347 : vector<16x1xi32> to vector<16xi32>
      %gather3A_2349 = tpu.dynamic_gather %add3A_2339[%gather3A_2348] in [0] : vector<16xi32>, vector<16xi32> -> vector<16xi32>
      %add3A_2350 = arith.addi %add3A_2339, %gather3A_2349 : vector<16xi32>
      %iota3A_2351 = tpu.iota {dimensions = array<i32: 0>} : vector<16xi32>
      %add3A_2352 = arith.constant 8 : i32
      %add3A_2353 = vector.broadcast %add3A_2352 : i32 to vector<16xi32>
      %add3A_2354 = arith.addi %iota3A_2351, %add3A_2353 : vector<16xi32>
      %and3A_2355 = arith.constant 15 : i32
      %and3A_2356 = vector.broadcast %and3A_2355 : i32 to vector<16xi32>
      %and3A_2357 = arith.andi %add3A_2354, %and3A_2356 : vector<16xi32>
      %broadcast_in_dim3A_2358 = vector.shape_cast %and3A_2357 : vector<16xi32> to vector<16x1xi32>
      %gather3A_2359 = vector.shape_cast %broadcast_in_dim3A_2358 : vector<16x1xi32> to vector<16xi32>
      %gather3A_2360 = tpu.dynamic_gather %add3A_2350[%gather3A_2359] in [0] : vector<16xi32>, vector<16xi32> -> vector<16xi32>
      %add3A_2361 = arith.addi %add3A_2350, %gather3A_2360 : vector<16xi32>
      %add3A_2362 = arith.addi %add3A_2172, %add3A_2361 : vector<16xi32>
      %iota3A_2363 = tpu.iota {dimensions = array<i32: 0>} : vector<16xi32>
      %add3A_2364 = arith.constant 1 : i32
      %add3A_2365 = vector.broadcast %add3A_2364 : i32 to vector<16xi32>
      %add3A_2366 = arith.addi %iota3A_2363, %add3A_2365 : vector<16xi32>
      %and3A_2367 = arith.constant 15 : i32
      %and3A_2368 = vector.broadcast %and3A_2367 : i32 to vector<16xi32>
      %and3A_2369 = arith.andi %add3A_2366, %and3A_2368 : vector<16xi32>
      %broadcast_in_dim3A_2370 = vector.shape_cast %and3A_2369 : vector<16xi32> to vector<16x1xi32>
      %gather3A_2371 = vector.shape_cast %broadcast_in_dim3A_2370 : vector<16x1xi32> to vector<16xi32>
      %gather3A_2372 = tpu.dynamic_gather %select_n3A_2226[%gather3A_2371] in [0] : vector<16xi32>, vector<16xi32> -> vector<16xi32>
      %add3A_2373 = arith.addi %select_n3A_2226, %gather3A_2372 : vector<16xi32>
      %iota3A_2374 = tpu.iota {dimensions = array<i32: 0>} : vector<16xi32>
      %add3A_2375 = arith.constant 2 : i32
      %add3A_2376 = vector.broadcast %add3A_2375 : i32 to vector<16xi32>
      %add3A_2377 = arith.addi %iota3A_2374, %add3A_2376 : vector<16xi32>
      %and3A_2378 = arith.constant 15 : i32
      %and3A_2379 = vector.broadcast %and3A_2378 : i32 to vector<16xi32>
      %and3A_2380 = arith.andi %add3A_2377, %and3A_2379 : vector<16xi32>
      %broadcast_in_dim3A_2381 = vector.shape_cast %and3A_2380 : vector<16xi32> to vector<16x1xi32>
      %gather3A_2382 = vector.shape_cast %broadcast_in_dim3A_2381 : vector<16x1xi32> to vector<16xi32>
      %gather3A_2383 = tpu.dynamic_gather %add3A_2373[%gather3A_2382] in [0] : vector<16xi32>, vector<16xi32> -> vector<16xi32>
      %add3A_2384 = arith.addi %add3A_2373, %gather3A_2383 : vector<16xi32>
      %iota3A_2385 = tpu.iota {dimensions = array<i32: 0>} : vector<16xi32>
      %add3A_2386 = arith.constant 4 : i32
      %add3A_2387 = vector.broadcast %add3A_2386 : i32 to vector<16xi32>
      %add3A_2388 = arith.addi %iota3A_2385, %add3A_2387 : vector<16xi32>
      %and3A_2389 = arith.constant 15 : i32
      %and3A_2390 = vector.broadcast %and3A_2389 : i32 to vector<16xi32>
      %and3A_2391 = arith.andi %add3A_2388, %and3A_2390 : vector<16xi32>
      %broadcast_in_dim3A_2392 = vector.shape_cast %and3A_2391 : vector<16xi32> to vector<16x1xi32>
      %gather3A_2393 = vector.shape_cast %broadcast_in_dim3A_2392 : vector<16x1xi32> to vector<16xi32>
      %gather3A_2394 = tpu.dynamic_gather %add3A_2384[%gather3A_2393] in [0] : vector<16xi32>, vector<16xi32> -> vector<16xi32>
      %add3A_2395 = arith.addi %add3A_2384, %gather3A_2394 : vector<16xi32>
      %iota3A_2396 = tpu.iota {dimensions = array<i32: 0>} : vector<16xi32>
      %add3A_2397 = arith.constant 8 : i32
      %add3A_2398 = vector.broadcast %add3A_2397 : i32 to vector<16xi32>
      %add3A_2399 = arith.addi %iota3A_2396, %add3A_2398 : vector<16xi32>
      %and3A_2400 = arith.constant 15 : i32
      %and3A_2401 = vector.broadcast %and3A_2400 : i32 to vector<16xi32>
      %and3A_2402 = arith.andi %add3A_2399, %and3A_2401 : vector<16xi32>
      %broadcast_in_dim3A_2403 = vector.shape_cast %and3A_2402 : vector<16xi32> to vector<16x1xi32>
      %gather3A_2404 = vector.shape_cast %broadcast_in_dim3A_2403 : vector<16x1xi32> to vector<16xi32>
      %gather3A_2405 = tpu.dynamic_gather %add3A_2395[%gather3A_2404] in [0] : vector<16xi32>, vector<16xi32> -> vector<16xi32>
      %add3A_2406 = arith.addi %add3A_2395, %gather3A_2405 : vector<16xi32>
      %add3A_2407 = arith.addi %add3A_2217, %add3A_2406 : vector<16xi32>
      %mul3A_2408 = arith.constant 80 : i32
      %mul3A_2409 = arith.muli %scan3A_1837, %mul3A_2408 : i32
      %add3A_2410 = arith.constant 48 : i32
      %add3A_2411 = arith.addi %mul3A_2409, %add3A_2410 : i32
      %get3A_2412 = arith.index_cast %add3A_2411 : i32 to index
      %get3A_2413 = tpu.vector_load %arg8[%get3A_2412] {strides = array<i32>} : memref<20000xi32, #tpu.memory_space<vmem>>, vector<16xi32>,
      %get3A_2414 = vector.shape_cast %get3A_2413 : vector<16xi32> to vector<16xi32>
      %eq3A_2415 = arith.cmpi eq, %get3A_2414, %select_n3A_1757 : vector<16xi32>
      %select_n3A_2416 = arith.select %eq3A_2415, %broadcast_in_dim3A_1, %broadcast_in_dim3A_3 : vector<16xi1>, vector<16xi32>
      %iota3A_2417 = tpu.iota {dimensions = array<i32: 0>} : vector<16xi32>
      %iota3A_2418 = tpu.iota {dimensions = array<i32: 0>} : vector<16xi32>
      %add3A_2419 = arith.constant 15 : i32
      %add3A_2420 = vector.broadcast %add3A_2419 : i32 to vector<16xi32>
      %add3A_2421 = arith.addi %iota3A_2418, %add3A_2420 : vector<16xi32>
      %and3A_2422 = arith.constant 15 : i32
      %and3A_2423 = vector.broadcast %and3A_2422 : i32 to vector<16xi32>
      %and3A_2424 = arith.andi %add3A_2421, %and3A_2423 : vector<16xi32>
      %broadcast_in_dim3A_2425 = vector.shape_cast %and3A_2424 : vector<16xi32> to vector<16x1xi32>
      %gather3A_2426 = vector.shape_cast %broadcast_in_dim3A_2425 : vector<16x1xi32> to vector<16xi32>
      %gather3A_2427 = tpu.dynamic_gather %select_n3A_2416[%gather3A_2426] in [0] : vector<16xi32>, vector<16xi32> -> vector<16xi32>
      %ge3A_2428 = arith.constant 1 : i32
      %ge3A_2429 = vector.broadcast %ge3A_2428 : i32 to vector<16xi32>
      %ge3A_2430 = arith.cmpi sge, %iota3A_2417, %ge3A_2429 : vector<16xi32>
      %broadcast_in_dim3A_2431 = arith.constant 0 : i32
      %broadcast_in_dim3A_2432 = vector.broadcast %broadcast_in_dim3A_2431 : i32 to vector<16xi32>
      %select_n3A_2433 = arith.select %ge3A_2430, %gather3A_2427, %broadcast_in_dim3A_2432 : vector<16xi1>, vector<16xi32>
      %add3A_2434 = arith.addi %select_n3A_2416, %select_n3A_2433 : vector<16xi32>
      %iota3A_2435 = tpu.iota {dimensions = array<i32: 0>} : vector<16xi32>
      %add3A_2436 = arith.constant 14 : i32
      %add3A_2437 = vector.broadcast %add3A_2436 : i32 to vector<16xi32>
      %add3A_2438 = arith.addi %iota3A_2435, %add3A_2437 : vector<16xi32>
      %and3A_2439 = arith.constant 15 : i32
      %and3A_2440 = vector.broadcast %and3A_2439 : i32 to vector<16xi32>
      %and3A_2441 = arith.andi %add3A_2438, %and3A_2440 : vector<16xi32>
      %broadcast_in_dim3A_2442 = vector.shape_cast %and3A_2441 : vector<16xi32> to vector<16x1xi32>
      %gather3A_2443 = vector.shape_cast %broadcast_in_dim3A_2442 : vector<16x1xi32> to vector<16xi32>
      %gather3A_2444 = tpu.dynamic_gather %add3A_2434[%gather3A_2443] in [0] : vector<16xi32>, vector<16xi32> -> vector<16xi32>
      %ge3A_2445 = arith.constant 2 : i32
      %ge3A_2446 = vector.broadcast %ge3A_2445 : i32 to vector<16xi32>
      %ge3A_2447 = arith.cmpi sge, %iota3A_2417, %ge3A_2446 : vector<16xi32>
      %broadcast_in_dim3A_2448 = arith.constant 0 : i32
      %broadcast_in_dim3A_2449 = vector.broadcast %broadcast_in_dim3A_2448 : i32 to vector<16xi32>
      %select_n3A_2450 = arith.select %ge3A_2447, %gather3A_2444, %broadcast_in_dim3A_2449 : vector<16xi1>, vector<16xi32>
      %add3A_2451 = arith.addi %add3A_2434, %select_n3A_2450 : vector<16xi32>
      %iota3A_2452 = tpu.iota {dimensions = array<i32: 0>} : vector<16xi32>
      %add3A_2453 = arith.constant 12 : i32
      %add3A_2454 = vector.broadcast %add3A_2453 : i32 to vector<16xi32>
      %add3A_2455 = arith.addi %iota3A_2452, %add3A_2454 : vector<16xi32>
      %and3A_2456 = arith.constant 15 : i32
      %and3A_2457 = vector.broadcast %and3A_2456 : i32 to vector<16xi32>
      %and3A_2458 = arith.andi %add3A_2455, %and3A_2457 : vector<16xi32>
      %broadcast_in_dim3A_2459 = vector.shape_cast %and3A_2458 : vector<16xi32> to vector<16x1xi32>
      %gather3A_2460 = vector.shape_cast %broadcast_in_dim3A_2459 : vector<16x1xi32> to vector<16xi32>
      %gather3A_2461 = tpu.dynamic_gather %add3A_2451[%gather3A_2460] in [0] : vector<16xi32>, vector<16xi32> -> vector<16xi32>
      %ge3A_2462 = arith.constant 4 : i32
      %ge3A_2463 = vector.broadcast %ge3A_2462 : i32 to vector<16xi32>
      %ge3A_2464 = arith.cmpi sge, %iota3A_2417, %ge3A_2463 : vector<16xi32>
      %broadcast_in_dim3A_2465 = arith.constant 0 : i32
      %broadcast_in_dim3A_2466 = vector.broadcast %broadcast_in_dim3A_2465 : i32 to vector<16xi32>
      %select_n3A_2467 = arith.select %ge3A_2464, %gather3A_2461, %broadcast_in_dim3A_2466 : vector<16xi1>, vector<16xi32>
      %add3A_2468 = arith.addi %add3A_2451, %select_n3A_2467 : vector<16xi32>
      %iota3A_2469 = tpu.iota {dimensions = array<i32: 0>} : vector<16xi32>
      %add3A_2470 = arith.constant 8 : i32
      %add3A_2471 = vector.broadcast %add3A_2470 : i32 to vector<16xi32>
      %add3A_2472 = arith.addi %iota3A_2469, %add3A_2471 : vector<16xi32>
      %and3A_2473 = arith.constant 15 : i32
      %and3A_2474 = vector.broadcast %and3A_2473 : i32 to vector<16xi32>
      %and3A_2475 = arith.andi %add3A_2472, %and3A_2474 : vector<16xi32>
      %broadcast_in_dim3A_2476 = vector.shape_cast %and3A_2475 : vector<16xi32> to vector<16x1xi32>
      %gather3A_2477 = vector.shape_cast %broadcast_in_dim3A_2476 : vector<16x1xi32> to vector<16xi32>
      %gather3A_2478 = tpu.dynamic_gather %add3A_2468[%gather3A_2477] in [0] : vector<16xi32>, vector<16xi32> -> vector<16xi32>
      %ge3A_2479 = arith.constant 8 : i32
      %ge3A_2480 = vector.broadcast %ge3A_2479 : i32 to vector<16xi32>
      %ge3A_2481 = arith.cmpi sge, %iota3A_2417, %ge3A_2480 : vector<16xi32>
      %broadcast_in_dim3A_2482 = arith.constant 0 : i32
      %broadcast_in_dim3A_2483 = vector.broadcast %broadcast_in_dim3A_2482 : i32 to vector<16xi32>
      %select_n3A_2484 = arith.select %ge3A_2481, %gather3A_2478, %broadcast_in_dim3A_2483 : vector<16xi1>, vector<16xi32>
      %add3A_2485 = arith.addi %add3A_2468, %select_n3A_2484 : vector<16xi32>
      %sub3A_2486 = arith.subi %add3A_2485, %select_n3A_2416 : vector<16xi32>
      %add3A_2487 = arith.addi %sub3A_2486, %add3A_2407 : vector<16xi32>
      %gt3A_2488 = arith.constant 0 : i32
      %gt3A_2489 = vector.broadcast %gt3A_2488 : i32 to vector<16xi32>
      %gt3A_2490 = arith.cmpi sgt, %select_n3A_2416, %gt3A_2489 : vector<16xi32>
      %sub3A_2491 = arith.constant 1 : i32
      %sub3A_2492 = vector.broadcast %sub3A_2491 : i32 to vector<16xi32>
      %sub3A_2493 = arith.subi %sub3A, %sub3A_2492 : vector<16xi32>
      %eq3A_2494 = arith.cmpi eq, %add3A_2487, %sub3A_2493 : vector<16xi32>
      %and3A_2495 = arith.andi %gt3A_2490, %eq3A_2494 : vector<16xi1>
      %mul3A_2496 = arith.constant 80 : i32
      %mul3A_2497 = arith.muli %scan3A_1837, %mul3A_2496 : i32
      %add3A_2498 = arith.constant 48 : i32
      %add3A_2499 = arith.addi %mul3A_2497, %add3A_2498 : i32
      %add3A_2500 = vector.broadcast %add3A_2499 : i32 to vector<16xi32>
      %add3A_2501 = arith.addi %iota3A, %add3A_2500 : vector<16xi32>
      %add3A_2502 = arith.constant 1 : i32
      %add3A_2503 = vector.broadcast %add3A_2502 : i32 to vector<16xi32>
      %add3A_2504 = arith.addi %add3A_2501, %add3A_2503 : vector<16xi32>
      %jit3A_2505 = arith.constant 0 : i32
      %broadcast_in_dim3A_2506 = vector.broadcast %jit3A_2505 : i32 to vector<16xi32>
      %select_n3A_2507 = arith.select %and3A_2495, %add3A_2504, %broadcast_in_dim3A_2506 : vector<16xi1>, vector<16xi32>
      %iota3A_2508 = tpu.iota {dimensions = array<i32: 0>} : vector<16xi32>
      %add3A_2509 = arith.constant 1 : i32
      %add3A_2510 = vector.broadcast %add3A_2509 : i32 to vector<16xi32>
      %add3A_2511 = arith.addi %iota3A_2508, %add3A_2510 : vector<16xi32>
      %and3A_2512 = arith.constant 15 : i32
      %and3A_2513 = vector.broadcast %and3A_2512 : i32 to vector<16xi32>
      %and3A_2514 = arith.andi %add3A_2511, %and3A_2513 : vector<16xi32>
      %broadcast_in_dim3A_2515 = vector.shape_cast %and3A_2514 : vector<16xi32> to vector<16x1xi32>
      %gather3A_2516 = vector.shape_cast %broadcast_in_dim3A_2515 : vector<16x1xi32> to vector<16xi32>
      %gather3A_2517 = tpu.dynamic_gather %select_n3A_2507[%gather3A_2516] in [0] : vector<16xi32>, vector<16xi32> -> vector<16xi32>
      %add3A_2518 = arith.addi %select_n3A_2507, %gather3A_2517 : vector<16xi32>
      %iota3A_2519 = tpu.iota {dimensions = array<i32: 0>} : vector<16xi32>
      %add3A_2520 = arith.constant 2 : i32
      %add3A_2521 = vector.broadcast %add3A_2520 : i32 to vector<16xi32>
      %add3A_2522 = arith.addi %iota3A_2519, %add3A_2521 : vector<16xi32>
      %and3A_2523 = arith.constant 15 : i32
      %and3A_2524 = vector.broadcast %and3A_2523 : i32 to vector<16xi32>
      %and3A_2525 = arith.andi %add3A_2522, %and3A_2524 : vector<16xi32>
      %broadcast_in_dim3A_2526 = vector.shape_cast %and3A_2525 : vector<16xi32> to vector<16x1xi32>
      %gather3A_2527 = vector.shape_cast %broadcast_in_dim3A_2526 : vector<16x1xi32> to vector<16xi32>
      %gather3A_2528 = tpu.dynamic_gather %add3A_2518[%gather3A_2527] in [0] : vector<16xi32>, vector<16xi32> -> vector<16xi32>
      %add3A_2529 = arith.addi %add3A_2518, %gather3A_2528 : vector<16xi32>
      %iota3A_2530 = tpu.iota {dimensions = array<i32: 0>} : vector<16xi32>
      %add3A_2531 = arith.constant 4 : i32
      %add3A_2532 = vector.broadcast %add3A_2531 : i32 to vector<16xi32>
      %add3A_2533 = arith.addi %iota3A_2530, %add3A_2532 : vector<16xi32>
      %and3A_2534 = arith.constant 15 : i32
      %and3A_2535 = vector.broadcast %and3A_2534 : i32 to vector<16xi32>
      %and3A_2536 = arith.andi %add3A_2533, %and3A_2535 : vector<16xi32>
      %broadcast_in_dim3A_2537 = vector.shape_cast %and3A_2536 : vector<16xi32> to vector<16x1xi32>
      %gather3A_2538 = vector.shape_cast %broadcast_in_dim3A_2537 : vector<16x1xi32> to vector<16xi32>
      %gather3A_2539 = tpu.dynamic_gather %add3A_2529[%gather3A_2538] in [0] : vector<16xi32>, vector<16xi32> -> vector<16xi32>
      %add3A_2540 = arith.addi %add3A_2529, %gather3A_2539 : vector<16xi32>
      %iota3A_2541 = tpu.iota {dimensions = array<i32: 0>} : vector<16xi32>
      %add3A_2542 = arith.constant 8 : i32
      %add3A_2543 = vector.broadcast %add3A_2542 : i32 to vector<16xi32>
      %add3A_2544 = arith.addi %iota3A_2541, %add3A_2543 : vector<16xi32>
      %and3A_2545 = arith.constant 15 : i32
      %and3A_2546 = vector.broadcast %and3A_2545 : i32 to vector<16xi32>
      %and3A_2547 = arith.andi %add3A_2544, %and3A_2546 : vector<16xi32>
      %broadcast_in_dim3A_2548 = vector.shape_cast %and3A_2547 : vector<16xi32> to vector<16x1xi32>
      %gather3A_2549 = vector.shape_cast %broadcast_in_dim3A_2548 : vector<16x1xi32> to vector<16xi32>
      %gather3A_2550 = tpu.dynamic_gather %add3A_2540[%gather3A_2549] in [0] : vector<16xi32>, vector<16xi32> -> vector<16xi32>
      %add3A_2551 = arith.addi %add3A_2540, %gather3A_2550 : vector<16xi32>
      %add3A_2552 = arith.addi %add3A_2362, %add3A_2551 : vector<16xi32>
      %iota3A_2553 = tpu.iota {dimensions = array<i32: 0>} : vector<16xi32>
      %add3A_2554 = arith.constant 1 : i32
      %add3A_2555 = vector.broadcast %add3A_2554 : i32 to vector<16xi32>
      %add3A_2556 = arith.addi %iota3A_2553, %add3A_2555 : vector<16xi32>
      %and3A_2557 = arith.constant 15 : i32
      %and3A_2558 = vector.broadcast %and3A_2557 : i32 to vector<16xi32>
      %and3A_2559 = arith.andi %add3A_2556, %and3A_2558 : vector<16xi32>
      %broadcast_in_dim3A_2560 = vector.shape_cast %and3A_2559 : vector<16xi32> to vector<16x1xi32>
      %gather3A_2561 = vector.shape_cast %broadcast_in_dim3A_2560 : vector<16x1xi32> to vector<16xi32>
      %gather3A_2562 = tpu.dynamic_gather %select_n3A_2416[%gather3A_2561] in [0] : vector<16xi32>, vector<16xi32> -> vector<16xi32>
      %add3A_2563 = arith.addi %select_n3A_2416, %gather3A_2562 : vector<16xi32>
      %iota3A_2564 = tpu.iota {dimensions = array<i32: 0>} : vector<16xi32>
      %add3A_2565 = arith.constant 2 : i32
      %add3A_2566 = vector.broadcast %add3A_2565 : i32 to vector<16xi32>
      %add3A_2567 = arith.addi %iota3A_2564, %add3A_2566 : vector<16xi32>
      %and3A_2568 = arith.constant 15 : i32
      %and3A_2569 = vector.broadcast %and3A_2568 : i32 to vector<16xi32>
      %and3A_2570 = arith.andi %add3A_2567, %and3A_2569 : vector<16xi32>
      %broadcast_in_dim3A_2571 = vector.shape_cast %and3A_2570 : vector<16xi32> to vector<16x1xi32>
      %gather3A_2572 = vector.shape_cast %broadcast_in_dim3A_2571 : vector<16x1xi32> to vector<16xi32>
      %gather3A_2573 = tpu.dynamic_gather %add3A_2563[%gather3A_2572] in [0] : vector<16xi32>, vector<16xi32> -> vector<16xi32>
      %add3A_2574 = arith.addi %add3A_2563, %gather3A_2573 : vector<16xi32>
      %iota3A_2575 = tpu.iota {dimensions = array<i32: 0>} : vector<16xi32>
      %add3A_2576 = arith.constant 4 : i32
      %add3A_2577 = vector.broadcast %add3A_2576 : i32 to vector<16xi32>
      %add3A_2578 = arith.addi %iota3A_2575, %add3A_2577 : vector<16xi32>
      %and3A_2579 = arith.constant 15 : i32
      %and3A_2580 = vector.broadcast %and3A_2579 : i32 to vector<16xi32>
      %and3A_2581 = arith.andi %add3A_2578, %and3A_2580 : vector<16xi32>
      %broadcast_in_dim3A_2582 = vector.shape_cast %and3A_2581 : vector<16xi32> to vector<16x1xi32>
      %gather3A_2583 = vector.shape_cast %broadcast_in_dim3A_2582 : vector<16x1xi32> to vector<16xi32>
      %gather3A_2584 = tpu.dynamic_gather %add3A_2574[%gather3A_2583] in [0] : vector<16xi32>, vector<16xi32> -> vector<16xi32>
      %add3A_2585 = arith.addi %add3A_2574, %gather3A_2584 : vector<16xi32>
      %iota3A_2586 = tpu.iota {dimensions = array<i32: 0>} : vector<16xi32>
      %add3A_2587 = arith.constant 8 : i32
      %add3A_2588 = vector.broadcast %add3A_2587 : i32 to vector<16xi32>
      %add3A_2589 = arith.addi %iota3A_2586, %add3A_2588 : vector<16xi32>
      %and3A_2590 = arith.constant 15 : i32
      %and3A_2591 = vector.broadcast %and3A_2590 : i32 to vector<16xi32>
      %and3A_2592 = arith.andi %add3A_2589, %and3A_2591 : vector<16xi32>
      %broadcast_in_dim3A_2593 = vector.shape_cast %and3A_2592 : vector<16xi32> to vector<16x1xi32>
      %gather3A_2594 = vector.shape_cast %broadcast_in_dim3A_2593 : vector<16x1xi32> to vector<16xi32>
      %gather3A_2595 = tpu.dynamic_gather %add3A_2585[%gather3A_2594] in [0] : vector<16xi32>, vector<16xi32> -> vector<16xi32>
      %add3A_2596 = arith.addi %add3A_2585, %gather3A_2595 : vector<16xi32>
      %add3A_2597 = arith.addi %add3A_2407, %add3A_2596 : vector<16xi32>
      %mul3A_2598 = arith.constant 80 : i32
      %mul3A_2599 = arith.muli %scan3A_1837, %mul3A_2598 : i32
      %add3A_2600 = arith.constant 64 : i32
      %add3A_2601 = arith.addi %mul3A_2599, %add3A_2600 : i32
      %get3A_2602 = arith.index_cast %add3A_2601 : i32 to index
      %get3A_2603 = tpu.vector_load %arg8[%get3A_2602] {strides = array<i32>} : memref<20000xi32, #tpu.memory_space<vmem>>, vector<16xi32>,
      %get3A_2604 = vector.shape_cast %get3A_2603 : vector<16xi32> to vector<16xi32>
      %eq3A_2605 = arith.cmpi eq, %get3A_2604, %select_n3A_1757 : vector<16xi32>
      %select_n3A_2606 = arith.select %eq3A_2605, %broadcast_in_dim3A_1, %broadcast_in_dim3A_3 : vector<16xi1>, vector<16xi32>
      %iota3A_2607 = tpu.iota {dimensions = array<i32: 0>} : vector<16xi32>
      %iota3A_2608 = tpu.iota {dimensions = array<i32: 0>} : vector<16xi32>
      %add3A_2609 = arith.constant 15 : i32
      %add3A_2610 = vector.broadcast %add3A_2609 : i32 to vector<16xi32>
      %add3A_2611 = arith.addi %iota3A_2608, %add3A_2610 : vector<16xi32>
      %and3A_2612 = arith.constant 15 : i32
      %and3A_2613 = vector.broadcast %and3A_2612 : i32 to vector<16xi32>
      %and3A_2614 = arith.andi %add3A_2611, %and3A_2613 : vector<16xi32>
      %broadcast_in_dim3A_2615 = vector.shape_cast %and3A_2614 : vector<16xi32> to vector<16x1xi32>
      %gather3A_2616 = vector.shape_cast %broadcast_in_dim3A_2615 : vector<16x1xi32> to vector<16xi32>
      %gather3A_2617 = tpu.dynamic_gather %select_n3A_2606[%gather3A_2616] in [0] : vector<16xi32>, vector<16xi32> -> vector<16xi32>
      %ge3A_2618 = arith.constant 1 : i32
      %ge3A_2619 = vector.broadcast %ge3A_2618 : i32 to vector<16xi32>
      %ge3A_2620 = arith.cmpi sge, %iota3A_2607, %ge3A_2619 : vector<16xi32>
      %broadcast_in_dim3A_2621 = arith.constant 0 : i32
      %broadcast_in_dim3A_2622 = vector.broadcast %broadcast_in_dim3A_2621 : i32 to vector<16xi32>
      %select_n3A_2623 = arith.select %ge3A_2620, %gather3A_2617, %broadcast_in_dim3A_2622 : vector<16xi1>, vector<16xi32>
      %add3A_2624 = arith.addi %select_n3A_2606, %select_n3A_2623 : vector<16xi32>
      %iota3A_2625 = tpu.iota {dimensions = array<i32: 0>} : vector<16xi32>
      %add3A_2626 = arith.constant 14 : i32
      %add3A_2627 = vector.broadcast %add3A_2626 : i32 to vector<16xi32>
      %add3A_2628 = arith.addi %iota3A_2625, %add3A_2627 : vector<16xi32>
      %and3A_2629 = arith.constant 15 : i32
      %and3A_2630 = vector.broadcast %and3A_2629 : i32 to vector<16xi32>
      %and3A_2631 = arith.andi %add3A_2628, %and3A_2630 : vector<16xi32>
      %broadcast_in_dim3A_2632 = vector.shape_cast %and3A_2631 : vector<16xi32> to vector<16x1xi32>
      %gather3A_2633 = vector.shape_cast %broadcast_in_dim3A_2632 : vector<16x1xi32> to vector<16xi32>
      %gather3A_2634 = tpu.dynamic_gather %add3A_2624[%gather3A_2633] in [0] : vector<16xi32>, vector<16xi32> -> vector<16xi32>
      %ge3A_2635 = arith.constant 2 : i32
      %ge3A_2636 = vector.broadcast %ge3A_2635 : i32 to vector<16xi32>
      %ge3A_2637 = arith.cmpi sge, %iota3A_2607, %ge3A_2636 : vector<16xi32>
      %broadcast_in_dim3A_2638 = arith.constant 0 : i32
      %broadcast_in_dim3A_2639 = vector.broadcast %broadcast_in_dim3A_2638 : i32 to vector<16xi32>
      %select_n3A_2640 = arith.select %ge3A_2637, %gather3A_2634, %broadcast_in_dim3A_2639 : vector<16xi1>, vector<16xi32>
      %add3A_2641 = arith.addi %add3A_2624, %select_n3A_2640 : vector<16xi32>
      %iota3A_2642 = tpu.iota {dimensions = array<i32: 0>} : vector<16xi32>
      %add3A_2643 = arith.constant 12 : i32
      %add3A_2644 = vector.broadcast %add3A_2643 : i32 to vector<16xi32>
      %add3A_2645 = arith.addi %iota3A_2642, %add3A_2644 : vector<16xi32>
      %and3A_2646 = arith.constant 15 : i32
      %and3A_2647 = vector.broadcast %and3A_2646 : i32 to vector<16xi32>
      %and3A_2648 = arith.andi %add3A_2645, %and3A_2647 : vector<16xi32>
      %broadcast_in_dim3A_2649 = vector.shape_cast %and3A_2648 : vector<16xi32> to vector<16x1xi32>
      %gather3A_2650 = vector.shape_cast %broadcast_in_dim3A_2649 : vector<16x1xi32> to vector<16xi32>
      %gather3A_2651 = tpu.dynamic_gather %add3A_2641[%gather3A_2650] in [0] : vector<16xi32>, vector<16xi32> -> vector<16xi32>
      %ge3A_2652 = arith.constant 4 : i32
      %ge3A_2653 = vector.broadcast %ge3A_2652 : i32 to vector<16xi32>
      %ge3A_2654 = arith.cmpi sge, %iota3A_2607, %ge3A_2653 : vector<16xi32>
      %broadcast_in_dim3A_2655 = arith.constant 0 : i32
      %broadcast_in_dim3A_2656 = vector.broadcast %broadcast_in_dim3A_2655 : i32 to vector<16xi32>
      %select_n3A_2657 = arith.select %ge3A_2654, %gather3A_2651, %broadcast_in_dim3A_2656 : vector<16xi1>, vector<16xi32>
      %add3A_2658 = arith.addi %add3A_2641, %select_n3A_2657 : vector<16xi32>
      %iota3A_2659 = tpu.iota {dimensions = array<i32: 0>} : vector<16xi32>
      %add3A_2660 = arith.constant 8 : i32
      %add3A_2661 = vector.broadcast %add3A_2660 : i32 to vector<16xi32>
      %add3A_2662 = arith.addi %iota3A_2659, %add3A_2661 : vector<16xi32>
      %and3A_2663 = arith.constant 15 : i32
      %and3A_2664 = vector.broadcast %and3A_2663 : i32 to vector<16xi32>
      %and3A_2665 = arith.andi %add3A_2662, %and3A_2664 : vector<16xi32>
      %broadcast_in_dim3A_2666 = vector.shape_cast %and3A_2665 : vector<16xi32> to vector<16x1xi32>
      %gather3A_2667 = vector.shape_cast %broadcast_in_dim3A_2666 : vector<16x1xi32> to vector<16xi32>
      %gather3A_2668 = tpu.dynamic_gather %add3A_2658[%gather3A_2667] in [0] : vector<16xi32>, vector<16xi32> -> vector<16xi32>
      %ge3A_2669 = arith.constant 8 : i32
      %ge3A_2670 = vector.broadcast %ge3A_2669 : i32 to vector<16xi32>
      %ge3A_2671 = arith.cmpi sge, %iota3A_2607, %ge3A_2670 : vector<16xi32>
      %broadcast_in_dim3A_2672 = arith.constant 0 : i32
      %broadcast_in_dim3A_2673 = vector.broadcast %broadcast_in_dim3A_2672 : i32 to vector<16xi32>
      %select_n3A_2674 = arith.select %ge3A_2671, %gather3A_2668, %broadcast_in_dim3A_2673 : vector<16xi1>, vector<16xi32>
      %add3A_2675 = arith.addi %add3A_2658, %select_n3A_2674 : vector<16xi32>
      %sub3A_2676 = arith.subi %add3A_2675, %select_n3A_2606 : vector<16xi32>
      %add3A_2677 = arith.addi %sub3A_2676, %add3A_2597 : vector<16xi32>
      %gt3A_2678 = arith.constant 0 : i32
      %gt3A_2679 = vector.broadcast %gt3A_2678 : i32 to vector<16xi32>
      %gt3A_2680 = arith.cmpi sgt, %select_n3A_2606, %gt3A_2679 : vector<16xi32>
      %sub3A_2681 = arith.constant 1 : i32
      %sub3A_2682 = vector.broadcast %sub3A_2681 : i32 to vector<16xi32>
      %sub3A_2683 = arith.subi %sub3A, %sub3A_2682 : vector<16xi32>
      %eq3A_2684 = arith.cmpi eq, %add3A_2677, %sub3A_2683 : vector<16xi32>
      %and3A_2685 = arith.andi %gt3A_2680, %eq3A_2684 : vector<16xi1>
      %mul3A_2686 = arith.constant 80 : i32
      %mul3A_2687 = arith.muli %scan3A_1837, %mul3A_2686 : i32
      %add3A_2688 = arith.constant 64 : i32
      %add3A_2689 = arith.addi %mul3A_2687, %add3A_2688 : i32
      %add3A_2690 = vector.broadcast %add3A_2689 : i32 to vector<16xi32>
      %add3A_2691 = arith.addi %iota3A, %add3A_2690 : vector<16xi32>
      %add3A_2692 = arith.constant 1 : i32
      %add3A_2693 = vector.broadcast %add3A_2692 : i32 to vector<16xi32>
      %add3A_2694 = arith.addi %add3A_2691, %add3A_2693 : vector<16xi32>
      %jit3A_2695 = arith.constant 0 : i32
      %broadcast_in_dim3A_2696 = vector.broadcast %jit3A_2695 : i32 to vector<16xi32>
      %select_n3A_2697 = arith.select %and3A_2685, %add3A_2694, %broadcast_in_dim3A_2696 : vector<16xi1>, vector<16xi32>
      %iota3A_2698 = tpu.iota {dimensions = array<i32: 0>} : vector<16xi32>
      %add3A_2699 = arith.constant 1 : i32
      %add3A_2700 = vector.broadcast %add3A_2699 : i32 to vector<16xi32>
      %add3A_2701 = arith.addi %iota3A_2698, %add3A_2700 : vector<16xi32>
      %and3A_2702 = arith.constant 15 : i32
      %and3A_2703 = vector.broadcast %and3A_2702 : i32 to vector<16xi32>
      %and3A_2704 = arith.andi %add3A_2701, %and3A_2703 : vector<16xi32>
      %broadcast_in_dim3A_2705 = vector.shape_cast %and3A_2704 : vector<16xi32> to vector<16x1xi32>
      %gather3A_2706 = vector.shape_cast %broadcast_in_dim3A_2705 : vector<16x1xi32> to vector<16xi32>
      %gather3A_2707 = tpu.dynamic_gather %select_n3A_2697[%gather3A_2706] in [0] : vector<16xi32>, vector<16xi32> -> vector<16xi32>
      %add3A_2708 = arith.addi %select_n3A_2697, %gather3A_2707 : vector<16xi32>
      %iota3A_2709 = tpu.iota {dimensions = array<i32: 0>} : vector<16xi32>
      %add3A_2710 = arith.constant 2 : i32
      %add3A_2711 = vector.broadcast %add3A_2710 : i32 to vector<16xi32>
      %add3A_2712 = arith.addi %iota3A_2709, %add3A_2711 : vector<16xi32>
      %and3A_2713 = arith.constant 15 : i32
      %and3A_2714 = vector.broadcast %and3A_2713 : i32 to vector<16xi32>
      %and3A_2715 = arith.andi %add3A_2712, %and3A_2714 : vector<16xi32>
      %broadcast_in_dim3A_2716 = vector.shape_cast %and3A_2715 : vector<16xi32> to vector<16x1xi32>
      %gather3A_2717 = vector.shape_cast %broadcast_in_dim3A_2716 : vector<16x1xi32> to vector<16xi32>
      %gather3A_2718 = tpu.dynamic_gather %add3A_2708[%gather3A_2717] in [0] : vector<16xi32>, vector<16xi32> -> vector<16xi32>
      %add3A_2719 = arith.addi %add3A_2708, %gather3A_2718 : vector<16xi32>
      %iota3A_2720 = tpu.iota {dimensions = array<i32: 0>} : vector<16xi32>
      %add3A_2721 = arith.constant 4 : i32
      %add3A_2722 = vector.broadcast %add3A_2721 : i32 to vector<16xi32>
      %add3A_2723 = arith.addi %iota3A_2720, %add3A_2722 : vector<16xi32>
      %and3A_2724 = arith.constant 15 : i32
      %and3A_2725 = vector.broadcast %and3A_2724 : i32 to vector<16xi32>
      %and3A_2726 = arith.andi %add3A_2723, %and3A_2725 : vector<16xi32>
      %broadcast_in_dim3A_2727 = vector.shape_cast %and3A_2726 : vector<16xi32> to vector<16x1xi32>
      %gather3A_2728 = vector.shape_cast %broadcast_in_dim3A_2727 : vector<16x1xi32> to vector<16xi32>
      %gather3A_2729 = tpu.dynamic_gather %add3A_2719[%gather3A_2728] in [0] : vector<16xi32>, vector<16xi32> -> vector<16xi32>
      %add3A_2730 = arith.addi %add3A_2719, %gather3A_2729 : vector<16xi32>
      %iota3A_2731 = tpu.iota {dimensions = array<i32: 0>} : vector<16xi32>
      %add3A_2732 = arith.constant 8 : i32
      %add3A_2733 = vector.broadcast %add3A_2732 : i32 to vector<16xi32>
      %add3A_2734 = arith.addi %iota3A_2731, %add3A_2733 : vector<16xi32>
      %and3A_2735 = arith.constant 15 : i32
      %and3A_2736 = vector.broadcast %and3A_2735 : i32 to vector<16xi32>
      %and3A_2737 = arith.andi %add3A_2734, %and3A_2736 : vector<16xi32>
      %broadcast_in_dim3A_2738 = vector.shape_cast %and3A_2737 : vector<16xi32> to vector<16x1xi32>
      %gather3A_2739 = vector.shape_cast %broadcast_in_dim3A_2738 : vector<16x1xi32> to vector<16xi32>
      %gather3A_2740 = tpu.dynamic_gather %add3A_2730[%gather3A_2739] in [0] : vector<16xi32>, vector<16xi32> -> vector<16xi32>
      %add3A_2741 = arith.addi %add3A_2730, %gather3A_2740 : vector<16xi32>
      %add3A_2742 = arith.addi %add3A_2552, %add3A_2741 : vector<16xi32>
      %iota3A_2743 = tpu.iota {dimensions = array<i32: 0>} : vector<16xi32>
      %add3A_2744 = arith.constant 1 : i32
      %add3A_2745 = vector.broadcast %add3A_2744 : i32 to vector<16xi32>
      %add3A_2746 = arith.addi %iota3A_2743, %add3A_2745 : vector<16xi32>
      %and3A_2747 = arith.constant 15 : i32
      %and3A_2748 = vector.broadcast %and3A_2747 : i32 to vector<16xi32>
      %and3A_2749 = arith.andi %add3A_2746, %and3A_2748 : vector<16xi32>
      %broadcast_in_dim3A_2750 = vector.shape_cast %and3A_2749 : vector<16xi32> to vector<16x1xi32>
      %gather3A_2751 = vector.shape_cast %broadcast_in_dim3A_2750 : vector<16x1xi32> to vector<16xi32>
      %gather3A_2752 = tpu.dynamic_gather %select_n3A_2606[%gather3A_2751] in [0] : vector<16xi32>, vector<16xi32> -> vector<16xi32>
      %add3A_2753 = arith.addi %select_n3A_2606, %gather3A_2752 : vector<16xi32>
      %iota3A_2754 = tpu.iota {dimensions = array<i32: 0>} : vector<16xi32>
      %add3A_2755 = arith.constant 2 : i32
      %add3A_2756 = vector.broadcast %add3A_2755 : i32 to vector<16xi32>
      %add3A_2757 = arith.addi %iota3A_2754, %add3A_2756 : vector<16xi32>
      %and3A_2758 = arith.constant 15 : i32
      %and3A_2759 = vector.broadcast %and3A_2758 : i32 to vector<16xi32>
      %and3A_2760 = arith.andi %add3A_2757, %and3A_2759 : vector<16xi32>
      %broadcast_in_dim3A_2761 = vector.shape_cast %and3A_2760 : vector<16xi32> to vector<16x1xi32>
      %gather3A_2762 = vector.shape_cast %broadcast_in_dim3A_2761 : vector<16x1xi32> to vector<16xi32>
      %gather3A_2763 = tpu.dynamic_gather %add3A_2753[%gather3A_2762] in [0] : vector<16xi32>, vector<16xi32> -> vector<16xi32>
      %add3A_2764 = arith.addi %add3A_2753, %gather3A_2763 : vector<16xi32>
      %iota3A_2765 = tpu.iota {dimensions = array<i32: 0>} : vector<16xi32>
      %add3A_2766 = arith.constant 4 : i32
      %add3A_2767 = vector.broadcast %add3A_2766 : i32 to vector<16xi32>
      %add3A_2768 = arith.addi %iota3A_2765, %add3A_2767 : vector<16xi32>
      %and3A_2769 = arith.constant 15 : i32
      %and3A_2770 = vector.broadcast %and3A_2769 : i32 to vector<16xi32>
      %and3A_2771 = arith.andi %add3A_2768, %and3A_2770 : vector<16xi32>
      %broadcast_in_dim3A_2772 = vector.shape_cast %and3A_2771 : vector<16xi32> to vector<16x1xi32>
      %gather3A_2773 = vector.shape_cast %broadcast_in_dim3A_2772 : vector<16x1xi32> to vector<16xi32>
      %gather3A_2774 = tpu.dynamic_gather %add3A_2764[%gather3A_2773] in [0] : vector<16xi32>, vector<16xi32> -> vector<16xi32>
      %add3A_2775 = arith.addi %add3A_2764, %gather3A_2774 : vector<16xi32>
      %iota3A_2776 = tpu.iota {dimensions = array<i32: 0>} : vector<16xi32>
      %add3A_2777 = arith.constant 8 : i32
      %add3A_2778 = vector.broadcast %add3A_2777 : i32 to vector<16xi32>
      %add3A_2779 = arith.addi %iota3A_2776, %add3A_2778 : vector<16xi32>
      %and3A_2780 = arith.constant 15 : i32
      %and3A_2781 = vector.broadcast %and3A_2780 : i32 to vector<16xi32>
      %and3A_2782 = arith.andi %add3A_2779, %and3A_2781 : vector<16xi32>
      %broadcast_in_dim3A_2783 = vector.shape_cast %and3A_2782 : vector<16xi32> to vector<16x1xi32>
      %gather3A_2784 = vector.shape_cast %broadcast_in_dim3A_2783 : vector<16x1xi32> to vector<16xi32>
      %gather3A_2785 = tpu.dynamic_gather %add3A_2775[%gather3A_2784] in [0] : vector<16xi32>, vector<16xi32> -> vector<16xi32>
      %add3A_2786 = arith.addi %add3A_2775, %gather3A_2785 : vector<16xi32>
      %add3A_2787 = arith.addi %add3A_2597, %add3A_2786 : vector<16xi32>
      scf.yield %add3A_2787, %add3A_2742 : vector<16xi32>, vector<16xi32>
    }
    %scan3A_1813 = arith.constant 250 : i32
    %eq3A = arith.constant 0 : i32
    %eq3A_1814 = vector.broadcast %eq3A : i32 to vector<16xi32>
    %eq3A_1815 = arith.cmpi eq, %sub3A, %eq3A_1814 : vector<16xi32>
    %jit3A = arith.constant 0 : i32
    %broadcast_in_dim3A_1816 = vector.broadcast %jit3A : i32 to vector<16xi32>
    %select_n3A_1817 = arith.select %eq3A_1815, %broadcast_in_dim3A_1816, %scan3A_1812#1 : vector<16xi1>, vector<16xi32>
    %broadcast_in_dim3A_1818 = arith.constant 0.000000e+00 : f32
    %broadcast_in_dim3A_1819 = vector.broadcast %broadcast_in_dim3A_1818 : f32 to vector<16xf32>
    %scan3A_1820 = arith.constant 0 : i32
    %scan3A_1821 = arith.constant 250 : i32
    %scan3A_1822 = arith.addi %scan3A_1820, %scan3A_1821 : i32
    %scan3A_1823 = arith.constant 1 : i32
    %scan3A_1824 = scf.for %scan3A_1837 = %scan3A_1820 to %scan3A_1822 step %scan3A_1823 iter_args(%scan3A_1838 = %broadcast_in_dim3A_1819) -> (vector<16xf32>)  : i32 {
      %mul3A_1839 = arith.constant 80 : i32
      %mul3A_1840 = arith.muli %scan3A_1837, %mul3A_1839 : i32
      %add3A_1841 = arith.constant 0 : i32
      %add3A_1842 = arith.addi %mul3A_1840, %add3A_1841 : i32
      %get3A = arith.index_cast %add3A_1842 : i32 to index
      %get3A_1843 = tpu.vector_load %arg8[%get3A] {strides = array<i32>} : memref<20000xi32, #tpu.memory_space<vmem>>, vector<16xi32>,
      %get3A_1844 = vector.shape_cast %get3A_1843 : vector<16xi32> to vector<16xi32>
      %mul3A_1845 = arith.constant 80 : i32
      %mul3A_1846 = arith.muli %scan3A_1837, %mul3A_1845 : i32
      %add3A_1847 = arith.constant 0 : i32
      %add3A_1848 = arith.addi %mul3A_1846, %add3A_1847 : i32
      %get3A_1849 = arith.index_cast %add3A_1848 : i32 to index
      %get3A_1850 = tpu.vector_load %arg7[%get3A_1849] {strides = array<i32>} : memref<20000xf32, #tpu.memory_space<vmem>>, vector<16xf32>,
      %get3A_1851 = vector.shape_cast %get3A_1850 : vector<16xf32> to vector<16xf32>
      %mul3A_1852 = arith.constant 80 : i32
      %mul3A_1853 = arith.muli %scan3A_1837, %mul3A_1852 : i32
      %add3A_1854 = arith.constant 0 : i32
      %add3A_1855 = arith.addi %mul3A_1853, %add3A_1854 : i32
      %add3A_1856 = vector.broadcast %add3A_1855 : i32 to vector<16xi32>
      %add3A_1857 = arith.addi %iota3A, %add3A_1856 : vector<16xi32>
      %eq3A_1858 = arith.cmpi eq, %get3A_1844, %select_n3A_1757 : vector<16xi32>
      %lt3A = arith.cmpi slt, %add3A_1857, %select_n3A_1817 : vector<16xi32>
      %and3A_1859 = arith.andi %eq3A_1858, %lt3A : vector<16xi1>
      %eq3A_1860 = arith.constant 0 : i32
      %eq3A_1861 = vector.broadcast %eq3A_1860 : i32 to vector<16xi32>
      %eq3A_1862 = arith.cmpi eq, %get3A_1844, %eq3A_1861 : vector<16xi32>
      %gt3A = arith.cmpi sgt, %get3A_1844, %select_n3A_1757 : vector<16xi32>
      %or3A_1863 = arith.ori %gt3A, %and3A_1859 : vector<16xi1>
      %or3A_1864 = arith.ori %eq3A_1862, %or3A_1863 : vector<16xi1>
      %jit3A_1865 = arith.constant 0.000000e+00 : f32
      %broadcast_in_dim3A_1866 = vector.broadcast %jit3A_1865 : f32 to vector<16xf32>
      %select_n3A_1867 = arith.select %or3A_1864, %get3A_1851, %broadcast_in_dim3A_1866 : vector<16xi1>, vector<16xf32>
      %add3A_1868 = arith.addf %scan3A_1838, %select_n3A_1867 : vector<16xf32>
      %mul3A_1869 = arith.constant 80 : i32
      %mul3A_1870 = arith.muli %scan3A_1837, %mul3A_1869 : i32
      %add3A_1871 = arith.constant 16 : i32
      %add3A_1872 = arith.addi %mul3A_1870, %add3A_1871 : i32
      %get3A_1873 = arith.index_cast %add3A_1872 : i32 to index
      %get3A_1874 = tpu.vector_load %arg8[%get3A_1873] {strides = array<i32>} : memref<20000xi32, #tpu.memory_space<vmem>>, vector<16xi32>,
      %get3A_1875 = vector.shape_cast %get3A_1874 : vector<16xi32> to vector<16xi32>
      %mul3A_1876 = arith.constant 80 : i32
      %mul3A_1877 = arith.muli %scan3A_1837, %mul3A_1876 : i32
      %add3A_1878 = arith.constant 16 : i32
      %add3A_1879 = arith.addi %mul3A_1877, %add3A_1878 : i32
      %get3A_1880 = arith.index_cast %add3A_1879 : i32 to index
      %get3A_1881 = tpu.vector_load %arg7[%get3A_1880] {strides = array<i32>} : memref<20000xf32, #tpu.memory_space<vmem>>, vector<16xf32>,
      %get3A_1882 = vector.shape_cast %get3A_1881 : vector<16xf32> to vector<16xf32>
      %mul3A_1883 = arith.constant 80 : i32
      %mul3A_1884 = arith.muli %scan3A_1837, %mul3A_1883 : i32
      %add3A_1885 = arith.constant 16 : i32
      %add3A_1886 = arith.addi %mul3A_1884, %add3A_1885 : i32
      %add3A_1887 = vector.broadcast %add3A_1886 : i32 to vector<16xi32>
      %add3A_1888 = arith.addi %iota3A, %add3A_1887 : vector<16xi32>
      %eq3A_1889 = arith.cmpi eq, %get3A_1875, %select_n3A_1757 : vector<16xi32>
      %lt3A_1890 = arith.cmpi slt, %add3A_1888, %select_n3A_1817 : vector<16xi32>
      %and3A_1891 = arith.andi %eq3A_1889, %lt3A_1890 : vector<16xi1>
      %eq3A_1892 = arith.constant 0 : i32
      %eq3A_1893 = vector.broadcast %eq3A_1892 : i32 to vector<16xi32>
      %eq3A_1894 = arith.cmpi eq, %get3A_1875, %eq3A_1893 : vector<16xi32>
      %gt3A_1895 = arith.cmpi sgt, %get3A_1875, %select_n3A_1757 : vector<16xi32>
      %or3A_1896 = arith.ori %gt3A_1895, %and3A_1891 : vector<16xi1>
      %or3A_1897 = arith.ori %eq3A_1894, %or3A_1896 : vector<16xi1>
      %jit3A_1898 = arith.constant 0.000000e+00 : f32
      %broadcast_in_dim3A_1899 = vector.broadcast %jit3A_1898 : f32 to vector<16xf32>
      %select_n3A_1900 = arith.select %or3A_1897, %get3A_1882, %broadcast_in_dim3A_1899 : vector<16xi1>, vector<16xf32>
      %add3A_1901 = arith.addf %add3A_1868, %select_n3A_1900 : vector<16xf32>
      %mul3A_1902 = arith.constant 80 : i32
      %mul3A_1903 = arith.muli %scan3A_1837, %mul3A_1902 : i32
      %add3A_1904 = arith.constant 32 : i32
      %add3A_1905 = arith.addi %mul3A_1903, %add3A_1904 : i32
      %get3A_1906 = arith.index_cast %add3A_1905 : i32 to index
      %get3A_1907 = tpu.vector_load %arg8[%get3A_1906] {strides = array<i32>} : memref<20000xi32, #tpu.memory_space<vmem>>, vector<16xi32>,
      %get3A_1908 = vector.shape_cast %get3A_1907 : vector<16xi32> to vector<16xi32>
      %mul3A_1909 = arith.constant 80 : i32
      %mul3A_1910 = arith.muli %scan3A_1837, %mul3A_1909 : i32
      %add3A_1911 = arith.constant 32 : i32
      %add3A_1912 = arith.addi %mul3A_1910, %add3A_1911 : i32
      %get3A_1913 = arith.index_cast %add3A_1912 : i32 to index
      %get3A_1914 = tpu.vector_load %arg7[%get3A_1913] {strides = array<i32>} : memref<20000xf32, #tpu.memory_space<vmem>>, vector<16xf32>,
      %get3A_1915 = vector.shape_cast %get3A_1914 : vector<16xf32> to vector<16xf32>
      %mul3A_1916 = arith.constant 80 : i32
      %mul3A_1917 = arith.muli %scan3A_1837, %mul3A_1916 : i32
      %add3A_1918 = arith.constant 32 : i32
      %add3A_1919 = arith.addi %mul3A_1917, %add3A_1918 : i32
      %add3A_1920 = vector.broadcast %add3A_1919 : i32 to vector<16xi32>
      %add3A_1921 = arith.addi %iota3A, %add3A_1920 : vector<16xi32>
      %eq3A_1922 = arith.cmpi eq, %get3A_1908, %select_n3A_1757 : vector<16xi32>
      %lt3A_1923 = arith.cmpi slt, %add3A_1921, %select_n3A_1817 : vector<16xi32>
      %and3A_1924 = arith.andi %eq3A_1922, %lt3A_1923 : vector<16xi1>
      %eq3A_1925 = arith.constant 0 : i32
      %eq3A_1926 = vector.broadcast %eq3A_1925 : i32 to vector<16xi32>
      %eq3A_1927 = arith.cmpi eq, %get3A_1908, %eq3A_1926 : vector<16xi32>
      %gt3A_1928 = arith.cmpi sgt, %get3A_1908, %select_n3A_1757 : vector<16xi32>
      %or3A_1929 = arith.ori %gt3A_1928, %and3A_1924 : vector<16xi1>
      %or3A_1930 = arith.ori %eq3A_1927, %or3A_1929 : vector<16xi1>
      %jit3A_1931 = arith.constant 0.000000e+00 : f32
      %broadcast_in_dim3A_1932 = vector.broadcast %jit3A_1931 : f32 to vector<16xf32>
      %select_n3A_1933 = arith.select %or3A_1930, %get3A_1915, %broadcast_in_dim3A_1932 : vector<16xi1>, vector<16xf32>
      %add3A_1934 = arith.addf %add3A_1901, %select_n3A_1933 : vector<16xf32>
      %mul3A_1935 = arith.constant 80 : i32
      %mul3A_1936 = arith.muli %scan3A_1837, %mul3A_1935 : i32
      %add3A_1937 = arith.constant 48 : i32
      %add3A_1938 = arith.addi %mul3A_1936, %add3A_1937 : i32
      %get3A_1939 = arith.index_cast %add3A_1938 : i32 to index
      %get3A_1940 = tpu.vector_load %arg8[%get3A_1939] {strides = array<i32>} : memref<20000xi32, #tpu.memory_space<vmem>>, vector<16xi32>,
      %get3A_1941 = vector.shape_cast %get3A_1940 : vector<16xi32> to vector<16xi32>
      %mul3A_1942 = arith.constant 80 : i32
      %mul3A_1943 = arith.muli %scan3A_1837, %mul3A_1942 : i32
      %add3A_1944 = arith.constant 48 : i32
      %add3A_1945 = arith.addi %mul3A_1943, %add3A_1944 : i32
      %get3A_1946 = arith.index_cast %add3A_1945 : i32 to index
      %get3A_1947 = tpu.vector_load %arg7[%get3A_1946] {strides = array<i32>} : memref<20000xf32, #tpu.memory_space<vmem>>, vector<16xf32>,
      %get3A_1948 = vector.shape_cast %get3A_1947 : vector<16xf32> to vector<16xf32>
      %mul3A_1949 = arith.constant 80 : i32
      %mul3A_1950 = arith.muli %scan3A_1837, %mul3A_1949 : i32
      %add3A_1951 = arith.constant 48 : i32
      %add3A_1952 = arith.addi %mul3A_1950, %add3A_1951 : i32
      %add3A_1953 = vector.broadcast %add3A_1952 : i32 to vector<16xi32>
      %add3A_1954 = arith.addi %iota3A, %add3A_1953 : vector<16xi32>
      %eq3A_1955 = arith.cmpi eq, %get3A_1941, %select_n3A_1757 : vector<16xi32>
      %lt3A_1956 = arith.cmpi slt, %add3A_1954, %select_n3A_1817 : vector<16xi32>
      %and3A_1957 = arith.andi %eq3A_1955, %lt3A_1956 : vector<16xi1>
      %eq3A_1958 = arith.constant 0 : i32
      %eq3A_1959 = vector.broadcast %eq3A_1958 : i32 to vector<16xi32>
      %eq3A_1960 = arith.cmpi eq, %get3A_1941, %eq3A_1959 : vector<16xi32>
      %gt3A_1961 = arith.cmpi sgt, %get3A_1941, %select_n3A_1757 : vector<16xi32>
      %or3A_1962 = arith.ori %gt3A_1961, %and3A_1957 : vector<16xi1>
      %or3A_1963 = arith.ori %eq3A_1960, %or3A_1962 : vector<16xi1>
      %jit3A_1964 = arith.constant 0.000000e+00 : f32
      %broadcast_in_dim3A_1965 = vector.broadcast %jit3A_1964 : f32 to vector<16xf32>
      %select_n3A_1966 = arith.select %or3A_1963, %get3A_1948, %broadcast_in_dim3A_1965 : vector<16xi1>, vector<16xf32>
      %add3A_1967 = arith.addf %add3A_1934, %select_n3A_1966 : vector<16xf32>
      %mul3A_1968 = arith.constant 80 : i32
      %mul3A_1969 = arith.muli %scan3A_1837, %mul3A_1968 : i32
      %add3A_1970 = arith.constant 64 : i32
      %add3A_1971 = arith.addi %mul3A_1969, %add3A_1970 : i32
      %get3A_1972 = arith.index_cast %add3A_1971 : i32 to index
      %get3A_1973 = tpu.vector_load %arg8[%get3A_1972] {strides = array<i32>} : memref<20000xi32, #tpu.memory_space<vmem>>, vector<16xi32>,
      %get3A_1974 = vector.shape_cast %get3A_1973 : vector<16xi32> to vector<16xi32>
      %mul3A_1975 = arith.constant 80 : i32
      %mul3A_1976 = arith.muli %scan3A_1837, %mul3A_1975 : i32
      %add3A_1977 = arith.constant 64 : i32
      %add3A_1978 = arith.addi %mul3A_1976, %add3A_1977 : i32
      %get3A_1979 = arith.index_cast %add3A_1978 : i32 to index
      %get3A_1980 = tpu.vector_load %arg7[%get3A_1979] {strides = array<i32>} : memref<20000xf32, #tpu.memory_space<vmem>>, vector<16xf32>,
      %get3A_1981 = vector.shape_cast %get3A_1980 : vector<16xf32> to vector<16xf32>
      %mul3A_1982 = arith.constant 80 : i32
      %mul3A_1983 = arith.muli %scan3A_1837, %mul3A_1982 : i32
      %add3A_1984 = arith.constant 64 : i32
      %add3A_1985 = arith.addi %mul3A_1983, %add3A_1984 : i32
      %add3A_1986 = vector.broadcast %add3A_1985 : i32 to vector<16xi32>
      %add3A_1987 = arith.addi %iota3A, %add3A_1986 : vector<16xi32>
      %eq3A_1988 = arith.cmpi eq, %get3A_1974, %select_n3A_1757 : vector<16xi32>
      %lt3A_1989 = arith.cmpi slt, %add3A_1987, %select_n3A_1817 : vector<16xi32>
      %and3A_1990 = arith.andi %eq3A_1988, %lt3A_1989 : vector<16xi1>
      %eq3A_1991 = arith.constant 0 : i32
      %eq3A_1992 = vector.broadcast %eq3A_1991 : i32 to vector<16xi32>
      %eq3A_1993 = arith.cmpi eq, %get3A_1974, %eq3A_1992 : vector<16xi32>
      %gt3A_1994 = arith.cmpi sgt, %get3A_1974, %select_n3A_1757 : vector<16xi32>
      %or3A_1995 = arith.ori %gt3A_1994, %and3A_1990 : vector<16xi1>
      %or3A_1996 = arith.ori %eq3A_1993, %or3A_1995 : vector<16xi1>
      %jit3A_1997 = arith.constant 0.000000e+00 : f32
      %broadcast_in_dim3A_1998 = vector.broadcast %jit3A_1997 : f32 to vector<16xf32>
      %select_n3A_1999 = arith.select %or3A_1996, %get3A_1981, %broadcast_in_dim3A_1998 : vector<16xi1>, vector<16xf32>
      %add3A_2000 = arith.addf %add3A_1967, %select_n3A_1999 : vector<16xf32>
      scf.yield %add3A_2000 : vector<16xf32>
    }
    %scan3A_1825 = arith.constant 250 : i32
    %swap3A = arith.constant 0 : i32
    %swap3A_1826 = arith.index_cast %swap3A : i32 to index
    %swap3A_1827 = arith.constant 0 : index
    %swap3A_1828 = tpu.vector_load %arg9[%swap3A_1826, %swap3A_1827] {strides = array<i32>} : memref<2x16xf32, #tpu.memory_space<vmem>>, vector<1x16xf32>,
    %swap3A_1829 = vector.shape_cast %swap3A_1828 : vector<1x16xf32> to vector<16xf32>
    %swap3A_1830 = vector.shape_cast %scan3A_1824 : vector<16xf32> to vector<1x16xf32>
    tpu.vector_store %arg9[%swap3A_1826, %swap3A_1827], %swap3A_1830 {strides = array<i32>} : memref<2x16xf32, #tpu.memory_space<vmem>>, vector<1x16xf32>,
    %convert_element_type3A = arith.sitofp %add3A_50 : vector<16xi32> to vector<16xf32>
    %swap3A_1831 = arith.constant 1 : i32
    %swap3A_1832 = arith.index_cast %swap3A_1831 : i32 to index
    %swap3A_1833 = arith.constant 0 : index
    %swap3A_1834 = tpu.vector_load %arg9[%swap3A_1832, %swap3A_1833] {strides = array<i32>} : memref<2x16xf32, #tpu.memory_space<vmem>>, vector<1x16xf32>,
    %swap3A_1835 = vector.shape_cast %swap3A_1834 : vector<1x16xf32> to vector<16xf32>
    %swap3A_1836 = vector.shape_cast %convert_element_type3A : vector<16xf32> to vector<1x16xf32>
    tpu.vector_store %arg9[%swap3A_1832, %swap3A_1833], %swap3A_1836 {strides = array<i32>} : memref<2x16xf32, #tpu.memory_space<vmem>>, vector<1x16xf32>,
    "tpu.region"() ({
      %run_scoped3A = tpu.sem_alloc : memref<!tpu.dma_semaphore, #tpu.memory_space<semaphore_mem>>
      %dma_start3A = arith.constant 0 : i32
      %dma_start3A_1837 = arith.constant 0 : i32
      %dma_start3A_1838 = tpu.memref_slice %arg5[%add3A, %dma_start3A, %dma_start3A_1837] : memref<32x2x16xf32, #tpu.memory_space<hbm>> -> memref<1x2x16xf32, #tpu.memory_space<hbm>>
      %dma_start3A_1839 = tpu.memref_squeeze %dma_start3A_1838 : memref<1x2x16xf32, #tpu.memory_space<hbm>> -> memref<2x16xf32, #tpu.memory_space<hbm>>
      %dma_start3A_1840 = arith.constant 0 : i32
      %dma_start3A_1841 = arith.constant 0 : i32
      %dma_start3A_1842 = tpu.memref_slice %arg5[%add3A, %dma_start3A_1840, %dma_start3A_1841] : memref<32x2x16xf32, #tpu.memory_space<hbm>> -> memref<1x2x16xf32, #tpu.memory_space<hbm>>
      %dma_start3A_1843 = tpu.memref_squeeze %dma_start3A_1842 : memref<1x2x16xf32, #tpu.memory_space<hbm>> -> memref<2x16xf32, #tpu.memory_space<hbm>>
      tpu.enqueue_dma source(%arg9 : memref<2x16xf32, #tpu.memory_space<vmem>>) target(%dma_start3A_1843 : memref<2x16xf32, #tpu.memory_space<hbm>>) target_semaphore(%run_scoped3A : memref<!tpu.dma_semaphore, #tpu.memory_space<semaphore_mem>>)
      %dma_wait3A = arith.constant 0 : i32
      %dma_wait3A_1844 = arith.constant 0 : i32
      %dma_wait3A_1845 = tpu.memref_slice %arg5[%add3A, %dma_wait3A, %dma_wait3A_1844] : memref<32x2x16xf32, #tpu.memory_space<hbm>> -> memref<1x2x16xf32, #tpu.memory_space<hbm>>
      %dma_wait3A_1846 = tpu.memref_squeeze %dma_wait3A_1845 : memref<1x2x16xf32, #tpu.memory_space<hbm>> -> memref<2x16xf32, #tpu.memory_space<hbm>>
      %dma_wait3A_1847 = arith.constant 0 : i32
      %dma_wait3A_1848 = arith.constant 0 : i32
      %dma_wait3A_1849 = tpu.memref_slice %arg5[%add3A, %dma_wait3A_1847, %dma_wait3A_1848] : memref<32x2x16xf32, #tpu.memory_space<hbm>> -> memref<1x2x16xf32, #tpu.memory_space<hbm>>
      %dma_wait3A_1850 = tpu.memref_squeeze %dma_wait3A_1849 : memref<1x2x16xf32, #tpu.memory_space<hbm>> -> memref<2x16xf32, #tpu.memory_space<hbm>>
      tpu.wait_dma2 semaphore(%run_scoped3A : memref<!tpu.dma_semaphore, #tpu.memory_space<semaphore_mem>>) src(%arg9 : memref<2x16xf32, #tpu.memory_space<vmem>>) dst(%dma_wait3A_1850 : memref<2x16xf32, #tpu.memory_space<hbm>>)
      tpu.yield
    }) : () -> ()
    return
  }
}

module attributes {stable_mosaic.version = 14 : i64} {
  func.func @_phase1_body(%arg0: i32, %arg1: i32, %arg2: memref<2000x32xi32, #tpu.memory_space<vmem>>, %arg3: memref<1x2000x81xf32, #tpu.memory_space<vmem>>, %arg4: memref<1x2000x4xf32, #tpu.memory_space<vmem>>, %arg5: memref<1x2000x4xf32, #tpu.memory_space<vmem>>, %arg6: memref<1x1x2000xf32, #tpu.memory_space<vmem>>, %arg7: memref<1x1x2000xi32, #tpu.memory_space<vmem>>, %arg8: memref<1x1xf32, #tpu.memory_space<vmem>>) attributes {dimension_semantics = [#tpu.dimension_semantics<arbitrary>, #tpu.dimension_semantics<arbitrary>], iteration_bounds = array<i64: 10, 32>, scalar_prefetch = 0 : i64, scratch_operands = 0 : i64, tpu.core_type = #tpu.core_type<tc>, window_params = [{transform_indices = @transform_0, window_bounds = array<i64: 2000, 32>}, {transform_indices = @transform_1, window_bounds = array<i64: 1, 2000, 81>}, {transform_indices = @transform_2, window_bounds = array<i64: 1, 2000, 4>}, {transform_indices = @transform_3, window_bounds = array<i64: 1, 2000, 4>}, {transform_indices = @transform_4, window_bounds = array<i64: 1, 1, 2000>}, {transform_indices = @transform_5, window_bounds = array<i64: 1, 1, 2000>}, {pipeline_mode = #tpu.pipeline_mode<synchronous>, transform_indices = @transform_6, window_bounds = array<i64: 1, 1>}]} {
    %get3A = arith.constant 0 : index
    %get3A_0 = arith.constant 0 : index
    %get3A_1 = arith.constant 0 : index
    %get3A_2 = vector.load %arg3[%get3A, %get3A_0, %get3A_1] : memref<1x2000x81xf32, #tpu.memory_space<vmem>>, vector<1x2000x81xf32>
    %get3A_3 = vector.shape_cast %get3A_2 : vector<1x2000x81xf32> to vector<2000x81xf32>
    %get3A_4 = arith.constant 0 : index
    %get3A_5 = arith.constant 0 : index
    %get3A_6 = vector.load %arg2[%get3A_4, %get3A_5] : memref<2000x32xi32, #tpu.memory_space<vmem>>, vector<2000x32xi32>
    %iota3A = tpu.iota {dimensions = array<i32: 1>} : vector<2000x32xi32>
    %eq3A = vector.broadcast %arg1 : i32 to vector<2000x32xi32>
    %eq3A_7 = arith.cmpi eq, %iota3A, %eq3A : vector<2000x32xi32>
    %jit3A = arith.constant 0 : i32
    %broadcast_in_dim3A = vector.broadcast %jit3A : i32 to vector<2000x32xi32>
    %select_n3A = arith.select %eq3A_7, %get3A_6, %broadcast_in_dim3A : vector<2000x32xi1>, vector<2000x32xi32>
    %reduce_sum3A = arith.constant dense<0> : vector<2000xi32>
    %reduce_sum3A_8 = vector.multi_reduction <add>, %select_n3A, %reduce_sum3A [1] : vector<2000x32xi32> to vector<2000xi32>
    %broadcast_in_dim3A_9 = vector.shape_cast %reduce_sum3A_8 : vector<2000xi32> to vector<2000x1xi32>
    %reduce_max3A = vector.shape_cast %get3A_3 : vector<2000x81xf32> to vector<1x2000x81xf32>
    %reduce_max3A_10 = arith.constant dense<0xFF800000> : vector<1xf32>
    %reduce_max3A_11 = vector.multi_reduction <maximumf>, %reduce_max3A, %reduce_max3A_10 [1, 2] : vector<1x2000x81xf32> to vector<1xf32>
    %reduce_max3A_12 = vector.shape_cast %reduce_max3A_11 : vector<1xf32> to vector<1x1x1xf32>
    %reduce_max3A_13 = vector.extract %reduce_max3A_12[0, 0, 0] : f32 from vector<1x1x1xf32>
    %sub3A = vector.broadcast %reduce_max3A_13 : f32 to vector<2000x81xf32>
    %sub3A_14 = arith.subf %get3A_3, %sub3A : vector<2000x81xf32>
    %exp3A = math.exp %sub3A_14 : vector<2000x81xf32>
    %iota3A_15 = tpu.iota {dimensions = array<i32: 1>} : vector<2000x81xi32>
    %eq3A_16 = vector.broadcast %broadcast_in_dim3A_9 : vector<2000x1xi32> to vector<2000x81xi32>
    %eq3A_17 = arith.cmpi eq, %iota3A_15, %eq3A_16 : vector<2000x81xi32>
    %jit3A_18 = arith.constant 0.000000e+00 : f32
    %broadcast_in_dim3A_19 = vector.broadcast %jit3A_18 : f32 to vector<2000x81xf32>
    %select_n3A_20 = arith.select %eq3A_17, %exp3A, %broadcast_in_dim3A_19 : vector<2000x81xi1>, vector<2000x81xf32>
    %reduce_sum3A_21 = arith.constant dense<0.000000e+00> : vector<2000xf32>
    %reduce_sum3A_22 = vector.multi_reduction <add>, %select_n3A_20, %reduce_sum3A_21 [1] : vector<2000x81xf32> to vector<2000xf32>
    %broadcast_in_dim3A_23 = vector.shape_cast %reduce_sum3A_22 : vector<2000xf32> to vector<2000x1xf32>
    %div3A = arith.constant 1.000000e+00 : f32
    %div3A_24 = vector.broadcast %div3A : f32 to vector<2000x1xf32>
    %div3A_25 = arith.divf %div3A_24, %broadcast_in_dim3A_23 : vector<2000x1xf32>
    %mul3A = vector.broadcast %div3A_25 : vector<2000x1xf32> to vector<2000x81xf32>
    %mul3A_26 = arith.mulf %exp3A, %mul3A : vector<2000x81xf32>
    %broadcast_in_dim3A_27 = arith.constant 1.000000e+00 : f32
    %broadcast_in_dim3A_28 = vector.broadcast %broadcast_in_dim3A_27 : f32 to vector<1x81xf32>
    %dot_general3A = arith.constant dense<0.000000e+00> : vector<1x2000xf32>
    %dot_general3A_29 = tpu.matmul %broadcast_in_dim3A_28, %mul3A_26, %dot_general3A {dimension_numbers = #tpu.dot_dimension_numbers<[1], [1], [0], [0], [0, 0, 1, 0], [], []>, transpose_lhs_hint = false} : vector<1x81xf32>, vector<2000x81xf32>, vector<1x2000xf32> -> vector<1x2000xf32>
    %log3A = math.log %dot_general3A_29 : vector<1x2000xf32>
    %max3A = arith.constant 0.000000e+00 : f32
    %max3A_30 = vector.broadcast %max3A : f32 to vector<1x2000xf32>
    %max3A_31 = arith.maximumf %log3A, %max3A_30 : vector<1x2000xf32>
    %swap3A = arith.constant 0 : index
    %swap3A_32 = arith.constant 0 : index
    %swap3A_33 = arith.constant 0 : index
    %swap3A_34 = vector.load %arg6[%swap3A, %swap3A_32, %swap3A_33] : memref<1x1x2000xf32, #tpu.memory_space<vmem>>, vector<1x1x2000xf32>
    %swap3A_35 = vector.shape_cast %swap3A_34 : vector<1x1x2000xf32> to vector<1x2000xf32>
    %swap3A_36 = vector.shape_cast %max3A_31 : vector<1x2000xf32> to vector<1x1x2000xf32>
    tpu.vector_store %arg6[%swap3A, %swap3A_32, %swap3A_33], %swap3A_36 {strides = array<i32>} : memref<1x1x2000xf32, #tpu.memory_space<vmem>>, vector<1x1x2000xf32>,
    %gt3A = arith.constant 0 : i32
    %gt3A_37 = vector.broadcast %gt3A : i32 to vector<2000x81xi32>
    %gt3A_38 = arith.cmpi sgt, %iota3A_15, %gt3A_37 : vector<2000x81xi32>
    %and3A = arith.andi %eq3A_17, %gt3A_38 : vector<2000x81xi1>
    %jit3A_39 = arith.constant 1.000000e+00 : f32
    %jit3A_40 = arith.constant 0.000000e+00 : f32
    %broadcast_in_dim3A_41 = vector.broadcast %jit3A_39 : f32 to vector<2000x81xf32>
    %broadcast_in_dim3A_42 = vector.broadcast %jit3A_40 : f32 to vector<2000x81xf32>
    %select_n3A_43 = arith.select %and3A, %broadcast_in_dim3A_41, %broadcast_in_dim3A_42 : vector<2000x81xi1>, vector<2000x81xf32>
    %dot_general3A_44 = arith.constant dense<0.000000e+00> : vector<1x2000xf32>
    %dot_general3A_45 = tpu.matmul %broadcast_in_dim3A_28, %select_n3A_43, %dot_general3A_44 {dimension_numbers = #tpu.dot_dimension_numbers<[1], [1], [0], [0], [0, 0, 1, 0], [], []>, transpose_lhs_hint = false} : vector<1x81xf32>, vector<2000x81xf32>, vector<1x2000xf32> -> vector<1x2000xf32>
    %gt3A_46 = arith.constant 5.000000e-01 : f32
    %gt3A_47 = vector.broadcast %gt3A_46 : f32 to vector<1x2000xf32>
    %gt3A_48 = arith.cmpf ogt, %dot_general3A_45, %gt3A_47 : vector<1x2000xf32>
    %jit3A_49 = arith.constant 0.000000e+00 : f32
    %broadcast_in_dim3A_50 = vector.broadcast %jit3A_49 : f32 to vector<1x2000xf32>
    %select_n3A_51 = arith.select %gt3A_48, %broadcast_in_dim3A_50, %max3A_31 : vector<1x2000xi1>, vector<1x2000xf32>
    %bitcast_convert_type3A = tpu.bitcast %select_n3A_51 : vector<1x2000xf32> -> vector<1x2000xi32>
    %swap3A_52 = arith.constant 0 : index
    %swap3A_53 = arith.constant 0 : index
    %swap3A_54 = arith.constant 0 : index
    %swap3A_55 = vector.load %arg7[%swap3A_52, %swap3A_53, %swap3A_54] : memref<1x1x2000xi32, #tpu.memory_space<vmem>>, vector<1x1x2000xi32>
    %swap3A_56 = vector.shape_cast %swap3A_55 : vector<1x1x2000xi32> to vector<1x2000xi32>
    %swap3A_57 = vector.shape_cast %bitcast_convert_type3A : vector<1x2000xi32> to vector<1x1x2000xi32>
    tpu.vector_store %arg7[%swap3A_52, %swap3A_53, %swap3A_54], %swap3A_57 {strides = array<i32>} : memref<1x1x2000xi32, #tpu.memory_space<vmem>>, vector<1x1x2000xi32>,
    %gt3A_58 = arith.constant 0 : i32
    %gt3A_59 = vector.broadcast %gt3A_58 : i32 to vector<2000x1xi32>
    %gt3A_60 = arith.cmpi sgt, %broadcast_in_dim3A_9, %gt3A_59 : vector<2000x1xi32>
    %get3A_61 = arith.constant 0 : index
    %get3A_62 = arith.constant 0 : index
    %get3A_63 = arith.constant 0 : index
    %get3A_64 = vector.load %arg5[%get3A_61, %get3A_62, %get3A_63] : memref<1x2000x4xf32, #tpu.memory_space<vmem>>, vector<1x2000x4xf32>
    %get3A_65 = vector.shape_cast %get3A_64 : vector<1x2000x4xf32> to vector<2000x4xf32>
    %get3A_66 = arith.constant 0 : index
    %get3A_67 = arith.constant 0 : index
    %get3A_68 = arith.constant 0 : index
    %get3A_69 = vector.load %arg4[%get3A_66, %get3A_67, %get3A_68] : memref<1x2000x4xf32, #tpu.memory_space<vmem>>, vector<1x2000x4xf32>
    %get3A_70 = vector.shape_cast %get3A_69 : vector<1x2000x4xf32> to vector<2000x4xf32>
    %sub3A_71 = arith.subf %get3A_65, %get3A_70 : vector<2000x4xf32>
    %abs3A = math.absf %sub3A_71 : vector<2000x4xf32>
    %lt3A = arith.constant 1.000000e+00 : f32
    %lt3A_72 = vector.broadcast %lt3A : f32 to vector<2000x4xf32>
    %lt3A_73 = arith.cmpf olt, %abs3A, %lt3A_72 : vector<2000x4xf32>
    %mul3A_74 = arith.constant 5.000000e-01 : f32
    %mul3A_75 = vector.broadcast %mul3A_74 : f32 to vector<2000x4xf32>
    %mul3A_76 = arith.mulf %mul3A_75, %sub3A_71 : vector<2000x4xf32>
    %mul3A_77 = arith.mulf %mul3A_76, %sub3A_71 : vector<2000x4xf32>
    %sub3A_78 = arith.constant 5.000000e-01 : f32
    %sub3A_79 = vector.broadcast %sub3A_78 : f32 to vector<2000x4xf32>
    %sub3A_80 = arith.subf %abs3A, %sub3A_79 : vector<2000x4xf32>
    %select_n3A_81 = arith.select %lt3A_73, %mul3A_77, %sub3A_80 : vector<2000x4xi1>, vector<2000x4xf32>
    %jit3A_82 = arith.constant 0.000000e+00 : f32
    %broadcast_in_dim3A_83 = vector.shape_cast %gt3A_60 : vector<2000x1xi1> to vector<2000x1xi1>
    %broadcast_in_dim3A_84 = vector.broadcast %broadcast_in_dim3A_83 : vector<2000x1xi1> to vector<2000x4xi1>
    %broadcast_in_dim3A_85 = vector.broadcast %jit3A_82 : f32 to vector<2000x4xf32>
    %select_n3A_86 = arith.select %broadcast_in_dim3A_84, %select_n3A_81, %broadcast_in_dim3A_85 : vector<2000x4xi1>, vector<2000x4xf32>
    %reduce_sum3A_87 = vector.shape_cast %select_n3A_86 : vector<2000x4xf32> to vector<1x2000x4xf32>
    %reduce_sum3A_88 = arith.constant dense<0.000000e+00> : vector<1xf32>
    %reduce_sum3A_89 = vector.multi_reduction <add>, %reduce_sum3A_87, %reduce_sum3A_88 [1, 2] : vector<1x2000x4xf32> to vector<1xf32>
    %reduce_sum3A_90 = vector.shape_cast %reduce_sum3A_89 : vector<1xf32> to vector<1x1x1xf32>
    %reduce_sum3A_91 = vector.extract %reduce_sum3A_90[0, 0, 0] : f32 from vector<1x1x1xf32>
    %eq3A_92 = arith.constant 0 : i32
    %eq3A_93 = arith.cmpi eq, %arg0, %eq3A_92 : i32
    %eq3A_94 = arith.constant 0 : i32
    %eq3A_95 = arith.cmpi eq, %arg1, %eq3A_94 : i32
    %and3A_96 = arith.andi %eq3A_93, %eq3A_95 : i1
    %convert_element_type3A = arith.extui %and3A_96 : i1 to i32
    %cond3A = arith.constant 0 : i32
    %cond3A_97 = arith.cmpi ne, %convert_element_type3A, %cond3A : i32
    scf.if %cond3A_97 {
      %broadcast_in_dim3A_105 = arith.constant 0.000000e+00 : f32
      %broadcast_in_dim3A_106 = vector.broadcast %broadcast_in_dim3A_105 : f32 to vector<1x1xf32>
      %swap3A_107 = arith.constant 0 : index
      %swap3A_108 = arith.constant 0 : index
      %swap3A_109 = vector.load %arg8[%swap3A_107, %swap3A_108] : memref<1x1xf32, #tpu.memory_space<vmem>>, vector<1x1xf32>
      tpu.vector_store %arg8[%swap3A_107, %swap3A_108], %broadcast_in_dim3A_106 {strides = array<i32>} : memref<1x1xf32, #tpu.memory_space<vmem>>, vector<1x1xf32>,
    } else {
    }
    %get3A_98 = arith.constant 0 : index
    %get3A_99 = arith.constant 0 : index
    %get3A_100 = vector.load %arg8[%get3A_98, %get3A_99] : memref<1x1xf32, #tpu.memory_space<vmem>>, vector<1x1xf32>
    %add3A = vector.broadcast %reduce_sum3A_91 : f32 to vector<1x1xf32>
    %add3A_101 = arith.addf %get3A_100, %add3A : vector<1x1xf32>
    %swap3A_102 = arith.constant 0 : index
    %swap3A_103 = arith.constant 0 : index
    %swap3A_104 = vector.load %arg8[%swap3A_102, %swap3A_103] : memref<1x1xf32, #tpu.memory_space<vmem>>, vector<1x1xf32>
    tpu.vector_store %arg8[%swap3A_102, %swap3A_103], %add3A_101 {strides = array<i32>} : memref<1x1xf32, #tpu.memory_space<vmem>>, vector<1x1xf32>,
    return
  }
  func.func @transform_0(%arg0: i32, %arg1: i32) -> (i32, i32) {
    %c0_i32 = arith.constant 0 : i32
    %c0_i32_0 = arith.constant 0 : i32
    return %arg0, %c0_i32 : i32, i32
  }
  func.func @transform_1(%arg0: i32, %arg1: i32) -> (i32, i32, i32) {
    %c0_i32 = arith.constant 0 : i32
    %c0_i32_0 = arith.constant 0 : i32
    return %arg1, %arg0, %c0_i32 : i32, i32, i32
  }
  func.func @transform_2(%arg0: i32, %arg1: i32) -> (i32, i32, i32) {
    %c0_i32 = arith.constant 0 : i32
    %c0_i32_0 = arith.constant 0 : i32
    return %arg1, %arg0, %c0_i32 : i32, i32, i32
  }
  func.func @transform_3(%arg0: i32, %arg1: i32) -> (i32, i32, i32) {
    %c0_i32 = arith.constant 0 : i32
    %c0_i32_0 = arith.constant 0 : i32
    return %arg1, %arg0, %c0_i32 : i32, i32, i32
  }
  func.func @transform_4(%arg0: i32, %arg1: i32) -> (i32, i32, i32) {
    %mul3A = arith.constant 10 : i32
    %mul3A_0 = arith.muli %arg1, %mul3A : i32
    %add3A = arith.addi %mul3A_0, %arg0 : i32
    %c0_i32 = arith.constant 0 : i32
    %c0_i32_1 = arith.constant 0 : i32
    %c0_i32_2 = arith.constant 0 : i32
    return %add3A, %c0_i32, %c0_i32_1 : i32, i32, i32
  }
  func.func @transform_5(%arg0: i32, %arg1: i32) -> (i32, i32, i32) {
    %mul3A = arith.constant 10 : i32
    %mul3A_0 = arith.muli %arg1, %mul3A : i32
    %add3A = arith.addi %mul3A_0, %arg0 : i32
    %c0_i32 = arith.constant 0 : i32
    %c0_i32_1 = arith.constant 0 : i32
    %c0_i32_2 = arith.constant 0 : i32
    return %add3A, %c0_i32, %c0_i32_1 : i32, i32, i32
  }
  func.func @transform_6(%arg0: i32, %arg1: i32) -> (i32, i32) {
    %c0_i32 = arith.constant 0 : i32
    %c0_i32_0 = arith.constant 0 : i32
    %c0_i32_1 = arith.constant 0 : i32
    return %c0_i32, %c0_i32_0 : i32, i32
  }
}

</mosaic_0001>

<sc_bundles>
// kernel: kernel.4.cloned.1.call-start
scs
__scs_entry_jumppad:
0x0: {  	(pc) =	sbr.rel $0x88, $3  }
0x1: {  	(tag) =	ssettag $0x0;
	lr =	simm.s32 $0x1  }
0x2: {  	[smem:$0x3F9D] =	sst lr;
	_ =	strace $0xD0000000  }
0x3: {  	_ = 	snop  }
0x4: {  	_ = 	snop  }
0x5: {  	_ = 	snop  }
0x6: {  	_ = 	snop  }
0x7: {  	_ = 	snop  }
__scs_overlays_trampoline_lowered:
0x8: {  	[smem:$0x3FAC] =	sst s0  }
0x9: {  	[smem:$0x3FAD] =	sst s1  }
0xa: {  	[smem:$0x3FAE] =	sst s2  }
0xb: {  	[smem:$0x3FAF] =	sst s3  }
0xc: {  	[smem:$0x3FB0] =	sst s4  }
0xd: {  	[smem:$0x3FB1] =	sst s5  }
0xe: {  	[smem:$0x3FB2] =	sst s6  }
0xf: {  	[smem:$0x3FB3] =	sst s7  }
0x10: {  	[smem:$0x3FB4] =	sst s8  }
0x11: {  	[smem:$0x3FB5] =	sst s9;
	s0 =	simm.s32 @!p0 $0x0  }
0x12: {  	s1 =	sld [smem:$0x3F9B];
	s0 =	simm.s32 @p0 $0x1  }
0x13: {  	[smem:$0x3FB6] =	sst s0;
	s0 =	simm.s32 @!p1 $0x0  }
0x14: {  	s2 =	sld [smem:$0x3F9A];
	s0 =	simm.s32 @p1 $0x1  }
0x15: {  	[smem:$0x3FB7] =	sst s0;
	s0 =	simm.s32 @!p2 $0x0  }
0x16: {  	s3 =	sld [smem:$0x3FDB];
	s0 =	simm.s32 @p2 $0x1  }
0x17: {  	s4 =	simm.s32 $0x1BF5;
	[smem:$0x3FB9] =	sst s0  }
0x18: {  	s0 =	sld [smem:$0x3F9C];
	_ =	swait.ge [sflag:s4], $0x0  }
0x19: {  	s7 =	sld [smem:$0x3F9D]  }
0x1a: {  	s8 =	sadd.s32 $0xFFFFE003, lr  }
0x1b: {  	s9 =	sadd.s32 $0xFFFFFEF7, lr;
	s5 =	simm.s32 $0xFFFFFFFF;
	p2 =	slt.u32 s8, $0xFFFFF086  }
0x1c: {  	p1 =	slt.u32 s9, $0xF7A;
	s5 =	simm.s32 @!p2 $0x0  }
0x1d: {  	s5 =	simm.s32 @p1 $0x1;
	p0 =	seq.s32 s7, s2  }
0x1e: {  	s7 =	smul.u32 @!p0 $0xF7A, s2;
	p2 =	seq.s32 @!p0 s5, $0x0  }
0x1f: {  	s9 =	smul.u32 $0xF7A, s1;
	s8 =	simm.s32 @!p0 $0x1BF5;
	p2 =	por !p2, p0  }
0x20: {  	[sflag:s8] =	ssyncset.s32 @!p0 $0xFFFFF086;
	s6 =	sadd.s32 @!p0 s3, s7;
	s7 =	simm.s32 @!p0 $0x108  }
0x21: {  	s3 =	sadd.s32 s3, s9;
	s6 =	sadd.s32 @!p0 $0x88, s6;
	s7 =	simm.s32 @p2 $0x1082  }
0x22: {  	[simem:s7], [sflag:s8] =	dma.local @!p0 [hbm:s6], $0xF7A  }
0x23: {  	s9 =	sor.u32 $0xD0000000, s2;
	s6 =	simm.s32 $0x108;
	_ =	swait.ge @!p0 [sflag:s8], $0x0  }
0x24: {  	s3 =	sadd.s32 $0x88, s3;
	s6 =	simm.s32 @!p1 $0x1082;
	[sflag:s4] =	ssyncset.s32 $0xFFFFF086  }
0x25: {  	[simem:s6], [sflag:s4] =	dma.local [hbm:s3], $0xF7A  }
0x26: {  	[smem:$0x3F9D] =	sst s1;
	(tag) =	ssettag s2;
	_ =	strace s9  }
0x27: {  	s1 =	sld [smem:$0x3FAD]  }
0x28: {  	s2 =	sld [smem:$0x3FAE]  }
0x29: {  	s4 =	sld [smem:$0x3FB0]  }
0x2a: {  	p0 =	seq.s32 s5, $0x0;
	s5 =	sld [smem:$0x3FB1]  }
0x2b: {  	s6 =	sld [smem:$0x3FB2]  }
0x2c: {  	s7 =	sld [smem:$0x3FB3]  }
0x2d: {  	s3 =	simm.s32 $0x108;
	s8 =	sld [smem:$0x3FB4]  }
0x2e: {  	s3 =	simm.s32 @!p0 $0x1082;
	s9 =	sld [smem:$0x3FB5]  }
0x2f: {  	lr =	sadd.s32 s0, s3;
	s0 =	sld [smem:$0x3FAC]  }
0x30: {  	s3 =	sld [smem:$0x3FAF]  }
0x31: {  	[smem:$0x3FB8] =	sst s10  }
0x32: {  	s10 =	sld [smem:$0x3FB6];
	_ =	sdelay $0x3  }
0x33: {  	p0 =	seq.s32 s10, $0x1;
	s10 =	sld [smem:$0x3FB8];
	_ =	sdelay $0x3  }
0x34: {  	[smem:$0x3FB8] =	sst s10  }
0x35: {  	s10 =	sld [smem:$0x3FB7];
	_ =	sdelay $0x3  }
0x36: {  	p1 =	seq.s32 s10, $0x1;
	s10 =	sld [smem:$0x3FB8];
	_ =	sdelay $0x3  }
0x37: {  	[smem:$0x3FB8] =	sst s10  }
0x38: {  	s10 =	sld [smem:$0x3FB9]  }
0x39: {  	_ = 	snop;
	(pc) =	sbr.ind lr, $3  }
0x3a: {  	_ = 	snop  }
0x3b: {  	_ = 	snop  }
0x3c: {  	p2 =	seq.s32 s10, $0x1;
	s10 =	sld [smem:$0x3FB8]  }
0x3d: {  	_ =	shalt  }
0x3e: {  	_ =	shalt  }
0x3f: {  	_ =	shalt  }
0x40: {  	_ =	shalt  }
0x41: {  	_ =	shalt  }
0x42: {  	_ =	shalt  }
0x43: {  	_ =	shalt  }
0x44: {  	_ =	shalt  }
0x45: {  	_ =	shalt  }
0x46: {  	_ =	shalt  }
0x47: {  	_ =	shalt  }
0x48: {  	_ =	shalt  }
0x49: {  	_ =	shalt  }
0x4a: {  	_ =	shalt  }
0x4b: {  	_ =	shalt  }
0x4c: {  	_ =	shalt  }
0x4d: {  	_ =	shalt  }
0x4e: {  	_ =	shalt  }
0x4f: {  	_ =	shalt  }
0x50: {  	_ =	shalt  }
0x51: {  	_ =	shalt  }
0x52: {  	_ =	shalt  }
0x53: {  	_ =	shalt  }
0x54: {  	_ =	shalt  }
0x55: {  	_ =	shalt  }
0x56: {  	_ =	shalt  }
0x57: {  	_ =	shalt  }
0x58: {  	_ =	shalt  }
0x59: {  	_ =	shalt  }
0x5a: {  	_ =	shalt  }
0x5b: {  	_ =	shalt  }
0x5c: {  	_ =	shalt  }
0x5d: {  	_ =	shalt  }
0x5e: {  	_ =	shalt  }
0x5f: {  	_ =	shalt  }
0x60: {  	_ =	shalt  }
0x61: {  	_ =	shalt  }
0x62: {  	_ =	shalt  }
0x63: {  	_ =	shalt  }
0x64: {  	_ =	shalt  }
0x65: {  	_ =	shalt  }
0x66: {  	_ =	shalt  }
0x67: {  	_ =	shalt  }
0x68: {  	_ =	shalt  }
0x69: {  	_ =	shalt  }
0x6a: {  	_ =	shalt  }
0x6b: {  	_ =	shalt  }
0x6c: {  	_ =	shalt  }
0x6d: {  	_ =	shalt  }
0x6e: {  	_ =	shalt  }
0x6f: {  	_ =	shalt  }
0x70: {  	_ =	shalt  }
0x71: {  	_ =	shalt  }
0x72: {  	_ =	shalt  }
0x73: {  	_ =	shalt  }
0x74: {  	_ =	shalt  }
0x75: {  	_ =	shalt  }
0x76: {  	_ =	shalt  }
0x77: {  	_ =	shalt  }
0x78: {  	_ =	shalt  }
0x79: {  	_ =	shalt  }
0x7a: {  	_ =	shalt  }
0x7b: {  	_ =	shalt  }
0x7c: {  	_ =	shalt  }
0x7d: {  	_ =	shalt  }
0x7e: {  	_ =	shalt  }
0x7f: {  	_ =	shalt  }
0x80: {  	_ =	shalt  }
0x81: {  	_ =	shalt  }
0x82: {  	_ =	shalt  }
0x83: {  	_ =	shalt  }
0x84: {  	_ =	shalt  }
0x85: {  	_ =	shalt  }
0x86: {  	_ =	shalt  }
0x87: {  	_ =	shalt  }
.Lfunc_end0:
.L_simem_size_0:
called_computation_lowered:
.L_overlay_start_0:
0x88: {  	s2 =	sld [smem:$0x3FD9]  }
0x89: {  	s3 =	sld [smem:$0x3FFE];
	_ =	sdelay $0x1  }
0x8a: {  	s1 =	srdreg.scid  }
0x8b: {  	s0 =	sand.u32 $0x1, s1  }
0x8c: {  	s17 =	sshll.u32 s0, $0xA;
	s2 =	sadd.s32 s3, s2  }
0x8d: {  	s2 =	sadd.s32 s2, s17  }
0x8e: {  	[smem:$0x3FC4] =	sst s2  }
0x8f: {  	_ = 	snop  }
0x90: {  	s2 =	sld [smem:$0x3FC7];
	(tm) =	ssettm $0x1  }
0x91: {  	s18 =	sld [smem:$0x3FFB];
	_ =	sdelay $0x3  }
0x92: {  	_ =	strace s18  }
0x93: {  	s3 =	sld [smem:$0x3FFC];
	_ =	sdelay $0x3  }
0x94: {  	_ =	strace s3  }
0x95: {  	s3 =	sld [smem:$0x3FFD];
	_ =	sdelay $0x3  }
0x96: {  	_ =	strace s3  }
0x97: {  	_ =	strace $0x8FFFFFFF  }
0x98: {  	s19 =	sld [smem:$0x3FDB];
	_ =	sdelay $0x1  }
0x99: {  	s4 =	simm.s32 $_scs_section_size  }
0x9a: {  	s5 =	simm.s32 $_size__tile_overlayer_lowered;
	s6 =	simm.s32 $_tile_overlayer_lowered  }
0x9b: {  	s22 =	simm.s32 $0x1BFF;
	s21 =	sshll.u32 s6, $0x1;
	s3 =	sadd.s32 s4, s19  }
0x9c: {  	s7 =	simm.s32 $0x0;
	s20 =	sshll.u32 s5, $0x1;
	s5 =	sadd.s32 s21, s3  }
0x9d: {  	[timem:s7], [sflag:s22] =	dma.local [hbm:s5], s20  }
0x9e: {  	_ =	swait.ge [sflag:s22], s20  }
0x9f: {  	s4 =	ssub.s32 $0x0, s20;
	[sflag:s22] =	ssyncset.done $0x0  }
0xa0: {  	[sflag:s22] =	ssyncadd.s32 s4;
	_ =	sdelay $0x1  }
0xa1: {  	s23 =	simm.s32 $0x1B8B  }
0xa2: {  	_ =	swait.ge [sflag:s23], $0x1  }
0xa3: {  	[sflag:s23] =	ssyncset.done $0x0  }
0xa4: {  	s25 =	simm.s32 $0x1B8E;
	s24 =	sld [smem:$0x3FFE];
	[sflag:s23] =	ssyncadd.s32 $0xFFFFFFFF  }
0xa5: {  	s26 =	simm.s32 $execute0_lowered;
	[smem:$0x3FD2] =	sst s25  }
0xa6: {  	s5 =	sshll.u32 s26, $0x1;
	_ =	strace $0x80000046;
	[dreg:$0x1] =	wrdreg $0xFFFFFFFF  }
0xa7: {  	s28 =	simm.s32 $_size_execute0_lowered;
	s3 =	sadd.s32 s3, s5;
	[dreg:$0x0] =	wrdreg $0x0  }
0xa8: {  	s5 =	sshll.u32 s28, $0x1;
	[dreg:$0x2] =	wrdreg s3  }
0xa9: {  	[dreg:$0x3] =	wrdreg s5  }
0xaa: {  	[dreg:$0x4] =	wrdreg $0xC0  }
0xab: {  	_ =	task [dreg:s7], $0x5FFFF  }
0xac: {  	[dreg:$0x1] =	wrdreg $0xFFFFFFFF  }
0xad: {  	[dreg:$0x0] =	wrdreg $0x60  }
0xae: {  	[dreg:$0x2] =	wrdreg s2  }
0xaf: {  	[dreg:$0x3] =	wrdreg s24  }
0xb0: {  	[dreg:$0x4] =	wrdreg $0x9  }
0xb1: {  	_ =	task.clear_ibuf [dreg:s7], $0x5FFFF;
	_ =	strace $0x90000046  }
0xb2: {  	s29 =	simm.s32 $0x9;
	_ =	strace $0x80000048  }
0xb3: {  	_ =	swait.ge [sflag:s29], $0x1  }
0xb4: {  	[sflag:s29] =	ssyncadd.s32 $0xFFFFFFFF  }
0xb5: {  	_ =	strace $0x90000048  }
0xb6: {  	_ =	sfence  }
0xb7: {  	s30 =	sld [smem:$0x0];
	_ =	sdelay $0x2  }
0xb8: {  	s31 =	sshll.u32 s1, $0xD;
	s1 =	sshrl.u32 s1, $0x2  }
0xb9: {  	s3 =	sand.u32 $0x4000, s31;
	s1 =	sadd.s32 s1, s30  }
0xba: {  	s0 =	sor.u32 s3, s0;
	s1 =	sshll.u32 s1, $0x11  }
0xbb: {  	s0 =	sor.u32 s1, s0  }
0xbc: {  	s0 =	sadd.s32 $0x8F2B, s0  }
0xbd: {  	[sflag:s0] =	ssyncadd.remote.s32 $0x1  }
0xbe: {  	_ =	sfence.sel $0xFFFF  }
0xbf: {  	[dreg:$0x0] =	wrdreg $0xFFFFFFFF;
	(pc) =	sbr.abs _section_cstart, $3  }
0xc0: {  	[dreg:$0x1] =	wrdreg $0xFFFFFFFF  }
0xc1: {  	_ =	task.clear_ibuf [dreg:s7], $0x2FFFF;
	_ =	strace $0x9FFFFFFF  }
0xc2: {  	(tm) =	ssettm $0x7FFFFFFF  }
0xc3: {  	_ =	shalt  }
tec
execute0_lowered:
.L_overlay_start_1:
0x0: {  	(tag) =	ssettag $0x1  }
0x1: {  	v0 =	vimm.s32 $0xFEDCBA9;
	v1 =	vimm.s32 $0x87654321;
	v2 =	vimm.s32 $0x10FEDCBA  }
0x2: {  	v3 =	vimm.s32 $0x98765432;
	v5 =	vimm.s32 $0xFEDCBA98;
	v6 =	vimm.s32 $0xEDCBA987  }
0x3: {  	v7 =	vimm.s32 $0x76543210;
	v8 =	vimm.s32 $0x6543210F;
	v9 =	vimm.s32 $0xDCBA9876  }
0x4: {  	v10 =	vimm.s32 $0x543210FE;
	v0 =	vunpack.c.l.s4.s8 v0;
	v1 =	vunpack.c.l.s4.s8 v1  }
0x5: {  	s1 =	srdreg.scid;
	s3 =	rddreg [dreg:$0x0];
	v2 =	vunpack.c.l.s4.s8 v2;
	v3 =	vunpack.c.l.s4.s8 v3;
	v5 =	vunpack.c.l.s4.s8 v5  }
0x6: {  	s0 =	stileid.u32;
	s5 =	rddreg [dreg:$0x1];
	s10 =	simm.s32 $0x1;
	v6 =	vunpack.c.l.s4.s8 v6;
	v8 =	vunpack.c.l.s4.s8 v8;
	v9 =	vunpack.c.l.s4.s8 v9  }
0x7: {  	s11 =	simm.s32 $0x4E80;
	s12 =	simm.s32 $0x9D00;
	s13 =	simm.s32 $0xEB80;
	v10 =	vunpack.c.l.s4.s8 v10;
	v7 =	vunpack.c.l.s4.s8 v7;
	v4 =	vunpack.c.0.s8.s32 v0  }
0x8: {  	s14 =	simm.s32 $0x0;
	s4 =	sand.u32 $0x1, s1;
	s30 =	sshll.u32 s0, $0x1;
	v1 =	vunpack.c.0.s8.s32 v1;
	v2 =	vunpack.c.0.s8.s32 v2;
	v3 =	vunpack.c.0.s8.s32 v3  }
0x9: {  	s1 =	simm.s32 $0x0;
	s2 =	sshrl.u32 s0, $0x2;
	s6 =	sor.u32 s4, s30;
	v0 =	vimm.s32 $0x0;
	v5 =	vunpack.c.0.s8.s32 v5;
	v6 =	vunpack.c.0.s8.s32 v6  }
0xa: {  	[smem:$0x7FF] =	sst s1;
	s8 =	smul.u32 $0x27400, s2;
	s7 =	sshll.u32 s6, $0x7;
	v8 =	vunpack.c.0.s8.s32 v8;
	v1 =	vcombine.low v1, v4;
	v4 =	vimm.s32 $0x3210FEDC  }
0xb: {  	s2 =	rddreg [dreg:$0x2];
	s4 =	ssub.s32 $0x2, s4;
	s7 =	sand.u32 $0x380, s7;
	v2 =	vcombine.low v3, v2;
	v3 =	vunpack.c.l.s4.s8 v4;
	v4 =	vimm.s32 $0xBA987654  }
0xc: {  	_ =	strace $0x80000047;
	s6 =	sshll.u32 s6, $0x5;
	v9 =	vunpack.c.0.s8.s32 v9;
	v10 =	vunpack.c.0.s8.s32 v10;
	s7 =	sor.u32 s8, s7;
	v4 =	vunpack.c.l.s4.s8 v4  }
0xd: {  	s31 =	sshrl.u32 s4, $0x1;
	v7 =	vunpack.c.0.s8.s32 v7;
	s6 =	sadd.s32 s6, s5;
	v11 =	vand.u32 $0xF, v5;
	v8 =	vcombine.low v8, v6;
	s7 =	sshrl.u32 s7, $0x3  }
0xe: {  	s8 =	ssub.s32 s4, s31;
	s6 =	sadd.s32 $0x27600, s6;
	v10 =	vcombine.low v10, v9;
	s9 =	sadd.s32 s7, s5;
	v3 =	vunpack.c.0.s8.s32 v3;
	v4 =	vunpack.c.0.s8.s32 v4  }
0xf: {  	v9 =	vlaneseq.u32;
	v6 =	vcombine.low v11, v7;
	v7 =	vimm.s32 $0x40000000;
	s3 =	sadd.s32 s3, s7;
	s7 =	smax.u32 s8, $0x1;
	s8 =	simm.s32 $0x80  }
0x10: {  	v8 =	vand.u32 $0xF, v8;
	v10 =	vand.u32 $0xF, v10;
	s4 =	sadd.s32 $0x200, s9;
	s5 =	sadd.s32 $0x13C00, s9;
	s9 =	simm.s32 $0x400;
	v5 =	vcombine.low v4, v3  }
.LBB2_1:
0x11: {  	[tilespmem:s1], [sflag:$0x1] =	stream.strided.gather [hbm4b:s3+s8], $0x4E80, s9, s8, $0x38;
	[tilespmem:$0xEC80] =	vst v63  }
0x12: {  	_ =	swait.ge [sflag:s10], $0x4E80  }
0x13: {  	[sflag:s10] =	ssyncset.done $0x0  }
0x14: {  	[sflag:s10] =	ssyncadd.s32 $0xFFFFB180  }
0x15: {  	[tilespmem:s11], [sflag:$0x1] =	stream.strided.gather [hbm4b:s4+s8], $0x4E80, s9, s8, $0x38;
	[tilespmem:$0xEC80] =	vst v63  }
0x16: {  	_ =	swait.ge [sflag:s10], $0x4E80  }
0x17: {  	[sflag:s10] =	ssyncset.done $0x0  }
0x18: {  	[sflag:s10] =	ssyncadd.s32 $0xFFFFB180  }
0x19: {  	[tilespmem:s12], [sflag:$0x1] =	stream.strided.gather [hbm4b:s5+s8], $0x4E80, s9, s8, $0x38;
	[tilespmem:$0xEC80] =	vst v63  }
0x1a: {  	_ =	swait.ge [sflag:s10], $0x4E80  }
0x1b: {  	[sflag:s10] =	ssyncset.done $0x0  }
0x1c: {  	s15 =	simm.s32 $0x0;
	[sflag:s10] =	ssyncadd.s32 $0xFFFFB180  }
0x1d: {  	v11 =	vld [tilespmem:s15+$0x0]  }
0x1e: {  	v13 =	vld [tilespmem:s15+$0x10]  }
0x1f: {  	v14 =	vld [tilespmem:s15+$0x20]  }
0x20: {  	v15 =	vld [tilespmem:s15+$0x30]  }
0x21: {  	v16 =	vld [tilespmem:s15+$0x40]  }
0x22: {  	s16 =	simm.s32 $0x50;
	vm0 =	vgt.s32 v11, $0x0  }
0x23: {  	v12 =	vld [tilespmem:s16+$0x0];
	vm12 =	vgt.s32 v13, $0x0;
	v17 =	vsel vm0, $0x1, v0  }
0x24: {  	v11 =	vld [tilespmem:s16+$0x10];
	vm13 =	vgt.s32 v14, $0x0;
	v18 =	vsel vm12, $0x1, v0;
	v17 =	vadd.s32 v17, v0  }
0x25: {  	v13 =	vld [tilespmem:s16+$0x20];
	vm14 =	vgt.s32 v15, $0x0;
	v17 =	vadd.s32 v18, v17;
	v18 =	vsel vm13, $0x1, v0  }
0x26: {  	v14 =	vld [tilespmem:s16+$0x30];
	vm15 =	vgt.s32 v16, $0x0;
	v17 =	vadd.s32 v18, v17;
	v18 =	vsel vm14, $0x1, v0  }
0x27: {  	s15 =	simm.s32 $0x280;
	v15 =	vld [tilespmem:s16+$0x40];
	v16 =	vadd.s32 v18, v17;
	v17 =	vsel vm15, $0x1, v0  }
.LBB2_2:
0x28: {  	s16 =	sshra.s32 s15, $0x2;
	p0 =	sne.s32 s15, $0x13740;
	s15 =	sadd.s32 $0x140, s15;
	vm0 =	vgt.s32 v12, $0x0;
	v16 =	vadd.s32 v17, v16  }
.Ltmp0:
0x29: {  	v12 =	vld [tilespmem:s16+$0x0];
	v17 =	vsel vm0, $0x1, v0;
	vm0 =	vgt.s32 v11, $0x0;
	(pc) =	sbr.rel @p0 .LBB2_2-.Ltmp0, $4  }
0x2a: {  	v11 =	vld [tilespmem:s16+$0x10];
	v16 =	vadd.s32 v17, v16;
	v17 =	vsel vm0, $0x1, v0;
	vm0 =	vgt.s32 v13, $0x0  }
0x2b: {  	v13 =	vld [tilespmem:s16+$0x20];
	v16 =	vadd.s32 v17, v16;
	v17 =	vsel vm0, $0x1, v0;
	vm0 =	vgt.s32 v14, $0x0  }
0x2c: {  	v14 =	vld [tilespmem:s16+$0x30];
	v16 =	vadd.s32 v17, v16;
	v17 =	vsel vm0, $0x1, v0;
	vm0 =	vgt.s32 v15, $0x0  }
0x2d: {  	v15 =	vld [tilespmem:s16+$0x40];
	v16 =	vadd.s32 v17, v16;
	v17 =	vsel vm0, $0x1, v0  }
0x2e: {  	vm0 =	vgt.s32 v12, $0x0  }
0x2f: {  	v12 =	vadd.s32 v17, v16;
	v16 =	vsel vm0, $0x1, v0;
	vm7 =	vgt.s32 v11, $0x0  }
0x30: {  	v11 =	vadd.s32 v16, v12;
	v12 =	vsel vm7, $0x1, v0;
	vm8 =	vgt.s32 v13, $0x0  }
0x31: {  	v11 =	vadd.s32 v12, v11;
	v12 =	vsel vm8, $0x1, v0;
	vm9 =	vgt.s32 v14, $0x0  }
0x32: {  	v11 =	vadd.s32 v12, v11;
	v12 =	vsel vm9, $0x1, v0;
	vm10 =	vgt.s32 v15, $0x0  }
0x33: {  	v11 =	vadd.s32 v12, v11;
	v12 =	vsel vm10, $0x1, v0  }
0x34: {  	v11 =	vadd.s32 v12, v11  }
0x35: {  	v12 =	vperm.xlane v11, v1;
	_ =	sdelay $0x1  }
0x36: {  	s15 =	simm.s32 $0x0;
	v11 =	vadd.s32 v11, v12  }
0x37: {  	v13 =	vld [tilespmem:s15+$0x9D00];
	v12 =	vperm.xlane v11, v2  }
0x38: {  	v15 =	vld [tilespmem:s15+$0x9D10]  }
0x39: {  	v11 =	vadd.s32 v12, v11;
	v12 =	vld [tilespmem:s15+$0x9D20]  }
0x3a: {  	v16 =	vld [tilespmem:s15+$0x9D30]  }
0x3b: {  	v17 =	vld [tilespmem:s15+$0x9D40];
	v14 =	vperm.xlane v11, v5  }
0x3c: {  	s16 =	simm.s32 $0x50;
	v18 =	vimm.s32 $0x0;
	vm11 =	vgt.s32 v13, $0x3FFFFFFF  }
0x3d: {  	v19 =	vsel vm11, $0x1, v0;
	vm12 =	vgt.s32 v15, $0x3FFFFFFF;
	v11 =	vadd.s32 v14, v11;
	v14 =	vld [tilespmem:s16+$0x9D00]  }
0x3e: {  	v13 =	vld [tilespmem:s16+$0x9D10];
	v18 =	vadd.s32 v19, v18;
	v19 =	vsel vm12, $0x1, v0;
	vm13 =	vgt.s32 v12, $0x3FFFFFFF  }
0x3f: {  	vm14 =	vgt.s32 v16, $0x3FFFFFFF;
	v15 =	vld [tilespmem:s16+$0x9D20];
	v12 =	vadd.s32 v19, v18;
	v18 =	vsel vm13, $0x1, v0  }
0x40: {  	vm15 =	vgt.s32 v17, $0x3FFFFFFF;
	v16 =	vld [tilespmem:s16+$0x9D30];
	v19 =	vsel vm14, $0x1, v0;
	v18 =	vadd.s32 v18, v12  }
0x41: {  	v17 =	vld [tilespmem:s16+$0x9D40];
	s15 =	simm.s32 $0x280;
	v12 =	vperm.xlane v11, v6;
	v18 =	vadd.s32 v19, v18;
	v19 =	vsel vm15, $0x1, v0  }
.LBB2_4:
0x42: {  	s16 =	sshra.s32 s15, $0x2;
	p0 =	sne.s32 s15, $0x13740;
	s15 =	sadd.s32 $0x140, s15;
	vm0 =	vgt.s32 v14, $0x3FFFFFFF;
	v18 =	vadd.s32 v19, v18  }
.Ltmp1:
0x43: {  	v14 =	vld [tilespmem:s16+$0x9D00];
	v19 =	vsel vm0, $0x1, v0;
	vm0 =	vgt.s32 v13, $0x3FFFFFFF;
	(pc) =	sbr.rel @p0 .LBB2_4-.Ltmp1, $4  }
0x44: {  	v13 =	vld [tilespmem:s16+$0x9D10];
	v18 =	vadd.s32 v19, v18;
	v19 =	vsel vm0, $0x1, v0;
	vm0 =	vgt.s32 v15, $0x3FFFFFFF  }
0x45: {  	v15 =	vld [tilespmem:s16+$0x9D20];
	v18 =	vadd.s32 v19, v18;
	v19 =	vsel vm0, $0x1, v0;
	vm0 =	vgt.s32 v16, $0x3FFFFFFF  }
0x46: {  	v16 =	vld [tilespmem:s16+$0x9D30];
	v18 =	vadd.s32 v19, v18;
	v19 =	vsel vm0, $0x1, v0;
	vm0 =	vgt.s32 v17, $0x3FFFFFFF  }
0x47: {  	v17 =	vld [tilespmem:s16+$0x9D40];
	v18 =	vadd.s32 v19, v18;
	v19 =	vsel vm0, $0x1, v0  }
0x48: {  	vm0 =	vgt.s32 v14, $0x3FFFFFFF  }
0x49: {  	v14 =	vadd.s32 v19, v18;
	v18 =	vsel vm0, $0x1, v0;
	vm6 =	vgt.s32 v13, $0x3FFFFFFF  }
0x4a: {  	v13 =	vadd.s32 v18, v14;
	v14 =	vsel vm6, $0x1, v0;
	vm7 =	vgt.s32 v15, $0x3FFFFFFF  }
0x4b: {  	v13 =	vadd.s32 v14, v13;
	v14 =	vsel vm7, $0x1, v0;
	vm8 =	vgt.s32 v16, $0x3FFFFFFF  }
0x4c: {  	v13 =	vadd.s32 v14, v13;
	v14 =	vsel vm8, $0x1, v0;
	vm9 =	vgt.s32 v17, $0x3FFFFFFF  }
0x4d: {  	v13 =	vadd.s32 v14, v13;
	v14 =	vsel vm9, $0x1, v0  }
0x4e: {  	v13 =	vadd.s32 v14, v13  }
0x4f: {  	v14 =	vperm.xlane v13, v1;
	_ =	sdelay $0x1  }
0x50: {  	v13 =	vadd.s32 v13, v14  }
0x51: {  	v14 =	vperm.xlane v13, v2;
	_ =	sdelay $0x1  }
0x52: {  	v13 =	vadd.s32 v14, v13  }
0x53: {  	v14 =	vperm.xlane v13, v5  }
0x54: {  	v11 =	vadd.s32 v12, v11  }
0x55: {  	v12 =	vmul.u32 $0x3, v11;
	v13 =	vadd.s32 v14, v13  }
0x56: {  	s15 =	simm.s32 $0x0;
	v14 =	vperm.xlane v13, v6  }
0x57: {  	v15 =	vld [tilespmem:s15+$0x9D00];
	vm10 =	vlt.s32 v12, $0x4E1F  }
0x58: {  	v12 =	vnsel vm10, $0x4E1F, v12;
	v17 =	vld [tilespmem:s15+$0x9D10];
	v13 =	vadd.s32 v14, v13  }
0x59: {  	v18 =	vld [tilespmem:s15+$0x9D20];
	vm0 =	vlt.s32 v13, v12  }
0x5a: {  	v19 =	vld [tilespmem:s15+$0x9D30];
	v13 =	vsel vm0, $0x0, v7  }
0x5b: {  	v20 =	vld [tilespmem:s15+$0x9D40];
	v14 =	vor.u32 $0x20000000, v13  }
0x5c: {  	s16 =	simm.s32 $0x50;
	vm11 =	vge.s32 v15, v14  }
0x5d: {  	v21 =	vimm.s32 $0x0;
	v16 =	vld [tilespmem:s16+$0x9D00];
	vm12 =	vge.s32 v17, v14;
	v22 =	vsel vm11, $0x1, v0  }
0x5e: {  	v15 =	vld [tilespmem:s16+$0x9D10];
	vm13 =	vge.s32 v18, v14;
	v21 =	vadd.s32 v22, v21;
	v22 =	vsel vm12, $0x1, v0  }
0x5f: {  	v17 =	vld [tilespmem:s16+$0x9D20];
	vm14 =	vge.s32 v19, v14;
	v21 =	vadd.s32 v22, v21;
	v22 =	vsel vm13, $0x1, v0  }
0x60: {  	v18 =	vld [tilespmem:s16+$0x9D30];
	vm15 =	vge.s32 v20, v14;
	v21 =	vadd.s32 v22, v21;
	v22 =	vsel vm14, $0x1, v0  }
0x61: {  	s15 =	simm.s32 $0x280;
	v19 =	vld [tilespmem:s16+$0x9D40];
	v20 =	vadd.s32 v22, v21;
	v21 =	vsel vm15, $0x1, v0  }
.LBB2_6:
0x62: {  	s16 =	sshra.s32 s15, $0x2;
	p0 =	sne.s32 s15, $0x13740;
	s15 =	sadd.s32 $0x140, s15;
	vm0 =	vge.s32 v16, v14;
	v20 =	vadd.s32 v21, v20  }
.Ltmp2:
0x63: {  	v16 =	vld [tilespmem:s16+$0x9D00];
	v21 =	vsel vm0, $0x1, v0;
	vm0 =	vge.s32 v15, v14;
	(pc) =	sbr.rel @p0 .LBB2_6-.Ltmp2, $4  }
0x64: {  	v15 =	vld [tilespmem:s16+$0x9D10];
	v20 =	vadd.s32 v21, v20;
	v21 =	vsel vm0, $0x1, v0;
	vm0 =	vge.s32 v17, v14  }
0x65: {  	v17 =	vld [tilespmem:s16+$0x9D20];
	v20 =	vadd.s32 v21, v20;
	v21 =	vsel vm0, $0x1, v0;
	vm0 =	vge.s32 v18, v14  }
0x66: {  	v18 =	vld [tilespmem:s16+$0x9D30];
	v20 =	vadd.s32 v21, v20;
	v21 =	vsel vm0, $0x1, v0;
	vm0 =	vge.s32 v19, v14  }
0x67: {  	v19 =	vld [tilespmem:s16+$0x9D40];
	v20 =	vadd.s32 v21, v20;
	v21 =	vsel vm0, $0x1, v0  }
0x68: {  	vm0 =	vge.s32 v16, v14  }
0x69: {  	v16 =	vadd.s32 v21, v20;
	v20 =	vsel vm0, $0x1, v0;
	vm6 =	vge.s32 v15, v14  }
0x6a: {  	v15 =	vadd.s32 v20, v16;
	v16 =	vsel vm6, $0x1, v0;
	vm7 =	vge.s32 v17, v14  }
0x6b: {  	v15 =	vadd.s32 v16, v15;
	v16 =	vsel vm7, $0x1, v0;
	vm8 =	vge.s32 v18, v14  }
0x6c: {  	v15 =	vadd.s32 v16, v15;
	v16 =	vsel vm8, $0x1, v0;
	vm9 =	vge.s32 v19, v14  }
0x6d: {  	v15 =	vadd.s32 v16, v15;
	v16 =	vsel vm9, $0x1, v0  }
0x6e: {  	v15 =	vadd.s32 v16, v15  }
0x6f: {  	v16 =	vperm.xlane v15, v1;
	_ =	sdelay $0x1  }
0x70: {  	v15 =	vadd.s32 v15, v16  }
0x71: {  	v16 =	vperm.xlane v15, v2;
	_ =	sdelay $0x1  }
0x72: {  	v15 =	vadd.s32 v16, v15  }
0x73: {  	v16 =	vperm.xlane v15, v5;
	_ =	sdelay $0x1  }
0x74: {  	v15 =	vadd.s32 v16, v15  }
0x75: {  	s15 =	simm.s32 $0x0;
	v16 =	vperm.xlane v15, v6  }
0x76: {  	v17 =	vld [tilespmem:s15+$0x9D00]  }
0x77: {  	v18 =	vld [tilespmem:s15+$0x9D10];
	v15 =	vadd.s32 v16, v15  }
0x78: {  	v19 =	vld [tilespmem:s15+$0x9D20];
	vm10 =	vlt.s32 v15, v12  }
0x79: {  	v20 =	vld [tilespmem:s15+$0x9D30];
	v13 =	vsel vm10, v13, v14  }
0x7a: {  	v21 =	vld [tilespmem:s15+$0x9D40];
	v14 =	vor.u32 $0x10000000, v13  }
0x7b: {  	s16 =	simm.s32 $0x50;
	vm11 =	vge.s32 v17, v14  }
0x7c: {  	v16 =	vld [tilespmem:s16+$0x9D00];
	v17 =	vimm.s32 $0x0;
	vm12 =	vge.s32 v18, v14;
	v22 =	vsel vm11, $0x1, v0  }
0x7d: {  	v15 =	vld [tilespmem:s16+$0x9D10];
	vm13 =	vge.s32 v19, v14;
	v18 =	vadd.s32 v22, v17;
	v22 =	vsel vm12, $0x1, v0  }
0x7e: {  	vm14 =	vge.s32 v20, v14;
	v17 =	vld [tilespmem:s16+$0x9D20];
	v19 =	vadd.s32 v22, v18;
	v22 =	vsel vm13, $0x1, v0  }
0x7f: {  	vm15 =	vge.s32 v21, v14;
	v18 =	vld [tilespmem:s16+$0x9D30];
	v20 =	vadd.s32 v22, v19;
	v22 =	vsel vm14, $0x1, v0  }
0x80: {  	s15 =	simm.s32 $0x280;
	v21 =	vsel vm15, $0x1, v0;
	v19 =	vld [tilespmem:s16+$0x9D40];
	v20 =	vadd.s32 v22, v20  }
.LBB2_8:
0x81: {  	s16 =	sshra.s32 s15, $0x2;
	p0 =	sne.s32 s15, $0x13740;
	s15 =	sadd.s32 $0x140, s15;
	vm0 =	vge.s32 v16, v14;
	v20 =	vadd.s32 v21, v20  }
.Ltmp3:
0x82: {  	v16 =	vld [tilespmem:s16+$0x9D00];
	v21 =	vsel vm0, $0x1, v0;
	vm0 =	vge.s32 v15, v14;
	(pc) =	sbr.rel @p0 .LBB2_8-.Ltmp3, $4  }
0x83: {  	v15 =	vld [tilespmem:s16+$0x9D10];
	v20 =	vadd.s32 v21, v20;
	v21 =	vsel vm0, $0x1, v0;
	vm0 =	vge.s32 v17, v14  }
0x84: {  	v17 =	vld [tilespmem:s16+$0x9D20];
	v20 =	vadd.s32 v21, v20;
	v21 =	vsel vm0, $0x1, v0;
	vm0 =	vge.s32 v18, v14  }
0x85: {  	v18 =	vld [tilespmem:s16+$0x9D30];
	v20 =	vadd.s32 v21, v20;
	v21 =	vsel vm0, $0x1, v0;
	vm0 =	vge.s32 v19, v14  }
0x86: {  	v19 =	vld [tilespmem:s16+$0x9D40];
	v20 =	vadd.s32 v21, v20;
	v21 =	vsel vm0, $0x1, v0  }
0x87: {  	vm0 =	vge.s32 v16, v14  }
0x88: {  	v16 =	vadd.s32 v21, v20;
	v20 =	vsel vm0, $0x1, v0;
	vm6 =	vge.s32 v15, v14  }
0x89: {  	v15 =	vadd.s32 v20, v16;
	v16 =	vsel vm6, $0x1, v0;
	vm7 =	vge.s32 v17, v14  }
0x8a: {  	v15 =	vadd.s32 v16, v15;
	v16 =	vsel vm7, $0x1, v0;
	vm8 =	vge.s32 v18, v14  }
0x8b: {  	v15 =	vadd.s32 v16, v15;
	v16 =	vsel vm8, $0x1, v0;
	vm9 =	vge.s32 v19, v14  }
0x8c: {  	v15 =	vadd.s32 v16, v15;
	v16 =	vsel vm9, $0x1, v0  }
0x8d: {  	v15 =	vadd.s32 v16, v15  }
0x8e: {  	v16 =	vperm.xlane v15, v1;
	_ =	sdelay $0x1  }
0x8f: {  	v15 =	vadd.s32 v15, v16  }
0x90: {  	v16 =	vperm.xlane v15, v2;
	_ =	sdelay $0x1  }
0x91: {  	v15 =	vadd.s32 v16, v15  }
0x92: {  	v16 =	vperm.xlane v15, v5;
	_ =	sdelay $0x1  }
0x93: {  	v15 =	vadd.s32 v16, v15  }
0x94: {  	s15 =	simm.s32 $0x0;
	v16 =	vperm.xlane v15, v6  }
0x95: {  	v17 =	vld [tilespmem:s15+$0x9D00]  }
0x96: {  	v18 =	vld [tilespmem:s15+$0x9D10];
	v15 =	vadd.s32 v16, v15  }
0x97: {  	v19 =	vld [tilespmem:s15+$0x9D20];
	vm10 =	vlt.s32 v15, v12  }
0x98: {  	v20 =	vld [tilespmem:s15+$0x9D30];
	v13 =	vsel vm10, v13, v14  }
0x99: {  	v21 =	vld [tilespmem:s15+$0x9D40];
	v14 =	vor.u32 $0x8000000, v13  }
0x9a: {  	s16 =	simm.s32 $0x50;
	vm11 =	vge.s32 v17, v14  }
0x9b: {  	v16 =	vld [tilespmem:s16+$0x9D00];
	v17 =	vimm.s32 $0x0;
	vm12 =	vge.s32 v18, v14;
	v22 =	vsel vm11, $0x1, v0  }
0x9c: {  	v15 =	vld [tilespmem:s16+$0x9D10];
	vm13 =	vge.s32 v19, v14;
	v18 =	vadd.s32 v22, v17;
	v22 =	vsel vm12, $0x1, v0  }
0x9d: {  	vm14 =	vge.s32 v20, v14;
	v17 =	vld [tilespmem:s16+$0x9D20];
	v19 =	vadd.s32 v22, v18;
	v22 =	vsel vm13, $0x1, v0  }
0x9e: {  	vm15 =	vge.s32 v21, v14;
	v18 =	vld [tilespmem:s16+$0x9D30];
	v20 =	vadd.s32 v22, v19;
	v22 =	vsel vm14, $0x1, v0  }
0x9f: {  	s15 =	simm.s32 $0x280;
	v21 =	vsel vm15, $0x1, v0;
	v19 =	vld [tilespmem:s16+$0x9D40];
	v20 =	vadd.s32 v22, v20  }
.LBB2_10:
0xa0: {  	s16 =	sshra.s32 s15, $0x2;
	p0 =	sne.s32 s15, $0x13740;
	s15 =	sadd.s32 $0x140, s15;
	vm0 =	vge.s32 v16, v14;
	v20 =	vadd.s32 v21, v20  }
.Ltmp4:
0xa1: {  	v16 =	vld [tilespmem:s16+$0x9D00];
	v21 =	vsel vm0, $0x1, v0;
	vm0 =	vge.s32 v15, v14;
	(pc) =	sbr.rel @p0 .LBB2_10-.Ltmp4, $4  }
0xa2: {  	v15 =	vld [tilespmem:s16+$0x9D10];
	v20 =	vadd.s32 v21, v20;
	v21 =	vsel vm0, $0x1, v0;
	vm0 =	vge.s32 v17, v14  }
0xa3: {  	v17 =	vld [tilespmem:s16+$0x9D20];
	v20 =	vadd.s32 v21, v20;
	v21 =	vsel vm0, $0x1, v0;
	vm0 =	vge.s32 v18, v14  }
0xa4: {  	v18 =	vld [tilespmem:s16+$0x9D30];
	v20 =	vadd.s32 v21, v20;
	v21 =	vsel vm0, $0x1, v0;
	vm0 =	vge.s32 v19, v14  }
0xa5: {  	v19 =	vld [tilespmem:s16+$0x9D40];
	v20 =	vadd.s32 v21, v20;
	v21 =	vsel vm0, $0x1, v0  }
0xa6: {  	vm0 =	vge.s32 v16, v14  }
0xa7: {  	v16 =	vadd.s32 v21, v20;
	v20 =	vsel vm0, $0x1, v0;
	vm6 =	vge.s32 v15, v14  }
0xa8: {  	v15 =	vadd.s32 v20, v16;
	v16 =	vsel vm6, $0x1, v0;
	vm7 =	vge.s32 v17, v14  }
0xa9: {  	v15 =	vadd.s32 v16, v15;
	v16 =	vsel vm7, $0x1, v0;
	vm8 =	vge.s32 v18, v14  }
0xaa: {  	v15 =	vadd.s32 v16, v15;
	v16 =	vsel vm8, $0x1, v0;
	vm9 =	vge.s32 v19, v14  }
0xab: {  	v15 =	vadd.s32 v16, v15;
	v16 =	vsel vm9, $0x1, v0  }
0xac: {  	v15 =	vadd.s32 v16, v15  }
0xad: {  	v16 =	vperm.xlane v15, v1;
	_ =	sdelay $0x1  }
0xae: {  	v15 =	vadd.s32 v15, v16  }
0xaf: {  	v16 =	vperm.xlane v15, v2;
	_ =	sdelay $0x1  }
0xb0: {  	v15 =	vadd.s32 v16, v15  }
0xb1: {  	v16 =	vperm.xlane v15, v5;
	_ =	sdelay $0x1  }
0xb2: {  	v15 =	vadd.s32 v16, v15  }
0xb3: {  	s15 =	simm.s32 $0x0;
	v16 =	vperm.xlane v15, v6  }
0xb4: {  	v17 =	vld [tilespmem:s15+$0x9D00]  }
0xb5: {  	v18 =	vld [tilespmem:s15+$0x9D10];
	v15 =	vadd.s32 v16, v15  }
0xb6: {  	v19 =	vld [tilespmem:s15+$0x9D20];
	vm10 =	vlt.s32 v15, v12  }
0xb7: {  	v20 =	vld [tilespmem:s15+$0x9D30];
	v13 =	vsel vm10, v13, v14  }
0xb8: {  	v21 =	vld [tilespmem:s15+$0x9D40];
	v14 =	vor.u32 $0x4000000, v13  }
0xb9: {  	s16 =	simm.s32 $0x50;
	vm11 =	vge.s32 v17, v14  }
0xba: {  	v16 =	vld [tilespmem:s16+$0x9D00];
	v17 =	vimm.s32 $0x0;
	vm12 =	vge.s32 v18, v14;
	v22 =	vsel vm11, $0x1, v0  }
0xbb: {  	v15 =	vld [tilespmem:s16+$0x9D10];
	vm13 =	vge.s32 v19, v14;
	v18 =	vadd.s32 v22, v17;
	v22 =	vsel vm12, $0x1, v0  }
0xbc: {  	vm14 =	vge.s32 v20, v14;
	v17 =	vld [tilespmem:s16+$0x9D20];
	v19 =	vadd.s32 v22, v18;
	v22 =	vsel vm13, $0x1, v0  }
0xbd: {  	vm15 =	vge.s32 v21, v14;
	v18 =	vld [tilespmem:s16+$0x9D30];
	v20 =	vadd.s32 v22, v19;
	v22 =	vsel vm14, $0x1, v0  }
0xbe: {  	s15 =	simm.s32 $0x280;
	v21 =	vsel vm15, $0x1, v0;
	v19 =	vld [tilespmem:s16+$0x9D40];
	v20 =	vadd.s32 v22, v20  }
.LBB2_12:
0xbf: {  	s16 =	sshra.s32 s15, $0x2;
	p0 =	sne.s32 s15, $0x13740;
	s15 =	sadd.s32 $0x140, s15;
	vm0 =	vge.s32 v16, v14;
	v20 =	vadd.s32 v21, v20  }
.Ltmp5:
0xc0: {  	v16 =	vld [tilespmem:s16+$0x9D00];
	v21 =	vsel vm0, $0x1, v0;
	vm0 =	vge.s32 v15, v14;
	(pc) =	sbr.rel @p0 .LBB2_12-.Ltmp5, $4  }
0xc1: {  	v15 =	vld [tilespmem:s16+$0x9D10];
	v20 =	vadd.s32 v21, v20;
	v21 =	vsel vm0, $0x1, v0;
	vm0 =	vge.s32 v17, v14  }
0xc2: {  	v17 =	vld [tilespmem:s16+$0x9D20];
	v20 =	vadd.s32 v21, v20;
	v21 =	vsel vm0, $0x1, v0;
	vm0 =	vge.s32 v18, v14  }
0xc3: {  	v18 =	vld [tilespmem:s16+$0x9D30];
	v20 =	vadd.s32 v21, v20;
	v21 =	vsel vm0, $0x1, v0;
	vm0 =	vge.s32 v19, v14  }
0xc4: {  	v19 =	vld [tilespmem:s16+$0x9D40];
	v20 =	vadd.s32 v21, v20;
	v21 =	vsel vm0, $0x1, v0  }
0xc5: {  	vm0 =	vge.s32 v16, v14  }
0xc6: {  	v16 =	vadd.s32 v21, v20;
	v20 =	vsel vm0, $0x1, v0;
	vm6 =	vge.s32 v15, v14  }
0xc7: {  	v15 =	vadd.s32 v20, v16;
	v16 =	vsel vm6, $0x1, v0;
	vm7 =	vge.s32 v17, v14  }
0xc8: {  	v15 =	vadd.s32 v16, v15;
	v16 =	vsel vm7, $0x1, v0;
	vm8 =	vge.s32 v18, v14  }
0xc9: {  	v15 =	vadd.s32 v16, v15;
	v16 =	vsel vm8, $0x1, v0;
	vm9 =	vge.s32 v19, v14  }
0xca: {  	v15 =	vadd.s32 v16, v15;
	v16 =	vsel vm9, $0x1, v0  }
0xcb: {  	v15 =	vadd.s32 v16, v15  }
0xcc: {  	v16 =	vperm.xlane v15, v1;
	_ =	sdelay $0x1  }
0xcd: {  	v15 =	vadd.s32 v15, v16  }
0xce: {  	v16 =	vperm.xlane v15, v2;
	_ =	sdelay $0x1  }
0xcf: {  	v15 =	vadd.s32 v16, v15  }
0xd0: {  	v16 =	vperm.xlane v15, v5;
	_ =	sdelay $0x1  }
0xd1: {  	v15 =	vadd.s32 v16, v15  }
0xd2: {  	s15 =	simm.s32 $0x0;
	v16 =	vperm.xlane v15, v6  }
0xd3: {  	v17 =	vld [tilespmem:s15+$0x9D00]  }
0xd4: {  	v18 =	vld [tilespmem:s15+$0x9D10];
	v15 =	vadd.s32 v16, v15  }
0xd5: {  	v19 =	vld [tilespmem:s15+$0x9D20];
	vm10 =	vlt.s32 v15, v12  }
0xd6: {  	v20 =	vld [tilespmem:s15+$0x9D30];
	v13 =	vsel vm10, v13, v14  }
0xd7: {  	v21 =	vld [tilespmem:s15+$0x9D40];
	v14 =	vor.u32 $0x2000000, v13  }
0xd8: {  	s16 =	simm.s32 $0x50;
	vm11 =	vge.s32 v17, v14  }
0xd9: {  	v16 =	vld [tilespmem:s16+$0x9D00];
	v17 =	vimm.s32 $0x0;
	vm12 =	vge.s32 v18, v14;
	v22 =	vsel vm11, $0x1, v0  }
0xda: {  	v15 =	vld [tilespmem:s16+$0x9D10];
	vm13 =	vge.s32 v19, v14;
	v18 =	vadd.s32 v22, v17;
	v22 =	vsel vm12, $0x1, v0  }
0xdb: {  	vm14 =	vge.s32 v20, v14;
	v17 =	vld [tilespmem:s16+$0x9D20];
	v19 =	vadd.s32 v22, v18;
	v22 =	vsel vm13, $0x1, v0  }
0xdc: {  	vm15 =	vge.s32 v21, v14;
	v18 =	vld [tilespmem:s16+$0x9D30];
	v20 =	vadd.s32 v22, v19;
	v22 =	vsel vm14, $0x1, v0  }
0xdd: {  	s15 =	simm.s32 $0x280;
	v21 =	vsel vm15, $0x1, v0;
	v19 =	vld [tilespmem:s16+$0x9D40];
	v20 =	vadd.s32 v22, v20  }
.LBB2_14:
0xde: {  	s16 =	sshra.s32 s15, $0x2;
	p0 =	sne.s32 s15, $0x13740;
	s15 =	sadd.s32 $0x140, s15;
	vm0 =	vge.s32 v16, v14;
	v20 =	vadd.s32 v21, v20  }
.Ltmp6:
0xdf: {  	v16 =	vld [tilespmem:s16+$0x9D00];
	v21 =	vsel vm0, $0x1, v0;
	vm0 =	vge.s32 v15, v14;
	(pc) =	sbr.rel @p0 .LBB2_14-.Ltmp6, $4  }
0xe0: {  	v15 =	vld [tilespmem:s16+$0x9D10];
	v20 =	vadd.s32 v21, v20;
	v21 =	vsel vm0, $0x1, v0;
	vm0 =	vge.s32 v17, v14  }
0xe1: {  	v17 =	vld [tilespmem:s16+$0x9D20];
	v20 =	vadd.s32 v21, v20;
	v21 =	vsel vm0, $0x1, v0;
	vm0 =	vge.s32 v18, v14  }
0xe2: {  	v18 =	vld [tilespmem:s16+$0x9D30];
	v20 =	vadd.s32 v21, v20;
	v21 =	vsel vm0, $0x1, v0;
	vm0 =	vge.s32 v19, v14  }
0xe3: {  	v19 =	vld [tilespmem:s16+$0x9D40];
	v20 =	vadd.s32 v21, v20;
	v21 =	vsel vm0, $0x1, v0  }
0xe4: {  	vm0 =	vge.s32 v16, v14  }
0xe5: {  	v16 =	vadd.s32 v21, v20;
	v20 =	vsel vm0, $0x1, v0;
	vm6 =	vge.s32 v15, v14  }
0xe6: {  	v15 =	vadd.s32 v20, v16;
	v16 =	vsel vm6, $0x1, v0;
	vm7 =	vge.s32 v17, v14  }
0xe7: {  	v15 =	vadd.s32 v16, v15;
	v16 =	vsel vm7, $0x1, v0;
	vm8 =	vge.s32 v18, v14  }
0xe8: {  	v15 =	vadd.s32 v16, v15;
	v16 =	vsel vm8, $0x1, v0;
	vm9 =	vge.s32 v19, v14  }
0xe9: {  	v15 =	vadd.s32 v16, v15;
	v16 =	vsel vm9, $0x1, v0  }
0xea: {  	v15 =	vadd.s32 v16, v15  }
0xeb: {  	v16 =	vperm.xlane v15, v1;
	_ =	sdelay $0x1  }
0xec: {  	v15 =	vadd.s32 v15, v16  }
0xed: {  	v16 =	vperm.xlane v15, v2;
	_ =	sdelay $0x1  }
0xee: {  	v15 =	vadd.s32 v16, v15  }
0xef: {  	v16 =	vperm.xlane v15, v5;
	_ =	sdelay $0x1  }
0xf0: {  	v15 =	vadd.s32 v16, v15  }
0xf1: {  	s15 =	simm.s32 $0x0;
	v16 =	vperm.xlane v15, v6  }
0xf2: {  	v17 =	vld [tilespmem:s15+$0x9D00]  }
0xf3: {  	v18 =	vld [tilespmem:s15+$0x9D10];
	v15 =	vadd.s32 v16, v15  }
0xf4: {  	v19 =	vld [tilespmem:s15+$0x9D20];
	vm10 =	vlt.s32 v15, v12  }
0xf5: {  	v20 =	vld [tilespmem:s15+$0x9D30];
	v13 =	vsel vm10, v13, v14  }
0xf6: {  	v21 =	vld [tilespmem:s15+$0x9D40];
	v14 =	vor.u32 $0x1000000, v13  }
0xf7: {  	s16 =	simm.s32 $0x50;
	vm11 =	vge.s32 v17, v14  }
0xf8: {  	v16 =	vld [tilespmem:s16+$0x9D00];
	v17 =	vimm.s32 $0x0;
	vm12 =	vge.s32 v18, v14;
	v22 =	vsel vm11, $0x1, v0  }
0xf9: {  	v15 =	vld [tilespmem:s16+$0x9D10];
	vm13 =	vge.s32 v19, v14;
	v18 =	vadd.s32 v22, v17;
	v22 =	vsel vm12, $0x1, v0  }
0xfa: {  	vm14 =	vge.s32 v20, v14;
	v17 =	vld [tilespmem:s16+$0x9D20];
	v19 =	vadd.s32 v22, v18;
	v22 =	vsel vm13, $0x1, v0  }
0xfb: {  	vm15 =	vge.s32 v21, v14;
	v18 =	vld [tilespmem:s16+$0x9D30];
	v20 =	vadd.s32 v22, v19;
	v22 =	vsel vm14, $0x1, v0  }
0xfc: {  	s15 =	simm.s32 $0x280;
	v21 =	vsel vm15, $0x1, v0;
	v19 =	vld [tilespmem:s16+$0x9D40];
	v20 =	vadd.s32 v22, v20  }
.LBB2_16:
0xfd: {  	s16 =	sshra.s32 s15, $0x2;
	p0 =	sne.s32 s15, $0x13740;
	s15 =	sadd.s32 $0x140, s15;
	vm0 =	vge.s32 v16, v14;
	v20 =	vadd.s32 v21, v20  }
.Ltmp7:
0xfe: {  	v16 =	vld [tilespmem:s16+$0x9D00];
	v21 =	vsel vm0, $0x1, v0;
	vm0 =	vge.s32 v15, v14;
	(pc) =	sbr.rel @p0 .LBB2_16-.Ltmp7, $4  }
0xff: {  	v15 =	vld [tilespmem:s16+$0x9D10];
	v20 =	vadd.s32 v21, v20;
	v21 =	vsel vm0, $0x1, v0;
	vm0 =	vge.s32 v17, v14  }
0x100: {  	v17 =	vld [tilespmem:s16+$0x9D20];
	v20 =	vadd.s32 v21, v20;
	v21 =	vsel vm0, $0x1, v0;
	vm0 =	vge.s32 v18, v14  }
0x101: {  	v18 =	vld [tilespmem:s16+$0x9D30];
	v20 =	vadd.s32 v21, v20;
	v21 =	vsel vm0, $0x1, v0;
	vm0 =	vge.s32 v19, v14  }
0x102: {  	v19 =	vld [tilespmem:s16+$0x9D40];
	v20 =	vadd.s32 v21, v20;
	v21 =	vsel vm0, $0x1, v0  }
0x103: {  	vm0 =	vge.s32 v16, v14  }
0x104: {  	v16 =	vadd.s32 v21, v20;
	v20 =	vsel vm0, $0x1, v0;
	vm6 =	vge.s32 v15, v14  }
0x105: {  	v15 =	vadd.s32 v20, v16;
	v16 =	vsel vm6, $0x1, v0;
	vm7 =	vge.s32 v17, v14  }
0x106: {  	v15 =	vadd.s32 v16, v15;
	v16 =	vsel vm7, $0x1, v0;
	vm8 =	vge.s32 v18, v14  }
0x107: {  	v15 =	vadd.s32 v16, v15;
	v16 =	vsel vm8, $0x1, v0;
	vm9 =	vge.s32 v19, v14  }
0x108: {  	v15 =	vadd.s32 v16, v15;
	v16 =	vsel vm9, $0x1, v0  }
0x109: {  	v15 =	vadd.s32 v16, v15  }
0x10a: {  	v16 =	vperm.xlane v15, v1;
	_ =	sdelay $0x1  }
0x10b: {  	v15 =	vadd.s32 v15, v16  }
0x10c: {  	v16 =	vperm.xlane v15, v2;
	_ =	sdelay $0x1  }
0x10d: {  	v15 =	vadd.s32 v16, v15  }
0x10e: {  	v16 =	vperm.xlane v15, v5;
	_ =	sdelay $0x1  }
0x10f: {  	v15 =	vadd.s32 v16, v15  }
0x110: {  	s15 =	simm.s32 $0x0;
	v16 =	vperm.xlane v15, v6  }
0x111: {  	v17 =	vld [tilespmem:s15+$0x9D00]  }
0x112: {  	v18 =	vld [tilespmem:s15+$0x9D10];
	v15 =	vadd.s32 v16, v15  }
0x113: {  	v19 =	vld [tilespmem:s15+$0x9D20];
	vm10 =	vlt.s32 v15, v12  }
0x114: {  	v20 =	vld [tilespmem:s15+$0x9D30];
	v13 =	vsel vm10, v13, v14  }
0x115: {  	v21 =	vld [tilespmem:s15+$0x9D40];
	v14 =	vor.u32 $0x800000, v13  }
0x116: {  	s16 =	simm.s32 $0x50;
	vm11 =	vge.s32 v17, v14  }
0x117: {  	v16 =	vld [tilespmem:s16+$0x9D00];
	v17 =	vimm.s32 $0x0;
	vm12 =	vge.s32 v18, v14;
	v22 =	vsel vm11, $0x1, v0  }
0x118: {  	v15 =	vld [tilespmem:s16+$0x9D10];
	vm13 =	vge.s32 v19, v14;
	v18 =	vadd.s32 v22, v17;
	v22 =	vsel vm12, $0x1, v0  }
0x119: {  	vm14 =	vge.s32 v20, v14;
	v17 =	vld [tilespmem:s16+$0x9D20];
	v19 =	vadd.s32 v22, v18;
	v22 =	vsel vm13, $0x1, v0  }
0x11a: {  	vm15 =	vge.s32 v21, v14;
	v18 =	vld [tilespmem:s16+$0x9D30];
	v20 =	vadd.s32 v22, v19;
	v22 =	vsel vm14, $0x1, v0  }
0x11b: {  	s15 =	simm.s32 $0x280;
	v21 =	vsel vm15, $0x1, v0;
	v19 =	vld [tilespmem:s16+$0x9D40];
	v20 =	vadd.s32 v22, v20  }
.LBB2_18:
0x11c: {  	s16 =	sshra.s32 s15, $0x2;
	p0 =	sne.s32 s15, $0x13740;
	s15 =	sadd.s32 $0x140, s15;
	vm0 =	vge.s32 v16, v14;
	v20 =	vadd.s32 v21, v20  }
.Ltmp8:
0x11d: {  	v16 =	vld [tilespmem:s16+$0x9D00];
	v21 =	vsel vm0, $0x1, v0;
	vm0 =	vge.s32 v15, v14;
	(pc) =	sbr.rel @p0 .LBB2_18-.Ltmp8, $4  }
0x11e: {  	v15 =	vld [tilespmem:s16+$0x9D10];
	v20 =	vadd.s32 v21, v20;
	v21 =	vsel vm0, $0x1, v0;
	vm0 =	vge.s32 v17, v14  }
0x11f: {  	v17 =	vld [tilespmem:s16+$0x9D20];
	v20 =	vadd.s32 v21, v20;
	v21 =	vsel vm0, $0x1, v0;
	vm0 =	vge.s32 v18, v14  }
0x120: {  	v18 =	vld [tilespmem:s16+$0x9D30];
	v20 =	vadd.s32 v21, v20;
	v21 =	vsel vm0, $0x1, v0;
	vm0 =	vge.s32 v19, v14  }
0x121: {  	v19 =	vld [tilespmem:s16+$0x9D40];
	v20 =	vadd.s32 v21, v20;
	v21 =	vsel vm0, $0x1, v0  }
0x122: {  	vm0 =	vge.s32 v16, v14  }
0x123: {  	v16 =	vadd.s32 v21, v20;
	v20 =	vsel vm0, $0x1, v0;
	vm6 =	vge.s32 v15, v14  }
0x124: {  	v15 =	vadd.s32 v20, v16;
	v16 =	vsel vm6, $0x1, v0;
	vm7 =	vge.s32 v17, v14  }
0x125: {  	v15 =	vadd.s32 v16, v15;
	v16 =	vsel vm7, $0x1, v0;
	vm8 =	vge.s32 v18, v14  }
0x126: {  	v15 =	vadd.s32 v16, v15;
	v16 =	vsel vm8, $0x1, v0;
	vm9 =	vge.s32 v19, v14  }
0x127: {  	v15 =	vadd.s32 v16, v15;
	v16 =	vsel vm9, $0x1, v0  }
0x128: {  	v15 =	vadd.s32 v16, v15  }
0x129: {  	v16 =	vperm.xlane v15, v1;
	_ =	sdelay $0x1  }
0x12a: {  	v15 =	vadd.s32 v15, v16  }
0x12b: {  	v16 =	vperm.xlane v15, v2;
	_ =	sdelay $0x1  }
0x12c: {  	v15 =	vadd.s32 v16, v15  }
0x12d: {  	v16 =	vperm.xlane v15, v5;
	_ =	sdelay $0x1  }
0x12e: {  	v15 =	vadd.s32 v16, v15  }
0x12f: {  	s15 =	simm.s32 $0x0;
	v16 =	vperm.xlane v15, v6  }
0x130: {  	v17 =	vld [tilespmem:s15+$0x9D00]  }
0x131: {  	v18 =	vld [tilespmem:s15+$0x9D10];
	v15 =	vadd.s32 v16, v15  }
0x132: {  	v19 =	vld [tilespmem:s15+$0x9D20];
	vm10 =	vlt.s32 v15, v12  }
0x133: {  	v20 =	vld [tilespmem:s15+$0x9D30];
	v13 =	vsel vm10, v13, v14  }
0x134: {  	v21 =	vld [tilespmem:s15+$0x9D40];
	v14 =	vor.u32 $0x400000, v13  }
0x135: {  	s16 =	simm.s32 $0x50;
	vm11 =	vge.s32 v17, v14  }
0x136: {  	v16 =	vld [tilespmem:s16+$0x9D00];
	v17 =	vimm.s32 $0x0;
	vm12 =	vge.s32 v18, v14;
	v22 =	vsel vm11, $0x1, v0  }
0x137: {  	v15 =	vld [tilespmem:s16+$0x9D10];
	vm13 =	vge.s32 v19, v14;
	v18 =	vadd.s32 v22, v17;
	v22 =	vsel vm12, $0x1, v0  }
0x138: {  	vm14 =	vge.s32 v20, v14;
	v17 =	vld [tilespmem:s16+$0x9D20];
	v19 =	vadd.s32 v22, v18;
	v22 =	vsel vm13, $0x1, v0  }
0x139: {  	vm15 =	vge.s32 v21, v14;
	v18 =	vld [tilespmem:s16+$0x9D30];
	v20 =	vadd.s32 v22, v19;
	v22 =	vsel vm14, $0x1, v0  }
0x13a: {  	s15 =	simm.s32 $0x280;
	v21 =	vsel vm15, $0x1, v0;
	v19 =	vld [tilespmem:s16+$0x9D40];
	v20 =	vadd.s32 v22, v20  }
.LBB2_20:
0x13b: {  	s16 =	sshra.s32 s15, $0x2;
	p0 =	sne.s32 s15, $0x13740;
	s15 =	sadd.s32 $0x140, s15;
	vm0 =	vge.s32 v16, v14;
	v20 =	vadd.s32 v21, v20  }
.Ltmp9:
0x13c: {  	v16 =	vld [tilespmem:s16+$0x9D00];
	v21 =	vsel vm0, $0x1, v0;
	vm0 =	vge.s32 v15, v14;
	(pc) =	sbr.rel @p0 .LBB2_20-.Ltmp9, $4  }
0x13d: {  	v15 =	vld [tilespmem:s16+$0x9D10];
	v20 =	vadd.s32 v21, v20;
	v21 =	vsel vm0, $0x1, v0;
	vm0 =	vge.s32 v17, v14  }
0x13e: {  	v17 =	vld [tilespmem:s16+$0x9D20];
	v20 =	vadd.s32 v21, v20;
	v21 =	vsel vm0, $0x1, v0;
	vm0 =	vge.s32 v18, v14  }
0x13f: {  	v18 =	vld [tilespmem:s16+$0x9D30];
	v20 =	vadd.s32 v21, v20;
	v21 =	vsel vm0, $0x1, v0;
	vm0 =	vge.s32 v19, v14  }
0x140: {  	v19 =	vld [tilespmem:s16+$0x9D40];
	v20 =	vadd.s32 v21, v20;
	v21 =	vsel vm0, $0x1, v0  }
0x141: {  	vm0 =	vge.s32 v16, v14  }
0x142: {  	v16 =	vadd.s32 v21, v20;
	v20 =	vsel vm0, $0x1, v0;
	vm6 =	vge.s32 v15, v14  }
0x143: {  	v15 =	vadd.s32 v20, v16;
	v16 =	vsel vm6, $0x1, v0;
	vm7 =	vge.s32 v17, v14  }
0x144: {  	v15 =	vadd.s32 v16, v15;
	v16 =	vsel vm7, $0x1, v0;
	vm8 =	vge.s32 v18, v14  }
0x145: {  	v15 =	vadd.s32 v16, v15;
	v16 =	vsel vm8, $0x1, v0;
	vm9 =	vge.s32 v19, v14  }
0x146: {  	v15 =	vadd.s32 v16, v15;
	v16 =	vsel vm9, $0x1, v0  }
0x147: {  	v15 =	vadd.s32 v16, v15  }
0x148: {  	v16 =	vperm.xlane v15, v1;
	_ =	sdelay $0x1  }
0x149: {  	v15 =	vadd.s32 v15, v16  }
0x14a: {  	v16 =	vperm.xlane v15, v2;
	_ =	sdelay $0x1  }
0x14b: {  	v15 =	vadd.s32 v16, v15  }
0x14c: {  	v16 =	vperm.xlane v15, v5;
	_ =	sdelay $0x1  }
0x14d: {  	v15 =	vadd.s32 v16, v15  }
0x14e: {  	s15 =	simm.s32 $0x0;
	v16 =	vperm.xlane v15, v6  }
0x14f: {  	v17 =	vld [tilespmem:s15+$0x9D00]  }
0x150: {  	v18 =	vld [tilespmem:s15+$0x9D10];
	v15 =	vadd.s32 v16, v15  }
0x151: {  	v19 =	vld [tilespmem:s15+$0x9D20];
	vm10 =	vlt.s32 v15, v12  }
0x152: {  	v20 =	vld [tilespmem:s15+$0x9D30];
	v13 =	vsel vm10, v13, v14  }
0x153: {  	v21 =	vld [tilespmem:s15+$0x9D40];
	v14 =	vor.u32 $0x200000, v13  }
0x154: {  	s16 =	simm.s32 $0x50;
	vm11 =	vge.s32 v17, v14  }
0x155: {  	v16 =	vld [tilespmem:s16+$0x9D00];
	v17 =	vimm.s32 $0x0;
	vm12 =	vge.s32 v18, v14;
	v22 =	vsel vm11, $0x1, v0  }
0x156: {  	v15 =	vld [tilespmem:s16+$0x9D10];
	vm13 =	vge.s32 v19, v14;
	v18 =	vadd.s32 v22, v17;
	v22 =	vsel vm12, $0x1, v0  }
0x157: {  	vm14 =	vge.s32 v20, v14;
	v17 =	vld [tilespmem:s16+$0x9D20];
	v19 =	vadd.s32 v22, v18;
	v22 =	vsel vm13, $0x1, v0  }
0x158: {  	vm15 =	vge.s32 v21, v14;
	v18 =	vld [tilespmem:s16+$0x9D30];
	v20 =	vadd.s32 v22, v19;
	v22 =	vsel vm14, $0x1, v0  }
0x159: {  	s15 =	simm.s32 $0x280;
	v21 =	vsel vm15, $0x1, v0;
	v19 =	vld [tilespmem:s16+$0x9D40];
	v20 =	vadd.s32 v22, v20  }
.LBB2_22:
0x15a: {  	s16 =	sshra.s32 s15, $0x2;
	p0 =	sne.s32 s15, $0x13740;
	s15 =	sadd.s32 $0x140, s15;
	vm0 =	vge.s32 v16, v14;
	v20 =	vadd.s32 v21, v20  }
.Ltmp10:
0x15b: {  	v16 =	vld [tilespmem:s16+$0x9D00];
	v21 =	vsel vm0, $0x1, v0;
	vm0 =	vge.s32 v15, v14;
	(pc) =	sbr.rel @p0 .LBB2_22-.Ltmp10, $4  }
0x15c: {  	v15 =	vld [tilespmem:s16+$0x9D10];
	v20 =	vadd.s32 v21, v20;
	v21 =	vsel vm0, $0x1, v0;
	vm0 =	vge.s32 v17, v14  }
0x15d: {  	v17 =	vld [tilespmem:s16+$0x9D20];
	v20 =	vadd.s32 v21, v20;
	v21 =	vsel vm0, $0x1, v0;
	vm0 =	vge.s32 v18, v14  }
0x15e: {  	v18 =	vld [tilespmem:s16+$0x9D30];
	v20 =	vadd.s32 v21, v20;
	v21 =	vsel vm0, $0x1, v0;
	vm0 =	vge.s32 v19, v14  }
0x15f: {  	v19 =	vld [tilespmem:s16+$0x9D40];
	v20 =	vadd.s32 v21, v20;
	v21 =	vsel vm0, $0x1, v0  }
0x160: {  	vm0 =	vge.s32 v16, v14  }
0x161: {  	v16 =	vadd.s32 v21, v20;
	v20 =	vsel vm0, $0x1, v0;
	vm6 =	vge.s32 v15, v14  }
0x162: {  	v15 =	vadd.s32 v20, v16;
	v16 =	vsel vm6, $0x1, v0;
	vm7 =	vge.s32 v17, v14  }
0x163: {  	v15 =	vadd.s32 v16, v15;
	v16 =	vsel vm7, $0x1, v0;
	vm8 =	vge.s32 v18, v14  }
0x164: {  	v15 =	vadd.s32 v16, v15;
	v16 =	vsel vm8, $0x1, v0;
	vm9 =	vge.s32 v19, v14  }
0x165: {  	v15 =	vadd.s32 v16, v15;
	v16 =	vsel vm9, $0x1, v0  }
0x166: {  	v15 =	vadd.s32 v16, v15  }
0x167: {  	v16 =	vperm.xlane v15, v1;
	_ =	sdelay $0x1  }
0x168: {  	v15 =	vadd.s32 v15, v16  }
0x169: {  	v16 =	vperm.xlane v15, v2;
	_ =	sdelay $0x1  }
0x16a: {  	v15 =	vadd.s32 v16, v15  }
0x16b: {  	v16 =	vperm.xlane v15, v5;
	_ =	sdelay $0x1  }
0x16c: {  	v15 =	vadd.s32 v16, v15  }
0x16d: {  	s15 =	simm.s32 $0x0;
	v16 =	vperm.xlane v15, v6  }
0x16e: {  	v17 =	vld [tilespmem:s15+$0x9D00]  }
0x16f: {  	v18 =	vld [tilespmem:s15+$0x9D10];
	v15 =	vadd.s32 v16, v15  }
0x170: {  	v19 =	vld [tilespmem:s15+$0x9D20];
	vm10 =	vlt.s32 v15, v12  }
0x171: {  	v20 =	vld [tilespmem:s15+$0x9D30];
	v13 =	vsel vm10, v13, v14  }
0x172: {  	v21 =	vld [tilespmem:s15+$0x9D40];
	v14 =	vor.u32 $0x100000, v13  }
0x173: {  	s16 =	simm.s32 $0x50;
	vm11 =	vge.s32 v17, v14  }
0x174: {  	v16 =	vld [tilespmem:s16+$0x9D00];
	v17 =	vimm.s32 $0x0;
	vm12 =	vge.s32 v18, v14;
	v22 =	vsel vm11, $0x1, v0  }
0x175: {  	v15 =	vld [tilespmem:s16+$0x9D10];
	vm13 =	vge.s32 v19, v14;
	v18 =	vadd.s32 v22, v17;
	v22 =	vsel vm12, $0x1, v0  }
0x176: {  	vm14 =	vge.s32 v20, v14;
	v17 =	vld [tilespmem:s16+$0x9D20];
	v19 =	vadd.s32 v22, v18;
	v22 =	vsel vm13, $0x1, v0  }
0x177: {  	vm15 =	vge.s32 v21, v14;
	v18 =	vld [tilespmem:s16+$0x9D30];
	v20 =	vadd.s32 v22, v19;
	v22 =	vsel vm14, $0x1, v0  }
0x178: {  	s15 =	simm.s32 $0x280;
	v21 =	vsel vm15, $0x1, v0;
	v19 =	vld [tilespmem:s16+$0x9D40];
	v20 =	vadd.s32 v22, v20  }
.LBB2_24:
0x179: {  	s16 =	sshra.s32 s15, $0x2;
	p0 =	sne.s32 s15, $0x13740;
	s15 =	sadd.s32 $0x140, s15;
	vm0 =	vge.s32 v16, v14;
	v20 =	vadd.s32 v21, v20  }
.Ltmp11:
0x17a: {  	v16 =	vld [tilespmem:s16+$0x9D00];
	v21 =	vsel vm0, $0x1, v0;
	vm0 =	vge.s32 v15, v14;
	(pc) =	sbr.rel @p0 .LBB2_24-.Ltmp11, $4  }
0x17b: {  	v15 =	vld [tilespmem:s16+$0x9D10];
	v20 =	vadd.s32 v21, v20;
	v21 =	vsel vm0, $0x1, v0;
	vm0 =	vge.s32 v17, v14  }
0x17c: {  	v17 =	vld [tilespmem:s16+$0x9D20];
	v20 =	vadd.s32 v21, v20;
	v21 =	vsel vm0, $0x1, v0;
	vm0 =	vge.s32 v18, v14  }
0x17d: {  	v18 =	vld [tilespmem:s16+$0x9D30];
	v20 =	vadd.s32 v21, v20;
	v21 =	vsel vm0, $0x1, v0;
	vm0 =	vge.s32 v19, v14  }
0x17e: {  	v19 =	vld [tilespmem:s16+$0x9D40];
	v20 =	vadd.s32 v21, v20;
	v21 =	vsel vm0, $0x1, v0  }
0x17f: {  	vm0 =	vge.s32 v16, v14  }
0x180: {  	v16 =	vadd.s32 v21, v20;
	v20 =	vsel vm0, $0x1, v0;
	vm6 =	vge.s32 v15, v14  }
0x181: {  	v15 =	vadd.s32 v20, v16;
	v16 =	vsel vm6, $0x1, v0;
	vm7 =	vge.s32 v17, v14  }
0x182: {  	v15 =	vadd.s32 v16, v15;
	v16 =	vsel vm7, $0x1, v0;
	vm8 =	vge.s32 v18, v14  }
0x183: {  	v15 =	vadd.s32 v16, v15;
	v16 =	vsel vm8, $0x1, v0;
	vm9 =	vge.s32 v19, v14  }
0x184: {  	v15 =	vadd.s32 v16, v15;
	v16 =	vsel vm9, $0x1, v0  }
0x185: {  	v15 =	vadd.s32 v16, v15  }
0x186: {  	v16 =	vperm.xlane v15, v1;
	_ =	sdelay $0x1  }
0x187: {  	v15 =	vadd.s32 v15, v16  }
0x188: {  	v16 =	vperm.xlane v15, v2;
	_ =	sdelay $0x1  }
0x189: {  	v15 =	vadd.s32 v16, v15  }
0x18a: {  	v16 =	vperm.xlane v15, v5;
	_ =	sdelay $0x1  }
0x18b: {  	v15 =	vadd.s32 v16, v15  }
0x18c: {  	s15 =	simm.s32 $0x0;
	v16 =	vperm.xlane v15, v6  }
0x18d: {  	v17 =	vld [tilespmem:s15+$0x9D00]  }
0x18e: {  	v18 =	vld [tilespmem:s15+$0x9D10];
	v15 =	vadd.s32 v16, v15  }
0x18f: {  	v19 =	vld [tilespmem:s15+$0x9D20];
	vm10 =	vlt.s32 v15, v12  }
0x190: {  	v20 =	vld [tilespmem:s15+$0x9D30];
	v13 =	vsel vm10, v13, v14  }
0x191: {  	v21 =	vld [tilespmem:s15+$0x9D40];
	v14 =	vor.u32 $0x80000, v13  }
0x192: {  	s16 =	simm.s32 $0x50;
	vm11 =	vge.s32 v17, v14  }
0x193: {  	v16 =	vld [tilespmem:s16+$0x9D00];
	v17 =	vimm.s32 $0x0;
	vm12 =	vge.s32 v18, v14;
	v22 =	vsel vm11, $0x1, v0  }
0x194: {  	v15 =	vld [tilespmem:s16+$0x9D10];
	vm13 =	vge.s32 v19, v14;
	v18 =	vadd.s32 v22, v17;
	v22 =	vsel vm12, $0x1, v0  }
0x195: {  	vm14 =	vge.s32 v20, v14;
	v17 =	vld [tilespmem:s16+$0x9D20];
	v19 =	vadd.s32 v22, v18;
	v22 =	vsel vm13, $0x1, v0  }
0x196: {  	vm15 =	vge.s32 v21, v14;
	v18 =	vld [tilespmem:s16+$0x9D30];
	v20 =	vadd.s32 v22, v19;
	v22 =	vsel vm14, $0x1, v0  }
0x197: {  	s15 =	simm.s32 $0x280;
	v21 =	vsel vm15, $0x1, v0;
	v19 =	vld [tilespmem:s16+$0x9D40];
	v20 =	vadd.s32 v22, v20  }
.LBB2_26:
0x198: {  	s16 =	sshra.s32 s15, $0x2;
	p0 =	sne.s32 s15, $0x13740;
	s15 =	sadd.s32 $0x140, s15;
	vm0 =	vge.s32 v16, v14;
	v20 =	vadd.s32 v21, v20  }
.Ltmp12:
0x199: {  	v16 =	vld [tilespmem:s16+$0x9D00];
	v21 =	vsel vm0, $0x1, v0;
	vm0 =	vge.s32 v15, v14;
	(pc) =	sbr.rel @p0 .LBB2_26-.Ltmp12, $4  }
0x19a: {  	v15 =	vld [tilespmem:s16+$0x9D10];
	v20 =	vadd.s32 v21, v20;
	v21 =	vsel vm0, $0x1, v0;
	vm0 =	vge.s32 v17, v14  }
0x19b: {  	v17 =	vld [tilespmem:s16+$0x9D20];
	v20 =	vadd.s32 v21, v20;
	v21 =	vsel vm0, $0x1, v0;
	vm0 =	vge.s32 v18, v14  }
0x19c: {  	v18 =	vld [tilespmem:s16+$0x9D30];
	v20 =	vadd.s32 v21, v20;
	v21 =	vsel vm0, $0x1, v0;
	vm0 =	vge.s32 v19, v14  }
0x19d: {  	v19 =	vld [tilespmem:s16+$0x9D40];
	v20 =	vadd.s32 v21, v20;
	v21 =	vsel vm0, $0x1, v0  }
0x19e: {  	vm0 =	vge.s32 v16, v14  }
0x19f: {  	v16 =	vadd.s32 v21, v20;
	v20 =	vsel vm0, $0x1, v0;
	vm6 =	vge.s32 v15, v14  }
0x1a0: {  	v15 =	vadd.s32 v20, v16;
	v16 =	vsel vm6, $0x1, v0;
	vm7 =	vge.s32 v17, v14  }
0x1a1: {  	v15 =	vadd.s32 v16, v15;
	v16 =	vsel vm7, $0x1, v0;
	vm8 =	vge.s32 v18, v14  }
0x1a2: {  	v15 =	vadd.s32 v16, v15;
	v16 =	vsel vm8, $0x1, v0;
	vm9 =	vge.s32 v19, v14  }
0x1a3: {  	v15 =	vadd.s32 v16, v15;
	v16 =	vsel vm9, $0x1, v0  }
0x1a4: {  	v15 =	vadd.s32 v16, v15  }
0x1a5: {  	v16 =	vperm.xlane v15, v1;
	_ =	sdelay $0x1  }
0x1a6: {  	v15 =	vadd.s32 v15, v16  }
0x1a7: {  	v16 =	vperm.xlane v15, v2;
	_ =	sdelay $0x1  }
0x1a8: {  	v15 =	vadd.s32 v16, v15  }
0x1a9: {  	v16 =	vperm.xlane v15, v5;
	_ =	sdelay $0x1  }
0x1aa: {  	v15 =	vadd.s32 v16, v15  }
0x1ab: {  	s15 =	simm.s32 $0x0;
	v16 =	vperm.xlane v15, v6  }
0x1ac: {  	v17 =	vld [tilespmem:s15+$0x9D00]  }
0x1ad: {  	v18 =	vld [tilespmem:s15+$0x9D10];
	v15 =	vadd.s32 v16, v15  }
0x1ae: {  	v19 =	vld [tilespmem:s15+$0x9D20];
	vm10 =	vlt.s32 v15, v12  }
0x1af: {  	v20 =	vld [tilespmem:s15+$0x9D30];
	v13 =	vsel vm10, v13, v14  }
0x1b0: {  	v21 =	vld [tilespmem:s15+$0x9D40];
	v14 =	vor.u32 $0x40000, v13  }
0x1b1: {  	s16 =	simm.s32 $0x50;
	vm11 =	vge.s32 v17, v14  }
0x1b2: {  	v16 =	vld [tilespmem:s16+$0x9D00];
	v17 =	vimm.s32 $0x0;
	vm12 =	vge.s32 v18, v14;
	v22 =	vsel vm11, $0x1, v0  }
0x1b3: {  	v15 =	vld [tilespmem:s16+$0x9D10];
	vm13 =	vge.s32 v19, v14;
	v18 =	vadd.s32 v22, v17;
	v22 =	vsel vm12, $0x1, v0  }
0x1b4: {  	vm14 =	vge.s32 v20, v14;
	v17 =	vld [tilespmem:s16+$0x9D20];
	v19 =	vadd.s32 v22, v18;
	v22 =	vsel vm13, $0x1, v0  }
0x1b5: {  	vm15 =	vge.s32 v21, v14;
	v18 =	vld [tilespmem:s16+$0x9D30];
	v20 =	vadd.s32 v22, v19;
	v22 =	vsel vm14, $0x1, v0  }
0x1b6: {  	s15 =	simm.s32 $0x280;
	v21 =	vsel vm15, $0x1, v0;
	v19 =	vld [tilespmem:s16+$0x9D40];
	v20 =	vadd.s32 v22, v20  }
.LBB2_28:
0x1b7: {  	s16 =	sshra.s32 s15, $0x2;
	p0 =	sne.s32 s15, $0x13740;
	s15 =	sadd.s32 $0x140, s15;
	vm0 =	vge.s32 v16, v14;
	v20 =	vadd.s32 v21, v20  }
.Ltmp13:
0x1b8: {  	v16 =	vld [tilespmem:s16+$0x9D00];
	v21 =	vsel vm0, $0x1, v0;
	vm0 =	vge.s32 v15, v14;
	(pc) =	sbr.rel @p0 .LBB2_28-.Ltmp13, $4  }
0x1b9: {  	v15 =	vld [tilespmem:s16+$0x9D10];
	v20 =	vadd.s32 v21, v20;
	v21 =	vsel vm0, $0x1, v0;
	vm0 =	vge.s32 v17, v14  }
0x1ba: {  	v17 =	vld [tilespmem:s16+$0x9D20];
	v20 =	vadd.s32 v21, v20;
	v21 =	vsel vm0, $0x1, v0;
	vm0 =	vge.s32 v18, v14  }
0x1bb: {  	v18 =	vld [tilespmem:s16+$0x9D30];
	v20 =	vadd.s32 v21, v20;
	v21 =	vsel vm0, $0x1, v0;
	vm0 =	vge.s32 v19, v14  }
0x1bc: {  	v19 =	vld [tilespmem:s16+$0x9D40];
	v20 =	vadd.s32 v21, v20;
	v21 =	vsel vm0, $0x1, v0  }
0x1bd: {  	vm0 =	vge.s32 v16, v14  }
0x1be: {  	v16 =	vadd.s32 v21, v20;
	v20 =	vsel vm0, $0x1, v0;
	vm6 =	vge.s32 v15, v14  }
0x1bf: {  	v15 =	vadd.s32 v20, v16;
	v16 =	vsel vm6, $0x1, v0;
	vm7 =	vge.s32 v17, v14  }
0x1c0: {  	v15 =	vadd.s32 v16, v15;
	v16 =	vsel vm7, $0x1, v0;
	vm8 =	vge.s32 v18, v14  }
0x1c1: {  	v15 =	vadd.s32 v16, v15;
	v16 =	vsel vm8, $0x1, v0;
	vm9 =	vge.s32 v19, v14  }
0x1c2: {  	v15 =	vadd.s32 v16, v15;
	v16 =	vsel vm9, $0x1, v0  }
0x1c3: {  	v15 =	vadd.s32 v16, v15  }
0x1c4: {  	v16 =	vperm.xlane v15, v1;
	_ =	sdelay $0x1  }
0x1c5: {  	v15 =	vadd.s32 v15, v16  }
0x1c6: {  	v16 =	vperm.xlane v15, v2;
	_ =	sdelay $0x1  }
0x1c7: {  	v15 =	vadd.s32 v16, v15  }
0x1c8: {  	v16 =	vperm.xlane v15, v5;
	_ =	sdelay $0x1  }
0x1c9: {  	v15 =	vadd.s32 v16, v15  }
0x1ca: {  	s15 =	simm.s32 $0x0;
	v16 =	vperm.xlane v15, v6  }
0x1cb: {  	v17 =	vld [tilespmem:s15+$0x9D00]  }
0x1cc: {  	v18 =	vld [tilespmem:s15+$0x9D10];
	v15 =	vadd.s32 v16, v15  }
0x1cd: {  	v19 =	vld [tilespmem:s15+$0x9D20];
	vm10 =	vlt.s32 v15, v12  }
0x1ce: {  	v20 =	vld [tilespmem:s15+$0x9D30];
	v13 =	vsel vm10, v13, v14  }
0x1cf: {  	v21 =	vld [tilespmem:s15+$0x9D40];
	v14 =	vor.u32 $0x20000, v13  }
0x1d0: {  	s16 =	simm.s32 $0x50;
	vm11 =	vge.s32 v17, v14  }
0x1d1: {  	v16 =	vld [tilespmem:s16+$0x9D00];
	v17 =	vimm.s32 $0x0;
	vm12 =	vge.s32 v18, v14;
	v22 =	vsel vm11, $0x1, v0  }
0x1d2: {  	v15 =	vld [tilespmem:s16+$0x9D10];
	vm13 =	vge.s32 v19, v14;
	v18 =	vadd.s32 v22, v17;
	v22 =	vsel vm12, $0x1, v0  }
0x1d3: {  	vm14 =	vge.s32 v20, v14;
	v17 =	vld [tilespmem:s16+$0x9D20];
	v19 =	vadd.s32 v22, v18;
	v22 =	vsel vm13, $0x1, v0  }
0x1d4: {  	vm15 =	vge.s32 v21, v14;
	v18 =	vld [tilespmem:s16+$0x9D30];
	v20 =	vadd.s32 v22, v19;
	v22 =	vsel vm14, $0x1, v0  }
0x1d5: {  	s15 =	simm.s32 $0x280;
	v21 =	vsel vm15, $0x1, v0;
	v19 =	vld [tilespmem:s16+$0x9D40];
	v20 =	vadd.s32 v22, v20  }
.LBB2_30:
0x1d6: {  	s16 =	sshra.s32 s15, $0x2;
	p0 =	sne.s32 s15, $0x13740;
	s15 =	sadd.s32 $0x140, s15;
	vm0 =	vge.s32 v16, v14;
	v20 =	vadd.s32 v21, v20  }
.Ltmp14:
0x1d7: {  	v16 =	vld [tilespmem:s16+$0x9D00];
	v21 =	vsel vm0, $0x1, v0;
	vm0 =	vge.s32 v15, v14;
	(pc) =	sbr.rel @p0 .LBB2_30-.Ltmp14, $4  }
0x1d8: {  	v15 =	vld [tilespmem:s16+$0x9D10];
	v20 =	vadd.s32 v21, v20;
	v21 =	vsel vm0, $0x1, v0;
	vm0 =	vge.s32 v17, v14  }
0x1d9: {  	v17 =	vld [tilespmem:s16+$0x9D20];
	v20 =	vadd.s32 v21, v20;
	v21 =	vsel vm0, $0x1, v0;
	vm0 =	vge.s32 v18, v14  }
0x1da: {  	v18 =	vld [tilespmem:s16+$0x9D30];
	v20 =	vadd.s32 v21, v20;
	v21 =	vsel vm0, $0x1, v0;
	vm0 =	vge.s32 v19, v14  }
0x1db: {  	v19 =	vld [tilespmem:s16+$0x9D40];
	v20 =	vadd.s32 v21, v20;
	v21 =	vsel vm0, $0x1, v0  }
0x1dc: {  	vm0 =	vge.s32 v16, v14  }
0x1dd: {  	v16 =	vadd.s32 v21, v20;
	v20 =	vsel vm0, $0x1, v0;
	vm6 =	vge.s32 v15, v14  }
0x1de: {  	v15 =	vadd.s32 v20, v16;
	v16 =	vsel vm6, $0x1, v0;
	vm7 =	vge.s32 v17, v14  }
0x1df: {  	v15 =	vadd.s32 v16, v15;
	v16 =	vsel vm7, $0x1, v0;
	vm8 =	vge.s32 v18, v14  }
0x1e0: {  	v15 =	vadd.s32 v16, v15;
	v16 =	vsel vm8, $0x1, v0;
	vm9 =	vge.s32 v19, v14  }
0x1e1: {  	v15 =	vadd.s32 v16, v15;
	v16 =	vsel vm9, $0x1, v0  }
0x1e2: {  	v15 =	vadd.s32 v16, v15  }
0x1e3: {  	v16 =	vperm.xlane v15, v1;
	_ =	sdelay $0x1  }
0x1e4: {  	v15 =	vadd.s32 v15, v16  }
0x1e5: {  	v16 =	vperm.xlane v15, v2;
	_ =	sdelay $0x1  }
0x1e6: {  	v15 =	vadd.s32 v16, v15  }
0x1e7: {  	v16 =	vperm.xlane v15, v5;
	_ =	sdelay $0x1  }
0x1e8: {  	v15 =	vadd.s32 v16, v15  }
0x1e9: {  	s15 =	simm.s32 $0x0;
	v16 =	vperm.xlane v15, v6  }
0x1ea: {  	v17 =	vld [tilespmem:s15+$0x9D00]  }
0x1eb: {  	v18 =	vld [tilespmem:s15+$0x9D10];
	v15 =	vadd.s32 v16, v15  }
0x1ec: {  	v19 =	vld [tilespmem:s15+$0x9D20];
	vm10 =	vlt.s32 v15, v12  }
0x1ed: {  	v20 =	vld [tilespmem:s15+$0x9D30];
	v13 =	vsel vm10, v13, v14  }
0x1ee: {  	v21 =	vld [tilespmem:s15+$0x9D40];
	v14 =	vor.u32 $0x10000, v13  }
0x1ef: {  	s16 =	simm.s32 $0x50;
	vm11 =	vge.s32 v17, v14  }
0x1f0: {  	v16 =	vld [tilespmem:s16+$0x9D00];
	v17 =	vimm.s32 $0x0;
	vm12 =	vge.s32 v18, v14;
	v22 =	vsel vm11, $0x1, v0  }
0x1f1: {  	v15 =	vld [tilespmem:s16+$0x9D10];
	vm13 =	vge.s32 v19, v14;
	v18 =	vadd.s32 v22, v17;
	v22 =	vsel vm12, $0x1, v0  }
0x1f2: {  	vm14 =	vge.s32 v20, v14;
	v17 =	vld [tilespmem:s16+$0x9D20];
	v19 =	vadd.s32 v22, v18;
	v22 =	vsel vm13, $0x1, v0  }
0x1f3: {  	vm15 =	vge.s32 v21, v14;
	v18 =	vld [tilespmem:s16+$0x9D30];
	v20 =	vadd.s32 v22, v19;
	v22 =	vsel vm14, $0x1, v0  }
0x1f4: {  	s15 =	simm.s32 $0x280;
	v21 =	vsel vm15, $0x1, v0;
	v19 =	vld [tilespmem:s16+$0x9D40];
	v20 =	vadd.s32 v22, v20  }
.LBB2_32:
0x1f5: {  	s16 =	sshra.s32 s15, $0x2;
	p0 =	sne.s32 s15, $0x13740;
	s15 =	sadd.s32 $0x140, s15;
	vm0 =	vge.s32 v16, v14;
	v20 =	vadd.s32 v21, v20  }
.Ltmp15:
0x1f6: {  	v16 =	vld [tilespmem:s16+$0x9D00];
	v21 =	vsel vm0, $0x1, v0;
	vm0 =	vge.s32 v15, v14;
	(pc) =	sbr.rel @p0 .LBB2_32-.Ltmp15, $4  }
0x1f7: {  	v15 =	vld [tilespmem:s16+$0x9D10];
	v20 =	vadd.s32 v21, v20;
	v21 =	vsel vm0, $0x1, v0;
	vm0 =	vge.s32 v17, v14  }
0x1f8: {  	v17 =	vld [tilespmem:s16+$0x9D20];
	v20 =	vadd.s32 v21, v20;
	v21 =	vsel vm0, $0x1, v0;
	vm0 =	vge.s32 v18, v14  }
0x1f9: {  	v18 =	vld [tilespmem:s16+$0x9D30];
	v20 =	vadd.s32 v21, v20;
	v21 =	vsel vm0, $0x1, v0;
	vm0 =	vge.s32 v19, v14  }
0x1fa: {  	v19 =	vld [tilespmem:s16+$0x9D40];
	v20 =	vadd.s32 v21, v20;
	v21 =	vsel vm0, $0x1, v0  }
0x1fb: {  	vm0 =	vge.s32 v16, v14  }
0x1fc: {  	v16 =	vadd.s32 v21, v20;
	v20 =	vsel vm0, $0x1, v0;
	vm6 =	vge.s32 v15, v14  }
0x1fd: {  	v15 =	vadd.s32 v20, v16;
	v16 =	vsel vm6, $0x1, v0;
	vm7 =	vge.s32 v17, v14  }
0x1fe: {  	v15 =	vadd.s32 v16, v15;
	v16 =	vsel vm7, $0x1, v0;
	vm8 =	vge.s32 v18, v14  }
0x1ff: {  	v15 =	vadd.s32 v16, v15;
	v16 =	vsel vm8, $0x1, v0;
	vm9 =	vge.s32 v19, v14  }
0x200: {  	v15 =	vadd.s32 v16, v15;
	v16 =	vsel vm9, $0x1, v0  }
0x201: {  	v15 =	vadd.s32 v16, v15  }
0x202: {  	v16 =	vperm.xlane v15, v1;
	_ =	sdelay $0x1  }
0x203: {  	v15 =	vadd.s32 v15, v16  }
0x204: {  	v16 =	vperm.xlane v15, v2;
	_ =	sdelay $0x1  }
0x205: {  	v15 =	vadd.s32 v16, v15  }
0x206: {  	v16 =	vperm.xlane v15, v5;
	_ =	sdelay $0x1  }
0x207: {  	v15 =	vadd.s32 v16, v15  }
0x208: {  	s15 =	simm.s32 $0x0;
	v16 =	vperm.xlane v15, v6  }
0x209: {  	v17 =	vld [tilespmem:s15+$0x9D00]  }
0x20a: {  	v18 =	vld [tilespmem:s15+$0x9D10];
	v15 =	vadd.s32 v16, v15  }
0x20b: {  	v19 =	vld [tilespmem:s15+$0x9D20];
	vm10 =	vlt.s32 v15, v12  }
0x20c: {  	v20 =	vld [tilespmem:s15+$0x9D30];
	v13 =	vsel vm10, v13, v14  }
0x20d: {  	v21 =	vld [tilespmem:s15+$0x9D40];
	v14 =	vor.u32 $0x8000, v13  }
0x20e: {  	s16 =	simm.s32 $0x50;
	vm11 =	vge.s32 v17, v14  }
0x20f: {  	v16 =	vld [tilespmem:s16+$0x9D00];
	v17 =	vimm.s32 $0x0;
	vm12 =	vge.s32 v18, v14;
	v22 =	vsel vm11, $0x1, v0  }
0x210: {  	v15 =	vld [tilespmem:s16+$0x9D10];
	vm13 =	vge.s32 v19, v14;
	v18 =	vadd.s32 v22, v17;
	v22 =	vsel vm12, $0x1, v0  }
0x211: {  	vm14 =	vge.s32 v20, v14;
	v17 =	vld [tilespmem:s16+$0x9D20];
	v19 =	vadd.s32 v22, v18;
	v22 =	vsel vm13, $0x1, v0  }
0x212: {  	vm15 =	vge.s32 v21, v14;
	v18 =	vld [tilespmem:s16+$0x9D30];
	v20 =	vadd.s32 v22, v19;
	v22 =	vsel vm14, $0x1, v0  }
0x213: {  	s15 =	simm.s32 $0x280;
	v21 =	vsel vm15, $0x1, v0;
	v19 =	vld [tilespmem:s16+$0x9D40];
	v20 =	vadd.s32 v22, v20  }
.LBB2_34:
0x214: {  	s16 =	sshra.s32 s15, $0x2;
	p0 =	sne.s32 s15, $0x13740;
	s15 =	sadd.s32 $0x140, s15;
	vm0 =	vge.s32 v16, v14;
	v20 =	vadd.s32 v21, v20  }
.Ltmp16:
0x215: {  	v16 =	vld [tilespmem:s16+$0x9D00];
	v21 =	vsel vm0, $0x1, v0;
	vm0 =	vge.s32 v15, v14;
	(pc) =	sbr.rel @p0 .LBB2_34-.Ltmp16, $4  }
0x216: {  	v15 =	vld [tilespmem:s16+$0x9D10];
	v20 =	vadd.s32 v21, v20;
	v21 =	vsel vm0, $0x1, v0;
	vm0 =	vge.s32 v17, v14  }
0x217: {  	v17 =	vld [tilespmem:s16+$0x9D20];
	v20 =	vadd.s32 v21, v20;
	v21 =	vsel vm0, $0x1, v0;
	vm0 =	vge.s32 v18, v14  }
0x218: {  	v18 =	vld [tilespmem:s16+$0x9D30];
	v20 =	vadd.s32 v21, v20;
	v21 =	vsel vm0, $0x1, v0;
	vm0 =	vge.s32 v19, v14  }
0x219: {  	v19 =	vld [tilespmem:s16+$0x9D40];
	v20 =	vadd.s32 v21, v20;
	v21 =	vsel vm0, $0x1, v0  }
0x21a: {  	vm0 =	vge.s32 v16, v14  }
0x21b: {  	v16 =	vadd.s32 v21, v20;
	v20 =	vsel vm0, $0x1, v0;
	vm6 =	vge.s32 v15, v14  }
0x21c: {  	v15 =	vadd.s32 v20, v16;
	v16 =	vsel vm6, $0x1, v0;
	vm7 =	vge.s32 v17, v14  }
0x21d: {  	v15 =	vadd.s32 v16, v15;
	v16 =	vsel vm7, $0x1, v0;
	vm8 =	vge.s32 v18, v14  }
0x21e: {  	v15 =	vadd.s32 v16, v15;
	v16 =	vsel vm8, $0x1, v0;
	vm9 =	vge.s32 v19, v14  }
0x21f: {  	v15 =	vadd.s32 v16, v15;
	v16 =	vsel vm9, $0x1, v0  }
0x220: {  	v15 =	vadd.s32 v16, v15  }
0x221: {  	v16 =	vperm.xlane v15, v1;
	_ =	sdelay $0x1  }
0x222: {  	v15 =	vadd.s32 v15, v16  }
0x223: {  	v16 =	vperm.xlane v15, v2;
	_ =	sdelay $0x1  }
0x224: {  	v15 =	vadd.s32 v16, v15  }
0x225: {  	v16 =	vperm.xlane v15, v5;
	_ =	sdelay $0x1  }
0x226: {  	v15 =	vadd.s32 v16, v15  }
0x227: {  	s15 =	simm.s32 $0x0;
	v16 =	vperm.xlane v15, v6  }
0x228: {  	v17 =	vld [tilespmem:s15+$0x9D00]  }
0x229: {  	v18 =	vld [tilespmem:s15+$0x9D10];
	v15 =	vadd.s32 v16, v15  }
0x22a: {  	v19 =	vld [tilespmem:s15+$0x9D20];
	vm10 =	vlt.s32 v15, v12  }
0x22b: {  	v20 =	vld [tilespmem:s15+$0x9D30];
	v13 =	vsel vm10, v13, v14  }
0x22c: {  	v21 =	vld [tilespmem:s15+$0x9D40];
	v14 =	vor.u32 $0x4000, v13  }
0x22d: {  	s16 =	simm.s32 $0x50;
	vm11 =	vge.s32 v17, v14  }
0x22e: {  	v16 =	vld [tilespmem:s16+$0x9D00];
	v17 =	vimm.s32 $0x0;
	vm12 =	vge.s32 v18, v14;
	v22 =	vsel vm11, $0x1, v0  }
0x22f: {  	v15 =	vld [tilespmem:s16+$0x9D10];
	vm13 =	vge.s32 v19, v14;
	v18 =	vadd.s32 v22, v17;
	v22 =	vsel vm12, $0x1, v0  }
0x230: {  	vm14 =	vge.s32 v20, v14;
	v17 =	vld [tilespmem:s16+$0x9D20];
	v19 =	vadd.s32 v22, v18;
	v22 =	vsel vm13, $0x1, v0  }
0x231: {  	vm15 =	vge.s32 v21, v14;
	v18 =	vld [tilespmem:s16+$0x9D30];
	v20 =	vadd.s32 v22, v19;
	v22 =	vsel vm14, $0x1, v0  }
0x232: {  	s15 =	simm.s32 $0x280;
	v21 =	vsel vm15, $0x1, v0;
	v19 =	vld [tilespmem:s16+$0x9D40];
	v20 =	vadd.s32 v22, v20  }
.LBB2_36:
0x233: {  	s16 =	sshra.s32 s15, $0x2;
	p0 =	sne.s32 s15, $0x13740;
	s15 =	sadd.s32 $0x140, s15;
	vm0 =	vge.s32 v16, v14;
	v20 =	vadd.s32 v21, v20  }
.Ltmp17:
0x234: {  	v16 =	vld [tilespmem:s16+$0x9D00];
	v21 =	vsel vm0, $0x1, v0;
	vm0 =	vge.s32 v15, v14;
	(pc) =	sbr.rel @p0 .LBB2_36-.Ltmp17, $4  }
0x235: {  	v15 =	vld [tilespmem:s16+$0x9D10];
	v20 =	vadd.s32 v21, v20;
	v21 =	vsel vm0, $0x1, v0;
	vm0 =	vge.s32 v17, v14  }
0x236: {  	v17 =	vld [tilespmem:s16+$0x9D20];
	v20 =	vadd.s32 v21, v20;
	v21 =	vsel vm0, $0x1, v0;
	vm0 =	vge.s32 v18, v14  }
0x237: {  	v18 =	vld [tilespmem:s16+$0x9D30];
	v20 =	vadd.s32 v21, v20;
	v21 =	vsel vm0, $0x1, v0;
	vm0 =	vge.s32 v19, v14  }
0x238: {  	v19 =	vld [tilespmem:s16+$0x9D40];
	v20 =	vadd.s32 v21, v20;
	v21 =	vsel vm0, $0x1, v0  }
0x239: {  	vm0 =	vge.s32 v16, v14  }
0x23a: {  	v16 =	vadd.s32 v21, v20;
	v20 =	vsel vm0, $0x1, v0;
	vm6 =	vge.s32 v15, v14  }
0x23b: {  	v15 =	vadd.s32 v20, v16;
	v16 =	vsel vm6, $0x1, v0;
	vm7 =	vge.s32 v17, v14  }
0x23c: {  	v15 =	vadd.s32 v16, v15;
	v16 =	vsel vm7, $0x1, v0;
	vm8 =	vge.s32 v18, v14  }
0x23d: {  	v15 =	vadd.s32 v16, v15;
	v16 =	vsel vm8, $0x1, v0;
	vm9 =	vge.s32 v19, v14  }
0x23e: {  	v15 =	vadd.s32 v16, v15;
	v16 =	vsel vm9, $0x1, v0  }
0x23f: {  	v15 =	vadd.s32 v16, v15  }
0x240: {  	v16 =	vperm.xlane v15, v1;
	_ =	sdelay $0x1  }
0x241: {  	v15 =	vadd.s32 v15, v16  }
0x242: {  	v16 =	vperm.xlane v15, v2;
	_ =	sdelay $0x1  }
0x243: {  	v15 =	vadd.s32 v16, v15  }
0x244: {  	v16 =	vperm.xlane v15, v5;
	_ =	sdelay $0x1  }
0x245: {  	v15 =	vadd.s32 v16, v15  }
0x246: {  	s15 =	simm.s32 $0x0;
	v16 =	vperm.xlane v15, v6  }
0x247: {  	v17 =	vld [tilespmem:s15+$0x9D00]  }
0x248: {  	v18 =	vld [tilespmem:s15+$0x9D10];
	v15 =	vadd.s32 v16, v15  }
0x249: {  	v19 =	vld [tilespmem:s15+$0x9D20];
	vm10 =	vlt.s32 v15, v12  }
0x24a: {  	v20 =	vld [tilespmem:s15+$0x9D30];
	v13 =	vsel vm10, v13, v14  }
0x24b: {  	v21 =	vld [tilespmem:s15+$0x9D40];
	v14 =	vor.u32 $0x2000, v13  }
0x24c: {  	s16 =	simm.s32 $0x50;
	vm11 =	vge.s32 v17, v14  }
0x24d: {  	v16 =	vld [tilespmem:s16+$0x9D00];
	v17 =	vimm.s32 $0x0;
	vm12 =	vge.s32 v18, v14;
	v22 =	vsel vm11, $0x1, v0  }
0x24e: {  	v15 =	vld [tilespmem:s16+$0x9D10];
	vm13 =	vge.s32 v19, v14;
	v18 =	vadd.s32 v22, v17;
	v22 =	vsel vm12, $0x1, v0  }
0x24f: {  	vm14 =	vge.s32 v20, v14;
	v17 =	vld [tilespmem:s16+$0x9D20];
	v19 =	vadd.s32 v22, v18;
	v22 =	vsel vm13, $0x1, v0  }
0x250: {  	vm15 =	vge.s32 v21, v14;
	v18 =	vld [tilespmem:s16+$0x9D30];
	v20 =	vadd.s32 v22, v19;
	v22 =	vsel vm14, $0x1, v0  }
0x251: {  	s15 =	simm.s32 $0x280;
	v21 =	vsel vm15, $0x1, v0;
	v19 =	vld [tilespmem:s16+$0x9D40];
	v20 =	vadd.s32 v22, v20  }
.LBB2_38:
0x252: {  	s16 =	sshra.s32 s15, $0x2;
	p0 =	sne.s32 s15, $0x13740;
	s15 =	sadd.s32 $0x140, s15;
	vm0 =	vge.s32 v16, v14;
	v20 =	vadd.s32 v21, v20  }
.Ltmp18:
0x253: {  	v16 =	vld [tilespmem:s16+$0x9D00];
	v21 =	vsel vm0, $0x1, v0;
	vm0 =	vge.s32 v15, v14;
	(pc) =	sbr.rel @p0 .LBB2_38-.Ltmp18, $4  }
0x254: {  	v15 =	vld [tilespmem:s16+$0x9D10];
	v20 =	vadd.s32 v21, v20;
	v21 =	vsel vm0, $0x1, v0;
	vm0 =	vge.s32 v17, v14  }
0x255: {  	v17 =	vld [tilespmem:s16+$0x9D20];
	v20 =	vadd.s32 v21, v20;
	v21 =	vsel vm0, $0x1, v0;
	vm0 =	vge.s32 v18, v14  }
0x256: {  	v18 =	vld [tilespmem:s16+$0x9D30];
	v20 =	vadd.s32 v21, v20;
	v21 =	vsel vm0, $0x1, v0;
	vm0 =	vge.s32 v19, v14  }
0x257: {  	v19 =	vld [tilespmem:s16+$0x9D40];
	v20 =	vadd.s32 v21, v20;
	v21 =	vsel vm0, $0x1, v0  }
0x258: {  	vm0 =	vge.s32 v16, v14  }
0x259: {  	v16 =	vadd.s32 v21, v20;
	v20 =	vsel vm0, $0x1, v0;
	vm6 =	vge.s32 v15, v14  }
0x25a: {  	v15 =	vadd.s32 v20, v16;
	v16 =	vsel vm6, $0x1, v0;
	vm7 =	vge.s32 v17, v14  }
0x25b: {  	v15 =	vadd.s32 v16, v15;
	v16 =	vsel vm7, $0x1, v0;
	vm8 =	vge.s32 v18, v14  }
0x25c: {  	v15 =	vadd.s32 v16, v15;
	v16 =	vsel vm8, $0x1, v0;
	vm9 =	vge.s32 v19, v14  }
0x25d: {  	v15 =	vadd.s32 v16, v15;
	v16 =	vsel vm9, $0x1, v0  }
0x25e: {  	v15 =	vadd.s32 v16, v15  }
0x25f: {  	v16 =	vperm.xlane v15, v1;
	_ =	sdelay $0x1  }
0x260: {  	v15 =	vadd.s32 v15, v16  }
0x261: {  	v16 =	vperm.xlane v15, v2;
	_ =	sdelay $0x1  }
0x262: {  	v15 =	vadd.s32 v16, v15  }
0x263: {  	v16 =	vperm.xlane v15, v5;
	_ =	sdelay $0x1  }
0x264: {  	v15 =	vadd.s32 v16, v15  }
0x265: {  	s15 =	simm.s32 $0x0;
	v16 =	vperm.xlane v15, v6  }
0x266: {  	v17 =	vld [tilespmem:s15+$0x9D00]  }
0x267: {  	v18 =	vld [tilespmem:s15+$0x9D10];
	v15 =	vadd.s32 v16, v15  }
0x268: {  	v19 =	vld [tilespmem:s15+$0x9D20];
	vm10 =	vlt.s32 v15, v12  }
0x269: {  	v20 =	vld [tilespmem:s15+$0x9D30];
	v13 =	vsel vm10, v13, v14  }
0x26a: {  	v21 =	vld [tilespmem:s15+$0x9D40];
	v14 =	vor.u32 $0x1000, v13  }
0x26b: {  	s16 =	simm.s32 $0x50;
	vm11 =	vge.s32 v17, v14  }
0x26c: {  	v16 =	vld [tilespmem:s16+$0x9D00];
	v17 =	vimm.s32 $0x0;
	vm12 =	vge.s32 v18, v14;
	v22 =	vsel vm11, $0x1, v0  }
0x26d: {  	v15 =	vld [tilespmem:s16+$0x9D10];
	vm13 =	vge.s32 v19, v14;
	v18 =	vadd.s32 v22, v17;
	v22 =	vsel vm12, $0x1, v0  }
0x26e: {  	vm14 =	vge.s32 v20, v14;
	v17 =	vld [tilespmem:s16+$0x9D20];
	v19 =	vadd.s32 v22, v18;
	v22 =	vsel vm13, $0x1, v0  }
0x26f: {  	vm15 =	vge.s32 v21, v14;
	v18 =	vld [tilespmem:s16+$0x9D30];
	v20 =	vadd.s32 v22, v19;
	v22 =	vsel vm14, $0x1, v0  }
0x270: {  	s15 =	simm.s32 $0x280;
	v21 =	vsel vm15, $0x1, v0;
	v19 =	vld [tilespmem:s16+$0x9D40];
	v20 =	vadd.s32 v22, v20  }
.LBB2_40:
0x271: {  	s16 =	sshra.s32 s15, $0x2;
	p0 =	sne.s32 s15, $0x13740;
	s15 =	sadd.s32 $0x140, s15;
	vm0 =	vge.s32 v16, v14;
	v20 =	vadd.s32 v21, v20  }
.Ltmp19:
0x272: {  	v16 =	vld [tilespmem:s16+$0x9D00];
	v21 =	vsel vm0, $0x1, v0;
	vm0 =	vge.s32 v15, v14;
	(pc) =	sbr.rel @p0 .LBB2_40-.Ltmp19, $4  }
0x273: {  	v15 =	vld [tilespmem:s16+$0x9D10];
	v20 =	vadd.s32 v21, v20;
	v21 =	vsel vm0, $0x1, v0;
	vm0 =	vge.s32 v17, v14  }
0x274: {  	v17 =	vld [tilespmem:s16+$0x9D20];
	v20 =	vadd.s32 v21, v20;
	v21 =	vsel vm0, $0x1, v0;
	vm0 =	vge.s32 v18, v14  }
0x275: {  	v18 =	vld [tilespmem:s16+$0x9D30];
	v20 =	vadd.s32 v21, v20;
	v21 =	vsel vm0, $0x1, v0;
	vm0 =	vge.s32 v19, v14  }
0x276: {  	v19 =	vld [tilespmem:s16+$0x9D40];
	v20 =	vadd.s32 v21, v20;
	v21 =	vsel vm0, $0x1, v0  }
0x277: {  	vm0 =	vge.s32 v16, v14  }
0x278: {  	v16 =	vadd.s32 v21, v20;
	v20 =	vsel vm0, $0x1, v0;
	vm6 =	vge.s32 v15, v14  }
0x279: {  	v15 =	vadd.s32 v20, v16;
	v16 =	vsel vm6, $0x1, v0;
	vm7 =	vge.s32 v17, v14  }
0x27a: {  	v15 =	vadd.s32 v16, v15;
	v16 =	vsel vm7, $0x1, v0;
	vm8 =	vge.s32 v18, v14  }
0x27b: {  	v15 =	vadd.s32 v16, v15;
	v16 =	vsel vm8, $0x1, v0;
	vm9 =	vge.s32 v19, v14  }
0x27c: {  	v15 =	vadd.s32 v16, v15;
	v16 =	vsel vm9, $0x1, v0  }
0x27d: {  	v15 =	vadd.s32 v16, v15  }
0x27e: {  	v16 =	vperm.xlane v15, v1;
	_ =	sdelay $0x1  }
0x27f: {  	v15 =	vadd.s32 v15, v16  }
0x280: {  	v16 =	vperm.xlane v15, v2;
	_ =	sdelay $0x1  }
0x281: {  	v15 =	vadd.s32 v16, v15  }
0x282: {  	v16 =	vperm.xlane v15, v5;
	_ =	sdelay $0x1  }
0x283: {  	v15 =	vadd.s32 v16, v15  }
0x284: {  	s15 =	simm.s32 $0x0;
	v16 =	vperm.xlane v15, v6  }
0x285: {  	v17 =	vld [tilespmem:s15+$0x9D00]  }
0x286: {  	v18 =	vld [tilespmem:s15+$0x9D10];
	v15 =	vadd.s32 v16, v15  }
0x287: {  	v19 =	vld [tilespmem:s15+$0x9D20];
	vm10 =	vlt.s32 v15, v12  }
0x288: {  	v20 =	vld [tilespmem:s15+$0x9D30];
	v13 =	vsel vm10, v13, v14  }
0x289: {  	v21 =	vld [tilespmem:s15+$0x9D40];
	v14 =	vor.u32 $0x800, v13  }
0x28a: {  	s16 =	simm.s32 $0x50;
	vm11 =	vge.s32 v17, v14  }
0x28b: {  	v16 =	vld [tilespmem:s16+$0x9D00];
	v17 =	vimm.s32 $0x0;
	vm12 =	vge.s32 v18, v14;
	v22 =	vsel vm11, $0x1, v0  }
0x28c: {  	v15 =	vld [tilespmem:s16+$0x9D10];
	vm13 =	vge.s32 v19, v14;
	v18 =	vadd.s32 v22, v17;
	v22 =	vsel vm12, $0x1, v0  }
0x28d: {  	vm14 =	vge.s32 v20, v14;
	v17 =	vld [tilespmem:s16+$0x9D20];
	v19 =	vadd.s32 v22, v18;
	v22 =	vsel vm13, $0x1, v0  }
0x28e: {  	vm15 =	vge.s32 v21, v14;
	v18 =	vld [tilespmem:s16+$0x9D30];
	v20 =	vadd.s32 v22, v19;
	v22 =	vsel vm14, $0x1, v0  }
0x28f: {  	s15 =	simm.s32 $0x280;
	v21 =	vsel vm15, $0x1, v0;
	v19 =	vld [tilespmem:s16+$0x9D40];
	v20 =	vadd.s32 v22, v20  }
.LBB2_42:
0x290: {  	s16 =	sshra.s32 s15, $0x2;
	p0 =	sne.s32 s15, $0x13740;
	s15 =	sadd.s32 $0x140, s15;
	vm0 =	vge.s32 v16, v14;
	v20 =	vadd.s32 v21, v20  }
.Ltmp20:
0x291: {  	v16 =	vld [tilespmem:s16+$0x9D00];
	v21 =	vsel vm0, $0x1, v0;
	vm0 =	vge.s32 v15, v14;
	(pc) =	sbr.rel @p0 .LBB2_42-.Ltmp20, $4  }
0x292: {  	v15 =	vld [tilespmem:s16+$0x9D10];
	v20 =	vadd.s32 v21, v20;
	v21 =	vsel vm0, $0x1, v0;
	vm0 =	vge.s32 v17, v14  }
0x293: {  	v17 =	vld [tilespmem:s16+$0x9D20];
	v20 =	vadd.s32 v21, v20;
	v21 =	vsel vm0, $0x1, v0;
	vm0 =	vge.s32 v18, v14  }
0x294: {  	v18 =	vld [tilespmem:s16+$0x9D30];
	v20 =	vadd.s32 v21, v20;
	v21 =	vsel vm0, $0x1, v0;
	vm0 =	vge.s32 v19, v14  }
0x295: {  	v19 =	vld [tilespmem:s16+$0x9D40];
	v20 =	vadd.s32 v21, v20;
	v21 =	vsel vm0, $0x1, v0  }
0x296: {  	vm0 =	vge.s32 v16, v14  }
0x297: {  	v16 =	vadd.s32 v21, v20;
	v20 =	vsel vm0, $0x1, v0;
	vm6 =	vge.s32 v15, v14  }
0x298: {  	v15 =	vadd.s32 v20, v16;
	v16 =	vsel vm6, $0x1, v0;
	vm7 =	vge.s32 v17, v14  }
0x299: {  	v15 =	vadd.s32 v16, v15;
	v16 =	vsel vm7, $0x1, v0;
	vm8 =	vge.s32 v18, v14  }
0x29a: {  	v15 =	vadd.s32 v16, v15;
	v16 =	vsel vm8, $0x1, v0;
	vm9 =	vge.s32 v19, v14  }
0x29b: {  	v15 =	vadd.s32 v16, v15;
	v16 =	vsel vm9, $0x1, v0  }
0x29c: {  	v15 =	vadd.s32 v16, v15  }
0x29d: {  	v16 =	vperm.xlane v15, v1;
	_ =	sdelay $0x1  }
0x29e: {  	v15 =	vadd.s32 v15, v16  }
0x29f: {  	v16 =	vperm.xlane v15, v2;
	_ =	sdelay $0x1  }
0x2a0: {  	v15 =	vadd.s32 v16, v15  }
0x2a1: {  	v16 =	vperm.xlane v15, v5;
	_ =	sdelay $0x1  }
0x2a2: {  	v15 =	vadd.s32 v16, v15  }
0x2a3: {  	s15 =	simm.s32 $0x0;
	v16 =	vperm.xlane v15, v6  }
0x2a4: {  	v17 =	vld [tilespmem:s15+$0x9D00]  }
0x2a5: {  	v18 =	vld [tilespmem:s15+$0x9D10];
	v15 =	vadd.s32 v16, v15  }
0x2a6: {  	v19 =	vld [tilespmem:s15+$0x9D20];
	vm10 =	vlt.s32 v15, v12  }
0x2a7: {  	v20 =	vld [tilespmem:s15+$0x9D30];
	v13 =	vsel vm10, v13, v14  }
0x2a8: {  	v21 =	vld [tilespmem:s15+$0x9D40];
	v14 =	vor.u32 $0x400, v13  }
0x2a9: {  	s16 =	simm.s32 $0x50;
	vm11 =	vge.s32 v17, v14  }
0x2aa: {  	v16 =	vld [tilespmem:s16+$0x9D00];
	v17 =	vimm.s32 $0x0;
	vm12 =	vge.s32 v18, v14;
	v22 =	vsel vm11, $0x1, v0  }
0x2ab: {  	v15 =	vld [tilespmem:s16+$0x9D10];
	vm13 =	vge.s32 v19, v14;
	v18 =	vadd.s32 v22, v17;
	v22 =	vsel vm12, $0x1, v0  }
0x2ac: {  	vm14 =	vge.s32 v20, v14;
	v17 =	vld [tilespmem:s16+$0x9D20];
	v19 =	vadd.s32 v22, v18;
	v22 =	vsel vm13, $0x1, v0  }
0x2ad: {  	vm15 =	vge.s32 v21, v14;
	v18 =	vld [tilespmem:s16+$0x9D30];
	v20 =	vadd.s32 v22, v19;
	v22 =	vsel vm14, $0x1, v0  }
0x2ae: {  	s15 =	simm.s32 $0x280;
	v21 =	vsel vm15, $0x1, v0;
	v19 =	vld [tilespmem:s16+$0x9D40];
	v20 =	vadd.s32 v22, v20  }
.LBB2_44:
0x2af: {  	s16 =	sshra.s32 s15, $0x2;
	p0 =	sne.s32 s15, $0x13740;
	s15 =	sadd.s32 $0x140, s15;
	vm0 =	vge.s32 v16, v14;
	v20 =	vadd.s32 v21, v20  }
.Ltmp21:
0x2b0: {  	v16 =	vld [tilespmem:s16+$0x9D00];
	v21 =	vsel vm0, $0x1, v0;
	vm0 =	vge.s32 v15, v14;
	(pc) =	sbr.rel @p0 .LBB2_44-.Ltmp21, $4  }
0x2b1: {  	v15 =	vld [tilespmem:s16+$0x9D10];
	v20 =	vadd.s32 v21, v20;
	v21 =	vsel vm0, $0x1, v0;
	vm0 =	vge.s32 v17, v14  }
0x2b2: {  	v17 =	vld [tilespmem:s16+$0x9D20];
	v20 =	vadd.s32 v21, v20;
	v21 =	vsel vm0, $0x1, v0;
	vm0 =	vge.s32 v18, v14  }
0x2b3: {  	v18 =	vld [tilespmem:s16+$0x9D30];
	v20 =	vadd.s32 v21, v20;
	v21 =	vsel vm0, $0x1, v0;
	vm0 =	vge.s32 v19, v14  }
0x2b4: {  	v19 =	vld [tilespmem:s16+$0x9D40];
	v20 =	vadd.s32 v21, v20;
	v21 =	vsel vm0, $0x1, v0  }
0x2b5: {  	vm0 =	vge.s32 v16, v14  }
0x2b6: {  	v16 =	vadd.s32 v21, v20;
	v20 =	vsel vm0, $0x1, v0;
	vm6 =	vge.s32 v15, v14  }
0x2b7: {  	v15 =	vadd.s32 v20, v16;
	v16 =	vsel vm6, $0x1, v0;
	vm7 =	vge.s32 v17, v14  }
0x2b8: {  	v15 =	vadd.s32 v16, v15;
	v16 =	vsel vm7, $0x1, v0;
	vm8 =	vge.s32 v18, v14  }
0x2b9: {  	v15 =	vadd.s32 v16, v15;
	v16 =	vsel vm8, $0x1, v0;
	vm9 =	vge.s32 v19, v14  }
0x2ba: {  	v15 =	vadd.s32 v16, v15;
	v16 =	vsel vm9, $0x1, v0  }
0x2bb: {  	v15 =	vadd.s32 v16, v15  }
0x2bc: {  	v16 =	vperm.xlane v15, v1;
	_ =	sdelay $0x1  }
0x2bd: {  	v15 =	vadd.s32 v15, v16  }
0x2be: {  	v16 =	vperm.xlane v15, v2;
	_ =	sdelay $0x1  }
0x2bf: {  	v15 =	vadd.s32 v16, v15  }
0x2c0: {  	v16 =	vperm.xlane v15, v5;
	_ =	sdelay $0x1  }
0x2c1: {  	v15 =	vadd.s32 v16, v15  }
0x2c2: {  	s15 =	simm.s32 $0x0;
	v16 =	vperm.xlane v15, v6  }
0x2c3: {  	v17 =	vld [tilespmem:s15+$0x9D00]  }
0x2c4: {  	v18 =	vld [tilespmem:s15+$0x9D10];
	v15 =	vadd.s32 v16, v15  }
0x2c5: {  	v19 =	vld [tilespmem:s15+$0x9D20];
	vm10 =	vlt.s32 v15, v12  }
0x2c6: {  	v20 =	vld [tilespmem:s15+$0x9D30];
	v13 =	vsel vm10, v13, v14  }
0x2c7: {  	v21 =	vld [tilespmem:s15+$0x9D40];
	v14 =	vor.u32 $0x200, v13  }
0x2c8: {  	s16 =	simm.s32 $0x50;
	vm11 =	vge.s32 v17, v14  }
0x2c9: {  	v16 =	vld [tilespmem:s16+$0x9D00];
	v17 =	vimm.s32 $0x0;
	vm12 =	vge.s32 v18, v14;
	v22 =	vsel vm11, $0x1, v0  }
0x2ca: {  	v15 =	vld [tilespmem:s16+$0x9D10];
	vm13 =	vge.s32 v19, v14;
	v18 =	vadd.s32 v22, v17;
	v22 =	vsel vm12, $0x1, v0  }
0x2cb: {  	vm14 =	vge.s32 v20, v14;
	v17 =	vld [tilespmem:s16+$0x9D20];
	v19 =	vadd.s32 v22, v18;
	v22 =	vsel vm13, $0x1, v0  }
0x2cc: {  	vm15 =	vge.s32 v21, v14;
	v18 =	vld [tilespmem:s16+$0x9D30];
	v20 =	vadd.s32 v22, v19;
	v22 =	vsel vm14, $0x1, v0  }
0x2cd: {  	s15 =	simm.s32 $0x280;
	v21 =	vsel vm15, $0x1, v0;
	v19 =	vld [tilespmem:s16+$0x9D40];
	v20 =	vadd.s32 v22, v20  }
.LBB2_46:
0x2ce: {  	s16 =	sshra.s32 s15, $0x2;
	p0 =	sne.s32 s15, $0x13740;
	s15 =	sadd.s32 $0x140, s15;
	vm0 =	vge.s32 v16, v14;
	v20 =	vadd.s32 v21, v20  }
.Ltmp22:
0x2cf: {  	v16 =	vld [tilespmem:s16+$0x9D00];
	v21 =	vsel vm0, $0x1, v0;
	vm0 =	vge.s32 v15, v14;
	(pc) =	sbr.rel @p0 .LBB2_46-.Ltmp22, $4  }
0x2d0: {  	v15 =	vld [tilespmem:s16+$0x9D10];
	v20 =	vadd.s32 v21, v20;
	v21 =	vsel vm0, $0x1, v0;
	vm0 =	vge.s32 v17, v14  }
0x2d1: {  	v17 =	vld [tilespmem:s16+$0x9D20];
	v20 =	vadd.s32 v21, v20;
	v21 =	vsel vm0, $0x1, v0;
	vm0 =	vge.s32 v18, v14  }
0x2d2: {  	v18 =	vld [tilespmem:s16+$0x9D30];
	v20 =	vadd.s32 v21, v20;
	v21 =	vsel vm0, $0x1, v0;
	vm0 =	vge.s32 v19, v14  }
0x2d3: {  	v19 =	vld [tilespmem:s16+$0x9D40];
	v20 =	vadd.s32 v21, v20;
	v21 =	vsel vm0, $0x1, v0  }
0x2d4: {  	vm0 =	vge.s32 v16, v14  }
0x2d5: {  	v16 =	vadd.s32 v21, v20;
	v20 =	vsel vm0, $0x1, v0;
	vm6 =	vge.s32 v15, v14  }
0x2d6: {  	v15 =	vadd.s32 v20, v16;
	v16 =	vsel vm6, $0x1, v0;
	vm7 =	vge.s32 v17, v14  }
0x2d7: {  	v15 =	vadd.s32 v16, v15;
	v16 =	vsel vm7, $0x1, v0;
	vm8 =	vge.s32 v18, v14  }
0x2d8: {  	v15 =	vadd.s32 v16, v15;
	v16 =	vsel vm8, $0x1, v0;
	vm9 =	vge.s32 v19, v14  }
0x2d9: {  	v15 =	vadd.s32 v16, v15;
	v16 =	vsel vm9, $0x1, v0  }
0x2da: {  	v15 =	vadd.s32 v16, v15  }
0x2db: {  	v16 =	vperm.xlane v15, v1;
	_ =	sdelay $0x1  }
0x2dc: {  	v15 =	vadd.s32 v15, v16  }
0x2dd: {  	v16 =	vperm.xlane v15, v2;
	_ =	sdelay $0x1  }
0x2de: {  	v15 =	vadd.s32 v16, v15  }
0x2df: {  	v16 =	vperm.xlane v15, v5;
	_ =	sdelay $0x1  }
0x2e0: {  	v15 =	vadd.s32 v16, v15  }
0x2e1: {  	s15 =	simm.s32 $0x0;
	v16 =	vperm.xlane v15, v6  }
0x2e2: {  	v17 =	vld [tilespmem:s15+$0x9D00]  }
0x2e3: {  	v18 =	vld [tilespmem:s15+$0x9D10];
	v15 =	vadd.s32 v16, v15  }
0x2e4: {  	v19 =	vld [tilespmem:s15+$0x9D20];
	vm10 =	vlt.s32 v15, v12  }
0x2e5: {  	v20 =	vld [tilespmem:s15+$0x9D30];
	v13 =	vsel vm10, v13, v14  }
0x2e6: {  	v21 =	vld [tilespmem:s15+$0x9D40];
	v14 =	vor.u32 $0x100, v13  }
0x2e7: {  	s16 =	simm.s32 $0x50;
	vm11 =	vge.s32 v17, v14  }
0x2e8: {  	v16 =	vld [tilespmem:s16+$0x9D00];
	v17 =	vimm.s32 $0x0;
	vm12 =	vge.s32 v18, v14;
	v22 =	vsel vm11, $0x1, v0  }
0x2e9: {  	v15 =	vld [tilespmem:s16+$0x9D10];
	vm13 =	vge.s32 v19, v14;
	v18 =	vadd.s32 v22, v17;
	v22 =	vsel vm12, $0x1, v0  }
0x2ea: {  	vm14 =	vge.s32 v20, v14;
	v17 =	vld [tilespmem:s16+$0x9D20];
	v19 =	vadd.s32 v22, v18;
	v22 =	vsel vm13, $0x1, v0  }
0x2eb: {  	vm15 =	vge.s32 v21, v14;
	v18 =	vld [tilespmem:s16+$0x9D30];
	v20 =	vadd.s32 v22, v19;
	v22 =	vsel vm14, $0x1, v0  }
0x2ec: {  	s15 =	simm.s32 $0x280;
	v21 =	vsel vm15, $0x1, v0;
	v19 =	vld [tilespmem:s16+$0x9D40];
	v20 =	vadd.s32 v22, v20  }
.LBB2_48:
0x2ed: {  	s16 =	sshra.s32 s15, $0x2;
	p0 =	sne.s32 s15, $0x13740;
	s15 =	sadd.s32 $0x140, s15;
	vm0 =	vge.s32 v16, v14;
	v20 =	vadd.s32 v21, v20  }
.Ltmp23:
0x2ee: {  	v16 =	vld [tilespmem:s16+$0x9D00];
	v21 =	vsel vm0, $0x1, v0;
	vm0 =	vge.s32 v15, v14;
	(pc) =	sbr.rel @p0 .LBB2_48-.Ltmp23, $4  }
0x2ef: {  	v15 =	vld [tilespmem:s16+$0x9D10];
	v20 =	vadd.s32 v21, v20;
	v21 =	vsel vm0, $0x1, v0;
	vm0 =	vge.s32 v17, v14  }
0x2f0: {  	v17 =	vld [tilespmem:s16+$0x9D20];
	v20 =	vadd.s32 v21, v20;
	v21 =	vsel vm0, $0x1, v0;
	vm0 =	vge.s32 v18, v14  }
0x2f1: {  	v18 =	vld [tilespmem:s16+$0x9D30];
	v20 =	vadd.s32 v21, v20;
	v21 =	vsel vm0, $0x1, v0;
	vm0 =	vge.s32 v19, v14  }
0x2f2: {  	v19 =	vld [tilespmem:s16+$0x9D40];
	v20 =	vadd.s32 v21, v20;
	v21 =	vsel vm0, $0x1, v0  }
0x2f3: {  	vm0 =	vge.s32 v16, v14  }
0x2f4: {  	v16 =	vadd.s32 v21, v20;
	v20 =	vsel vm0, $0x1, v0;
	vm6 =	vge.s32 v15, v14  }
0x2f5: {  	v15 =	vadd.s32 v20, v16;
	v16 =	vsel vm6, $0x1, v0;
	vm7 =	vge.s32 v17, v14  }
0x2f6: {  	v15 =	vadd.s32 v16, v15;
	v16 =	vsel vm7, $0x1, v0;
	vm8 =	vge.s32 v18, v14  }
0x2f7: {  	v15 =	vadd.s32 v16, v15;
	v16 =	vsel vm8, $0x1, v0;
	vm9 =	vge.s32 v19, v14  }
0x2f8: {  	v15 =	vadd.s32 v16, v15;
	v16 =	vsel vm9, $0x1, v0  }
0x2f9: {  	v15 =	vadd.s32 v16, v15  }
0x2fa: {  	v16 =	vperm.xlane v15, v1;
	_ =	sdelay $0x1  }
0x2fb: {  	v15 =	vadd.s32 v15, v16  }
0x2fc: {  	v16 =	vperm.xlane v15, v2;
	_ =	sdelay $0x1  }
0x2fd: {  	v15 =	vadd.s32 v16, v15  }
0x2fe: {  	v16 =	vperm.xlane v15, v5;
	_ =	sdelay $0x1  }
0x2ff: {  	v15 =	vadd.s32 v16, v15  }
0x300: {  	s15 =	simm.s32 $0x0;
	v16 =	vperm.xlane v15, v6  }
0x301: {  	v17 =	vld [tilespmem:s15+$0x9D00]  }
0x302: {  	v18 =	vld [tilespmem:s15+$0x9D10];
	v15 =	vadd.s32 v16, v15  }
0x303: {  	v19 =	vld [tilespmem:s15+$0x9D20];
	vm10 =	vlt.s32 v15, v12  }
0x304: {  	v20 =	vld [tilespmem:s15+$0x9D30];
	v13 =	vsel vm10, v13, v14  }
0x305: {  	v21 =	vld [tilespmem:s15+$0x9D40];
	v14 =	vor.u32 $0x80, v13  }
0x306: {  	s16 =	simm.s32 $0x50;
	vm11 =	vge.s32 v17, v14  }
0x307: {  	v16 =	vld [tilespmem:s16+$0x9D00];
	v17 =	vimm.s32 $0x0;
	vm12 =	vge.s32 v18, v14;
	v22 =	vsel vm11, $0x1, v0  }
0x308: {  	v15 =	vld [tilespmem:s16+$0x9D10];
	vm13 =	vge.s32 v19, v14;
	v18 =	vadd.s32 v22, v17;
	v22 =	vsel vm12, $0x1, v0  }
0x309: {  	vm14 =	vge.s32 v20, v14;
	v17 =	vld [tilespmem:s16+$0x9D20];
	v19 =	vadd.s32 v22, v18;
	v22 =	vsel vm13, $0x1, v0  }
0x30a: {  	vm15 =	vge.s32 v21, v14;
	v18 =	vld [tilespmem:s16+$0x9D30];
	v20 =	vadd.s32 v22, v19;
	v22 =	vsel vm14, $0x1, v0  }
0x30b: {  	s15 =	simm.s32 $0x280;
	v21 =	vsel vm15, $0x1, v0;
	v19 =	vld [tilespmem:s16+$0x9D40];
	v20 =	vadd.s32 v22, v20  }
.LBB2_50:
0x30c: {  	s16 =	sshra.s32 s15, $0x2;
	p0 =	sne.s32 s15, $0x13740;
	s15 =	sadd.s32 $0x140, s15;
	vm0 =	vge.s32 v16, v14;
	v20 =	vadd.s32 v21, v20  }
.Ltmp24:
0x30d: {  	v16 =	vld [tilespmem:s16+$0x9D00];
	v21 =	vsel vm0, $0x1, v0;
	vm0 =	vge.s32 v15, v14;
	(pc) =	sbr.rel @p0 .LBB2_50-.Ltmp24, $4  }
0x30e: {  	v15 =	vld [tilespmem:s16+$0x9D10];
	v20 =	vadd.s32 v21, v20;
	v21 =	vsel vm0, $0x1, v0;
	vm0 =	vge.s32 v17, v14  }
0x30f: {  	v17 =	vld [tilespmem:s16+$0x9D20];
	v20 =	vadd.s32 v21, v20;
	v21 =	vsel vm0, $0x1, v0;
	vm0 =	vge.s32 v18, v14  }
0x310: {  	v18 =	vld [tilespmem:s16+$0x9D30];
	v20 =	vadd.s32 v21, v20;
	v21 =	vsel vm0, $0x1, v0;
	vm0 =	vge.s32 v19, v14  }
0x311: {  	v19 =	vld [tilespmem:s16+$0x9D40];
	v20 =	vadd.s32 v21, v20;
	v21 =	vsel vm0, $0x1, v0  }
0x312: {  	vm0 =	vge.s32 v16, v14  }
0x313: {  	v16 =	vadd.s32 v21, v20;
	v20 =	vsel vm0, $0x1, v0;
	vm6 =	vge.s32 v15, v14  }
0x314: {  	v15 =	vadd.s32 v20, v16;
	v16 =	vsel vm6, $0x1, v0;
	vm7 =	vge.s32 v17, v14  }
0x315: {  	v15 =	vadd.s32 v16, v15;
	v16 =	vsel vm7, $0x1, v0;
	vm8 =	vge.s32 v18, v14  }
0x316: {  	v15 =	vadd.s32 v16, v15;
	v16 =	vsel vm8, $0x1, v0;
	vm9 =	vge.s32 v19, v14  }
0x317: {  	v15 =	vadd.s32 v16, v15;
	v16 =	vsel vm9, $0x1, v0  }
0x318: {  	v15 =	vadd.s32 v16, v15  }
0x319: {  	v16 =	vperm.xlane v15, v1;
	_ =	sdelay $0x1  }
0x31a: {  	v15 =	vadd.s32 v15, v16  }
0x31b: {  	v16 =	vperm.xlane v15, v2;
	_ =	sdelay $0x1  }
0x31c: {  	v15 =	vadd.s32 v16, v15  }
0x31d: {  	v16 =	vperm.xlane v15, v5;
	_ =	sdelay $0x1  }
0x31e: {  	v15 =	vadd.s32 v16, v15  }
0x31f: {  	s15 =	simm.s32 $0x0;
	v16 =	vperm.xlane v15, v6  }
0x320: {  	v17 =	vld [tilespmem:s15+$0x9D00]  }
0x321: {  	v18 =	vld [tilespmem:s15+$0x9D10];
	v15 =	vadd.s32 v16, v15  }
0x322: {  	v19 =	vld [tilespmem:s15+$0x9D20];
	vm10 =	vlt.s32 v15, v12  }
0x323: {  	v20 =	vld [tilespmem:s15+$0x9D30];
	v13 =	vsel vm10, v13, v14  }
0x324: {  	v21 =	vld [tilespmem:s15+$0x9D40];
	v14 =	vor.u32 $0x40, v13  }
0x325: {  	s16 =	simm.s32 $0x50;
	vm11 =	vge.s32 v17, v14  }
0x326: {  	v16 =	vld [tilespmem:s16+$0x9D00];
	v17 =	vimm.s32 $0x0;
	vm12 =	vge.s32 v18, v14;
	v22 =	vsel vm11, $0x1, v0  }
0x327: {  	v15 =	vld [tilespmem:s16+$0x9D10];
	vm13 =	vge.s32 v19, v14;
	v18 =	vadd.s32 v22, v17;
	v22 =	vsel vm12, $0x1, v0  }
0x328: {  	vm14 =	vge.s32 v20, v14;
	v17 =	vld [tilespmem:s16+$0x9D20];
	v19 =	vadd.s32 v22, v18;
	v22 =	vsel vm13, $0x1, v0  }
0x329: {  	vm15 =	vge.s32 v21, v14;
	v18 =	vld [tilespmem:s16+$0x9D30];
	v20 =	vadd.s32 v22, v19;
	v22 =	vsel vm14, $0x1, v0  }
0x32a: {  	s15 =	simm.s32 $0x280;
	v21 =	vsel vm15, $0x1, v0;
	v19 =	vld [tilespmem:s16+$0x9D40];
	v20 =	vadd.s32 v22, v20  }
.LBB2_52:
0x32b: {  	s16 =	sshra.s32 s15, $0x2;
	p0 =	sne.s32 s15, $0x13740;
	s15 =	sadd.s32 $0x140, s15;
	vm0 =	vge.s32 v16, v14;
	v20 =	vadd.s32 v21, v20  }
.Ltmp25:
0x32c: {  	v16 =	vld [tilespmem:s16+$0x9D00];
	v21 =	vsel vm0, $0x1, v0;
	vm0 =	vge.s32 v15, v14;
	(pc) =	sbr.rel @p0 .LBB2_52-.Ltmp25, $4  }
0x32d: {  	v15 =	vld [tilespmem:s16+$0x9D10];
	v20 =	vadd.s32 v21, v20;
	v21 =	vsel vm0, $0x1, v0;
	vm0 =	vge.s32 v17, v14  }
0x32e: {  	v17 =	vld [tilespmem:s16+$0x9D20];
	v20 =	vadd.s32 v21, v20;
	v21 =	vsel vm0, $0x1, v0;
	vm0 =	vge.s32 v18, v14  }
0x32f: {  	v18 =	vld [tilespmem:s16+$0x9D30];
	v20 =	vadd.s32 v21, v20;
	v21 =	vsel vm0, $0x1, v0;
	vm0 =	vge.s32 v19, v14  }
0x330: {  	v19 =	vld [tilespmem:s16+$0x9D40];
	v20 =	vadd.s32 v21, v20;
	v21 =	vsel vm0, $0x1, v0  }
0x331: {  	vm0 =	vge.s32 v16, v14  }
0x332: {  	v16 =	vadd.s32 v21, v20;
	v20 =	vsel vm0, $0x1, v0;
	vm6 =	vge.s32 v15, v14  }
0x333: {  	v15 =	vadd.s32 v20, v16;
	v16 =	vsel vm6, $0x1, v0;
	vm7 =	vge.s32 v17, v14  }
0x334: {  	v15 =	vadd.s32 v16, v15;
	v16 =	vsel vm7, $0x1, v0;
	vm8 =	vge.s32 v18, v14  }
0x335: {  	v15 =	vadd.s32 v16, v15;
	v16 =	vsel vm8, $0x1, v0;
	vm9 =	vge.s32 v19, v14  }
0x336: {  	v15 =	vadd.s32 v16, v15;
	v16 =	vsel vm9, $0x1, v0  }
0x337: {  	v15 =	vadd.s32 v16, v15  }
0x338: {  	v16 =	vperm.xlane v15, v1;
	_ =	sdelay $0x1  }
0x339: {  	v15 =	vadd.s32 v15, v16  }
0x33a: {  	v16 =	vperm.xlane v15, v2;
	_ =	sdelay $0x1  }
0x33b: {  	v15 =	vadd.s32 v16, v15  }
0x33c: {  	v16 =	vperm.xlane v15, v5;
	_ =	sdelay $0x1  }
0x33d: {  	v15 =	vadd.s32 v16, v15  }
0x33e: {  	s15 =	simm.s32 $0x0;
	v16 =	vperm.xlane v15, v6  }
0x33f: {  	v17 =	vld [tilespmem:s15+$0x9D00]  }
0x340: {  	v18 =	vld [tilespmem:s15+$0x9D10];
	v15 =	vadd.s32 v16, v15  }
0x341: {  	v19 =	vld [tilespmem:s15+$0x9D20];
	vm10 =	vlt.s32 v15, v12  }
0x342: {  	v20 =	vld [tilespmem:s15+$0x9D30];
	v13 =	vsel vm10, v13, v14  }
0x343: {  	v21 =	vld [tilespmem:s15+$0x9D40];
	v14 =	vor.u32 $0x20, v13  }
0x344: {  	s16 =	simm.s32 $0x50;
	vm11 =	vge.s32 v17, v14  }
0x345: {  	v16 =	vld [tilespmem:s16+$0x9D00];
	v17 =	vimm.s32 $0x0;
	vm12 =	vge.s32 v18, v14;
	v22 =	vsel vm11, $0x1, v0  }
0x346: {  	v15 =	vld [tilespmem:s16+$0x9D10];
	vm13 =	vge.s32 v19, v14;
	v18 =	vadd.s32 v22, v17;
	v22 =	vsel vm12, $0x1, v0  }
0x347: {  	vm14 =	vge.s32 v20, v14;
	v17 =	vld [tilespmem:s16+$0x9D20];
	v19 =	vadd.s32 v22, v18;
	v22 =	vsel vm13, $0x1, v0  }
0x348: {  	vm15 =	vge.s32 v21, v14;
	v18 =	vld [tilespmem:s16+$0x9D30];
	v20 =	vadd.s32 v22, v19;
	v22 =	vsel vm14, $0x1, v0  }
0x349: {  	s15 =	simm.s32 $0x280;
	v21 =	vsel vm15, $0x1, v0;
	v19 =	vld [tilespmem:s16+$0x9D40];
	v20 =	vadd.s32 v22, v20  }
.LBB2_54:
0x34a: {  	s16 =	sshra.s32 s15, $0x2;
	p0 =	sne.s32 s15, $0x13740;
	s15 =	sadd.s32 $0x140, s15;
	vm0 =	vge.s32 v16, v14;
	v20 =	vadd.s32 v21, v20  }
.Ltmp26:
0x34b: {  	v16 =	vld [tilespmem:s16+$0x9D00];
	v21 =	vsel vm0, $0x1, v0;
	vm0 =	vge.s32 v15, v14;
	(pc) =	sbr.rel @p0 .LBB2_54-.Ltmp26, $4  }
0x34c: {  	v15 =	vld [tilespmem:s16+$0x9D10];
	v20 =	vadd.s32 v21, v20;
	v21 =	vsel vm0, $0x1, v0;
	vm0 =	vge.s32 v17, v14  }
0x34d: {  	v17 =	vld [tilespmem:s16+$0x9D20];
	v20 =	vadd.s32 v21, v20;
	v21 =	vsel vm0, $0x1, v0;
	vm0 =	vge.s32 v18, v14  }
0x34e: {  	v18 =	vld [tilespmem:s16+$0x9D30];
	v20 =	vadd.s32 v21, v20;
	v21 =	vsel vm0, $0x1, v0;
	vm0 =	vge.s32 v19, v14  }
0x34f: {  	v19 =	vld [tilespmem:s16+$0x9D40];
	v20 =	vadd.s32 v21, v20;
	v21 =	vsel vm0, $0x1, v0  }
0x350: {  	vm0 =	vge.s32 v16, v14  }
0x351: {  	v16 =	vadd.s32 v21, v20;
	v20 =	vsel vm0, $0x1, v0;
	vm6 =	vge.s32 v15, v14  }
0x352: {  	v15 =	vadd.s32 v20, v16;
	v16 =	vsel vm6, $0x1, v0;
	vm7 =	vge.s32 v17, v14  }
0x353: {  	v15 =	vadd.s32 v16, v15;
	v16 =	vsel vm7, $0x1, v0;
	vm8 =	vge.s32 v18, v14  }
0x354: {  	v15 =	vadd.s32 v16, v15;
	v16 =	vsel vm8, $0x1, v0;
	vm9 =	vge.s32 v19, v14  }
0x355: {  	v15 =	vadd.s32 v16, v15;
	v16 =	vsel vm9, $0x1, v0  }
0x356: {  	v15 =	vadd.s32 v16, v15  }
0x357: {  	v16 =	vperm.xlane v15, v1;
	_ =	sdelay $0x1  }
0x358: {  	v15 =	vadd.s32 v15, v16  }
0x359: {  	v16 =	vperm.xlane v15, v2;
	_ =	sdelay $0x1  }
0x35a: {  	v15 =	vadd.s32 v16, v15  }
0x35b: {  	v16 =	vperm.xlane v15, v5;
	_ =	sdelay $0x1  }
0x35c: {  	v15 =	vadd.s32 v16, v15  }
0x35d: {  	s15 =	simm.s32 $0x0;
	v16 =	vperm.xlane v15, v6  }
0x35e: {  	v17 =	vld [tilespmem:s15+$0x9D00]  }
0x35f: {  	v18 =	vld [tilespmem:s15+$0x9D10];
	v15 =	vadd.s32 v16, v15  }
0x360: {  	v19 =	vld [tilespmem:s15+$0x9D20];
	vm10 =	vlt.s32 v15, v12  }
0x361: {  	v20 =	vld [tilespmem:s15+$0x9D30];
	v13 =	vsel vm10, v13, v14  }
0x362: {  	v21 =	vld [tilespmem:s15+$0x9D40];
	v14 =	vor.u32 $0x10, v13  }
0x363: {  	s16 =	simm.s32 $0x50;
	vm11 =	vge.s32 v17, v14  }
0x364: {  	v16 =	vld [tilespmem:s16+$0x9D00];
	v17 =	vimm.s32 $0x0;
	vm12 =	vge.s32 v18, v14;
	v22 =	vsel vm11, $0x1, v0  }
0x365: {  	v15 =	vld [tilespmem:s16+$0x9D10];
	vm13 =	vge.s32 v19, v14;
	v18 =	vadd.s32 v22, v17;
	v22 =	vsel vm12, $0x1, v0  }
0x366: {  	vm14 =	vge.s32 v20, v14;
	v17 =	vld [tilespmem:s16+$0x9D20];
	v19 =	vadd.s32 v22, v18;
	v22 =	vsel vm13, $0x1, v0  }
0x367: {  	vm15 =	vge.s32 v21, v14;
	v18 =	vld [tilespmem:s16+$0x9D30];
	v20 =	vadd.s32 v22, v19;
	v22 =	vsel vm14, $0x1, v0  }
0x368: {  	s15 =	simm.s32 $0x280;
	v21 =	vsel vm15, $0x1, v0;
	v19 =	vld [tilespmem:s16+$0x9D40];
	v20 =	vadd.s32 v22, v20  }
.LBB2_56:
0x369: {  	s16 =	sshra.s32 s15, $0x2;
	p0 =	sne.s32 s15, $0x13740;
	s15 =	sadd.s32 $0x140, s15;
	vm0 =	vge.s32 v16, v14;
	v20 =	vadd.s32 v21, v20  }
.Ltmp27:
0x36a: {  	v16 =	vld [tilespmem:s16+$0x9D00];
	v21 =	vsel vm0, $0x1, v0;
	vm0 =	vge.s32 v15, v14;
	(pc) =	sbr.rel @p0 .LBB2_56-.Ltmp27, $4  }
0x36b: {  	v15 =	vld [tilespmem:s16+$0x9D10];
	v20 =	vadd.s32 v21, v20;
	v21 =	vsel vm0, $0x1, v0;
	vm0 =	vge.s32 v17, v14  }
0x36c: {  	v17 =	vld [tilespmem:s16+$0x9D20];
	v20 =	vadd.s32 v21, v20;
	v21 =	vsel vm0, $0x1, v0;
	vm0 =	vge.s32 v18, v14  }
0x36d: {  	v18 =	vld [tilespmem:s16+$0x9D30];
	v20 =	vadd.s32 v21, v20;
	v21 =	vsel vm0, $0x1, v0;
	vm0 =	vge.s32 v19, v14  }
0x36e: {  	v19 =	vld [tilespmem:s16+$0x9D40];
	v20 =	vadd.s32 v21, v20;
	v21 =	vsel vm0, $0x1, v0  }
0x36f: {  	vm0 =	vge.s32 v16, v14  }
0x370: {  	v16 =	vadd.s32 v21, v20;
	v20 =	vsel vm0, $0x1, v0;
	vm6 =	vge.s32 v15, v14  }
0x371: {  	v15 =	vadd.s32 v20, v16;
	v16 =	vsel vm6, $0x1, v0;
	vm7 =	vge.s32 v17, v14  }
0x372: {  	v15 =	vadd.s32 v16, v15;
	v16 =	vsel vm7, $0x1, v0;
	vm8 =	vge.s32 v18, v14  }
0x373: {  	v15 =	vadd.s32 v16, v15;
	v16 =	vsel vm8, $0x1, v0;
	vm9 =	vge.s32 v19, v14  }
0x374: {  	v15 =	vadd.s32 v16, v15;
	v16 =	vsel vm9, $0x1, v0  }
0x375: {  	v15 =	vadd.s32 v16, v15  }
0x376: {  	v16 =	vperm.xlane v15, v1;
	_ =	sdelay $0x1  }
0x377: {  	v15 =	vadd.s32 v15, v16  }
0x378: {  	v16 =	vperm.xlane v15, v2;
	_ =	sdelay $0x1  }
0x379: {  	v15 =	vadd.s32 v16, v15  }
0x37a: {  	v16 =	vperm.xlane v15, v5;
	_ =	sdelay $0x1  }
0x37b: {  	v15 =	vadd.s32 v16, v15  }
0x37c: {  	s15 =	simm.s32 $0x0;
	v16 =	vperm.xlane v15, v6  }
0x37d: {  	v17 =	vld [tilespmem:s15+$0x9D00]  }
0x37e: {  	v18 =	vld [tilespmem:s15+$0x9D10];
	v15 =	vadd.s32 v16, v15  }
0x37f: {  	v19 =	vld [tilespmem:s15+$0x9D20];
	vm10 =	vlt.s32 v15, v12  }
0x380: {  	v20 =	vld [tilespmem:s15+$0x9D30];
	v13 =	vsel vm10, v13, v14  }
0x381: {  	v21 =	vld [tilespmem:s15+$0x9D40];
	v14 =	vor.u32 $0x8, v13  }
0x382: {  	s16 =	simm.s32 $0x50;
	vm11 =	vge.s32 v17, v14  }
0x383: {  	v16 =	vld [tilespmem:s16+$0x9D00];
	v17 =	vimm.s32 $0x0;
	vm12 =	vge.s32 v18, v14;
	v22 =	vsel vm11, $0x1, v0  }
0x384: {  	v15 =	vld [tilespmem:s16+$0x9D10];
	vm13 =	vge.s32 v19, v14;
	v18 =	vadd.s32 v22, v17;
	v22 =	vsel vm12, $0x1, v0  }
0x385: {  	vm14 =	vge.s32 v20, v14;
	v17 =	vld [tilespmem:s16+$0x9D20];
	v19 =	vadd.s32 v22, v18;
	v22 =	vsel vm13, $0x1, v0  }
0x386: {  	vm15 =	vge.s32 v21, v14;
	v18 =	vld [tilespmem:s16+$0x9D30];
	v20 =	vadd.s32 v22, v19;
	v22 =	vsel vm14, $0x1, v0  }
0x387: {  	s15 =	simm.s32 $0x280;
	v21 =	vsel vm15, $0x1, v0;
	v19 =	vld [tilespmem:s16+$0x9D40];
	v20 =	vadd.s32 v22, v20  }
.LBB2_58:
0x388: {  	s16 =	sshra.s32 s15, $0x2;
	p0 =	sne.s32 s15, $0x13740;
	s15 =	sadd.s32 $0x140, s15;
	vm0 =	vge.s32 v16, v14;
	v20 =	vadd.s32 v21, v20  }
.Ltmp28:
0x389: {  	v16 =	vld [tilespmem:s16+$0x9D00];
	v21 =	vsel vm0, $0x1, v0;
	vm0 =	vge.s32 v15, v14;
	(pc) =	sbr.rel @p0 .LBB2_58-.Ltmp28, $4  }
0x38a: {  	v15 =	vld [tilespmem:s16+$0x9D10];
	v20 =	vadd.s32 v21, v20;
	v21 =	vsel vm0, $0x1, v0;
	vm0 =	vge.s32 v17, v14  }
0x38b: {  	v17 =	vld [tilespmem:s16+$0x9D20];
	v20 =	vadd.s32 v21, v20;
	v21 =	vsel vm0, $0x1, v0;
	vm0 =	vge.s32 v18, v14  }
0x38c: {  	v18 =	vld [tilespmem:s16+$0x9D30];
	v20 =	vadd.s32 v21, v20;
	v21 =	vsel vm0, $0x1, v0;
	vm0 =	vge.s32 v19, v14  }
0x38d: {  	v19 =	vld [tilespmem:s16+$0x9D40];
	v20 =	vadd.s32 v21, v20;
	v21 =	vsel vm0, $0x1, v0  }
0x38e: {  	vm0 =	vge.s32 v16, v14  }
0x38f: {  	v16 =	vadd.s32 v21, v20;
	v20 =	vsel vm0, $0x1, v0;
	vm6 =	vge.s32 v15, v14  }
0x390: {  	v15 =	vadd.s32 v20, v16;
	v16 =	vsel vm6, $0x1, v0;
	vm7 =	vge.s32 v17, v14  }
0x391: {  	v15 =	vadd.s32 v16, v15;
	v16 =	vsel vm7, $0x1, v0;
	vm8 =	vge.s32 v18, v14  }
0x392: {  	v15 =	vadd.s32 v16, v15;
	v16 =	vsel vm8, $0x1, v0;
	vm9 =	vge.s32 v19, v14  }
0x393: {  	v15 =	vadd.s32 v16, v15;
	v16 =	vsel vm9, $0x1, v0  }
0x394: {  	v15 =	vadd.s32 v16, v15  }
0x395: {  	v16 =	vperm.xlane v15, v1;
	_ =	sdelay $0x1  }
0x396: {  	v15 =	vadd.s32 v15, v16  }
0x397: {  	v16 =	vperm.xlane v15, v2;
	_ =	sdelay $0x1  }
0x398: {  	v15 =	vadd.s32 v16, v15  }
0x399: {  	v16 =	vperm.xlane v15, v5;
	_ =	sdelay $0x1  }
0x39a: {  	v15 =	vadd.s32 v16, v15  }
0x39b: {  	s15 =	simm.s32 $0x0;
	v16 =	vperm.xlane v15, v6  }
0x39c: {  	v17 =	vld [tilespmem:s15+$0x9D00]  }
0x39d: {  	v18 =	vld [tilespmem:s15+$0x9D10];
	v15 =	vadd.s32 v16, v15  }
0x39e: {  	v19 =	vld [tilespmem:s15+$0x9D20];
	vm10 =	vlt.s32 v15, v12  }
0x39f: {  	v20 =	vld [tilespmem:s15+$0x9D30];
	v13 =	vsel vm10, v13, v14  }
0x3a0: {  	v21 =	vld [tilespmem:s15+$0x9D40];
	v14 =	vor.u32 $0x4, v13  }
0x3a1: {  	s16 =	simm.s32 $0x50;
	vm11 =	vge.s32 v17, v14  }
0x3a2: {  	v16 =	vld [tilespmem:s16+$0x9D00];
	v17 =	vimm.s32 $0x0;
	vm12 =	vge.s32 v18, v14;
	v22 =	vsel vm11, $0x1, v0  }
0x3a3: {  	v15 =	vld [tilespmem:s16+$0x9D10];
	vm13 =	vge.s32 v19, v14;
	v18 =	vadd.s32 v22, v17;
	v22 =	vsel vm12, $0x1, v0  }
0x3a4: {  	vm14 =	vge.s32 v20, v14;
	v17 =	vld [tilespmem:s16+$0x9D20];
	v19 =	vadd.s32 v22, v18;
	v22 =	vsel vm13, $0x1, v0  }
0x3a5: {  	vm15 =	vge.s32 v21, v14;
	v18 =	vld [tilespmem:s16+$0x9D30];
	v20 =	vadd.s32 v22, v19;
	v22 =	vsel vm14, $0x1, v0  }
0x3a6: {  	s15 =	simm.s32 $0x280;
	v21 =	vsel vm15, $0x1, v0;
	v19 =	vld [tilespmem:s16+$0x9D40];
	v20 =	vadd.s32 v22, v20  }
.LBB2_60:
0x3a7: {  	s16 =	sshra.s32 s15, $0x2;
	p0 =	sne.s32 s15, $0x13740;
	s15 =	sadd.s32 $0x140, s15;
	vm0 =	vge.s32 v16, v14;
	v20 =	vadd.s32 v21, v20  }
.Ltmp29:
0x3a8: {  	v16 =	vld [tilespmem:s16+$0x9D00];
	v21 =	vsel vm0, $0x1, v0;
	vm0 =	vge.s32 v15, v14;
	(pc) =	sbr.rel @p0 .LBB2_60-.Ltmp29, $4  }
0x3a9: {  	v15 =	vld [tilespmem:s16+$0x9D10];
	v20 =	vadd.s32 v21, v20;
	v21 =	vsel vm0, $0x1, v0;
	vm0 =	vge.s32 v17, v14  }
0x3aa: {  	v17 =	vld [tilespmem:s16+$0x9D20];
	v20 =	vadd.s32 v21, v20;
	v21 =	vsel vm0, $0x1, v0;
	vm0 =	vge.s32 v18, v14  }
0x3ab: {  	v18 =	vld [tilespmem:s16+$0x9D30];
	v20 =	vadd.s32 v21, v20;
	v21 =	vsel vm0, $0x1, v0;
	vm0 =	vge.s32 v19, v14  }
0x3ac: {  	v19 =	vld [tilespmem:s16+$0x9D40];
	v20 =	vadd.s32 v21, v20;
	v21 =	vsel vm0, $0x1, v0  }
0x3ad: {  	vm0 =	vge.s32 v16, v14  }
0x3ae: {  	v16 =	vadd.s32 v21, v20;
	v20 =	vsel vm0, $0x1, v0;
	vm6 =	vge.s32 v15, v14  }
0x3af: {  	v15 =	vadd.s32 v20, v16;
	v16 =	vsel vm6, $0x1, v0;
	vm7 =	vge.s32 v17, v14  }
0x3b0: {  	v15 =	vadd.s32 v16, v15;
	v16 =	vsel vm7, $0x1, v0;
	vm8 =	vge.s32 v18, v14  }
0x3b1: {  	v15 =	vadd.s32 v16, v15;
	v16 =	vsel vm8, $0x1, v0;
	vm9 =	vge.s32 v19, v14  }
0x3b2: {  	v15 =	vadd.s32 v16, v15;
	v16 =	vsel vm9, $0x1, v0  }
0x3b3: {  	v15 =	vadd.s32 v16, v15  }
0x3b4: {  	v16 =	vperm.xlane v15, v1;
	_ =	sdelay $0x1  }
0x3b5: {  	v15 =	vadd.s32 v15, v16  }
0x3b6: {  	v16 =	vperm.xlane v15, v2;
	_ =	sdelay $0x1  }
0x3b7: {  	v15 =	vadd.s32 v16, v15  }
0x3b8: {  	v16 =	vperm.xlane v15, v5;
	_ =	sdelay $0x1  }
0x3b9: {  	v15 =	vadd.s32 v16, v15  }
0x3ba: {  	s15 =	simm.s32 $0x0;
	v16 =	vperm.xlane v15, v6  }
0x3bb: {  	v17 =	vld [tilespmem:s15+$0x9D00]  }
0x3bc: {  	v18 =	vld [tilespmem:s15+$0x9D10];
	v15 =	vadd.s32 v16, v15  }
0x3bd: {  	v19 =	vld [tilespmem:s15+$0x9D20];
	vm10 =	vlt.s32 v15, v12  }
0x3be: {  	v20 =	vld [tilespmem:s15+$0x9D30];
	v13 =	vsel vm10, v13, v14  }
0x3bf: {  	v21 =	vld [tilespmem:s15+$0x9D40];
	v14 =	vor.u32 $0x2, v13  }
0x3c0: {  	s16 =	simm.s32 $0x50;
	vm11 =	vge.s32 v17, v14  }
0x3c1: {  	v16 =	vld [tilespmem:s16+$0x9D00];
	v17 =	vimm.s32 $0x0;
	vm12 =	vge.s32 v18, v14;
	v22 =	vsel vm11, $0x1, v0  }
0x3c2: {  	v15 =	vld [tilespmem:s16+$0x9D10];
	vm13 =	vge.s32 v19, v14;
	v18 =	vadd.s32 v22, v17;
	v22 =	vsel vm12, $0x1, v0  }
0x3c3: {  	vm14 =	vge.s32 v20, v14;
	v17 =	vld [tilespmem:s16+$0x9D20];
	v19 =	vadd.s32 v22, v18;
	v22 =	vsel vm13, $0x1, v0  }
0x3c4: {  	vm15 =	vge.s32 v21, v14;
	v18 =	vld [tilespmem:s16+$0x9D30];
	v20 =	vadd.s32 v22, v19;
	v22 =	vsel vm14, $0x1, v0  }
0x3c5: {  	s15 =	simm.s32 $0x280;
	v21 =	vsel vm15, $0x1, v0;
	v19 =	vld [tilespmem:s16+$0x9D40];
	v20 =	vadd.s32 v22, v20  }
.LBB2_62:
0x3c6: {  	s16 =	sshra.s32 s15, $0x2;
	p0 =	sne.s32 s15, $0x13740;
	s15 =	sadd.s32 $0x140, s15;
	vm0 =	vge.s32 v16, v14;
	v20 =	vadd.s32 v21, v20  }
.Ltmp30:
0x3c7: {  	v16 =	vld [tilespmem:s16+$0x9D00];
	v21 =	vsel vm0, $0x1, v0;
	vm0 =	vge.s32 v15, v14;
	(pc) =	sbr.rel @p0 .LBB2_62-.Ltmp30, $4  }
0x3c8: {  	v15 =	vld [tilespmem:s16+$0x9D10];
	v20 =	vadd.s32 v21, v20;
	v21 =	vsel vm0, $0x1, v0;
	vm0 =	vge.s32 v17, v14  }
0x3c9: {  	v17 =	vld [tilespmem:s16+$0x9D20];
	v20 =	vadd.s32 v21, v20;
	v21 =	vsel vm0, $0x1, v0;
	vm0 =	vge.s32 v18, v14  }
0x3ca: {  	v18 =	vld [tilespmem:s16+$0x9D30];
	v20 =	vadd.s32 v21, v20;
	v21 =	vsel vm0, $0x1, v0;
	vm0 =	vge.s32 v19, v14  }
0x3cb: {  	v19 =	vld [tilespmem:s16+$0x9D40];
	v20 =	vadd.s32 v21, v20;
	v21 =	vsel vm0, $0x1, v0  }
0x3cc: {  	vm0 =	vge.s32 v16, v14  }
0x3cd: {  	v16 =	vadd.s32 v21, v20;
	v20 =	vsel vm0, $0x1, v0;
	vm6 =	vge.s32 v15, v14  }
0x3ce: {  	v15 =	vadd.s32 v20, v16;
	v16 =	vsel vm6, $0x1, v0;
	vm7 =	vge.s32 v17, v14  }
0x3cf: {  	v15 =	vadd.s32 v16, v15;
	v16 =	vsel vm7, $0x1, v0;
	vm8 =	vge.s32 v18, v14  }
0x3d0: {  	v15 =	vadd.s32 v16, v15;
	v16 =	vsel vm8, $0x1, v0;
	vm9 =	vge.s32 v19, v14  }
0x3d1: {  	v15 =	vadd.s32 v16, v15;
	v16 =	vsel vm9, $0x1, v0  }
0x3d2: {  	v15 =	vadd.s32 v16, v15  }
0x3d3: {  	v16 =	vperm.xlane v15, v1;
	_ =	sdelay $0x1  }
0x3d4: {  	v15 =	vadd.s32 v15, v16  }
0x3d5: {  	v16 =	vperm.xlane v15, v2;
	_ =	sdelay $0x1  }
0x3d6: {  	v15 =	vadd.s32 v16, v15  }
0x3d7: {  	v16 =	vperm.xlane v15, v5;
	_ =	sdelay $0x1  }
0x3d8: {  	v15 =	vadd.s32 v16, v15  }
0x3d9: {  	s15 =	simm.s32 $0x0;
	v16 =	vperm.xlane v15, v6  }
0x3da: {  	v17 =	vld [tilespmem:s15+$0x9D00]  }
0x3db: {  	v18 =	vld [tilespmem:s15+$0x9D10];
	v15 =	vadd.s32 v16, v15  }
0x3dc: {  	v19 =	vld [tilespmem:s15+$0x9D20];
	vm10 =	vlt.s32 v15, v12  }
0x3dd: {  	v20 =	vld [tilespmem:s15+$0x9D30];
	v13 =	vsel vm10, v13, v14  }
0x3de: {  	v21 =	vld [tilespmem:s15+$0x9D40];
	v14 =	vor.u32 $0x1, v13  }
0x3df: {  	s16 =	simm.s32 $0x50;
	vm11 =	vge.s32 v17, v14  }
0x3e0: {  	v16 =	vld [tilespmem:s16+$0x9D00];
	v17 =	vimm.s32 $0x0;
	vm12 =	vge.s32 v18, v14;
	v22 =	vsel vm11, $0x1, v0  }
0x3e1: {  	v15 =	vld [tilespmem:s16+$0x9D10];
	vm13 =	vge.s32 v19, v14;
	v18 =	vadd.s32 v22, v17;
	v22 =	vsel vm12, $0x1, v0  }
0x3e2: {  	vm14 =	vge.s32 v20, v14;
	v17 =	vld [tilespmem:s16+$0x9D20];
	v19 =	vadd.s32 v22, v18;
	v22 =	vsel vm13, $0x1, v0  }
0x3e3: {  	vm15 =	vge.s32 v21, v14;
	v18 =	vld [tilespmem:s16+$0x9D30];
	v20 =	vadd.s32 v22, v19;
	v22 =	vsel vm14, $0x1, v0  }
0x3e4: {  	s15 =	simm.s32 $0x280;
	v21 =	vsel vm15, $0x1, v0;
	v19 =	vld [tilespmem:s16+$0x9D40];
	v20 =	vadd.s32 v22, v20  }
.LBB2_64:
0x3e5: {  	s16 =	sshra.s32 s15, $0x2;
	p0 =	sne.s32 s15, $0x13740;
	s15 =	sadd.s32 $0x140, s15;
	vm0 =	vge.s32 v16, v14;
	v20 =	vadd.s32 v21, v20  }
.Ltmp31:
0x3e6: {  	v16 =	vld [tilespmem:s16+$0x9D00];
	v21 =	vsel vm0, $0x1, v0;
	vm0 =	vge.s32 v15, v14;
	(pc) =	sbr.rel @p0 .LBB2_64-.Ltmp31, $4  }
0x3e7: {  	v15 =	vld [tilespmem:s16+$0x9D10];
	v20 =	vadd.s32 v21, v20;
	v21 =	vsel vm0, $0x1, v0;
	vm0 =	vge.s32 v17, v14  }
0x3e8: {  	v17 =	vld [tilespmem:s16+$0x9D20];
	v20 =	vadd.s32 v21, v20;
	v21 =	vsel vm0, $0x1, v0;
	vm0 =	vge.s32 v18, v14  }
0x3e9: {  	v18 =	vld [tilespmem:s16+$0x9D30];
	v20 =	vadd.s32 v21, v20;
	v21 =	vsel vm0, $0x1, v0;
	vm0 =	vge.s32 v19, v14  }
0x3ea: {  	v19 =	vld [tilespmem:s16+$0x9D40];
	v20 =	vadd.s32 v21, v20;
	v21 =	vsel vm0, $0x1, v0  }
0x3eb: {  	vm0 =	vge.s32 v16, v14  }
0x3ec: {  	v16 =	vadd.s32 v21, v20;
	v20 =	vsel vm0, $0x1, v0;
	vm7 =	vge.s32 v15, v14  }
0x3ed: {  	v15 =	vadd.s32 v20, v16;
	v16 =	vsel vm7, $0x1, v0;
	vm8 =	vge.s32 v17, v14  }
0x3ee: {  	v15 =	vadd.s32 v16, v15;
	v16 =	vsel vm8, $0x1, v0;
	vm9 =	vge.s32 v18, v14  }
0x3ef: {  	v15 =	vadd.s32 v16, v15;
	v16 =	vsel vm9, $0x1, v0;
	vm10 =	vge.s32 v19, v14  }
0x3f0: {  	v15 =	vadd.s32 v16, v15;
	v16 =	vsel vm10, $0x1, v0  }
0x3f1: {  	v15 =	vadd.s32 v16, v15  }
0x3f2: {  	v16 =	vperm.xlane v15, v1;
	_ =	sdelay $0x1  }
0x3f3: {  	v15 =	vadd.s32 v15, v16  }
0x3f4: {  	v16 =	vperm.xlane v15, v2;
	_ =	sdelay $0x1  }
0x3f5: {  	v15 =	vadd.s32 v16, v15  }
0x3f6: {  	v16 =	vperm.xlane v15, v5;
	_ =	sdelay $0x1  }
0x3f7: {  	s15 =	simm.s32 $0x0;
	v15 =	vadd.s32 v16, v15  }
0x3f8: {  	v17 =	vld [tilespmem:s15+$0x9D00];
	v16 =	vperm.xlane v15, v6  }
0x3f9: {  	v18 =	vld [tilespmem:s15+$0x9D10]  }
0x3fa: {  	v15 =	vadd.s32 v16, v15;
	v16 =	vld [tilespmem:s15+$0x9D20]  }
0x3fb: {  	v19 =	vld [tilespmem:s15+$0x9D30];
	vm11 =	vlt.s32 v15, v12  }
0x3fc: {  	v20 =	vld [tilespmem:s15+$0x9D40];
	v13 =	vsel vm11, v13, v14  }
0x3fd: {  	s16 =	simm.s32 $0x50;
	vm0 =	vgt.s32 v17, v13  }
0x3fe: {  	v15 =	vld [tilespmem:s16+$0x9D00];
	v17 =	vimm.s32 $0x0;
	vm12 =	vgt.s32 v18, v13;
	v21 =	vsel vm0, $0x1, v0  }
0x3ff: {  	v14 =	vld [tilespmem:s16+$0x9D10];
	v18 =	vsel vm12, $0x1, v0;
	v17 =	vadd.s32 v21, v17;
	vm13 =	vgt.s32 v16, v13  }
0x400: {  	vm14 =	vgt.s32 v19, v13;
	v16 =	vld [tilespmem:s16+$0x9D20];
	v18 =	vadd.s32 v18, v17;
	v21 =	vsel vm13, $0x1, v0  }
0x401: {  	vm15 =	vgt.s32 v20, v13;
	v17 =	vld [tilespmem:s16+$0x9D30];
	v19 =	vadd.s32 v21, v18;
	v21 =	vsel vm14, $0x1, v0  }
0x402: {  	s15 =	simm.s32 $0x280;
	v20 =	vsel vm15, $0x1, v0;
	v18 =	vld [tilespmem:s16+$0x9D40];
	v19 =	vadd.s32 v21, v19  }
.LBB2_66:
0x403: {  	s16 =	sshra.s32 s15, $0x2;
	p0 =	sne.s32 s15, $0x13740;
	s15 =	sadd.s32 $0x140, s15;
	vm0 =	vgt.s32 v15, v13;
	v19 =	vadd.s32 v20, v19  }
.Ltmp32:
0x404: {  	v15 =	vld [tilespmem:s16+$0x9D00];
	v20 =	vsel vm0, $0x1, v0;
	vm0 =	vgt.s32 v14, v13;
	(pc) =	sbr.rel @p0 .LBB2_66-.Ltmp32, $4  }
0x405: {  	v14 =	vld [tilespmem:s16+$0x9D10];
	v19 =	vadd.s32 v20, v19;
	v20 =	vsel vm0, $0x1, v0;
	vm0 =	vgt.s32 v16, v13  }
0x406: {  	v16 =	vld [tilespmem:s16+$0x9D20];
	v19 =	vadd.s32 v20, v19;
	v20 =	vsel vm0, $0x1, v0;
	vm0 =	vgt.s32 v17, v13  }
0x407: {  	v17 =	vld [tilespmem:s16+$0x9D30];
	v19 =	vadd.s32 v20, v19;
	v20 =	vsel vm0, $0x1, v0;
	vm0 =	vgt.s32 v18, v13  }
0x408: {  	v18 =	vld [tilespmem:s16+$0x9D40];
	v19 =	vadd.s32 v20, v19;
	v20 =	vsel vm0, $0x1, v0  }
0x409: {  	vm0 =	vgt.s32 v15, v13  }
0x40a: {  	v15 =	vadd.s32 v20, v19;
	s15 =	simm.s32 $0x9D20;
	v19 =	vsel vm0, $0x1, v0;
	vm0 =	vgt.s32 v14, v13  }
0x40b: {  	v20 =	vld [tilespmem:s15+$0x10];
	v14 =	vadd.s32 v19, v15;
	v15 =	vsel vm0, $0x1, v0;
	vm0 =	vgt.s32 v16, v13  }
0x40c: {  	v22 =	vld [tilespmem:s15+$0x0];
	v14 =	vadd.s32 v15, v14;
	v15 =	vsel vm0, $0x1, v0;
	vm0 =	vgt.s32 v17, v13  }
0x40d: {  	v23 =	vld [tilespmem:s15+$0x20];
	v14 =	vadd.s32 v15, v14;
	v15 =	vsel vm0, $0x1, v0;
	vm0 =	vgt.s32 v18, v13  }
0x40e: {  	v24 =	vld [tilespmem:s15+$0xFFFFFFF0];
	v14 =	vadd.s32 v15, v14;
	v15 =	vsel vm0, $0x1, v0  }
0x40f: {  	v14 =	vadd.s32 v15, v14;
	v15 =	vld [tilespmem:s15+$0xFFFFFFE0]  }
0x410: {  	v16 =	vperm.xlane v14, v1  }
0x411: {  	vm1 =	vmmov $0x3;
	v26 =	vimm.s32 $0x0;
	vm2 =	vmmov $0xf  }
0x412: {  	vm3 =	vmmov $0xff;
	vm0 =	veq.s32 v9, $0x0;
	v14 =	vadd.s32 v14, v16  }
0x413: {  	vm5 =	veq.s32 v22, v13;
	vm6 =	veq.s32 v20, v13;
	v16 =	vperm.xlane v14, v2  }
0x414: {  	vm4 =	veq.s32 v23, v13;
	vm7 =	veq.s32 v24, v13;
	vm8 =	veq.s32 v15, v13  }
0x415: {  	v20 =	vand.u32 $0xF, v5;
	v14 =	vadd.s32 v16, v14;
	v21 =	vsel vm8, $0x1, v0  }
0x416: {  	v29 =	vsel vm5, $0x1, v0;
	v15 =	vperm.xlane v14, v5;
	v16 =	vperm.xlane v21, v8  }
0x417: {  	v30 =	vsel vm7, $0x1, v0;
	v31 =	vsel vm6, $0x1, v0;
	v34 =	vsel vm7, $0xFFFFFFFF, v0  }
0x418: {  	v39 =	vsel vm4, $0x1, v0;
	v14 =	vadd.s32 v15, v14;
	v15 =	vsel vm0, $0x0, v16  }
0x419: {  	v32 =	vperm.xlane v31, v8;
	v16 =	vperm.xlane v14, v6;
	v17 =	vadd.s32 v21, v15  }
0x41a: {  	v41 =	vsel vm4, $0xFFFFFFFF, v0;
	v60 =	vperm.xlane v39, v8;
	v15 =	vperm.xlane v17, v10  }
0x41b: {  	v32 =	vsel vm0, $0x0, v32;
	v14 =	vadd.s32 v16, v14;
	v16 =	vcombine.low v3, v4  }
0x41c: {  	v24 =	vsel vm8, $0xFFFFFFFF, v0;
	v18 =	vxor.u32 $0xFFFFFFFF, v14;
	v19 =	vsel vm1, $0x0, v15  }
0x41d: {  	v15 =	vadd.s32 v18, v12;
	v25 =	vadd.s32 v19, v17;
	v18 =	vand.u32 $0xF, v16  }
0x41e: {  	v24 =	vadd.s32 v24, v26;
	v16 =	vand.u32 $0xF, v1;
	v27 =	vperm.xlane v25, v18  }
0x41f: {  	s28 =	simm.s32 $0x0;
	v17 =	vadd.s32 $0x1, v9;
	v33 =	vperm.xlane v31, v16;
	v35 =	vperm.xlane v29, v16  }
0x420: {  	v19 =	vand.u32 $0xF, v2;
	v28 =	vadd.s32 s28, v17;
	v22 =	vsel vm2, $0x0, v27  }
0x421: {  	v33 =	vadd.s32 v31, v33;
	v35 =	vadd.s32 v29, v35;
	v31 =	vadd.s32 v31, v32  }
0x422: {  	v22 =	vadd.s32 v22, v25;
	v25 =	vperm.xlane v21, v16;
	v37 =	vperm.xlane v33, v19  }
0x423: {  	v27 =	vsel vm5, $0xFFFFFFFF, v0;
	v58 =	vperm.xlane v35, v19;
	v38 =	vperm.xlane v31, v10  }
0x424: {  	v23 =	vperm.xlane v22, v6;
	v21 =	vadd.s32 v21, v25;
	v25 =	vperm.xlane v30, v16  }
0x425: {  	v33 =	vadd.s32 v37, v33;
	v32 =	vadd.s32 v58, v35;
	v37 =	vsel vm0, $0x0, v60  }
0x426: {  	v58 =	vsel vm6, $0xFFFFFFFF, v0;
	v23 =	vsel vm3, $0x0, v23;
	v61 =	vperm.xlane v33, v20  }
0x427: {  	v48 =	vadd.s32 v39, v37;
	v50 =	vperm.xlane v32, v20;
	v23 =	vadd.s32 v23, v24  }
0x428: {  	v24 =	vperm.xlane v30, v8;
	v25 =	vadd.s32 v30, v25;
	v55 =	vperm.xlane v48, v10  }
0x429: {  	v22 =	vadd.s32 v22, v23;
	v23 =	vperm.xlane v21, v19;
	v59 =	vperm.xlane v25, v19  }
0x42a: {  	v32 =	vadd.s32 v50, v32;
	vm9 =	veq.s32 v22, v15;
	v22 =	vperm.xlane v29, v8  }
0x42b: {  	v24 =	vsel vm0, $0x0, v24;
	v53 =	vperm.xlane v32, v6;
	v56 =	vsel vm1, $0x0, v55  }
0x42c: {  	vm8 =	vmand vm8, vm9;
	v21 =	vadd.s32 v23, v21;
	v23 =	vadd.s32 v59, v25  }
0x42d: {  	s29 =	simm.s32 $0x10;
	v25 =	vsel vm1, $0x0, v38;
	v24 =	vadd.s32 v30, v24;
	v30 =	vperm.xlane v39, v16  }
0x42e: {  	v59 =	vadd.s32 s29, v17;
	v28 =	vnsel vm8, $0x0, v28;
	v62 =	vperm.xlane v21, v20  }
0x42f: {  	v25 =	vadd.s32 v25, v31;
	v63 =	vperm.xlane v23, v20;
	v45 =	vperm.xlane v24, v10  }
0x430: {  	v22 =	vsel vm0, $0x0, v22;
	v36 =	vperm.xlane v28, v16;
	v44 =	vperm.xlane v25, v18  }
0x431: {  	v22 =	vadd.s32 v29, v22;
	v30 =	vadd.s32 v39, v30;
	v21 =	vadd.s32 v62, v21  }
0x432: {  	v23 =	vadd.s32 v63, v23;
	v49 =	vperm.xlane v22, v10;
	v28 =	vadd.s32 v36, v28  }
0x433: {  	v38 =	vsel vm1, $0x0, v45;
	v43 =	vperm.xlane v30, v19;
	v36 =	vperm.xlane v28, v19  }
0x434: {  	v35 =	vsel vm2, $0x0, v44;
	v42 =	vperm.xlane v21, v6;
	v51 =	vperm.xlane v23, v6  }
0x435: {  	v24 =	vadd.s32 v38, v24;
	v29 =	vadd.s32 v35, v25;
	v28 =	vadd.s32 v36, v28  }
0x436: {  	v25 =	vadd.s32 v61, v33;
	v54 =	vperm.xlane v24, v18;
	v40 =	vperm.xlane v28, v20  }
0x437: {  	v37 =	vsel vm1, $0x0, v49;
	v30 =	vadd.s32 v43, v30;
	v46 =	vperm.xlane v29, v6  }
0x438: {  	v47 =	vperm.xlane v25, v6;
	v52 =	vadd.s32 v26, v42;
	v28 =	vadd.s32 v40, v28  }
0x439: {  	v22 =	vadd.s32 v37, v22;
	v40 =	vsel vm2, $0x0, v54;
	v31 =	vperm.xlane v28, v6  }
0x43a: {  	v21 =	vadd.s32 v21, v52;
	v36 =	vadd.s32 v56, v48;
	v24 =	vadd.s32 v40, v24  }
0x43b: {  	v57 =	vperm.xlane v22, v18;
	v26 =	vadd.s32 v26, v31;
	v31 =	vperm.xlane v24, v6  }
0x43c: {  	v33 =	vsel vm3, $0x0, v46;
	v39 =	vadd.s32 v21, v51;
	v21 =	vadd.s32 v34, v21  }
0x43d: {  	v60 =	vperm.xlane v36, v18;
	v23 =	vadd.s32 v23, v39;
	v31 =	vsel vm3, $0x0, v31  }
0x43e: {  	v27 =	vadd.s32 v27, v23;
	v23 =	vadd.s32 v23, v53;
	v21 =	vadd.s32 v31, v21  }
0x43f: {  	v23 =	vadd.s32 v32, v23;
	v31 =	vsel vm2, $0x0, v57;
	v21 =	vadd.s32 v24, v21  }
0x440: {  	v24 =	vadd.s32 v58, v23;
	v23 =	vadd.s32 v23, v47;
	vm15 =	veq.s32 v21, v15  }
0x441: {  	v22 =	vadd.s32 v31, v22;
	v21 =	vadd.s32 v33, v24;
	vm7 =	vmand vm7, vm15  }
0x442: {  	v24 =	vadd.s32 v25, v23;
	v62 =	vperm.xlane v22, v6;
	v31 =	vnsel vm7, $0x0, v59  }
0x443: {  	v23 =	vadd.s32 v28, v26;
	v25 =	vadd.s32 v41, v24;
	v61 =	vperm.xlane v31, v16  }
0x444: {  	v21 =	vadd.s32 v29, v21;
	v29 =	vsel vm2, $0x0, v60;
	v28 =	vsel vm3, $0x0, v62  }
0x445: {  	s30 =	simm.s32 $0x30;
	vm7 =	veq.s32 v21, v15;
	v28 =	vadd.s32 v28, v27;
	v26 =	vadd.s32 v61, v31  }
0x446: {  	v21 =	vadd.s32 s30, v17;
	v22 =	vadd.s32 v22, v28;
	v31 =	vperm.xlane v26, v19  }
0x447: {  	s31 =	simm.s32 $0x20;
	vm6 =	vmand vm6, vm7;
	vm7 =	veq.s32 v22, v15;
	v22 =	vperm.xlane v30, v20  }
0x448: {  	v28 =	vadd.s32 s31, v17;
	vm5 =	vmand vm5, vm7;
	v26 =	vadd.s32 v31, v26  }
0x449: {  	v27 =	vadd.s32 v29, v36;
	v29 =	vnsel vm5, $0x0, v28;
	v63 =	vperm.xlane v26, v20  }
0x44a: {  	v28 =	vnsel vm6, $0x0, v21;
	v30 =	vadd.s32 v22, v30;
	v21 =	vmovc v20;
	v31 =	vperm.xlane v27, v6  }
0x44b: {  	s16 =	simm.s32 $0x90;
	s17 =	simm.s32 $0x9D70;
	s15 =	simm.s32 $0x40;
	v32 =	vperm.xlane v29, v16;
	v33 =	vperm.xlane v30, v6;
	v22 =	vmovc v19;
	v26 =	vadd.s32 v63, v26  }
.LBB2_68:
0x44c: {  	v34 =	vld [tilespmem:s17+$0xFFFFFFE0];
	p0 =	sne.s32 s16, $0x4E10;
	v35 =	vperm.xlane v28, v16;
	v31 =	vsel vm3, $0x0, v31;
	v36 =	vadd.s32 s15, v17;
	s15 =	smov.u32 s16;
	s16 =	sadd.s32 $0x50, s16  }
0x44d: {  	v37 =	vld [tilespmem:s17+$0x10];
	v29 =	vadd.s32 v32, v29;
	v25 =	vadd.s32 v31, v25;
	v24 =	vadd.s32 v24, v33  }
0x44e: {  	v31 =	vld [tilespmem:s17+$0x20];
	v32 =	vperm.xlane v29, v22;
	v25 =	vadd.s32 v27, v25;
	v24 =	vadd.s32 v30, v24  }
0x44f: {  	v30 =	vperm.xlane v26, v6;
	v28 =	vadd.s32 v35, v28;
	v27 =	vld [tilespmem:s17+$0x0];
	vm5 =	veq.s32 v25, v15  }
0x450: {  	s20 =	sadd.s32 $0xFFFFFFC0, s15;
	s19 =	sadd.s32 $0xFFFFFFD0, s15;
	s18 =	sadd.s32 $0xFFFFFFF0, s15;
	v33 =	vld [tilespmem:s17+$0xFFFFFFF0];
	vm4 =	vmand vm4, vm5  }
0x451: {  	vm8 =	veq.s32 v34, v13;
	v25 =	vnsel vm4, $0x0, v36  }
0x452: {  	v34 =	vsel vm8, $0x1, v0;
	v35 =	vperm.xlane v25, v16  }
0x453: {  	v38 =	vadd.s32 s20, v17;
	v29 =	vadd.s32 v32, v29;
	v36 =	vperm.xlane v34, v8  }
0x454: {  	vm6 =	veq.s32 v37, v13;
	vm5 =	veq.s32 v27, v13;
	v27 =	vadd.s32 v35, v25  }
0x455: {  	vm4 =	veq.s32 v31, v13;
	v32 =	vsel vm0, $0x0, v36;
	v25 =	vsel vm5, $0xFFFFFFFF, v0  }
0x456: {  	vm7 =	veq.s32 v33, v13;
	v31 =	vadd.s32 v34, v32;
	v32 =	vperm.xlane v27, v22  }
0x457: {  	v35 =	vperm.xlane v29, v21;
	v33 =	vperm.xlane v31, v10  }
0x458: {  	v36 =	vperm.xlane v34, v16;
	v37 =	vsel vm5, $0x1, v0  }
0x459: {  	v39 =	vsel vm7, $0x1, v0;
	v27 =	vadd.s32 v32, v27;
	v33 =	vsel vm1, $0x0, v33  }
0x45a: {  	v32 =	vperm.xlane v27, v21;
	v31 =	vadd.s32 v33, v31  }
0x45b: {  	v29 =	vadd.s32 v35, v29;
	v40 =	vperm.xlane v39, v8;
	v33 =	vperm.xlane v31, v18  }
0x45c: {  	v34 =	vadd.s32 v34, v36;
	v32 =	vadd.s32 v32, v27  }
0x45d: {  	v35 =	vperm.xlane v39, v16;
	v27 =	vsel vm2, $0x0, v33;
	v33 =	vperm.xlane v34, v19  }
0x45e: {  	v36 =	vsel vm8, $0xFFFFFFFF, v0;
	v41 =	vperm.xlane v32, v6;
	v31 =	vadd.s32 v27, v31  }
0x45f: {  	v43 =	vperm.xlane v37, v8;
	v27 =	vsel vm7, $0xFFFFFFFF, v0;
	v42 =	vperm.xlane v31, v6  }
0x460: {  	v45 =	vperm.xlane v28, v22;
	v44 =	vsel vm6, $0x1, v0;
	v22 =	vmov v19  }
0x461: {  	v36 =	vadd.s32 v36, v24;
	v43 =	vsel vm0, $0x0, v43;
	v42 =	vsel vm3, $0x0, v42  }
0x462: {  	v28 =	vadd.s32 v45, v28;
	v36 =	vadd.s32 v42, v36;
	v42 =	vperm.xlane v44, v8  }
0x463: {  	v45 =	vperm.xlane v28, v21;
	v21 =	vmovc v20;
	v31 =	vadd.s32 v31, v36;
	v36 =	vperm.xlane v44, v16  }
0x464: {  	v23 =	vadd.s32 v30, v23;
	vm9 =	veq.s32 v31, v15;
	v31 =	vsel vm0, $0x0, v42  }
0x465: {  	v23 =	vadd.s32 v26, v23;
	v30 =	vperm.xlane v37, v16;
	vm8 =	vmand vm8, vm9  }
0x466: {  	v28 =	vadd.s32 v45, v28;
	v36 =	vadd.s32 v44, v36;
	v26 =	vnsel vm8, $0x0, v38  }
0x467: {  	v42 =	vperm.xlane v29, v6;
	v31 =	vadd.s32 v44, v31;
	v38 =	vperm.xlane v26, v16  }
0x468: {  	v45 =	vperm.xlane v28, v6;
	v30 =	vadd.s32 v37, v30;
	v44 =	vperm.xlane v36, v22  }
0x469: {  	v23 =	vadd.s32 v42, v23;
	v26 =	vadd.s32 v38, v26;
	v38 =	vperm.xlane v30, v22  }
0x46a: {  	v40 =	vsel vm0, $0x0, v40;
	v36 =	vadd.s32 v44, v36;
	v42 =	vperm.xlane v26, v22  }
0x46b: {  	v46 =	vsel vm4, $0x1, v0;
	v35 =	vadd.s32 v39, v35;
	v44 =	vperm.xlane v31, v10  }
0x46c: {  	v47 =	vperm.xlane v46, v8;
	v26 =	vadd.s32 v42, v26;
	v42 =	vperm.xlane v35, v22  }
0x46d: {  	v33 =	vadd.s32 v33, v34;
	v23 =	vadd.s32 v29, v23;
	v48 =	vperm.xlane v26, v21  }
0x46e: {  	v34 =	vsel vm1, $0x0, v44;
	v29 =	vadd.s32 v42, v35;
	v35 =	vperm.xlane v36, v21  }
0x46f: {  	v31 =	vadd.s32 v34, v31;
	v42 =	vperm.xlane v33, v21;
	v26 =	vadd.s32 v48, v26  }
0x470: {  	v30 =	vadd.s32 v38, v30;
	v44 =	vperm.xlane v29, v21;
	v34 =	vperm.xlane v26, v6  }
0x471: {  	v38 =	vperm.xlane v31, v18;
	v33 =	vadd.s32 v42, v33;
	v42 =	vsel vm0, $0x0, v47  }
0x472: {  	v39 =	vadd.s32 v39, v40;
	v40 =	vperm.xlane v46, v16;
	v29 =	vadd.s32 v44, v29  }
0x473: {  	v23 =	vadd.s32 v45, v23;
	v38 =	vsel vm2, $0x0, v38;
	v44 =	vperm.xlane v39, v10  }
0x474: {  	v37 =	vadd.s32 v37, v43;
	v23 =	vadd.s32 v28, v23;
	v31 =	vadd.s32 v38, v31  }
0x475: {  	v23 =	vadd.s32 v41, v23;
	v28 =	vperm.xlane v31, v6;
	v35 =	vadd.s32 v35, v36  }
0x476: {  	v23 =	vadd.s32 v32, v23;
	v36 =	vperm.xlane v35, v6;
	v38 =	vadd.s32 v46, v42  }
0x477: {  	v32 =	vperm.xlane v37, v10;
	v41 =	vperm.xlane v30, v21;
	v42 =	vsel vm4, $0xFFFFFFFF, v0  }
0x478: {  	v40 =	vadd.s32 v46, v40;
	v43 =	vperm.xlane v33, v6;
	v44 =	vsel vm1, $0x0, v44  }
0x479: {  	v30 =	vadd.s32 v41, v30;
	v45 =	vperm.xlane v29, v6;
	v28 =	vsel vm3, $0x0, v28  }
0x47a: {  	v41 =	vperm.xlane v30, v6;
	v24 =	vadd.s32 v24, v43;
	v39 =	vadd.s32 v44, v39  }
0x47b: {  	v32 =	vsel vm1, $0x0, v32;
	v24 =	vadd.s32 v33, v24;
	v33 =	vperm.xlane v39, v18  }
0x47c: {  	v44 =	vperm.xlane v38, v10;
	v43 =	vadd.s32 v24, v45;
	v45 =	vperm.xlane v40, v22  }
0x47d: {  	v32 =	vadd.s32 v32, v37;
	v29 =	vadd.s32 v29, v43;
	v33 =	vsel vm2, $0x0, v33  }
0x47e: {  	v23 =	vadd.s32 v23, v34;
	v37 =	vsel vm1, $0x0, v44;
	v33 =	vadd.s32 v33, v39  }
0x47f: {  	v37 =	vadd.s32 v37, v38;
	v39 =	vadd.s32 v25, v29;
	v34 =	vperm.xlane v33, v6  }
0x480: {  	v24 =	vadd.s32 v27, v24;
	v27 =	vsel vm6, $0xFFFFFFFF, v0;
	v25 =	vperm.xlane v32, v18  }
0x481: {  	v38 =	vadd.s32 s19, v17;
	v29 =	vadd.s32 v29, v41;
	v34 =	vsel vm3, $0x0, v34  }
0x482: {  	v29 =	vadd.s32 v30, v29;
	v25 =	vsel vm2, $0x0, v25;
	v24 =	vadd.s32 v34, v24  }
0x483: {  	v27 =	vadd.s32 v27, v29;
	v29 =	vadd.s32 v29, v36;
	v24 =	vadd.s32 v33, v24  }
0x484: {  	v27 =	vadd.s32 v28, v27;
	vm8 =	veq.s32 v24, v15;
	v24 =	vadd.s32 v35, v29  }
0x485: {  	v28 =	vadd.s32 v25, v32;
	vm7 =	vmand vm7, vm8;
	v25 =	vadd.s32 v42, v24  }
0x486: {  	v30 =	vperm.xlane v37, v18;
	v32 =	vadd.s32 v45, v40;
	v29 =	vnsel vm7, $0x0, v38  }
0x487: {  	v34 =	vperm.xlane v28, v6;
	v27 =	vadd.s32 v31, v27;
	v33 =	vperm.xlane v29, v16  }
0x488: {  	v23 =	vadd.s32 v26, v23;
	v35 =	vadd.s32 s18, v17;
	vm7 =	veq.s32 v27, v15  }
0x489: {  	v27 =	vsel vm3, $0x0, v34;
	v26 =	vadd.s32 v33, v29;
	v29 =	vsel vm2, $0x0, v30  }
0x48a: {  	s18 =	sadd.s32 $0xFFFFFFE0, s15;
	v31 =	vadd.s32 v27, v39;
	v30 =	vperm.xlane v26, v22;
	v27 =	vadd.s32 v29, v37  }
.Ltmp33:
0x48b: {  	vm6 =	vmand vm6, vm7;
	v28 =	vadd.s32 v28, v31;
	v29 =	vadd.s32 s18, v17;
	(pc) =	sbr.rel @p0 .LBB2_68-.Ltmp33, $4  }
0x48c: {  	vm7 =	veq.s32 v28, v15;
	v26 =	vadd.s32 v30, v26;
	v30 =	vperm.xlane v32, v21  }
0x48d: {  	vm5 =	vmand vm5, vm7;
	v31 =	vperm.xlane v27, v6;
	v33 =	vperm.xlane v26, v21  }
0x48e: {  	v28 =	vnsel vm6, $0x0, v35;
	v29 =	vnsel vm5, $0x0, v29;
	v30 =	vadd.s32 v30, v32  }
0x48f: {  	s17 =	sadd.s32 $0x50, s17;
	v32 =	vperm.xlane v29, v16;
	v26 =	vadd.s32 v33, v26;
	v33 =	vperm.xlane v30, v6  }
0x490: {  	v18 =	vsel vm3, $0x0, v31  }
0x491: {  	v18 =	vadd.s32 v18, v25  }
0x492: {  	v18 =	vadd.s32 v27, v18  }
0x493: {  	v19 =	vperm.xlane v28, v16;
	vm0 =	veq.s32 v18, v15  }
0x494: {  	v15 =	vadd.s32 s15, v17;
	v17 =	vadd.s32 v32, v29;
	vm0 =	vmand vm4, vm0  }
0x495: {  	v18 =	vperm.xlane v17, v22;
	v15 =	vnsel vm0, $0x0, v15  }
0x496: {  	v19 =	vadd.s32 v19, v28;
	v16 =	vperm.xlane v15, v16  }
0x497: {  	v17 =	vadd.s32 v18, v17;
	v18 =	vperm.xlane v19, v22  }
0x498: {  	v15 =	vadd.s32 v16, v15;
	v16 =	vperm.xlane v17, v21  }
0x499: {  	v20 =	vperm.xlane v26, v6;
	v18 =	vadd.s32 v18, v19;
	v58 =	vperm.xlane v15, v22  }
0x49a: {  	v16 =	vadd.s32 v16, v17;
	v17 =	vperm.xlane v18, v21  }
0x49b: {  	v19 =	vadd.s32 v20, v23;
	v15 =	vadd.s32 v58, v15;
	v20 =	vperm.xlane v16, v6  }
0x49c: {  	v19 =	vadd.s32 v26, v19;
	v59 =	vperm.xlane v15, v21;
	v17 =	vadd.s32 v17, v18  }
0x49d: {  	v18 =	vperm.xlane v17, v6;
	v19 =	vadd.s32 v20, v19  }
0x49e: {  	v15 =	vadd.s32 v59, v15;
	v16 =	vadd.s32 v16, v19  }
0x49f: {  	s30 =	simm.s32 $0x9D20;
	v19 =	vperm.xlane v15, v6;
	v16 =	vadd.s32 v18, v16  }
0x4a0: {  	vm0 =	veq.s32 v12, v14;
	v14 =	vld [tilespmem:s30+$0x0];
	v16 =	vadd.s32 v17, v16  }
0x4a1: {  	v18 =	vld [tilespmem:s30+$0x10];
	v16 =	vadd.s32 v19, v16  }
0x4a2: {  	s16 =	simm.s32 $0x40;
	s17 =	simm.s32 $0x30;
	v17 =	vld [tilespmem:s30+$0x20];
	v15 =	vadd.s32 v15, v16  }
0x4a3: {  	s18 =	simm.s32 $0x0;
	s19 =	simm.s32 $0x10;
	v60 =	vor.u32 s17, v9;
	v16 =	vld [tilespmem:s30+$0xFFFFFFE0];
	v12 =	vsel vm0, $0x0, v15;
	v15 =	vor.u32 s16, v9  }
0x4a4: {  	s31 =	simm.s32 $0x20;
	v61 =	vor.u32 s18, v9;
	v62 =	vor.u32 s19, v9;
	vm0 =	vlt.s32 v15, v12;
	v15 =	vld [tilespmem:s30+$0xFFFFFFF0]  }
0x4a5: {  	vm9 =	vgt.s32 v14, v13;
	v20 =	vor.u32 s31, v9;
	v19 =	vimm.f32 $0.0e+00  }
0x4a6: {  	s15 =	simm.s32 $0x4EA0;
	vm3 =	vlt.s32 v60, v12;
	vm5 =	vlt.s32 v61, v12;
	vm6 =	vlt.s32 v62, v12  }
0x4a7: {  	vm7 =	vlt.s32 v20, v12;
	v20 =	vld [tilespmem:s15+$0xFFFFFFE0];
	vm2 =	veq.s32 v18, $0x0;
	vm4 =	vgt.s32 v18, v13  }
0x4a8: {  	vm1 =	vgt.s32 v17, v13;
	vm8 =	veq.s32 v16, v13;
	vm12 =	vgt.s32 v16, v13  }
0x4a9: {  	v63 =	vld [tilespmem:s15+$0xFFFFFFF0];
	vm11 =	veq.s32 v16, $0x0;
	vm5 =	vmand vm5, vm8;
	vm10 =	veq.s32 v15, $0x0  }
0x4aa: {  	vm5 =	vmor vm12, vm5;
	vm13 =	veq.s32 v15, v13;
	vm14 =	vgt.s32 v15, v13  }
0x4ab: {  	v15 =	vld [tilespmem:s15+$0x0];
	vm12 =	veq.s32 v14, $0x0;
	vm5 =	vmor vm11, vm5;
	vm6 =	vmand vm6, vm13  }
0x4ac: {  	vm11 =	veq.s32 v14, v13;
	v16 =	vnsel vm5, $0x0, v20;
	vm15 =	vmor vm14, vm6  }
0x4ad: {  	vm6 =	vmand vm7, vm11;
	v16 =	vadd.f32 v16, v19;
	vm5 =	vmor vm10, vm15;
	v19 =	vld [tilespmem:s15+$0x10]  }
0x4ae: {  	vm14 =	veq.s32 v18, v13;
	vm13 =	vmor vm9, vm6;
	v14 =	vnsel vm5, $0x0, v63  }
0x4af: {  	v20 =	vld [tilespmem:s15+$0x20];
	vm3 =	vmand vm3, vm14;
	vm5 =	vmor vm12, vm13;
	v14 =	vadd.f32 v14, v16  }
0x4b0: {  	s16 =	simm.s32 $0x9D70;
	vm15 =	veq.s32 v17, v13;
	vm3 =	vmor vm4, vm3;
	v16 =	vnsel vm5, $0x0, v15  }
0x4b1: {  	vm0 =	vmand vm0, vm15;
	v15 =	vld [tilespmem:s16+$0x20];
	vm2 =	vmor vm2, vm3;
	v18 =	vadd.f32 v16, v14  }
0x4b2: {  	s17 =	simm.s32 $0x90;
	vm3 =	veq.s32 v17, $0x0;
	vm0 =	vmor vm1, vm0;
	v14 =	vld [tilespmem:s16+$0x10];
	v17 =	vnsel vm2, $0x0, v19  }
0x4b3: {  	vm1 =	vmor vm3, vm0;
	v16 =	vld [tilespmem:s16+$0x0];
	v19 =	vor.u32 s17, v9;
	v18 =	vadd.f32 v17, v18  }
0x4b4: {  	s20 =	simm.s32 $0x80;
	s19 =	simm.s32 $0x70;
	s18 =	simm.s32 $0xE0;
	v17 =	vld [tilespmem:s16+$0xFFFFFFE0];
	vm0 =	vlt.s32 v19, v12;
	v19 =	vnsel vm1, $0x0, v20  }
.LBB2_70:
0x4b5: {  	p0 =	sne.s32 s18, $0x4E10;
	s21 =	sadd.s32 $0xFFFFFFC0, s17;
	s17 =	sadd.s32 $0xFFFFFFD0, s17;
	v20 =	vld [tilespmem:s16+$0xFFFFFFF0];
	v21 =	vor.u32 s19, v9;
	v24 =	vor.u32 s20, v9;
	v18 =	vadd.f32 v19, v18  }
0x4b6: {  	v19 =	vor.u32 s21, v9;
	v23 =	vor.u32 s17, v9;
	vm2 =	vlt.s32 v24, v12;
	v22 =	vmovc v15;
	s17 =	smov.u32 s18  }
0x4b7: {  	s15 =	sadd.s32 $0x50, s15;
	vm7 =	vlt.s32 v21, v12;
	vm5 =	vlt.s32 v19, v12;
	vm6 =	vlt.s32 v23, v12  }
0x4b8: {  	vm3 =	veq.s32 v14, $0x0;
	vm4 =	vgt.s32 v14, v13;
	vm1 =	vgt.s32 v22, v13;
	v15 =	vld [tilespmem:s15+$0xFFFFFFE0]  }
0x4b9: {  	vm9 =	veq.s32 v16, $0x0;
	vm10 =	vgt.s32 v16, v13;
	vm8 =	veq.s32 v17, v13  }
0x4ba: {  	vm5 =	vmand vm5, vm8;
	vm8 =	vgt.s32 v17, v13;
	v19 =	vld [tilespmem:s15+$0xFFFFFFF0];
	vm11 =	veq.s32 v20, $0x0  }
0x4bb: {  	vm12 =	veq.s32 v17, $0x0;
	vm5 =	vmor vm8, vm5;
	vm8 =	veq.s32 v20, v13  }
0x4bc: {  	vm5 =	vmor vm12, vm5;
	vm6 =	vmand vm6, vm8;
	vm8 =	vgt.s32 v20, v13;
	v17 =	vld [tilespmem:s15+$0x0]  }
0x4bd: {  	v15 =	vnsel vm5, $0x0, v15;
	vm5 =	vmor vm8, vm6;
	vm6 =	veq.s32 v16, v13  }
0x4be: {  	v15 =	vadd.f32 v15, v18;
	vm5 =	vmor vm11, vm5;
	vm6 =	vmand vm7, vm6;
	v16 =	vld [tilespmem:s15+$0x10]  }
0x4bf: {  	v18 =	vnsel vm5, $0x0, v19;
	vm5 =	vmor vm10, vm6;
	vm6 =	veq.s32 v14, v13  }
0x4c0: {  	v14 =	vadd.f32 v18, v15;
	vm5 =	vmor vm9, vm5;
	vm2 =	vmand vm2, vm6;
	v19 =	vld [tilespmem:s15+$0x20]  }
.Ltmp34:
0x4c1: {  	s16 =	sadd.s32 $0x50, s16;
	v17 =	vnsel vm5, $0x0, v17;
	vm2 =	vmor vm4, vm2;
	vm4 =	veq.s32 v22, v13;
	(pc) =	sbr.rel @p0 .LBB2_70-.Ltmp34, $4  }
0x4c2: {  	v15 =	vld [tilespmem:s16+$0x20];
	v17 =	vadd.f32 v17, v14;
	vm2 =	vmor vm3, vm2;
	vm0 =	vmand vm0, vm4  }
0x4c3: {  	v14 =	vld [tilespmem:s16+$0x10];
	v18 =	vnsel vm2, $0x0, v16;
	vm2 =	veq.s32 v22, $0x0;
	vm0 =	vmor vm1, vm0  }
0x4c4: {  	v20 =	vor.u32 s18, v9;
	v16 =	vld [tilespmem:s16+$0x0];
	v18 =	vadd.f32 v18, v17;
	vm1 =	vmor vm2, vm0  }
0x4c5: {  	s19 =	sadd.s32 $0xFFFFFFE0, s17;
	s20 =	sadd.s32 $0xFFFFFFF0, s17;
	s18 =	sadd.s32 $0x50, s18;
	vm0 =	vlt.s32 v20, v12;
	v17 =	vld [tilespmem:s16+$0xFFFFFFE0];
	v19 =	vnsel vm1, $0x0, v19  }
0x4c6: {  	s18 =	sadd.s32 $0xFFFFFFC0, s17;
	s31 =	sadd.s32 $0xFFFFFFD0, s17;
	v21 =	vor.u32 s19, v9;
	v22 =	vor.u32 s20, v9;
	v18 =	vadd.f32 v19, v18  }
0x4c7: {  	v20 =	vld [tilespmem:s16+$0xFFFFFFF0];
	v55 =	vor.u32 s18, v9;
	v23 =	vor.u32 s31, v9;
	vm2 =	vlt.s32 v22, v12  }
0x4c8: {  	s15 =	sadd.s32 $0x50, s15;
	vm6 =	vlt.s32 v21, v12;
	vm1 =	vgt.s32 v15, v13;
	vm4 =	vlt.s32 v55, v12  }
0x4c9: {  	v56 =	vld [tilespmem:s15+$0xFFFFFFE0];
	vm5 =	vlt.s32 v23, v12;
	vm3 =	veq.s32 v14, $0x0;
	vm7 =	vgt.s32 v14, v13  }
0x4ca: {  	vm9 =	veq.s32 v16, $0x0;
	vm10 =	vgt.s32 v16, v13;
	vm8 =	veq.s32 v17, v13  }
0x4cb: {  	v57 =	vld [tilespmem:s15+$0xFFFFFFF0];
	vm12 =	veq.s32 v17, $0x0;
	vm4 =	vmand vm4, vm8;
	vm8 =	vgt.s32 v17, v13  }
0x4cc: {  	vm11 =	veq.s32 v20, $0x0;
	vm13 =	veq.s32 v20, v13;
	vm4 =	vmor vm8, vm4  }
0x4cd: {  	v58 =	vld [tilespmem:s15+$0x0];
	vm14 =	vgt.s32 v20, v13;
	vm5 =	vmand vm5, vm13;
	vm4 =	vmor vm12, vm4  }
0x4ce: {  	vm8 =	veq.s32 v16, v13;
	vm15 =	vmor vm14, vm5;
	v12 =	vnsel vm4, $0x0, v56  }
0x4cf: {  	v59 =	vld [tilespmem:s15+$0x10];
	vm5 =	vmand vm6, vm8;
	vm4 =	vmor vm11, vm15;
	v12 =	vadd.f32 v12, v18  }
0x4d0: {  	vm13 =	veq.s32 v14, v13;
	vm12 =	vmor vm10, vm5;
	v60 =	vnsel vm4, $0x0, v57  }
0x4d1: {  	v61 =	vld [tilespmem:s15+$0x20];
	vm2 =	vmand vm2, vm13;
	vm4 =	vmor vm9, vm12;
	v12 =	vadd.f32 v60, v12  }
0x4d2: {  	vm14 =	veq.s32 v15, v13;
	vm2 =	vmor vm7, vm2;
	v17 =	vnsel vm4, $0x0, v58  }
0x4d3: {  	vm0 =	vmand vm0, vm14;
	vm2 =	vmor vm3, vm2;
	v12 =	vadd.f32 v17, v12  }
0x4d4: {  	vm15 =	veq.s32 v15, $0x0;
	vm0 =	vmor vm1, vm0;
	v62 =	vnsel vm2, $0x0, v59  }
0x4d5: {  	vm0 =	vmor vm15, vm0;
	v12 =	vadd.f32 v62, v12  }
0x4d6: {  	v11 =	vcvt.s32.f32 v11;
	v63 =	vnsel vm0, $0x0, v61  }
0x4d7: {  	s14 =	sadd.s32 $0x1, s14;
	v12 =	vadd.f32 v63, v12  }
0x4d8: {  	p0 =	sne.s32 s14, s7;
	[tilespmem:$0xEC00] =	vst v11  }
.Ltmp35:
0x4d9: {  	[tilespmem:$0xEB80] =	vst v12;
	(pc) =	sbr.rel @p0 .LBB2_1-.Ltmp35, $4  }
0x4da: {  	[hbm4b:s6+s1] =	stream.linear.scatter [tilespmem:s13], [sflag:$0x1], $0x100, $0x38;
	[tilespmem:$0xEC80] =	vst v63  }
0x4db: {  	_ =	swait.ge [sflag:s10], $0x100  }
0x4dc: {  	[sflag:s10] =	ssyncset.done $0x0  }
0x4dd: {  	[sflag:s10] =	ssyncadd.s32 $0xFFFFFF00  }
0x4de: {  	_ =	sfence.sel $0x180000  }
0x4df: {  	[bflag:$0x0] =	sbarrier.arrive $0xFFFF  }
0x4e0: {  	p0 =	sne.s32 s0, $0x0;
	_ =	strace $0x90000047  }
0x4e1: {  	s0 =	sadd.s32 @!p0 $0x100000, s2;
	[bflag:$0x2] =	sbarrier.arrive $0xFFFF  }
0x4e2: {  	[sflag:s0] =	ssyncadd.tile.s32 @!p0 $0x1;
	_ =	shalt  }
.Lfunc_end2:
_tile_overlayer_lowered:
.L_overlay_start_2:
0x4e3: {  	(tag) =	ssettag $0x2  }
0x4e4: {  	s0 =	rddreg [dreg:$0x0];
	s2 =	stileid.u32  }
0x4e5: {  	s1 =	rddreg [dreg:$0x1];
	p0 =	sne.s32 s2, $0x0  }
0x4e6: {  	s3 =	rddreg [dreg:$0x2];
	[bflag:$0x3] =	sbarrier.arrive $0xFFFF;
	s2 =	simm.s32 @!p0 $0x1C01  }
0x4e7: {  	[timem:s3], [sflag:s2] =	dma.local @!p0 [hbm:s0], s1  }
0x4e8: {  	s0 =	simm.s32 @!p0 $0x1  }
0x4e9: {  	_ =	swait.ge @!p0 [sflag:s0], s1  }
0x4ea: {  	s1 =	ssub.s32 @!p0 $0x0, s1;
	[sflag:s0] =	ssyncset.done @!p0 $0x0  }
0x4eb: {  	[sflag:s0] =	ssyncadd.s32 @!p0 s1  }
0x4ec: {  	[bflag:$0x3] =	sbarrier.arrive $0xFFFF  }
0x4ed: {  	_ =	shalt  }

</sc_bundles>
